<compile_context>
chip_gen: v7x
topology: tpu7x:2x2x1
jax: 0.10.2.dev20260603
libtpu: 0.0.44.dev20260713+nightly
codegen_flags: <defaults>
</compile_context>

<pallas_src>
import functools

import jax
import jax.numpy as jnp
from jax import lax
from jax.experimental import pallas as pl
from jax.experimental.pallas import tpu as pltpu
from jax.experimental.pallas import tpu_sc as plsc

N = 10000
E = 320000
D = 128
H = 128
G = 64
OUT = 1

NC = 2
NS = 16
NW = NC * NS
EPW = E // NW
K = 125
NCHUNK = EPW // K
NRB = 3
NIB = 4
UNROLL = 12
NITER = -(-NCHUNK // UNROLL) * UNROLL
WCHUNK = 80
NWCHUNK = N // WCHUNK
WPT = -(-NWCHUNK // NS)

BLK = 2000
NBLK = N // BLK


def _segsum_sc(table, idx3, zeros):
  mesh = plsc.VectorSubcoreMesh(core_axis_name="c", subcore_axis_name="s")

  @functools.partial(
      pl.kernel,
      out_type=jax.ShapeDtypeStruct((NC * N, D), jnp.float32),
      mesh=mesh,
      scratch_types=[
          pltpu.VMEM((2 * NIB, K), jnp.int32),
          [pltpu.VMEM((K, D), jnp.float32)] * NRB,
          pltpu.VMEM_SHARED((N, D), jnp.float32),
          [pltpu.SemaphoreType.DMA] * NIB,
          [pltpu.SemaphoreType.DMA] * NRB,
          [pltpu.SemaphoreType.DMA] * NRB,
      ],
  )
  def k(table_h, idx_h, zeros_h, out_h,
        idx_v, rows, acc_sh, isem, gsem, ssem):
    c = lax.axis_index("c")
    s = lax.axis_index("s")
    wid = s * NC + c
    base = wid * NCHUNK

    def idx_start(i, b):
      pltpu.async_copy(idx_h.at[base + i], idx_v.at[pl.ds(2 * b, 2)], isem[b])

    def idx_wait(i, b):
      pltpu.make_async_copy(idx_h.at[base + i], idx_v.at[pl.ds(2 * b, 2)],
                            isem[b]).wait()

    def gather_start(q, r):
      pltpu.async_copy(table_h.at[idx_v.at[2 * q]], rows[r], gsem[r])

    def gather_wait(q, r):
      pltpu.make_async_copy(table_h.at[idx_v.at[2 * q]], rows[r],
                            gsem[r]).wait()

    def scatter_start(q, r):
      pltpu.async_copy(rows[r], acc_sh.at[idx_v.at[2 * q + 1]], ssem[r],
                       add=True)

    def scatter_wait(q, r):
      pltpu.make_async_copy(rows[r], acc_sh.at[idx_v.at[2 * q + 1]],
                            ssem[r]).wait()

    def zbody(j, carry):
      m = s + j * NS

      @pl.when(m < NWCHUNK)
      def _():
        pltpu.sync_copy(zeros_h, acc_sh.at[pl.ds(m * WCHUNK, WCHUNK)])

      return carry

    for q in range(2):
      idx_start(q, q)
    lax.fori_loop(0, WPT, zbody, 0)
    idx_wait(0, 0)
    gather_start(0, 0)
    plsc.subcore_barrier()

    def body(t, carry):
      for u in range(UNROLL):
        i = t * UNROLL + u
        r1 = (u + 1) % NRB
        q1 = (u + 1) % NIB
        q2 = (u + 2) % NIB

        @pl.when((i >= 2) & (i < NCHUNK + 2))
        def _():
          scatter_wait(q1, r1)

        @pl.when(i + 2 < NCHUNK)
        def _():
          idx_start(i + 2, q2)

        @pl.when(i + 1 < NCHUNK)
        def _():
          idx_wait(i + 1, q1)
          gather_start(q1, r1)

        @pl.when(i < NCHUNK)
        def _():
          gather_wait(u % NIB, u % NRB)
          scatter_start(u % NIB, u % NRB)
      return carry

    lax.fori_loop(0, NITER // UNROLL, body, 0)

    plsc.subcore_barrier()

    def wbody(j, carry):
      m = s + j * NS

      @pl.when(m < NWCHUNK)
      def _():
        r0 = m * WCHUNK
        pltpu.sync_copy(acc_sh.at[pl.ds(r0, WCHUNK)],
                        out_h.at[pl.ds(c * N + r0, WCHUNK)])

      return carry

    lax.fori_loop(0, WPT, wbody, 0)

  return k(table, idx3, zeros)


def _gconv_dense(parts, x, W_rel, W_root, b_rel):

  def body(p0_ref, p1_ref, x_ref, wr_ref, wt_ref, b_ref, o_ref):
    agg = p0_ref[...] + p1_ref[...]
    acc = jnp.dot(agg, wr_ref[...], preferred_element_type=jnp.float32)
    acc += jnp.dot(x_ref[...], wt_ref[...], preferred_element_type=jnp.float32)
    o_ref[...] = jnp.maximum(acc + b_ref[...], 0.0)

  return pl.pallas_call(
      body,
      grid=(NBLK,),
      in_specs=[
          pl.BlockSpec((BLK, D), lambda i: (i, 0)),
          pl.BlockSpec((BLK, D), lambda i: (i + NBLK, 0)),
          pl.BlockSpec((BLK, D), lambda i: (i, 0)),
          pl.BlockSpec((D, H), lambda i: (0, 0)),
          pl.BlockSpec((D, H), lambda i: (0, 0)),
          pl.BlockSpec((1, H), lambda i: (0, 0)),
      ],
      out_specs=pl.BlockSpec((BLK, H), lambda i: (i, 0)),
      out_shape=jax.ShapeDtypeStruct((N, H), jnp.float32),
  )(parts, parts, x, W_rel, W_root, b_rel.reshape(1, H))


def _final(parts, h1, W_rel, W_root, b_rel, batch3, W1, b1, gamma, beta,
           W2p, b2p):

  def body(p0_ref, p1_ref, h1_ref, wr_ref, wt_ref, br_ref, bt_ref,
           w1_ref, b1_ref, g_ref, be_ref, w2_ref, b2_ref, o_ref, pacc):
    i = pl.program_id(0)

    @pl.when(i == 0)
    def _():
      pacc[...] = jnp.zeros_like(pacc)

    agg = p0_ref[...] + p1_ref[...]
    acc = jnp.dot(agg, wr_ref[...], preferred_element_type=jnp.float32)
    acc += jnp.dot(h1_ref[...], wt_ref[...], preferred_element_type=jnp.float32)
    h2 = jnp.maximum(acc + br_ref[...], 0.0)

    b = bt_ref[0]
    gid = lax.broadcasted_iota(jnp.int32, (G, BLK), 0)
    onehot = (gid == b).astype(jnp.float32)
    pacc[...] += jnp.dot(onehot, h2, preferred_element_type=jnp.float32)

    @pl.when(i == NBLK - 1)
    def _():
      z = jnp.dot(pacc[...], w1_ref[...],
                  preferred_element_type=jnp.float32) + b1_ref[...]
      mu = jnp.mean(z, axis=0, keepdims=True)
      var = jnp.mean((z - mu) * (z - mu), axis=0, keepdims=True)
      zn = (z - mu) * lax.rsqrt(var + 1e-5) * g_ref[...] + be_ref[...]
      zn = jnp.maximum(zn, 0.0)
      logits = jnp.dot(zn, w2_ref[...],
                       preferred_element_type=jnp.float32) + b2_ref[...]
      o_ref[...] = jax.nn.sigmoid(logits)

  H4 = 4 * H
  return pl.pallas_call(
      body,
      grid=(NBLK,),
      in_specs=[
          pl.BlockSpec((BLK, D), lambda i: (i, 0)),
          pl.BlockSpec((BLK, D), lambda i: (i + NBLK, 0)),
          pl.BlockSpec((BLK, H), lambda i: (i, 0)),
          pl.BlockSpec((H, H), lambda i: (0, 0)),
          pl.BlockSpec((H, H), lambda i: (0, 0)),
          pl.BlockSpec((1, H), lambda i: (0, 0)),
          pl.BlockSpec((1, 1, BLK), lambda i: (i, 0, 0)),
          pl.BlockSpec((H, H4), lambda i: (0, 0)),
          pl.BlockSpec((1, H4), lambda i: (0, 0)),
          pl.BlockSpec((1, H4), lambda i: (0, 0)),
          pl.BlockSpec((1, H4), lambda i: (0, 0)),
          pl.BlockSpec((H4, 128), lambda i: (0, 0)),
          pl.BlockSpec((1, 128), lambda i: (0, 0)),
      ],
      out_specs=pl.BlockSpec((G, 128), lambda i: (0, 0)),
      out_shape=jax.ShapeDtypeStruct((G, 128), jnp.float32),
      scratch_shapes=[pltpu.VMEM((G, H), jnp.float32)],
  )(parts, parts, h1, W_rel, W_root, b_rel.reshape(1, H),
    batch3, W1, b1.reshape(1, H4), gamma.reshape(1, H4),
    beta.reshape(1, H4), W2p, b2p)


def kernel(x, edge_index, batch, W_rel0, b_rel0, W_root0, W_rel1, b_rel1,
           W_root1, W1, b1, gamma, beta, W2, b2):
  idx3 = jnp.stack([edge_index[0].reshape(E // K, K),
                    edge_index[1].reshape(E // K, K)], axis=1)
  zeros = jnp.zeros((WCHUNK, D), jnp.float32)
  batch3 = batch.reshape(NBLK, 1, BLK)
  W2p = jnp.pad(W2, ((0, 0), (0, 128 - OUT)))
  b2p = jnp.pad(b2, (0, 128 - OUT)).reshape(1, 128)

  parts0 = _segsum_sc(x, idx3, zeros)
  h1 = _gconv_dense(parts0, x, W_rel0, W_root0, b_rel0)
  parts1 = _segsum_sc(h1, idx3, zeros)
  out = _final(parts1, h1, W_rel1, W_root1, b_rel1, batch3, W1, b1,
               gamma, beta, W2p, b2p)
  return out[:, :OUT]

# --- scband reference (transcript-rebuilt; emitter-appended) ---
"""Pipeline reference for scband-gconv-58059367907460 (READ-ONLY COPY).

The authoritative reference and input builder live on the scoring server;
editing this copy changes nothing except your own understanding.
"""

import jax, jax.numpy as jnp
import numpy as np

N = 10000
E = 320000
D = 128
H = 128
OUT = 1
G = 64

def setup_inputs(seed: int = 0):
    key = jax.random.key(seed)
    ks = jax.random.split(key, 16)
    x = jax.random.normal(ks[0], (N, D), dtype=jnp.float32)
    edge_index = jax.random.randint(ks[1], (2, E), 0, N, dtype=jnp.int32)
    batch = jnp.sort(jax.random.randint(ks[2], (N,), 0, G, dtype=jnp.int32))
    s0 = 1.0 / np.sqrt(D)
    s1 = 1.0 / np.sqrt(H)
    s2 = 1.0 / np.sqrt(4 * H)
    W_rel0 = jax.random.uniform(ks[3], (D, H), jnp.float32, -s0, s0)
    b_rel0 = jax.random.uniform(ks[4], (H,), jnp.float32, -s0, s0)
    W_root0 = jax.random.uniform(ks[5], (D, H), jnp.float32, -s0, s0)
    W_rel1 = jax.random.uniform(ks[6], (H, H), jnp.float32, -s1, s1)
    b_rel1 = jax.random.uniform(ks[7], (H,), jnp.float32, -s1, s1)
    W_root1 = jax.random.uniform(ks[8], (H, H), jnp.float32, -s1, s1)
    W1 = jax.random.uniform(ks[9], (H, 4 * H), jnp.float32, -s1, s1)
    b1 = jax.random.uniform(ks[10], (4 * H,), jnp.float32, -s1, s1)
    gamma = jnp.ones((4 * H,), dtype=jnp.float32)
    beta = jnp.zeros((4 * H,), dtype=jnp.float32)
    W2 = jax.random.uniform(ks[11], (4 * H, OUT), jnp.float32, -s2, s2)
    b2 = jax.random.uniform(ks[12], (OUT,), jnp.float32, -s2, s2)
    return {"x": x, "edge_index": edge_index, "batch": batch,
            "W_rel0": W_rel0, "b_rel0": b_rel0, "W_root0": W_root0,
            "W_rel1": W_rel1, "b_rel1": b_rel1, "W_root1": W_root1,
            "W1": W1, "b1": b1, "gamma": gamma, "beta": beta,
            "W2": W2, "b2": b2}

def reference(x, edge_index, batch, W_rel0, b_rel0, W_root0, W_rel1, b_rel1, W_root1, W1, b1, gamma, beta, W2, b2):
    n = x.shape[0]
    src = edge_index[0]
    dst = edge_index[1]
    # GraphConv layer 1: W_root*x_i + W_rel*sum_{j->i} x_j + b
    agg = jax.ops.segment_sum(x[src], dst, num_segments=n)
    h = jax.nn.relu(agg @ W_rel0 + b_rel0 + x @ W_root0)
    # GraphConv layer 2
    agg = jax.ops.segment_sum(h[src], dst, num_segments=n)
    h = jax.nn.relu(agg @ W_rel1 + b_rel1 + h @ W_root1)
    # global_add_pool over graphs
    p = jax.ops.segment_sum(h, batch, num_segments=G)
    # MLP: Linear -> BatchNorm (training mode, batch stats) -> ReLU -> Linear
    z = p @ W1 + b1
    mu = jnp.mean(z, axis=0)
    var = jnp.var(z, axis=0)
    z = (z - mu) / jnp.sqrt(var + 1e-5) * gamma + beta
    z = jax.nn.relu(z)
    out = z @ W2 + b2
    return jax.nn.sigmoid(out)

if __name__ == "__main__":
    import jax
    _d = setup_inputs()
    print(jax.jit(kernel)(*tuple(_d.values())))

</pallas_src>

<mosaic_0001>
#map = affine_map<(d0, d1) -> (0, 0)>
#map1 = affine_map<(d0, d1) -> (0, 0, 0)>
module attributes {stable_mosaic.version = 14 : i64} {
  func.func @k(%arg0: i32, %arg1: i32, %arg2: memref<10000x128xf32, #tpu.memory_space<hbm>>, %arg3: memref<2560x2x125xi32, #tpu.memory_space<hbm>>, %arg4: memref<80x128xf32, #tpu.memory_space<hbm>>, %arg5: memref<20000x128xf32, #tpu.memory_space<hbm>>, %arg6: memref<8x125xi32, #tpu.memory_space<vmem>>, %arg7: memref<125x128xf32, #tpu.memory_space<vmem>>, %arg8: memref<125x128xf32, #tpu.memory_space<vmem>>, %arg9: memref<125x128xf32, #tpu.memory_space<vmem>>, %arg10: memref<10000x128xf32, #tpu.memory_space<vmem_shared>>, %arg11: memref<!tpu.dma_semaphore, #tpu.memory_space<semaphore_mem>>, %arg12: memref<!tpu.dma_semaphore, #tpu.memory_space<semaphore_mem>>, %arg13: memref<!tpu.dma_semaphore, #tpu.memory_space<semaphore_mem>>, %arg14: memref<!tpu.dma_semaphore, #tpu.memory_space<semaphore_mem>>, %arg15: memref<!tpu.dma_semaphore, #tpu.memory_space<semaphore_mem>>, %arg16: memref<!tpu.dma_semaphore, #tpu.memory_space<semaphore_mem>>, %arg17: memref<!tpu.dma_semaphore, #tpu.memory_space<semaphore_mem>>, %arg18: memref<!tpu.dma_semaphore, #tpu.memory_space<semaphore_mem>>, %arg19: memref<!tpu.dma_semaphore, #tpu.memory_space<semaphore_mem>>, %arg20: memref<!tpu.dma_semaphore, #tpu.memory_space<semaphore_mem>>) attributes {dimension_semantics = [#tpu.dimension_semantics<core_parallel>, #tpu.dimension_semantics<subcore_parallel>], iteration_bounds = array<i64: 2, 16>, scalar_prefetch = 0 : i64, scratch_operands = 15 : i64, tpu.core_type = #tpu.core_type<sc_vector_subcore>, window_params = [{transform_indices = #map}, {transform_indices = #map1}, {transform_indices = #map}, {transform_indices = #map}]} {
    %mul3A = arith.constant 2 : i32
    %mul3A_0 = arith.muli %arg1, %mul3A : i32
    %add3A = arith.addi %mul3A_0, %arg0 : i32
    %mul3A_1 = arith.constant 80 : i32
    %mul3A_2 = arith.muli %add3A, %mul3A_1 : i32
    %add3A_3 = arith.constant 0 : i32
    %add3A_4 = arith.addi %mul3A_2, %add3A_3 : i32
    %dma_start3A = arith.constant 0 : i32
    %dma_start3A_5 = arith.constant 0 : i32
    %dma_start3A_6 = tpu.memref_slice %arg6[%dma_start3A, %dma_start3A_5] : memref<8x125xi32, #tpu.memory_space<vmem>> -> memref<2x125xi32, #tpu.memory_space<vmem>>
    %dma_start3A_7 = arith.constant 0 : i32
    %dma_start3A_8 = arith.constant 0 : i32
    %dma_start3A_9 = tpu.memref_slice %arg3[%add3A_4, %dma_start3A_7, %dma_start3A_8] : memref<2560x2x125xi32, #tpu.memory_space<hbm>> -> memref<1x2x125xi32, #tpu.memory_space<hbm>>
    %dma_start3A_10 = tpu.memref_squeeze %dma_start3A_9 : memref<1x2x125xi32, #tpu.memory_space<hbm>> -> memref<2x125xi32, #tpu.memory_space<hbm>>
    %dma_start3A_11 = arith.constant 0 : i32
    %dma_start3A_12 = arith.constant 0 : i32
    %dma_start3A_13 = tpu.memref_slice %arg6[%dma_start3A_11, %dma_start3A_12] : memref<8x125xi32, #tpu.memory_space<vmem>> -> memref<2x125xi32, #tpu.memory_space<vmem>>
    %dma_start3A_14 = arith.constant 0 : i32
    %dma_start3A_15 = arith.constant 0 : i32
    %dma_start3A_16 = tpu.memref_slice %arg3[%add3A_4, %dma_start3A_14, %dma_start3A_15] : memref<2560x2x125xi32, #tpu.memory_space<hbm>> -> memref<1x2x125xi32, #tpu.memory_space<hbm>>
    %dma_start3A_17 = tpu.memref_squeeze %dma_start3A_16 : memref<1x2x125xi32, #tpu.memory_space<hbm>> -> memref<2x125xi32, #tpu.memory_space<hbm>>
    tpu.enqueue_dma source(%dma_start3A_17 : memref<2x125xi32, #tpu.memory_space<hbm>>) target(%dma_start3A_13 : memref<2x125xi32, #tpu.memory_space<vmem>>) target_semaphore(%arg11 : memref<!tpu.dma_semaphore, #tpu.memory_space<semaphore_mem>>)
    %add3A_18 = arith.constant 1 : i32
    %add3A_19 = arith.addi %mul3A_2, %add3A_18 : i32
    %dma_start3A_20 = arith.constant 2 : i32
    %dma_start3A_21 = arith.constant 0 : i32
    %dma_start3A_22 = tpu.memref_slice %arg6[%dma_start3A_20, %dma_start3A_21] : memref<8x125xi32, #tpu.memory_space<vmem>> -> memref<2x125xi32, #tpu.memory_space<vmem>>
    %dma_start3A_23 = arith.constant 0 : i32
    %dma_start3A_24 = arith.constant 0 : i32
    %dma_start3A_25 = tpu.memref_slice %arg3[%add3A_19, %dma_start3A_23, %dma_start3A_24] : memref<2560x2x125xi32, #tpu.memory_space<hbm>> -> memref<1x2x125xi32, #tpu.memory_space<hbm>>
    %dma_start3A_26 = tpu.memref_squeeze %dma_start3A_25 : memref<1x2x125xi32, #tpu.memory_space<hbm>> -> memref<2x125xi32, #tpu.memory_space<hbm>>
    %dma_start3A_27 = arith.constant 2 : i32
    %dma_start3A_28 = arith.constant 0 : i32
    %dma_start3A_29 = tpu.memref_slice %arg6[%dma_start3A_27, %dma_start3A_28] : memref<8x125xi32, #tpu.memory_space<vmem>> -> memref<2x125xi32, #tpu.memory_space<vmem>>
    %dma_start3A_30 = arith.constant 0 : i32
    %dma_start3A_31 = arith.constant 0 : i32
    %dma_start3A_32 = tpu.memref_slice %arg3[%add3A_19, %dma_start3A_30, %dma_start3A_31] : memref<2560x2x125xi32, #tpu.memory_space<hbm>> -> memref<1x2x125xi32, #tpu.memory_space<hbm>>
    %dma_start3A_33 = tpu.memref_squeeze %dma_start3A_32 : memref<1x2x125xi32, #tpu.memory_space<hbm>> -> memref<2x125xi32, #tpu.memory_space<hbm>>
    tpu.enqueue_dma source(%dma_start3A_33 : memref<2x125xi32, #tpu.memory_space<hbm>>) target(%dma_start3A_29 : memref<2x125xi32, #tpu.memory_space<vmem>>) target_semaphore(%arg12 : memref<!tpu.dma_semaphore, #tpu.memory_space<semaphore_mem>>)
    %scan3A = arith.constant 0 : i32
    %scan3A_34 = arith.constant 0 : i32
    %scan3A_35 = arith.constant 8 : i32
    %scan3A_36 = arith.addi %scan3A_34, %scan3A_35 : i32
    %scan3A_37 = arith.constant 1 : i32
    scf.for %scan3A_74 = %scan3A_34 to %scan3A_36 step %scan3A_37  : i32 {
      %mul3A_75 = arith.constant 16 : i32
      %mul3A_76 = arith.muli %scan3A_74, %mul3A_75 : i32
      %add3A_77 = arith.addi %arg1, %mul3A_76 : i32
      %lt3A = arith.constant 125 : i32
      %lt3A_78 = arith.cmpi slt, %add3A_77, %lt3A : i32
      %convert_element_type3A = arith.extui %lt3A_78 : i1 to i32
      %cond3A = arith.constant 0 : i32
      %cond3A_79 = arith.cmpi ne, %convert_element_type3A, %cond3A : i32
      scf.if %cond3A_79 {
        %mul3A_80 = arith.constant 80 : i32
        %mul3A_81 = arith.muli %add3A_77, %mul3A_80 : i32
        "tpu.region"() ({
          %run_scoped3A = tpu.sem_alloc : memref<!tpu.dma_semaphore, #tpu.memory_space<semaphore_mem>>
          %dma_start3A_82 = arith.constant 0 : i32
          %dma_start3A_83 = tpu.memref_slice %arg10[%mul3A_81, %dma_start3A_82] : memref<10000x128xf32, #tpu.memory_space<vmem_shared>> -> memref<80x128xf32, #tpu.memory_space<vmem_shared>>
          tpu.enqueue_dma source(%arg4 : memref<80x128xf32, #tpu.memory_space<hbm>>) target(%dma_start3A_83 : memref<80x128xf32, #tpu.memory_space<vmem_shared>>) target_semaphore(%run_scoped3A : memref<!tpu.dma_semaphore, #tpu.memory_space<semaphore_mem>>)
          %dma_wait3A_84 = arith.constant 0 : i32
          %dma_wait3A_85 = tpu.memref_slice %arg10[%mul3A_81, %dma_wait3A_84] : memref<10000x128xf32, #tpu.memory_space<vmem_shared>> -> memref<80x128xf32, #tpu.memory_space<vmem_shared>>
          tpu.wait_dma2 semaphore(%run_scoped3A : memref<!tpu.dma_semaphore, #tpu.memory_space<semaphore_mem>>) src(%arg4 : memref<80x128xf32, #tpu.memory_space<hbm>>) dst(%dma_wait3A_85 : memref<80x128xf32, #tpu.memory_space<vmem_shared>>)
          tpu.yield
        }) : () -> ()
      } else {
      }
    }
    %scan3A_38 = arith.constant 8 : i32
    %add3A_39 = arith.constant 0 : i32
    %add3A_40 = arith.addi %mul3A_2, %add3A_39 : i32
    %dma_wait3A = arith.constant 0 : i32
    %dma_wait3A_41 = arith.constant 0 : i32
    %dma_wait3A_42 = tpu.memref_slice %arg6[%dma_wait3A, %dma_wait3A_41] : memref<8x125xi32, #tpu.memory_space<vmem>> -> memref<2x125xi32, #tpu.memory_space<vmem>>
    %dma_wait3A_43 = arith.constant 0 : i32
    %dma_wait3A_44 = arith.constant 0 : i32
    %dma_wait3A_45 = tpu.memref_slice %arg3[%add3A_40, %dma_wait3A_43, %dma_wait3A_44] : memref<2560x2x125xi32, #tpu.memory_space<hbm>> -> memref<1x2x125xi32, #tpu.memory_space<hbm>>
    %dma_wait3A_46 = tpu.memref_squeeze %dma_wait3A_45 : memref<1x2x125xi32, #tpu.memory_space<hbm>> -> memref<2x125xi32, #tpu.memory_space<hbm>>
    %dma_wait3A_47 = arith.constant 0 : i32
    %dma_wait3A_48 = arith.constant 0 : i32
    %dma_wait3A_49 = tpu.memref_slice %arg6[%dma_wait3A_47, %dma_wait3A_48] : memref<8x125xi32, #tpu.memory_space<vmem>> -> memref<2x125xi32, #tpu.memory_space<vmem>>
    %dma_wait3A_50 = arith.constant 0 : i32
    %dma_wait3A_51 = arith.constant 0 : i32
    %dma_wait3A_52 = tpu.memref_slice %arg3[%add3A_40, %dma_wait3A_50, %dma_wait3A_51] : memref<2560x2x125xi32, #tpu.memory_space<hbm>> -> memref<1x2x125xi32, #tpu.memory_space<hbm>>
    %dma_wait3A_53 = tpu.memref_squeeze %dma_wait3A_52 : memref<1x2x125xi32, #tpu.memory_space<hbm>> -> memref<2x125xi32, #tpu.memory_space<hbm>>
    tpu.wait_dma2 semaphore(%arg11 : memref<!tpu.dma_semaphore, #tpu.memory_space<semaphore_mem>>) src(%dma_wait3A_53 : memref<2x125xi32, #tpu.memory_space<hbm>>) dst(%dma_wait3A_49 : memref<2x125xi32, #tpu.memory_space<vmem>>)
    %dma_start3A_54 = arith.constant 0 : i32
    %dma_start3A_55 = arith.constant 0 : i32
    %dma_start3A_56 = tpu.memref_slice %arg6[%dma_start3A_54, %dma_start3A_55] : memref<8x125xi32, #tpu.memory_space<vmem>> -> memref<1x125xi32, #tpu.memory_space<vmem>>
    %dma_start3A_57 = tpu.memref_squeeze %dma_start3A_56 : memref<1x125xi32, #tpu.memory_space<vmem>> -> memref<125xi32, #tpu.memory_space<vmem>>
    %dma_start3A_58 = arith.constant 0 : i32
    %dma_start3A_59 = arith.constant 0 : i32
    %dma_start3A_60 = tpu.memref_slice %arg2[%dma_start3A_58, %dma_start3A_59] : memref<10000x128xf32, #tpu.memory_space<hbm>> -> memref<10000x128xf32, #tpu.memory_space<hbm>>
    tpu.enqueue_indirect_dma source(%dma_start3A_60 : memref<10000x128xf32, #tpu.memory_space<hbm>>) target(%arg7 : memref<125x128xf32, #tpu.memory_space<vmem>>) offsets(%dma_start3A_57 : memref<125xi32, #tpu.memory_space<vmem>>) semaphore(%arg15 : memref<!tpu.dma_semaphore, #tpu.memory_space<semaphore_mem>>)
    %barrier3A = arith.constant 0 : index
    tpu.barrier barrier_id(%barrier3A)
    %scan3A_61 = arith.constant 0 : i32
    %scan3A_62 = arith.constant 0 : i32
    %scan3A_63 = arith.constant 7 : i32
    %scan3A_64 = arith.addi %scan3A_62, %scan3A_63 : i32
    %scan3A_65 = arith.constant 1 : i32
    scf.for %scan3A_74 = %scan3A_62 to %scan3A_64 step %scan3A_65  : i32 {
      %mul3A_75 = arith.constant 12 : i32
      %mul3A_76 = arith.muli %scan3A_74, %mul3A_75 : i32
      %add3A_77 = arith.constant 0 : i32
      %add3A_78 = arith.addi %mul3A_76, %add3A_77 : i32
      %ge3A = arith.constant 2 : i32
      %ge3A_79 = arith.cmpi sge, %add3A_78, %ge3A : i32
      %lt3A = arith.constant 82 : i32
      %lt3A_80 = arith.cmpi slt, %add3A_78, %lt3A : i32
      %and3A = arith.andi %ge3A_79, %lt3A_80 : i1
      %convert_element_type3A = arith.extui %and3A : i1 to i32
      %cond3A = arith.constant 0 : i32
      %cond3A_81 = arith.cmpi ne, %convert_element_type3A, %cond3A : i32
      scf.if %cond3A_81 {
        %dma_wait3A_442 = arith.constant 3 : i32
        %dma_wait3A_443 = arith.constant 0 : i32
        %dma_wait3A_444 = tpu.memref_slice %arg6[%dma_wait3A_442, %dma_wait3A_443] : memref<8x125xi32, #tpu.memory_space<vmem>> -> memref<1x125xi32, #tpu.memory_space<vmem>>
        %dma_wait3A_445 = tpu.memref_squeeze %dma_wait3A_444 : memref<1x125xi32, #tpu.memory_space<vmem>> -> memref<125xi32, #tpu.memory_space<vmem>>
        %dma_wait3A_446 = arith.constant 0 : i32
        %dma_wait3A_447 = arith.constant 0 : i32
        %dma_wait3A_448 = tpu.memref_slice %arg10[%dma_wait3A_446, %dma_wait3A_447] : memref<10000x128xf32, #tpu.memory_space<vmem_shared>> -> memref<10000x128xf32, #tpu.memory_space<vmem_shared>>
        tpu.wait_indirect_dma semaphore(%arg19 : memref<!tpu.dma_semaphore, #tpu.memory_space<semaphore_mem>>) src(%arg8 : memref<125x128xf32, #tpu.memory_space<vmem>>) dst(%dma_wait3A_448 : memref<10000x128xf32, #tpu.memory_space<vmem_shared>>)
      } else {
      }
      %add3A_82 = arith.constant 2 : i32
      %add3A_83 = arith.addi %add3A_78, %add3A_82 : i32
      %lt3A_84 = arith.constant 80 : i32
      %lt3A_85 = arith.cmpi slt, %add3A_83, %lt3A_84 : i32
      %convert_element_type3A_86 = arith.extui %lt3A_85 : i1 to i32
      %cond3A_87 = arith.constant 0 : i32
      %cond3A_88 = arith.cmpi ne, %convert_element_type3A_86, %cond3A_87 : i32
      scf.if %cond3A_88 {
        %add3A_442 = arith.constant 2 : i32
        %add3A_443 = arith.addi %add3A_78, %add3A_442 : i32
        %add3A_444 = arith.addi %mul3A_2, %add3A_443 : i32
        %dma_start3A_445 = arith.constant 4 : i32
        %dma_start3A_446 = arith.constant 0 : i32
        %dma_start3A_447 = tpu.memref_slice %arg6[%dma_start3A_445, %dma_start3A_446] : memref<8x125xi32, #tpu.memory_space<vmem>> -> memref<2x125xi32, #tpu.memory_space<vmem>>
        %dma_start3A_448 = arith.constant 0 : i32
        %dma_start3A_449 = arith.constant 0 : i32
        %dma_start3A_450 = tpu.memref_slice %arg3[%add3A_444, %dma_start3A_448, %dma_start3A_449] : memref<2560x2x125xi32, #tpu.memory_space<hbm>> -> memref<1x2x125xi32, #tpu.memory_space<hbm>>
        %dma_start3A_451 = tpu.memref_squeeze %dma_start3A_450 : memref<1x2x125xi32, #tpu.memory_space<hbm>> -> memref<2x125xi32, #tpu.memory_space<hbm>>
        %dma_start3A_452 = arith.constant 4 : i32
        %dma_start3A_453 = arith.constant 0 : i32
        %dma_start3A_454 = tpu.memref_slice %arg6[%dma_start3A_452, %dma_start3A_453] : memref<8x125xi32, #tpu.memory_space<vmem>> -> memref<2x125xi32, #tpu.memory_space<vmem>>
        %dma_start3A_455 = arith.constant 0 : i32
        %dma_start3A_456 = arith.constant 0 : i32
        %dma_start3A_457 = tpu.memref_slice %arg3[%add3A_444, %dma_start3A_455, %dma_start3A_456] : memref<2560x2x125xi32, #tpu.memory_space<hbm>> -> memref<1x2x125xi32, #tpu.memory_space<hbm>>
        %dma_start3A_458 = tpu.memref_squeeze %dma_start3A_457 : memref<1x2x125xi32, #tpu.memory_space<hbm>> -> memref<2x125xi32, #tpu.memory_space<hbm>>
        tpu.enqueue_dma source(%dma_start3A_458 : memref<2x125xi32, #tpu.memory_space<hbm>>) target(%dma_start3A_454 : memref<2x125xi32, #tpu.memory_space<vmem>>) target_semaphore(%arg13 : memref<!tpu.dma_semaphore, #tpu.memory_space<semaphore_mem>>)
      } else {
      }
      %add3A_89 = arith.constant 1 : i32
      %add3A_90 = arith.addi %add3A_78, %add3A_89 : i32
      %lt3A_91 = arith.constant 80 : i32
      %lt3A_92 = arith.cmpi slt, %add3A_90, %lt3A_91 : i32
      %convert_element_type3A_93 = arith.extui %lt3A_92 : i1 to i32
      %cond3A_94 = arith.constant 0 : i32
      %cond3A_95 = arith.cmpi ne, %convert_element_type3A_93, %cond3A_94 : i32
      scf.if %cond3A_95 {
        %add3A_442 = arith.constant 1 : i32
        %add3A_443 = arith.addi %add3A_78, %add3A_442 : i32
        %add3A_444 = arith.addi %mul3A_2, %add3A_443 : i32
        %dma_wait3A_445 = arith.constant 2 : i32
        %dma_wait3A_446 = arith.constant 0 : i32
        %dma_wait3A_447 = tpu.memref_slice %arg6[%dma_wait3A_445, %dma_wait3A_446] : memref<8x125xi32, #tpu.memory_space<vmem>> -> memref<2x125xi32, #tpu.memory_space<vmem>>
        %dma_wait3A_448 = arith.constant 0 : i32
        %dma_wait3A_449 = arith.constant 0 : i32
        %dma_wait3A_450 = tpu.memref_slice %arg3[%add3A_444, %dma_wait3A_448, %dma_wait3A_449] : memref<2560x2x125xi32, #tpu.memory_space<hbm>> -> memref<1x2x125xi32, #tpu.memory_space<hbm>>
        %dma_wait3A_451 = tpu.memref_squeeze %dma_wait3A_450 : memref<1x2x125xi32, #tpu.memory_space<hbm>> -> memref<2x125xi32, #tpu.memory_space<hbm>>
        %dma_wait3A_452 = arith.constant 2 : i32
        %dma_wait3A_453 = arith.constant 0 : i32
        %dma_wait3A_454 = tpu.memref_slice %arg6[%dma_wait3A_452, %dma_wait3A_453] : memref<8x125xi32, #tpu.memory_space<vmem>> -> memref<2x125xi32, #tpu.memory_space<vmem>>
        %dma_wait3A_455 = arith.constant 0 : i32
        %dma_wait3A_456 = arith.constant 0 : i32
        %dma_wait3A_457 = tpu.memref_slice %arg3[%add3A_444, %dma_wait3A_455, %dma_wait3A_456] : memref<2560x2x125xi32, #tpu.memory_space<hbm>> -> memref<1x2x125xi32, #tpu.memory_space<hbm>>
        %dma_wait3A_458 = tpu.memref_squeeze %dma_wait3A_457 : memref<1x2x125xi32, #tpu.memory_space<hbm>> -> memref<2x125xi32, #tpu.memory_space<hbm>>
        tpu.wait_dma2 semaphore(%arg12 : memref<!tpu.dma_semaphore, #tpu.memory_space<semaphore_mem>>) src(%dma_wait3A_458 : memref<2x125xi32, #tpu.memory_space<hbm>>) dst(%dma_wait3A_454 : memref<2x125xi32, #tpu.memory_space<vmem>>)
        %dma_start3A_459 = arith.constant 2 : i32
        %dma_start3A_460 = arith.constant 0 : i32
        %dma_start3A_461 = tpu.memref_slice %arg6[%dma_start3A_459, %dma_start3A_460] : memref<8x125xi32, #tpu.memory_space<vmem>> -> memref<1x125xi32, #tpu.memory_space<vmem>>
        %dma_start3A_462 = tpu.memref_squeeze %dma_start3A_461 : memref<1x125xi32, #tpu.memory_space<vmem>> -> memref<125xi32, #tpu.memory_space<vmem>>
        %dma_start3A_463 = arith.constant 0 : i32
        %dma_start3A_464 = arith.constant 0 : i32
        %dma_start3A_465 = tpu.memref_slice %arg2[%dma_start3A_463, %dma_start3A_464] : memref<10000x128xf32, #tpu.memory_space<hbm>> -> memref<10000x128xf32, #tpu.memory_space<hbm>>
        tpu.enqueue_indirect_dma source(%dma_start3A_465 : memref<10000x128xf32, #tpu.memory_space<hbm>>) target(%arg8 : memref<125x128xf32, #tpu.memory_space<vmem>>) offsets(%dma_start3A_462 : memref<125xi32, #tpu.memory_space<vmem>>) semaphore(%arg16 : memref<!tpu.dma_semaphore, #tpu.memory_space<semaphore_mem>>)
      } else {
      }
      %lt3A_96 = arith.constant 80 : i32
      %lt3A_97 = arith.cmpi slt, %add3A_78, %lt3A_96 : i32
      %convert_element_type3A_98 = arith.extui %lt3A_97 : i1 to i32
      %cond3A_99 = arith.constant 0 : i32
      %cond3A_100 = arith.cmpi ne, %convert_element_type3A_98, %cond3A_99 : i32
      scf.if %cond3A_100 {
        %dma_wait3A_442 = arith.constant 0 : i32
        %dma_wait3A_443 = arith.constant 0 : i32
        %dma_wait3A_444 = tpu.memref_slice %arg6[%dma_wait3A_442, %dma_wait3A_443] : memref<8x125xi32, #tpu.memory_space<vmem>> -> memref<1x125xi32, #tpu.memory_space<vmem>>
        %dma_wait3A_445 = tpu.memref_squeeze %dma_wait3A_444 : memref<1x125xi32, #tpu.memory_space<vmem>> -> memref<125xi32, #tpu.memory_space<vmem>>
        %dma_wait3A_446 = arith.constant 0 : i32
        %dma_wait3A_447 = arith.constant 0 : i32
        %dma_wait3A_448 = tpu.memref_slice %arg2[%dma_wait3A_446, %dma_wait3A_447] : memref<10000x128xf32, #tpu.memory_space<hbm>> -> memref<10000x128xf32, #tpu.memory_space<hbm>>
        tpu.wait_indirect_dma semaphore(%arg15 : memref<!tpu.dma_semaphore, #tpu.memory_space<semaphore_mem>>) src(%dma_wait3A_448 : memref<10000x128xf32, #tpu.memory_space<hbm>>) dst(%arg7 : memref<125x128xf32, #tpu.memory_space<vmem>>)
        %dma_start3A_449 = arith.constant 1 : i32
        %dma_start3A_450 = arith.constant 0 : i32
        %dma_start3A_451 = tpu.memref_slice %arg6[%dma_start3A_449, %dma_start3A_450] : memref<8x125xi32, #tpu.memory_space<vmem>> -> memref<1x125xi32, #tpu.memory_space<vmem>>
        %dma_start3A_452 = tpu.memref_squeeze %dma_start3A_451 : memref<1x125xi32, #tpu.memory_space<vmem>> -> memref<125xi32, #tpu.memory_space<vmem>>
        %dma_start3A_453 = arith.constant 0 : i32
        %dma_start3A_454 = arith.constant 0 : i32
        %dma_start3A_455 = tpu.memref_slice %arg10[%dma_start3A_453, %dma_start3A_454] : memref<10000x128xf32, #tpu.memory_space<vmem_shared>> -> memref<10000x128xf32, #tpu.memory_space<vmem_shared>>
        tpu.enqueue_indirect_dma source(%arg7 : memref<125x128xf32, #tpu.memory_space<vmem>>) target(%dma_start3A_455 : memref<10000x128xf32, #tpu.memory_space<vmem_shared>>) offsets(%dma_start3A_452 : memref<125xi32, #tpu.memory_space<vmem>>) semaphore(%arg18 : memref<!tpu.dma_semaphore, #tpu.memory_space<semaphore_mem>>) {add = true}
      } else {
      }
      %mul3A_101 = arith.constant 12 : i32
      %mul3A_102 = arith.muli %scan3A_74, %mul3A_101 : i32
      %add3A_103 = arith.constant 1 : i32
      %add3A_104 = arith.addi %mul3A_102, %add3A_103 : i32
      %ge3A_105 = arith.constant 2 : i32
      %ge3A_106 = arith.cmpi sge, %add3A_104, %ge3A_105 : i32
      %lt3A_107 = arith.constant 82 : i32
      %lt3A_108 = arith.cmpi slt, %add3A_104, %lt3A_107 : i32
      %and3A_109 = arith.andi %ge3A_106, %lt3A_108 : i1
      %convert_element_type3A_110 = arith.extui %and3A_109 : i1 to i32
      %cond3A_111 = arith.constant 0 : i32
      %cond3A_112 = arith.cmpi ne, %convert_element_type3A_110, %cond3A_111 : i32
      scf.if %cond3A_112 {
        %dma_wait3A_442 = arith.constant 5 : i32
        %dma_wait3A_443 = arith.constant 0 : i32
        %dma_wait3A_444 = tpu.memref_slice %arg6[%dma_wait3A_442, %dma_wait3A_443] : memref<8x125xi32, #tpu.memory_space<vmem>> -> memref<1x125xi32, #tpu.memory_space<vmem>>
        %dma_wait3A_445 = tpu.memref_squeeze %dma_wait3A_444 : memref<1x125xi32, #tpu.memory_space<vmem>> -> memref<125xi32, #tpu.memory_space<vmem>>
        %dma_wait3A_446 = arith.constant 0 : i32
        %dma_wait3A_447 = arith.constant 0 : i32
        %dma_wait3A_448 = tpu.memref_slice %arg10[%dma_wait3A_446, %dma_wait3A_447] : memref<10000x128xf32, #tpu.memory_space<vmem_shared>> -> memref<10000x128xf32, #tpu.memory_space<vmem_shared>>
        tpu.wait_indirect_dma semaphore(%arg20 : memref<!tpu.dma_semaphore, #tpu.memory_space<semaphore_mem>>) src(%arg9 : memref<125x128xf32, #tpu.memory_space<vmem>>) dst(%dma_wait3A_448 : memref<10000x128xf32, #tpu.memory_space<vmem_shared>>)
      } else {
      }
      %add3A_113 = arith.constant 2 : i32
      %add3A_114 = arith.addi %add3A_104, %add3A_113 : i32
      %lt3A_115 = arith.constant 80 : i32
      %lt3A_116 = arith.cmpi slt, %add3A_114, %lt3A_115 : i32
      %convert_element_type3A_117 = arith.extui %lt3A_116 : i1 to i32
      %cond3A_118 = arith.constant 0 : i32
      %cond3A_119 = arith.cmpi ne, %convert_element_type3A_117, %cond3A_118 : i32
      scf.if %cond3A_119 {
        %add3A_442 = arith.constant 2 : i32
        %add3A_443 = arith.addi %add3A_104, %add3A_442 : i32
        %add3A_444 = arith.addi %mul3A_2, %add3A_443 : i32
        %dma_start3A_445 = arith.constant 6 : i32
        %dma_start3A_446 = arith.constant 0 : i32
        %dma_start3A_447 = tpu.memref_slice %arg6[%dma_start3A_445, %dma_start3A_446] : memref<8x125xi32, #tpu.memory_space<vmem>> -> memref<2x125xi32, #tpu.memory_space<vmem>>
        %dma_start3A_448 = arith.constant 0 : i32
        %dma_start3A_449 = arith.constant 0 : i32
        %dma_start3A_450 = tpu.memref_slice %arg3[%add3A_444, %dma_start3A_448, %dma_start3A_449] : memref<2560x2x125xi32, #tpu.memory_space<hbm>> -> memref<1x2x125xi32, #tpu.memory_space<hbm>>
        %dma_start3A_451 = tpu.memref_squeeze %dma_start3A_450 : memref<1x2x125xi32, #tpu.memory_space<hbm>> -> memref<2x125xi32, #tpu.memory_space<hbm>>
        %dma_start3A_452 = arith.constant 6 : i32
        %dma_start3A_453 = arith.constant 0 : i32
        %dma_start3A_454 = tpu.memref_slice %arg6[%dma_start3A_452, %dma_start3A_453] : memref<8x125xi32, #tpu.memory_space<vmem>> -> memref<2x125xi32, #tpu.memory_space<vmem>>
        %dma_start3A_455 = arith.constant 0 : i32
        %dma_start3A_456 = arith.constant 0 : i32
        %dma_start3A_457 = tpu.memref_slice %arg3[%add3A_444, %dma_start3A_455, %dma_start3A_456] : memref<2560x2x125xi32, #tpu.memory_space<hbm>> -> memref<1x2x125xi32, #tpu.memory_space<hbm>>
        %dma_start3A_458 = tpu.memref_squeeze %dma_start3A_457 : memref<1x2x125xi32, #tpu.memory_space<hbm>> -> memref<2x125xi32, #tpu.memory_space<hbm>>
        tpu.enqueue_dma source(%dma_start3A_458 : memref<2x125xi32, #tpu.memory_space<hbm>>) target(%dma_start3A_454 : memref<2x125xi32, #tpu.memory_space<vmem>>) target_semaphore(%arg14 : memref<!tpu.dma_semaphore, #tpu.memory_space<semaphore_mem>>)
      } else {
      }
      %add3A_120 = arith.constant 1 : i32
      %add3A_121 = arith.addi %add3A_104, %add3A_120 : i32
      %lt3A_122 = arith.constant 80 : i32
      %lt3A_123 = arith.cmpi slt, %add3A_121, %lt3A_122 : i32
      %convert_element_type3A_124 = arith.extui %lt3A_123 : i1 to i32
      %cond3A_125 = arith.constant 0 : i32
      %cond3A_126 = arith.cmpi ne, %convert_element_type3A_124, %cond3A_125 : i32
      scf.if %cond3A_126 {
        %add3A_442 = arith.constant 1 : i32
        %add3A_443 = arith.addi %add3A_104, %add3A_442 : i32
        %add3A_444 = arith.addi %mul3A_2, %add3A_443 : i32
        %dma_wait3A_445 = arith.constant 4 : i32
        %dma_wait3A_446 = arith.constant 0 : i32
        %dma_wait3A_447 = tpu.memref_slice %arg6[%dma_wait3A_445, %dma_wait3A_446] : memref<8x125xi32, #tpu.memory_space<vmem>> -> memref<2x125xi32, #tpu.memory_space<vmem>>
        %dma_wait3A_448 = arith.constant 0 : i32
        %dma_wait3A_449 = arith.constant 0 : i32
        %dma_wait3A_450 = tpu.memref_slice %arg3[%add3A_444, %dma_wait3A_448, %dma_wait3A_449] : memref<2560x2x125xi32, #tpu.memory_space<hbm>> -> memref<1x2x125xi32, #tpu.memory_space<hbm>>
        %dma_wait3A_451 = tpu.memref_squeeze %dma_wait3A_450 : memref<1x2x125xi32, #tpu.memory_space<hbm>> -> memref<2x125xi32, #tpu.memory_space<hbm>>
        %dma_wait3A_452 = arith.constant 4 : i32
        %dma_wait3A_453 = arith.constant 0 : i32
        %dma_wait3A_454 = tpu.memref_slice %arg6[%dma_wait3A_452, %dma_wait3A_453] : memref<8x125xi32, #tpu.memory_space<vmem>> -> memref<2x125xi32, #tpu.memory_space<vmem>>
        %dma_wait3A_455 = arith.constant 0 : i32
        %dma_wait3A_456 = arith.constant 0 : i32
        %dma_wait3A_457 = tpu.memref_slice %arg3[%add3A_444, %dma_wait3A_455, %dma_wait3A_456] : memref<2560x2x125xi32, #tpu.memory_space<hbm>> -> memref<1x2x125xi32, #tpu.memory_space<hbm>>
        %dma_wait3A_458 = tpu.memref_squeeze %dma_wait3A_457 : memref<1x2x125xi32, #tpu.memory_space<hbm>> -> memref<2x125xi32, #tpu.memory_space<hbm>>
        tpu.wait_dma2 semaphore(%arg13 : memref<!tpu.dma_semaphore, #tpu.memory_space<semaphore_mem>>) src(%dma_wait3A_458 : memref<2x125xi32, #tpu.memory_space<hbm>>) dst(%dma_wait3A_454 : memref<2x125xi32, #tpu.memory_space<vmem>>)
        %dma_start3A_459 = arith.constant 4 : i32
        %dma_start3A_460 = arith.constant 0 : i32
        %dma_start3A_461 = tpu.memref_slice %arg6[%dma_start3A_459, %dma_start3A_460] : memref<8x125xi32, #tpu.memory_space<vmem>> -> memref<1x125xi32, #tpu.memory_space<vmem>>
        %dma_start3A_462 = tpu.memref_squeeze %dma_start3A_461 : memref<1x125xi32, #tpu.memory_space<vmem>> -> memref<125xi32, #tpu.memory_space<vmem>>
        %dma_start3A_463 = arith.constant 0 : i32
        %dma_start3A_464 = arith.constant 0 : i32
        %dma_start3A_465 = tpu.memref_slice %arg2[%dma_start3A_463, %dma_start3A_464] : memref<10000x128xf32, #tpu.memory_space<hbm>> -> memref<10000x128xf32, #tpu.memory_space<hbm>>
        tpu.enqueue_indirect_dma source(%dma_start3A_465 : memref<10000x128xf32, #tpu.memory_space<hbm>>) target(%arg9 : memref<125x128xf32, #tpu.memory_space<vmem>>) offsets(%dma_start3A_462 : memref<125xi32, #tpu.memory_space<vmem>>) semaphore(%arg17 : memref<!tpu.dma_semaphore, #tpu.memory_space<semaphore_mem>>)
      } else {
      }
      %lt3A_127 = arith.constant 80 : i32
      %lt3A_128 = arith.cmpi slt, %add3A_104, %lt3A_127 : i32
      %convert_element_type3A_129 = arith.extui %lt3A_128 : i1 to i32
      %cond3A_130 = arith.constant 0 : i32
      %cond3A_131 = arith.cmpi ne, %convert_element_type3A_129, %cond3A_130 : i32
      scf.if %cond3A_131 {
        %dma_wait3A_442 = arith.constant 2 : i32
        %dma_wait3A_443 = arith.constant 0 : i32
        %dma_wait3A_444 = tpu.memref_slice %arg6[%dma_wait3A_442, %dma_wait3A_443] : memref<8x125xi32, #tpu.memory_space<vmem>> -> memref<1x125xi32, #tpu.memory_space<vmem>>
        %dma_wait3A_445 = tpu.memref_squeeze %dma_wait3A_444 : memref<1x125xi32, #tpu.memory_space<vmem>> -> memref<125xi32, #tpu.memory_space<vmem>>
        %dma_wait3A_446 = arith.constant 0 : i32
        %dma_wait3A_447 = arith.constant 0 : i32
        %dma_wait3A_448 = tpu.memref_slice %arg2[%dma_wait3A_446, %dma_wait3A_447] : memref<10000x128xf32, #tpu.memory_space<hbm>> -> memref<10000x128xf32, #tpu.memory_space<hbm>>
        tpu.wait_indirect_dma semaphore(%arg16 : memref<!tpu.dma_semaphore, #tpu.memory_space<semaphore_mem>>) src(%dma_wait3A_448 : memref<10000x128xf32, #tpu.memory_space<hbm>>) dst(%arg8 : memref<125x128xf32, #tpu.memory_space<vmem>>)
        %dma_start3A_449 = arith.constant 3 : i32
        %dma_start3A_450 = arith.constant 0 : i32
        %dma_start3A_451 = tpu.memref_slice %arg6[%dma_start3A_449, %dma_start3A_450] : memref<8x125xi32, #tpu.memory_space<vmem>> -> memref<1x125xi32, #tpu.memory_space<vmem>>
        %dma_start3A_452 = tpu.memref_squeeze %dma_start3A_451 : memref<1x125xi32, #tpu.memory_space<vmem>> -> memref<125xi32, #tpu.memory_space<vmem>>
        %dma_start3A_453 = arith.constant 0 : i32
        %dma_start3A_454 = arith.constant 0 : i32
        %dma_start3A_455 = tpu.memref_slice %arg10[%dma_start3A_453, %dma_start3A_454] : memref<10000x128xf32, #tpu.memory_space<vmem_shared>> -> memref<10000x128xf32, #tpu.memory_space<vmem_shared>>
        tpu.enqueue_indirect_dma source(%arg8 : memref<125x128xf32, #tpu.memory_space<vmem>>) target(%dma_start3A_455 : memref<10000x128xf32, #tpu.memory_space<vmem_shared>>) offsets(%dma_start3A_452 : memref<125xi32, #tpu.memory_space<vmem>>) semaphore(%arg19 : memref<!tpu.dma_semaphore, #tpu.memory_space<semaphore_mem>>) {add = true}
      } else {
      }
      %mul3A_132 = arith.constant 12 : i32
      %mul3A_133 = arith.muli %scan3A_74, %mul3A_132 : i32
      %add3A_134 = arith.constant 2 : i32
      %add3A_135 = arith.addi %mul3A_133, %add3A_134 : i32
      %ge3A_136 = arith.constant 2 : i32
      %ge3A_137 = arith.cmpi sge, %add3A_135, %ge3A_136 : i32
      %lt3A_138 = arith.constant 82 : i32
      %lt3A_139 = arith.cmpi slt, %add3A_135, %lt3A_138 : i32
      %and3A_140 = arith.andi %ge3A_137, %lt3A_139 : i1
      %convert_element_type3A_141 = arith.extui %and3A_140 : i1 to i32
      %cond3A_142 = arith.constant 0 : i32
      %cond3A_143 = arith.cmpi ne, %convert_element_type3A_141, %cond3A_142 : i32
      scf.if %cond3A_143 {
        %dma_wait3A_442 = arith.constant 7 : i32
        %dma_wait3A_443 = arith.constant 0 : i32
        %dma_wait3A_444 = tpu.memref_slice %arg6[%dma_wait3A_442, %dma_wait3A_443] : memref<8x125xi32, #tpu.memory_space<vmem>> -> memref<1x125xi32, #tpu.memory_space<vmem>>
        %dma_wait3A_445 = tpu.memref_squeeze %dma_wait3A_444 : memref<1x125xi32, #tpu.memory_space<vmem>> -> memref<125xi32, #tpu.memory_space<vmem>>
        %dma_wait3A_446 = arith.constant 0 : i32
        %dma_wait3A_447 = arith.constant 0 : i32
        %dma_wait3A_448 = tpu.memref_slice %arg10[%dma_wait3A_446, %dma_wait3A_447] : memref<10000x128xf32, #tpu.memory_space<vmem_shared>> -> memref<10000x128xf32, #tpu.memory_space<vmem_shared>>
        tpu.wait_indirect_dma semaphore(%arg18 : memref<!tpu.dma_semaphore, #tpu.memory_space<semaphore_mem>>) src(%arg7 : memref<125x128xf32, #tpu.memory_space<vmem>>) dst(%dma_wait3A_448 : memref<10000x128xf32, #tpu.memory_space<vmem_shared>>)
      } else {
      }
      %add3A_144 = arith.constant 2 : i32
      %add3A_145 = arith.addi %add3A_135, %add3A_144 : i32
      %lt3A_146 = arith.constant 80 : i32
      %lt3A_147 = arith.cmpi slt, %add3A_145, %lt3A_146 : i32
      %convert_element_type3A_148 = arith.extui %lt3A_147 : i1 to i32
      %cond3A_149 = arith.constant 0 : i32
      %cond3A_150 = arith.cmpi ne, %convert_element_type3A_148, %cond3A_149 : i32
      scf.if %cond3A_150 {
        %add3A_442 = arith.constant 2 : i32
        %add3A_443 = arith.addi %add3A_135, %add3A_442 : i32
        %add3A_444 = arith.addi %mul3A_2, %add3A_443 : i32
        %dma_start3A_445 = arith.constant 0 : i32
        %dma_start3A_446 = arith.constant 0 : i32
        %dma_start3A_447 = tpu.memref_slice %arg6[%dma_start3A_445, %dma_start3A_446] : memref<8x125xi32, #tpu.memory_space<vmem>> -> memref<2x125xi32, #tpu.memory_space<vmem>>
        %dma_start3A_448 = arith.constant 0 : i32
        %dma_start3A_449 = arith.constant 0 : i32
        %dma_start3A_450 = tpu.memref_slice %arg3[%add3A_444, %dma_start3A_448, %dma_start3A_449] : memref<2560x2x125xi32, #tpu.memory_space<hbm>> -> memref<1x2x125xi32, #tpu.memory_space<hbm>>
        %dma_start3A_451 = tpu.memref_squeeze %dma_start3A_450 : memref<1x2x125xi32, #tpu.memory_space<hbm>> -> memref<2x125xi32, #tpu.memory_space<hbm>>
        %dma_start3A_452 = arith.constant 0 : i32
        %dma_start3A_453 = arith.constant 0 : i32
        %dma_start3A_454 = tpu.memref_slice %arg6[%dma_start3A_452, %dma_start3A_453] : memref<8x125xi32, #tpu.memory_space<vmem>> -> memref<2x125xi32, #tpu.memory_space<vmem>>
        %dma_start3A_455 = arith.constant 0 : i32
        %dma_start3A_456 = arith.constant 0 : i32
        %dma_start3A_457 = tpu.memref_slice %arg3[%add3A_444, %dma_start3A_455, %dma_start3A_456] : memref<2560x2x125xi32, #tpu.memory_space<hbm>> -> memref<1x2x125xi32, #tpu.memory_space<hbm>>
        %dma_start3A_458 = tpu.memref_squeeze %dma_start3A_457 : memref<1x2x125xi32, #tpu.memory_space<hbm>> -> memref<2x125xi32, #tpu.memory_space<hbm>>
        tpu.enqueue_dma source(%dma_start3A_458 : memref<2x125xi32, #tpu.memory_space<hbm>>) target(%dma_start3A_454 : memref<2x125xi32, #tpu.memory_space<vmem>>) target_semaphore(%arg11 : memref<!tpu.dma_semaphore, #tpu.memory_space<semaphore_mem>>)
      } else {
      }
      %add3A_151 = arith.constant 1 : i32
      %add3A_152 = arith.addi %add3A_135, %add3A_151 : i32
      %lt3A_153 = arith.constant 80 : i32
      %lt3A_154 = arith.cmpi slt, %add3A_152, %lt3A_153 : i32
      %convert_element_type3A_155 = arith.extui %lt3A_154 : i1 to i32
      %cond3A_156 = arith.constant 0 : i32
      %cond3A_157 = arith.cmpi ne, %convert_element_type3A_155, %cond3A_156 : i32
      scf.if %cond3A_157 {
        %add3A_442 = arith.constant 1 : i32
        %add3A_443 = arith.addi %add3A_135, %add3A_442 : i32
        %add3A_444 = arith.addi %mul3A_2, %add3A_443 : i32
        %dma_wait3A_445 = arith.constant 6 : i32
        %dma_wait3A_446 = arith.constant 0 : i32
        %dma_wait3A_447 = tpu.memref_slice %arg6[%dma_wait3A_445, %dma_wait3A_446] : memref<8x125xi32, #tpu.memory_space<vmem>> -> memref<2x125xi32, #tpu.memory_space<vmem>>
        %dma_wait3A_448 = arith.constant 0 : i32
        %dma_wait3A_449 = arith.constant 0 : i32
        %dma_wait3A_450 = tpu.memref_slice %arg3[%add3A_444, %dma_wait3A_448, %dma_wait3A_449] : memref<2560x2x125xi32, #tpu.memory_space<hbm>> -> memref<1x2x125xi32, #tpu.memory_space<hbm>>
        %dma_wait3A_451 = tpu.memref_squeeze %dma_wait3A_450 : memref<1x2x125xi32, #tpu.memory_space<hbm>> -> memref<2x125xi32, #tpu.memory_space<hbm>>
        %dma_wait3A_452 = arith.constant 6 : i32
        %dma_wait3A_453 = arith.constant 0 : i32
        %dma_wait3A_454 = tpu.memref_slice %arg6[%dma_wait3A_452, %dma_wait3A_453] : memref<8x125xi32, #tpu.memory_space<vmem>> -> memref<2x125xi32, #tpu.memory_space<vmem>>
        %dma_wait3A_455 = arith.constant 0 : i32
        %dma_wait3A_456 = arith.constant 0 : i32
        %dma_wait3A_457 = tpu.memref_slice %arg3[%add3A_444, %dma_wait3A_455, %dma_wait3A_456] : memref<2560x2x125xi32, #tpu.memory_space<hbm>> -> memref<1x2x125xi32, #tpu.memory_space<hbm>>
        %dma_wait3A_458 = tpu.memref_squeeze %dma_wait3A_457 : memref<1x2x125xi32, #tpu.memory_space<hbm>> -> memref<2x125xi32, #tpu.memory_space<hbm>>
        tpu.wait_dma2 semaphore(%arg14 : memref<!tpu.dma_semaphore, #tpu.memory_space<semaphore_mem>>) src(%dma_wait3A_458 : memref<2x125xi32, #tpu.memory_space<hbm>>) dst(%dma_wait3A_454 : memref<2x125xi32, #tpu.memory_space<vmem>>)
        %dma_start3A_459 = arith.constant 6 : i32
        %dma_start3A_460 = arith.constant 0 : i32
        %dma_start3A_461 = tpu.memref_slice %arg6[%dma_start3A_459, %dma_start3A_460] : memref<8x125xi32, #tpu.memory_space<vmem>> -> memref<1x125xi32, #tpu.memory_space<vmem>>
        %dma_start3A_462 = tpu.memref_squeeze %dma_start3A_461 : memref<1x125xi32, #tpu.memory_space<vmem>> -> memref<125xi32, #tpu.memory_space<vmem>>
        %dma_start3A_463 = arith.constant 0 : i32
        %dma_start3A_464 = arith.constant 0 : i32
        %dma_start3A_465 = tpu.memref_slice %arg2[%dma_start3A_463, %dma_start3A_464] : memref<10000x128xf32, #tpu.memory_space<hbm>> -> memref<10000x128xf32, #tpu.memory_space<hbm>>
        tpu.enqueue_indirect_dma source(%dma_start3A_465 : memref<10000x128xf32, #tpu.memory_space<hbm>>) target(%arg7 : memref<125x128xf32, #tpu.memory_space<vmem>>) offsets(%dma_start3A_462 : memref<125xi32, #tpu.memory_space<vmem>>) semaphore(%arg15 : memref<!tpu.dma_semaphore, #tpu.memory_space<semaphore_mem>>)
      } else {
      }
      %lt3A_158 = arith.constant 80 : i32
      %lt3A_159 = arith.cmpi slt, %add3A_135, %lt3A_158 : i32
      %convert_element_type3A_160 = arith.extui %lt3A_159 : i1 to i32
      %cond3A_161 = arith.constant 0 : i32
      %cond3A_162 = arith.cmpi ne, %convert_element_type3A_160, %cond3A_161 : i32
      scf.if %cond3A_162 {
        %dma_wait3A_442 = arith.constant 4 : i32
        %dma_wait3A_443 = arith.constant 0 : i32
        %dma_wait3A_444 = tpu.memref_slice %arg6[%dma_wait3A_442, %dma_wait3A_443] : memref<8x125xi32, #tpu.memory_space<vmem>> -> memref<1x125xi32, #tpu.memory_space<vmem>>
        %dma_wait3A_445 = tpu.memref_squeeze %dma_wait3A_444 : memref<1x125xi32, #tpu.memory_space<vmem>> -> memref<125xi32, #tpu.memory_space<vmem>>
        %dma_wait3A_446 = arith.constant 0 : i32
        %dma_wait3A_447 = arith.constant 0 : i32
        %dma_wait3A_448 = tpu.memref_slice %arg2[%dma_wait3A_446, %dma_wait3A_447] : memref<10000x128xf32, #tpu.memory_space<hbm>> -> memref<10000x128xf32, #tpu.memory_space<hbm>>
        tpu.wait_indirect_dma semaphore(%arg17 : memref<!tpu.dma_semaphore, #tpu.memory_space<semaphore_mem>>) src(%dma_wait3A_448 : memref<10000x128xf32, #tpu.memory_space<hbm>>) dst(%arg9 : memref<125x128xf32, #tpu.memory_space<vmem>>)
        %dma_start3A_449 = arith.constant 5 : i32
        %dma_start3A_450 = arith.constant 0 : i32
        %dma_start3A_451 = tpu.memref_slice %arg6[%dma_start3A_449, %dma_start3A_450] : memref<8x125xi32, #tpu.memory_space<vmem>> -> memref<1x125xi32, #tpu.memory_space<vmem>>
        %dma_start3A_452 = tpu.memref_squeeze %dma_start3A_451 : memref<1x125xi32, #tpu.memory_space<vmem>> -> memref<125xi32, #tpu.memory_space<vmem>>
        %dma_start3A_453 = arith.constant 0 : i32
        %dma_start3A_454 = arith.constant 0 : i32
        %dma_start3A_455 = tpu.memref_slice %arg10[%dma_start3A_453, %dma_start3A_454] : memref<10000x128xf32, #tpu.memory_space<vmem_shared>> -> memref<10000x128xf32, #tpu.memory_space<vmem_shared>>
        tpu.enqueue_indirect_dma source(%arg9 : memref<125x128xf32, #tpu.memory_space<vmem>>) target(%dma_start3A_455 : memref<10000x128xf32, #tpu.memory_space<vmem_shared>>) offsets(%dma_start3A_452 : memref<125xi32, #tpu.memory_space<vmem>>) semaphore(%arg20 : memref<!tpu.dma_semaphore, #tpu.memory_space<semaphore_mem>>) {add = true}
      } else {
      }
      %mul3A_163 = arith.constant 12 : i32
      %mul3A_164 = arith.muli %scan3A_74, %mul3A_163 : i32
      %add3A_165 = arith.constant 3 : i32
      %add3A_166 = arith.addi %mul3A_164, %add3A_165 : i32
      %ge3A_167 = arith.constant 2 : i32
      %ge3A_168 = arith.cmpi sge, %add3A_166, %ge3A_167 : i32
      %lt3A_169 = arith.constant 82 : i32
      %lt3A_170 = arith.cmpi slt, %add3A_166, %lt3A_169 : i32
      %and3A_171 = arith.andi %ge3A_168, %lt3A_170 : i1
      %convert_element_type3A_172 = arith.extui %and3A_171 : i1 to i32
      %cond3A_173 = arith.constant 0 : i32
      %cond3A_174 = arith.cmpi ne, %convert_element_type3A_172, %cond3A_173 : i32
      scf.if %cond3A_174 {
        %dma_wait3A_442 = arith.constant 1 : i32
        %dma_wait3A_443 = arith.constant 0 : i32
        %dma_wait3A_444 = tpu.memref_slice %arg6[%dma_wait3A_442, %dma_wait3A_443] : memref<8x125xi32, #tpu.memory_space<vmem>> -> memref<1x125xi32, #tpu.memory_space<vmem>>
        %dma_wait3A_445 = tpu.memref_squeeze %dma_wait3A_444 : memref<1x125xi32, #tpu.memory_space<vmem>> -> memref<125xi32, #tpu.memory_space<vmem>>
        %dma_wait3A_446 = arith.constant 0 : i32
        %dma_wait3A_447 = arith.constant 0 : i32
        %dma_wait3A_448 = tpu.memref_slice %arg10[%dma_wait3A_446, %dma_wait3A_447] : memref<10000x128xf32, #tpu.memory_space<vmem_shared>> -> memref<10000x128xf32, #tpu.memory_space<vmem_shared>>
        tpu.wait_indirect_dma semaphore(%arg19 : memref<!tpu.dma_semaphore, #tpu.memory_space<semaphore_mem>>) src(%arg8 : memref<125x128xf32, #tpu.memory_space<vmem>>) dst(%dma_wait3A_448 : memref<10000x128xf32, #tpu.memory_space<vmem_shared>>)
      } else {
      }
      %add3A_175 = arith.constant 2 : i32
      %add3A_176 = arith.addi %add3A_166, %add3A_175 : i32
      %lt3A_177 = arith.constant 80 : i32
      %lt3A_178 = arith.cmpi slt, %add3A_176, %lt3A_177 : i32
      %convert_element_type3A_179 = arith.extui %lt3A_178 : i1 to i32
      %cond3A_180 = arith.constant 0 : i32
      %cond3A_181 = arith.cmpi ne, %convert_element_type3A_179, %cond3A_180 : i32
      scf.if %cond3A_181 {
        %add3A_442 = arith.constant 2 : i32
        %add3A_443 = arith.addi %add3A_166, %add3A_442 : i32
        %add3A_444 = arith.addi %mul3A_2, %add3A_443 : i32
        %dma_start3A_445 = arith.constant 2 : i32
        %dma_start3A_446 = arith.constant 0 : i32
        %dma_start3A_447 = tpu.memref_slice %arg6[%dma_start3A_445, %dma_start3A_446] : memref<8x125xi32, #tpu.memory_space<vmem>> -> memref<2x125xi32, #tpu.memory_space<vmem>>
        %dma_start3A_448 = arith.constant 0 : i32
        %dma_start3A_449 = arith.constant 0 : i32
        %dma_start3A_450 = tpu.memref_slice %arg3[%add3A_444, %dma_start3A_448, %dma_start3A_449] : memref<2560x2x125xi32, #tpu.memory_space<hbm>> -> memref<1x2x125xi32, #tpu.memory_space<hbm>>
        %dma_start3A_451 = tpu.memref_squeeze %dma_start3A_450 : memref<1x2x125xi32, #tpu.memory_space<hbm>> -> memref<2x125xi32, #tpu.memory_space<hbm>>
        %dma_start3A_452 = arith.constant 2 : i32
        %dma_start3A_453 = arith.constant 0 : i32
        %dma_start3A_454 = tpu.memref_slice %arg6[%dma_start3A_452, %dma_start3A_453] : memref<8x125xi32, #tpu.memory_space<vmem>> -> memref<2x125xi32, #tpu.memory_space<vmem>>
        %dma_start3A_455 = arith.constant 0 : i32
        %dma_start3A_456 = arith.constant 0 : i32
        %dma_start3A_457 = tpu.memref_slice %arg3[%add3A_444, %dma_start3A_455, %dma_start3A_456] : memref<2560x2x125xi32, #tpu.memory_space<hbm>> -> memref<1x2x125xi32, #tpu.memory_space<hbm>>
        %dma_start3A_458 = tpu.memref_squeeze %dma_start3A_457 : memref<1x2x125xi32, #tpu.memory_space<hbm>> -> memref<2x125xi32, #tpu.memory_space<hbm>>
        tpu.enqueue_dma source(%dma_start3A_458 : memref<2x125xi32, #tpu.memory_space<hbm>>) target(%dma_start3A_454 : memref<2x125xi32, #tpu.memory_space<vmem>>) target_semaphore(%arg12 : memref<!tpu.dma_semaphore, #tpu.memory_space<semaphore_mem>>)
      } else {
      }
      %add3A_182 = arith.constant 1 : i32
      %add3A_183 = arith.addi %add3A_166, %add3A_182 : i32
      %lt3A_184 = arith.constant 80 : i32
      %lt3A_185 = arith.cmpi slt, %add3A_183, %lt3A_184 : i32
      %convert_element_type3A_186 = arith.extui %lt3A_185 : i1 to i32
      %cond3A_187 = arith.constant 0 : i32
      %cond3A_188 = arith.cmpi ne, %convert_element_type3A_186, %cond3A_187 : i32
      scf.if %cond3A_188 {
        %add3A_442 = arith.constant 1 : i32
        %add3A_443 = arith.addi %add3A_166, %add3A_442 : i32
        %add3A_444 = arith.addi %mul3A_2, %add3A_443 : i32
        %dma_wait3A_445 = arith.constant 0 : i32
        %dma_wait3A_446 = arith.constant 0 : i32
        %dma_wait3A_447 = tpu.memref_slice %arg6[%dma_wait3A_445, %dma_wait3A_446] : memref<8x125xi32, #tpu.memory_space<vmem>> -> memref<2x125xi32, #tpu.memory_space<vmem>>
        %dma_wait3A_448 = arith.constant 0 : i32
        %dma_wait3A_449 = arith.constant 0 : i32
        %dma_wait3A_450 = tpu.memref_slice %arg3[%add3A_444, %dma_wait3A_448, %dma_wait3A_449] : memref<2560x2x125xi32, #tpu.memory_space<hbm>> -> memref<1x2x125xi32, #tpu.memory_space<hbm>>
        %dma_wait3A_451 = tpu.memref_squeeze %dma_wait3A_450 : memref<1x2x125xi32, #tpu.memory_space<hbm>> -> memref<2x125xi32, #tpu.memory_space<hbm>>
        %dma_wait3A_452 = arith.constant 0 : i32
        %dma_wait3A_453 = arith.constant 0 : i32
        %dma_wait3A_454 = tpu.memref_slice %arg6[%dma_wait3A_452, %dma_wait3A_453] : memref<8x125xi32, #tpu.memory_space<vmem>> -> memref<2x125xi32, #tpu.memory_space<vmem>>
        %dma_wait3A_455 = arith.constant 0 : i32
        %dma_wait3A_456 = arith.constant 0 : i32
        %dma_wait3A_457 = tpu.memref_slice %arg3[%add3A_444, %dma_wait3A_455, %dma_wait3A_456] : memref<2560x2x125xi32, #tpu.memory_space<hbm>> -> memref<1x2x125xi32, #tpu.memory_space<hbm>>
        %dma_wait3A_458 = tpu.memref_squeeze %dma_wait3A_457 : memref<1x2x125xi32, #tpu.memory_space<hbm>> -> memref<2x125xi32, #tpu.memory_space<hbm>>
        tpu.wait_dma2 semaphore(%arg11 : memref<!tpu.dma_semaphore, #tpu.memory_space<semaphore_mem>>) src(%dma_wait3A_458 : memref<2x125xi32, #tpu.memory_space<hbm>>) dst(%dma_wait3A_454 : memref<2x125xi32, #tpu.memory_space<vmem>>)
        %dma_start3A_459 = arith.constant 0 : i32
        %dma_start3A_460 = arith.constant 0 : i32
        %dma_start3A_461 = tpu.memref_slice %arg6[%dma_start3A_459, %dma_start3A_460] : memref<8x125xi32, #tpu.memory_space<vmem>> -> memref<1x125xi32, #tpu.memory_space<vmem>>
        %dma_start3A_462 = tpu.memref_squeeze %dma_start3A_461 : memref<1x125xi32, #tpu.memory_space<vmem>> -> memref<125xi32, #tpu.memory_space<vmem>>
        %dma_start3A_463 = arith.constant 0 : i32
        %dma_start3A_464 = arith.constant 0 : i32
        %dma_start3A_465 = tpu.memref_slice %arg2[%dma_start3A_463, %dma_start3A_464] : memref<10000x128xf32, #tpu.memory_space<hbm>> -> memref<10000x128xf32, #tpu.memory_space<hbm>>
        tpu.enqueue_indirect_dma source(%dma_start3A_465 : memref<10000x128xf32, #tpu.memory_space<hbm>>) target(%arg8 : memref<125x128xf32, #tpu.memory_space<vmem>>) offsets(%dma_start3A_462 : memref<125xi32, #tpu.memory_space<vmem>>) semaphore(%arg16 : memref<!tpu.dma_semaphore, #tpu.memory_space<semaphore_mem>>)
      } else {
      }
      %lt3A_189 = arith.constant 80 : i32
      %lt3A_190 = arith.cmpi slt, %add3A_166, %lt3A_189 : i32
      %convert_element_type3A_191 = arith.extui %lt3A_190 : i1 to i32
      %cond3A_192 = arith.constant 0 : i32
      %cond3A_193 = arith.cmpi ne, %convert_element_type3A_191, %cond3A_192 : i32
      scf.if %cond3A_193 {
        %dma_wait3A_442 = arith.constant 6 : i32
        %dma_wait3A_443 = arith.constant 0 : i32
        %dma_wait3A_444 = tpu.memref_slice %arg6[%dma_wait3A_442, %dma_wait3A_443] : memref<8x125xi32, #tpu.memory_space<vmem>> -> memref<1x125xi32, #tpu.memory_space<vmem>>
        %dma_wait3A_445 = tpu.memref_squeeze %dma_wait3A_444 : memref<1x125xi32, #tpu.memory_space<vmem>> -> memref<125xi32, #tpu.memory_space<vmem>>
        %dma_wait3A_446 = arith.constant 0 : i32
        %dma_wait3A_447 = arith.constant 0 : i32
        %dma_wait3A_448 = tpu.memref_slice %arg2[%dma_wait3A_446, %dma_wait3A_447] : memref<10000x128xf32, #tpu.memory_space<hbm>> -> memref<10000x128xf32, #tpu.memory_space<hbm>>
        tpu.wait_indirect_dma semaphore(%arg15 : memref<!tpu.dma_semaphore, #tpu.memory_space<semaphore_mem>>) src(%dma_wait3A_448 : memref<10000x128xf32, #tpu.memory_space<hbm>>) dst(%arg7 : memref<125x128xf32, #tpu.memory_space<vmem>>)
        %dma_start3A_449 = arith.constant 7 : i32
        %dma_start3A_450 = arith.constant 0 : i32
        %dma_start3A_451 = tpu.memref_slice %arg6[%dma_start3A_449, %dma_start3A_450] : memref<8x125xi32, #tpu.memory_space<vmem>> -> memref<1x125xi32, #tpu.memory_space<vmem>>
        %dma_start3A_452 = tpu.memref_squeeze %dma_start3A_451 : memref<1x125xi32, #tpu.memory_space<vmem>> -> memref<125xi32, #tpu.memory_space<vmem>>
        %dma_start3A_453 = arith.constant 0 : i32
        %dma_start3A_454 = arith.constant 0 : i32
        %dma_start3A_455 = tpu.memref_slice %arg10[%dma_start3A_453, %dma_start3A_454] : memref<10000x128xf32, #tpu.memory_space<vmem_shared>> -> memref<10000x128xf32, #tpu.memory_space<vmem_shared>>
        tpu.enqueue_indirect_dma source(%arg7 : memref<125x128xf32, #tpu.memory_space<vmem>>) target(%dma_start3A_455 : memref<10000x128xf32, #tpu.memory_space<vmem_shared>>) offsets(%dma_start3A_452 : memref<125xi32, #tpu.memory_space<vmem>>) semaphore(%arg18 : memref<!tpu.dma_semaphore, #tpu.memory_space<semaphore_mem>>) {add = true}
      } else {
      }
      %mul3A_194 = arith.constant 12 : i32
      %mul3A_195 = arith.muli %scan3A_74, %mul3A_194 : i32
      %add3A_196 = arith.constant 4 : i32
      %add3A_197 = arith.addi %mul3A_195, %add3A_196 : i32
      %ge3A_198 = arith.constant 2 : i32
      %ge3A_199 = arith.cmpi sge, %add3A_197, %ge3A_198 : i32
      %lt3A_200 = arith.constant 82 : i32
      %lt3A_201 = arith.cmpi slt, %add3A_197, %lt3A_200 : i32
      %and3A_202 = arith.andi %ge3A_199, %lt3A_201 : i1
      %convert_element_type3A_203 = arith.extui %and3A_202 : i1 to i32
      %cond3A_204 = arith.constant 0 : i32
      %cond3A_205 = arith.cmpi ne, %convert_element_type3A_203, %cond3A_204 : i32
      scf.if %cond3A_205 {
        %dma_wait3A_442 = arith.constant 3 : i32
        %dma_wait3A_443 = arith.constant 0 : i32
        %dma_wait3A_444 = tpu.memref_slice %arg6[%dma_wait3A_442, %dma_wait3A_443] : memref<8x125xi32, #tpu.memory_space<vmem>> -> memref<1x125xi32, #tpu.memory_space<vmem>>
        %dma_wait3A_445 = tpu.memref_squeeze %dma_wait3A_444 : memref<1x125xi32, #tpu.memory_space<vmem>> -> memref<125xi32, #tpu.memory_space<vmem>>
        %dma_wait3A_446 = arith.constant 0 : i32
        %dma_wait3A_447 = arith.constant 0 : i32
        %dma_wait3A_448 = tpu.memref_slice %arg10[%dma_wait3A_446, %dma_wait3A_447] : memref<10000x128xf32, #tpu.memory_space<vmem_shared>> -> memref<10000x128xf32, #tpu.memory_space<vmem_shared>>
        tpu.wait_indirect_dma semaphore(%arg20 : memref<!tpu.dma_semaphore, #tpu.memory_space<semaphore_mem>>) src(%arg9 : memref<125x128xf32, #tpu.memory_space<vmem>>) dst(%dma_wait3A_448 : memref<10000x128xf32, #tpu.memory_space<vmem_shared>>)
      } else {
      }
      %add3A_206 = arith.constant 2 : i32
      %add3A_207 = arith.addi %add3A_197, %add3A_206 : i32
      %lt3A_208 = arith.constant 80 : i32
      %lt3A_209 = arith.cmpi slt, %add3A_207, %lt3A_208 : i32
      %convert_element_type3A_210 = arith.extui %lt3A_209 : i1 to i32
      %cond3A_211 = arith.constant 0 : i32
      %cond3A_212 = arith.cmpi ne, %convert_element_type3A_210, %cond3A_211 : i32
      scf.if %cond3A_212 {
        %add3A_442 = arith.constant 2 : i32
        %add3A_443 = arith.addi %add3A_197, %add3A_442 : i32
        %add3A_444 = arith.addi %mul3A_2, %add3A_443 : i32
        %dma_start3A_445 = arith.constant 4 : i32
        %dma_start3A_446 = arith.constant 0 : i32
        %dma_start3A_447 = tpu.memref_slice %arg6[%dma_start3A_445, %dma_start3A_446] : memref<8x125xi32, #tpu.memory_space<vmem>> -> memref<2x125xi32, #tpu.memory_space<vmem>>
        %dma_start3A_448 = arith.constant 0 : i32
        %dma_start3A_449 = arith.constant 0 : i32
        %dma_start3A_450 = tpu.memref_slice %arg3[%add3A_444, %dma_start3A_448, %dma_start3A_449] : memref<2560x2x125xi32, #tpu.memory_space<hbm>> -> memref<1x2x125xi32, #tpu.memory_space<hbm>>
        %dma_start3A_451 = tpu.memref_squeeze %dma_start3A_450 : memref<1x2x125xi32, #tpu.memory_space<hbm>> -> memref<2x125xi32, #tpu.memory_space<hbm>>
        %dma_start3A_452 = arith.constant 4 : i32
        %dma_start3A_453 = arith.constant 0 : i32
        %dma_start3A_454 = tpu.memref_slice %arg6[%dma_start3A_452, %dma_start3A_453] : memref<8x125xi32, #tpu.memory_space<vmem>> -> memref<2x125xi32, #tpu.memory_space<vmem>>
        %dma_start3A_455 = arith.constant 0 : i32
        %dma_start3A_456 = arith.constant 0 : i32
        %dma_start3A_457 = tpu.memref_slice %arg3[%add3A_444, %dma_start3A_455, %dma_start3A_456] : memref<2560x2x125xi32, #tpu.memory_space<hbm>> -> memref<1x2x125xi32, #tpu.memory_space<hbm>>
        %dma_start3A_458 = tpu.memref_squeeze %dma_start3A_457 : memref<1x2x125xi32, #tpu.memory_space<hbm>> -> memref<2x125xi32, #tpu.memory_space<hbm>>
        tpu.enqueue_dma source(%dma_start3A_458 : memref<2x125xi32, #tpu.memory_space<hbm>>) target(%dma_start3A_454 : memref<2x125xi32, #tpu.memory_space<vmem>>) target_semaphore(%arg13 : memref<!tpu.dma_semaphore, #tpu.memory_space<semaphore_mem>>)
      } else {
      }
      %add3A_213 = arith.constant 1 : i32
      %add3A_214 = arith.addi %add3A_197, %add3A_213 : i32
      %lt3A_215 = arith.constant 80 : i32
      %lt3A_216 = arith.cmpi slt, %add3A_214, %lt3A_215 : i32
      %convert_element_type3A_217 = arith.extui %lt3A_216 : i1 to i32
      %cond3A_218 = arith.constant 0 : i32
      %cond3A_219 = arith.cmpi ne, %convert_element_type3A_217, %cond3A_218 : i32
      scf.if %cond3A_219 {
        %add3A_442 = arith.constant 1 : i32
        %add3A_443 = arith.addi %add3A_197, %add3A_442 : i32
        %add3A_444 = arith.addi %mul3A_2, %add3A_443 : i32
        %dma_wait3A_445 = arith.constant 2 : i32
        %dma_wait3A_446 = arith.constant 0 : i32
        %dma_wait3A_447 = tpu.memref_slice %arg6[%dma_wait3A_445, %dma_wait3A_446] : memref<8x125xi32, #tpu.memory_space<vmem>> -> memref<2x125xi32, #tpu.memory_space<vmem>>
        %dma_wait3A_448 = arith.constant 0 : i32
        %dma_wait3A_449 = arith.constant 0 : i32
        %dma_wait3A_450 = tpu.memref_slice %arg3[%add3A_444, %dma_wait3A_448, %dma_wait3A_449] : memref<2560x2x125xi32, #tpu.memory_space<hbm>> -> memref<1x2x125xi32, #tpu.memory_space<hbm>>
        %dma_wait3A_451 = tpu.memref_squeeze %dma_wait3A_450 : memref<1x2x125xi32, #tpu.memory_space<hbm>> -> memref<2x125xi32, #tpu.memory_space<hbm>>
        %dma_wait3A_452 = arith.constant 2 : i32
        %dma_wait3A_453 = arith.constant 0 : i32
        %dma_wait3A_454 = tpu.memref_slice %arg6[%dma_wait3A_452, %dma_wait3A_453] : memref<8x125xi32, #tpu.memory_space<vmem>> -> memref<2x125xi32, #tpu.memory_space<vmem>>
        %dma_wait3A_455 = arith.constant 0 : i32
        %dma_wait3A_456 = arith.constant 0 : i32
        %dma_wait3A_457 = tpu.memref_slice %arg3[%add3A_444, %dma_wait3A_455, %dma_wait3A_456] : memref<2560x2x125xi32, #tpu.memory_space<hbm>> -> memref<1x2x125xi32, #tpu.memory_space<hbm>>
        %dma_wait3A_458 = tpu.memref_squeeze %dma_wait3A_457 : memref<1x2x125xi32, #tpu.memory_space<hbm>> -> memref<2x125xi32, #tpu.memory_space<hbm>>
        tpu.wait_dma2 semaphore(%arg12 : memref<!tpu.dma_semaphore, #tpu.memory_space<semaphore_mem>>) src(%dma_wait3A_458 : memref<2x125xi32, #tpu.memory_space<hbm>>) dst(%dma_wait3A_454 : memref<2x125xi32, #tpu.memory_space<vmem>>)
        %dma_start3A_459 = arith.constant 2 : i32
        %dma_start3A_460 = arith.constant 0 : i32
        %dma_start3A_461 = tpu.memref_slice %arg6[%dma_start3A_459, %dma_start3A_460] : memref<8x125xi32, #tpu.memory_space<vmem>> -> memref<1x125xi32, #tpu.memory_space<vmem>>
        %dma_start3A_462 = tpu.memref_squeeze %dma_start3A_461 : memref<1x125xi32, #tpu.memory_space<vmem>> -> memref<125xi32, #tpu.memory_space<vmem>>
        %dma_start3A_463 = arith.constant 0 : i32
        %dma_start3A_464 = arith.constant 0 : i32
        %dma_start3A_465 = tpu.memref_slice %arg2[%dma_start3A_463, %dma_start3A_464] : memref<10000x128xf32, #tpu.memory_space<hbm>> -> memref<10000x128xf32, #tpu.memory_space<hbm>>
        tpu.enqueue_indirect_dma source(%dma_start3A_465 : memref<10000x128xf32, #tpu.memory_space<hbm>>) target(%arg9 : memref<125x128xf32, #tpu.memory_space<vmem>>) offsets(%dma_start3A_462 : memref<125xi32, #tpu.memory_space<vmem>>) semaphore(%arg17 : memref<!tpu.dma_semaphore, #tpu.memory_space<semaphore_mem>>)
      } else {
      }
      %lt3A_220 = arith.constant 80 : i32
      %lt3A_221 = arith.cmpi slt, %add3A_197, %lt3A_220 : i32
      %convert_element_type3A_222 = arith.extui %lt3A_221 : i1 to i32
      %cond3A_223 = arith.constant 0 : i32
      %cond3A_224 = arith.cmpi ne, %convert_element_type3A_222, %cond3A_223 : i32
      scf.if %cond3A_224 {
        %dma_wait3A_442 = arith.constant 0 : i32
        %dma_wait3A_443 = arith.constant 0 : i32
        %dma_wait3A_444 = tpu.memref_slice %arg6[%dma_wait3A_442, %dma_wait3A_443] : memref<8x125xi32, #tpu.memory_space<vmem>> -> memref<1x125xi32, #tpu.memory_space<vmem>>
        %dma_wait3A_445 = tpu.memref_squeeze %dma_wait3A_444 : memref<1x125xi32, #tpu.memory_space<vmem>> -> memref<125xi32, #tpu.memory_space<vmem>>
        %dma_wait3A_446 = arith.constant 0 : i32
        %dma_wait3A_447 = arith.constant 0 : i32
        %dma_wait3A_448 = tpu.memref_slice %arg2[%dma_wait3A_446, %dma_wait3A_447] : memref<10000x128xf32, #tpu.memory_space<hbm>> -> memref<10000x128xf32, #tpu.memory_space<hbm>>
        tpu.wait_indirect_dma semaphore(%arg16 : memref<!tpu.dma_semaphore, #tpu.memory_space<semaphore_mem>>) src(%dma_wait3A_448 : memref<10000x128xf32, #tpu.memory_space<hbm>>) dst(%arg8 : memref<125x128xf32, #tpu.memory_space<vmem>>)
        %dma_start3A_449 = arith.constant 1 : i32
        %dma_start3A_450 = arith.constant 0 : i32
        %dma_start3A_451 = tpu.memref_slice %arg6[%dma_start3A_449, %dma_start3A_450] : memref<8x125xi32, #tpu.memory_space<vmem>> -> memref<1x125xi32, #tpu.memory_space<vmem>>
        %dma_start3A_452 = tpu.memref_squeeze %dma_start3A_451 : memref<1x125xi32, #tpu.memory_space<vmem>> -> memref<125xi32, #tpu.memory_space<vmem>>
        %dma_start3A_453 = arith.constant 0 : i32
        %dma_start3A_454 = arith.constant 0 : i32
        %dma_start3A_455 = tpu.memref_slice %arg10[%dma_start3A_453, %dma_start3A_454] : memref<10000x128xf32, #tpu.memory_space<vmem_shared>> -> memref<10000x128xf32, #tpu.memory_space<vmem_shared>>
        tpu.enqueue_indirect_dma source(%arg8 : memref<125x128xf32, #tpu.memory_space<vmem>>) target(%dma_start3A_455 : memref<10000x128xf32, #tpu.memory_space<vmem_shared>>) offsets(%dma_start3A_452 : memref<125xi32, #tpu.memory_space<vmem>>) semaphore(%arg19 : memref<!tpu.dma_semaphore, #tpu.memory_space<semaphore_mem>>) {add = true}
      } else {
      }
      %mul3A_225 = arith.constant 12 : i32
      %mul3A_226 = arith.muli %scan3A_74, %mul3A_225 : i32
      %add3A_227 = arith.constant 5 : i32
      %add3A_228 = arith.addi %mul3A_226, %add3A_227 : i32
      %ge3A_229 = arith.constant 2 : i32
      %ge3A_230 = arith.cmpi sge, %add3A_228, %ge3A_229 : i32
      %lt3A_231 = arith.constant 82 : i32
      %lt3A_232 = arith.cmpi slt, %add3A_228, %lt3A_231 : i32
      %and3A_233 = arith.andi %ge3A_230, %lt3A_232 : i1
      %convert_element_type3A_234 = arith.extui %and3A_233 : i1 to i32
      %cond3A_235 = arith.constant 0 : i32
      %cond3A_236 = arith.cmpi ne, %convert_element_type3A_234, %cond3A_235 : i32
      scf.if %cond3A_236 {
        %dma_wait3A_442 = arith.constant 5 : i32
        %dma_wait3A_443 = arith.constant 0 : i32
        %dma_wait3A_444 = tpu.memref_slice %arg6[%dma_wait3A_442, %dma_wait3A_443] : memref<8x125xi32, #tpu.memory_space<vmem>> -> memref<1x125xi32, #tpu.memory_space<vmem>>
        %dma_wait3A_445 = tpu.memref_squeeze %dma_wait3A_444 : memref<1x125xi32, #tpu.memory_space<vmem>> -> memref<125xi32, #tpu.memory_space<vmem>>
        %dma_wait3A_446 = arith.constant 0 : i32
        %dma_wait3A_447 = arith.constant 0 : i32
        %dma_wait3A_448 = tpu.memref_slice %arg10[%dma_wait3A_446, %dma_wait3A_447] : memref<10000x128xf32, #tpu.memory_space<vmem_shared>> -> memref<10000x128xf32, #tpu.memory_space<vmem_shared>>
        tpu.wait_indirect_dma semaphore(%arg18 : memref<!tpu.dma_semaphore, #tpu.memory_space<semaphore_mem>>) src(%arg7 : memref<125x128xf32, #tpu.memory_space<vmem>>) dst(%dma_wait3A_448 : memref<10000x128xf32, #tpu.memory_space<vmem_shared>>)
      } else {
      }
      %add3A_237 = arith.constant 2 : i32
      %add3A_238 = arith.addi %add3A_228, %add3A_237 : i32
      %lt3A_239 = arith.constant 80 : i32
      %lt3A_240 = arith.cmpi slt, %add3A_238, %lt3A_239 : i32
      %convert_element_type3A_241 = arith.extui %lt3A_240 : i1 to i32
      %cond3A_242 = arith.constant 0 : i32
      %cond3A_243 = arith.cmpi ne, %convert_element_type3A_241, %cond3A_242 : i32
      scf.if %cond3A_243 {
        %add3A_442 = arith.constant 2 : i32
        %add3A_443 = arith.addi %add3A_228, %add3A_442 : i32
        %add3A_444 = arith.addi %mul3A_2, %add3A_443 : i32
        %dma_start3A_445 = arith.constant 6 : i32
        %dma_start3A_446 = arith.constant 0 : i32
        %dma_start3A_447 = tpu.memref_slice %arg6[%dma_start3A_445, %dma_start3A_446] : memref<8x125xi32, #tpu.memory_space<vmem>> -> memref<2x125xi32, #tpu.memory_space<vmem>>
        %dma_start3A_448 = arith.constant 0 : i32
        %dma_start3A_449 = arith.constant 0 : i32
        %dma_start3A_450 = tpu.memref_slice %arg3[%add3A_444, %dma_start3A_448, %dma_start3A_449] : memref<2560x2x125xi32, #tpu.memory_space<hbm>> -> memref<1x2x125xi32, #tpu.memory_space<hbm>>
        %dma_start3A_451 = tpu.memref_squeeze %dma_start3A_450 : memref<1x2x125xi32, #tpu.memory_space<hbm>> -> memref<2x125xi32, #tpu.memory_space<hbm>>
        %dma_start3A_452 = arith.constant 6 : i32
        %dma_start3A_453 = arith.constant 0 : i32
        %dma_start3A_454 = tpu.memref_slice %arg6[%dma_start3A_452, %dma_start3A_453] : memref<8x125xi32, #tpu.memory_space<vmem>> -> memref<2x125xi32, #tpu.memory_space<vmem>>
        %dma_start3A_455 = arith.constant 0 : i32
        %dma_start3A_456 = arith.constant 0 : i32
        %dma_start3A_457 = tpu.memref_slice %arg3[%add3A_444, %dma_start3A_455, %dma_start3A_456] : memref<2560x2x125xi32, #tpu.memory_space<hbm>> -> memref<1x2x125xi32, #tpu.memory_space<hbm>>
        %dma_start3A_458 = tpu.memref_squeeze %dma_start3A_457 : memref<1x2x125xi32, #tpu.memory_space<hbm>> -> memref<2x125xi32, #tpu.memory_space<hbm>>
        tpu.enqueue_dma source(%dma_start3A_458 : memref<2x125xi32, #tpu.memory_space<hbm>>) target(%dma_start3A_454 : memref<2x125xi32, #tpu.memory_space<vmem>>) target_semaphore(%arg14 : memref<!tpu.dma_semaphore, #tpu.memory_space<semaphore_mem>>)
      } else {
      }
      %add3A_244 = arith.constant 1 : i32
      %add3A_245 = arith.addi %add3A_228, %add3A_244 : i32
      %lt3A_246 = arith.constant 80 : i32
      %lt3A_247 = arith.cmpi slt, %add3A_245, %lt3A_246 : i32
      %convert_element_type3A_248 = arith.extui %lt3A_247 : i1 to i32
      %cond3A_249 = arith.constant 0 : i32
      %cond3A_250 = arith.cmpi ne, %convert_element_type3A_248, %cond3A_249 : i32
      scf.if %cond3A_250 {
        %add3A_442 = arith.constant 1 : i32
        %add3A_443 = arith.addi %add3A_228, %add3A_442 : i32
        %add3A_444 = arith.addi %mul3A_2, %add3A_443 : i32
        %dma_wait3A_445 = arith.constant 4 : i32
        %dma_wait3A_446 = arith.constant 0 : i32
        %dma_wait3A_447 = tpu.memref_slice %arg6[%dma_wait3A_445, %dma_wait3A_446] : memref<8x125xi32, #tpu.memory_space<vmem>> -> memref<2x125xi32, #tpu.memory_space<vmem>>
        %dma_wait3A_448 = arith.constant 0 : i32
        %dma_wait3A_449 = arith.constant 0 : i32
        %dma_wait3A_450 = tpu.memref_slice %arg3[%add3A_444, %dma_wait3A_448, %dma_wait3A_449] : memref<2560x2x125xi32, #tpu.memory_space<hbm>> -> memref<1x2x125xi32, #tpu.memory_space<hbm>>
        %dma_wait3A_451 = tpu.memref_squeeze %dma_wait3A_450 : memref<1x2x125xi32, #tpu.memory_space<hbm>> -> memref<2x125xi32, #tpu.memory_space<hbm>>
        %dma_wait3A_452 = arith.constant 4 : i32
        %dma_wait3A_453 = arith.constant 0 : i32
        %dma_wait3A_454 = tpu.memref_slice %arg6[%dma_wait3A_452, %dma_wait3A_453] : memref<8x125xi32, #tpu.memory_space<vmem>> -> memref<2x125xi32, #tpu.memory_space<vmem>>
        %dma_wait3A_455 = arith.constant 0 : i32
        %dma_wait3A_456 = arith.constant 0 : i32
        %dma_wait3A_457 = tpu.memref_slice %arg3[%add3A_444, %dma_wait3A_455, %dma_wait3A_456] : memref<2560x2x125xi32, #tpu.memory_space<hbm>> -> memref<1x2x125xi32, #tpu.memory_space<hbm>>
        %dma_wait3A_458 = tpu.memref_squeeze %dma_wait3A_457 : memref<1x2x125xi32, #tpu.memory_space<hbm>> -> memref<2x125xi32, #tpu.memory_space<hbm>>
        tpu.wait_dma2 semaphore(%arg13 : memref<!tpu.dma_semaphore, #tpu.memory_space<semaphore_mem>>) src(%dma_wait3A_458 : memref<2x125xi32, #tpu.memory_space<hbm>>) dst(%dma_wait3A_454 : memref<2x125xi32, #tpu.memory_space<vmem>>)
        %dma_start3A_459 = arith.constant 4 : i32
        %dma_start3A_460 = arith.constant 0 : i32
        %dma_start3A_461 = tpu.memref_slice %arg6[%dma_start3A_459, %dma_start3A_460] : memref<8x125xi32, #tpu.memory_space<vmem>> -> memref<1x125xi32, #tpu.memory_space<vmem>>
        %dma_start3A_462 = tpu.memref_squeeze %dma_start3A_461 : memref<1x125xi32, #tpu.memory_space<vmem>> -> memref<125xi32, #tpu.memory_space<vmem>>
        %dma_start3A_463 = arith.constant 0 : i32
        %dma_start3A_464 = arith.constant 0 : i32
        %dma_start3A_465 = tpu.memref_slice %arg2[%dma_start3A_463, %dma_start3A_464] : memref<10000x128xf32, #tpu.memory_space<hbm>> -> memref<10000x128xf32, #tpu.memory_space<hbm>>
        tpu.enqueue_indirect_dma source(%dma_start3A_465 : memref<10000x128xf32, #tpu.memory_space<hbm>>) target(%arg7 : memref<125x128xf32, #tpu.memory_space<vmem>>) offsets(%dma_start3A_462 : memref<125xi32, #tpu.memory_space<vmem>>) semaphore(%arg15 : memref<!tpu.dma_semaphore, #tpu.memory_space<semaphore_mem>>)
      } else {
      }
      %lt3A_251 = arith.constant 80 : i32
      %lt3A_252 = arith.cmpi slt, %add3A_228, %lt3A_251 : i32
      %convert_element_type3A_253 = arith.extui %lt3A_252 : i1 to i32
      %cond3A_254 = arith.constant 0 : i32
      %cond3A_255 = arith.cmpi ne, %convert_element_type3A_253, %cond3A_254 : i32
      scf.if %cond3A_255 {
        %dma_wait3A_442 = arith.constant 2 : i32
        %dma_wait3A_443 = arith.constant 0 : i32
        %dma_wait3A_444 = tpu.memref_slice %arg6[%dma_wait3A_442, %dma_wait3A_443] : memref<8x125xi32, #tpu.memory_space<vmem>> -> memref<1x125xi32, #tpu.memory_space<vmem>>
        %dma_wait3A_445 = tpu.memref_squeeze %dma_wait3A_444 : memref<1x125xi32, #tpu.memory_space<vmem>> -> memref<125xi32, #tpu.memory_space<vmem>>
        %dma_wait3A_446 = arith.constant 0 : i32
        %dma_wait3A_447 = arith.constant 0 : i32
        %dma_wait3A_448 = tpu.memref_slice %arg2[%dma_wait3A_446, %dma_wait3A_447] : memref<10000x128xf32, #tpu.memory_space<hbm>> -> memref<10000x128xf32, #tpu.memory_space<hbm>>
        tpu.wait_indirect_dma semaphore(%arg17 : memref<!tpu.dma_semaphore, #tpu.memory_space<semaphore_mem>>) src(%dma_wait3A_448 : memref<10000x128xf32, #tpu.memory_space<hbm>>) dst(%arg9 : memref<125x128xf32, #tpu.memory_space<vmem>>)
        %dma_start3A_449 = arith.constant 3 : i32
        %dma_start3A_450 = arith.constant 0 : i32
        %dma_start3A_451 = tpu.memref_slice %arg6[%dma_start3A_449, %dma_start3A_450] : memref<8x125xi32, #tpu.memory_space<vmem>> -> memref<1x125xi32, #tpu.memory_space<vmem>>
        %dma_start3A_452 = tpu.memref_squeeze %dma_start3A_451 : memref<1x125xi32, #tpu.memory_space<vmem>> -> memref<125xi32, #tpu.memory_space<vmem>>
        %dma_start3A_453 = arith.constant 0 : i32
        %dma_start3A_454 = arith.constant 0 : i32
        %dma_start3A_455 = tpu.memref_slice %arg10[%dma_start3A_453, %dma_start3A_454] : memref<10000x128xf32, #tpu.memory_space<vmem_shared>> -> memref<10000x128xf32, #tpu.memory_space<vmem_shared>>
        tpu.enqueue_indirect_dma source(%arg9 : memref<125x128xf32, #tpu.memory_space<vmem>>) target(%dma_start3A_455 : memref<10000x128xf32, #tpu.memory_space<vmem_shared>>) offsets(%dma_start3A_452 : memref<125xi32, #tpu.memory_space<vmem>>) semaphore(%arg20 : memref<!tpu.dma_semaphore, #tpu.memory_space<semaphore_mem>>) {add = true}
      } else {
      }
      %mul3A_256 = arith.constant 12 : i32
      %mul3A_257 = arith.muli %scan3A_74, %mul3A_256 : i32
      %add3A_258 = arith.constant 6 : i32
      %add3A_259 = arith.addi %mul3A_257, %add3A_258 : i32
      %ge3A_260 = arith.constant 2 : i32
      %ge3A_261 = arith.cmpi sge, %add3A_259, %ge3A_260 : i32
      %lt3A_262 = arith.constant 82 : i32
      %lt3A_263 = arith.cmpi slt, %add3A_259, %lt3A_262 : i32
      %and3A_264 = arith.andi %ge3A_261, %lt3A_263 : i1
      %convert_element_type3A_265 = arith.extui %and3A_264 : i1 to i32
      %cond3A_266 = arith.constant 0 : i32
      %cond3A_267 = arith.cmpi ne, %convert_element_type3A_265, %cond3A_266 : i32
      scf.if %cond3A_267 {
        %dma_wait3A_442 = arith.constant 7 : i32
        %dma_wait3A_443 = arith.constant 0 : i32
        %dma_wait3A_444 = tpu.memref_slice %arg6[%dma_wait3A_442, %dma_wait3A_443] : memref<8x125xi32, #tpu.memory_space<vmem>> -> memref<1x125xi32, #tpu.memory_space<vmem>>
        %dma_wait3A_445 = tpu.memref_squeeze %dma_wait3A_444 : memref<1x125xi32, #tpu.memory_space<vmem>> -> memref<125xi32, #tpu.memory_space<vmem>>
        %dma_wait3A_446 = arith.constant 0 : i32
        %dma_wait3A_447 = arith.constant 0 : i32
        %dma_wait3A_448 = tpu.memref_slice %arg10[%dma_wait3A_446, %dma_wait3A_447] : memref<10000x128xf32, #tpu.memory_space<vmem_shared>> -> memref<10000x128xf32, #tpu.memory_space<vmem_shared>>
        tpu.wait_indirect_dma semaphore(%arg19 : memref<!tpu.dma_semaphore, #tpu.memory_space<semaphore_mem>>) src(%arg8 : memref<125x128xf32, #tpu.memory_space<vmem>>) dst(%dma_wait3A_448 : memref<10000x128xf32, #tpu.memory_space<vmem_shared>>)
      } else {
      }
      %add3A_268 = arith.constant 2 : i32
      %add3A_269 = arith.addi %add3A_259, %add3A_268 : i32
      %lt3A_270 = arith.constant 80 : i32
      %lt3A_271 = arith.cmpi slt, %add3A_269, %lt3A_270 : i32
      %convert_element_type3A_272 = arith.extui %lt3A_271 : i1 to i32
      %cond3A_273 = arith.constant 0 : i32
      %cond3A_274 = arith.cmpi ne, %convert_element_type3A_272, %cond3A_273 : i32
      scf.if %cond3A_274 {
        %add3A_442 = arith.constant 2 : i32
        %add3A_443 = arith.addi %add3A_259, %add3A_442 : i32
        %add3A_444 = arith.addi %mul3A_2, %add3A_443 : i32
        %dma_start3A_445 = arith.constant 0 : i32
        %dma_start3A_446 = arith.constant 0 : i32
        %dma_start3A_447 = tpu.memref_slice %arg6[%dma_start3A_445, %dma_start3A_446] : memref<8x125xi32, #tpu.memory_space<vmem>> -> memref<2x125xi32, #tpu.memory_space<vmem>>
        %dma_start3A_448 = arith.constant 0 : i32
        %dma_start3A_449 = arith.constant 0 : i32
        %dma_start3A_450 = tpu.memref_slice %arg3[%add3A_444, %dma_start3A_448, %dma_start3A_449] : memref<2560x2x125xi32, #tpu.memory_space<hbm>> -> memref<1x2x125xi32, #tpu.memory_space<hbm>>
        %dma_start3A_451 = tpu.memref_squeeze %dma_start3A_450 : memref<1x2x125xi32, #tpu.memory_space<hbm>> -> memref<2x125xi32, #tpu.memory_space<hbm>>
        %dma_start3A_452 = arith.constant 0 : i32
        %dma_start3A_453 = arith.constant 0 : i32
        %dma_start3A_454 = tpu.memref_slice %arg6[%dma_start3A_452, %dma_start3A_453] : memref<8x125xi32, #tpu.memory_space<vmem>> -> memref<2x125xi32, #tpu.memory_space<vmem>>
        %dma_start3A_455 = arith.constant 0 : i32
        %dma_start3A_456 = arith.constant 0 : i32
        %dma_start3A_457 = tpu.memref_slice %arg3[%add3A_444, %dma_start3A_455, %dma_start3A_456] : memref<2560x2x125xi32, #tpu.memory_space<hbm>> -> memref<1x2x125xi32, #tpu.memory_space<hbm>>
        %dma_start3A_458 = tpu.memref_squeeze %dma_start3A_457 : memref<1x2x125xi32, #tpu.memory_space<hbm>> -> memref<2x125xi32, #tpu.memory_space<hbm>>
        tpu.enqueue_dma source(%dma_start3A_458 : memref<2x125xi32, #tpu.memory_space<hbm>>) target(%dma_start3A_454 : memref<2x125xi32, #tpu.memory_space<vmem>>) target_semaphore(%arg11 : memref<!tpu.dma_semaphore, #tpu.memory_space<semaphore_mem>>)
      } else {
      }
      %add3A_275 = arith.constant 1 : i32
      %add3A_276 = arith.addi %add3A_259, %add3A_275 : i32
      %lt3A_277 = arith.constant 80 : i32
      %lt3A_278 = arith.cmpi slt, %add3A_276, %lt3A_277 : i32
      %convert_element_type3A_279 = arith.extui %lt3A_278 : i1 to i32
      %cond3A_280 = arith.constant 0 : i32
      %cond3A_281 = arith.cmpi ne, %convert_element_type3A_279, %cond3A_280 : i32
      scf.if %cond3A_281 {
        %add3A_442 = arith.constant 1 : i32
        %add3A_443 = arith.addi %add3A_259, %add3A_442 : i32
        %add3A_444 = arith.addi %mul3A_2, %add3A_443 : i32
        %dma_wait3A_445 = arith.constant 6 : i32
        %dma_wait3A_446 = arith.constant 0 : i32
        %dma_wait3A_447 = tpu.memref_slice %arg6[%dma_wait3A_445, %dma_wait3A_446] : memref<8x125xi32, #tpu.memory_space<vmem>> -> memref<2x125xi32, #tpu.memory_space<vmem>>
        %dma_wait3A_448 = arith.constant 0 : i32
        %dma_wait3A_449 = arith.constant 0 : i32
        %dma_wait3A_450 = tpu.memref_slice %arg3[%add3A_444, %dma_wait3A_448, %dma_wait3A_449] : memref<2560x2x125xi32, #tpu.memory_space<hbm>> -> memref<1x2x125xi32, #tpu.memory_space<hbm>>
        %dma_wait3A_451 = tpu.memref_squeeze %dma_wait3A_450 : memref<1x2x125xi32, #tpu.memory_space<hbm>> -> memref<2x125xi32, #tpu.memory_space<hbm>>
        %dma_wait3A_452 = arith.constant 6 : i32
        %dma_wait3A_453 = arith.constant 0 : i32
        %dma_wait3A_454 = tpu.memref_slice %arg6[%dma_wait3A_452, %dma_wait3A_453] : memref<8x125xi32, #tpu.memory_space<vmem>> -> memref<2x125xi32, #tpu.memory_space<vmem>>
        %dma_wait3A_455 = arith.constant 0 : i32
        %dma_wait3A_456 = arith.constant 0 : i32
        %dma_wait3A_457 = tpu.memref_slice %arg3[%add3A_444, %dma_wait3A_455, %dma_wait3A_456] : memref<2560x2x125xi32, #tpu.memory_space<hbm>> -> memref<1x2x125xi32, #tpu.memory_space<hbm>>
        %dma_wait3A_458 = tpu.memref_squeeze %dma_wait3A_457 : memref<1x2x125xi32, #tpu.memory_space<hbm>> -> memref<2x125xi32, #tpu.memory_space<hbm>>
        tpu.wait_dma2 semaphore(%arg14 : memref<!tpu.dma_semaphore, #tpu.memory_space<semaphore_mem>>) src(%dma_wait3A_458 : memref<2x125xi32, #tpu.memory_space<hbm>>) dst(%dma_wait3A_454 : memref<2x125xi32, #tpu.memory_space<vmem>>)
        %dma_start3A_459 = arith.constant 6 : i32
        %dma_start3A_460 = arith.constant 0 : i32
        %dma_start3A_461 = tpu.memref_slice %arg6[%dma_start3A_459, %dma_start3A_460] : memref<8x125xi32, #tpu.memory_space<vmem>> -> memref<1x125xi32, #tpu.memory_space<vmem>>
        %dma_start3A_462 = tpu.memref_squeeze %dma_start3A_461 : memref<1x125xi32, #tpu.memory_space<vmem>> -> memref<125xi32, #tpu.memory_space<vmem>>
        %dma_start3A_463 = arith.constant 0 : i32
        %dma_start3A_464 = arith.constant 0 : i32
        %dma_start3A_465 = tpu.memref_slice %arg2[%dma_start3A_463, %dma_start3A_464] : memref<10000x128xf32, #tpu.memory_space<hbm>> -> memref<10000x128xf32, #tpu.memory_space<hbm>>
        tpu.enqueue_indirect_dma source(%dma_start3A_465 : memref<10000x128xf32, #tpu.memory_space<hbm>>) target(%arg8 : memref<125x128xf32, #tpu.memory_space<vmem>>) offsets(%dma_start3A_462 : memref<125xi32, #tpu.memory_space<vmem>>) semaphore(%arg16 : memref<!tpu.dma_semaphore, #tpu.memory_space<semaphore_mem>>)
      } else {
      }
      %lt3A_282 = arith.constant 80 : i32
      %lt3A_283 = arith.cmpi slt, %add3A_259, %lt3A_282 : i32
      %convert_element_type3A_284 = arith.extui %lt3A_283 : i1 to i32
      %cond3A_285 = arith.constant 0 : i32
      %cond3A_286 = arith.cmpi ne, %convert_element_type3A_284, %cond3A_285 : i32
      scf.if %cond3A_286 {
        %dma_wait3A_442 = arith.constant 4 : i32
        %dma_wait3A_443 = arith.constant 0 : i32
        %dma_wait3A_444 = tpu.memref_slice %arg6[%dma_wait3A_442, %dma_wait3A_443] : memref<8x125xi32, #tpu.memory_space<vmem>> -> memref<1x125xi32, #tpu.memory_space<vmem>>
        %dma_wait3A_445 = tpu.memref_squeeze %dma_wait3A_444 : memref<1x125xi32, #tpu.memory_space<vmem>> -> memref<125xi32, #tpu.memory_space<vmem>>
        %dma_wait3A_446 = arith.constant 0 : i32
        %dma_wait3A_447 = arith.constant 0 : i32
        %dma_wait3A_448 = tpu.memref_slice %arg2[%dma_wait3A_446, %dma_wait3A_447] : memref<10000x128xf32, #tpu.memory_space<hbm>> -> memref<10000x128xf32, #tpu.memory_space<hbm>>
        tpu.wait_indirect_dma semaphore(%arg15 : memref<!tpu.dma_semaphore, #tpu.memory_space<semaphore_mem>>) src(%dma_wait3A_448 : memref<10000x128xf32, #tpu.memory_space<hbm>>) dst(%arg7 : memref<125x128xf32, #tpu.memory_space<vmem>>)
        %dma_start3A_449 = arith.constant 5 : i32
        %dma_start3A_450 = arith.constant 0 : i32
        %dma_start3A_451 = tpu.memref_slice %arg6[%dma_start3A_449, %dma_start3A_450] : memref<8x125xi32, #tpu.memory_space<vmem>> -> memref<1x125xi32, #tpu.memory_space<vmem>>
        %dma_start3A_452 = tpu.memref_squeeze %dma_start3A_451 : memref<1x125xi32, #tpu.memory_space<vmem>> -> memref<125xi32, #tpu.memory_space<vmem>>
        %dma_start3A_453 = arith.constant 0 : i32
        %dma_start3A_454 = arith.constant 0 : i32
        %dma_start3A_455 = tpu.memref_slice %arg10[%dma_start3A_453, %dma_start3A_454] : memref<10000x128xf32, #tpu.memory_space<vmem_shared>> -> memref<10000x128xf32, #tpu.memory_space<vmem_shared>>
        tpu.enqueue_indirect_dma source(%arg7 : memref<125x128xf32, #tpu.memory_space<vmem>>) target(%dma_start3A_455 : memref<10000x128xf32, #tpu.memory_space<vmem_shared>>) offsets(%dma_start3A_452 : memref<125xi32, #tpu.memory_space<vmem>>) semaphore(%arg18 : memref<!tpu.dma_semaphore, #tpu.memory_space<semaphore_mem>>) {add = true}
      } else {
      }
      %mul3A_287 = arith.constant 12 : i32
      %mul3A_288 = arith.muli %scan3A_74, %mul3A_287 : i32
      %add3A_289 = arith.constant 7 : i32
      %add3A_290 = arith.addi %mul3A_288, %add3A_289 : i32
      %ge3A_291 = arith.constant 2 : i32
      %ge3A_292 = arith.cmpi sge, %add3A_290, %ge3A_291 : i32
      %lt3A_293 = arith.constant 82 : i32
      %lt3A_294 = arith.cmpi slt, %add3A_290, %lt3A_293 : i32
      %and3A_295 = arith.andi %ge3A_292, %lt3A_294 : i1
      %convert_element_type3A_296 = arith.extui %and3A_295 : i1 to i32
      %cond3A_297 = arith.constant 0 : i32
      %cond3A_298 = arith.cmpi ne, %convert_element_type3A_296, %cond3A_297 : i32
      scf.if %cond3A_298 {
        %dma_wait3A_442 = arith.constant 1 : i32
        %dma_wait3A_443 = arith.constant 0 : i32
        %dma_wait3A_444 = tpu.memref_slice %arg6[%dma_wait3A_442, %dma_wait3A_443] : memref<8x125xi32, #tpu.memory_space<vmem>> -> memref<1x125xi32, #tpu.memory_space<vmem>>
        %dma_wait3A_445 = tpu.memref_squeeze %dma_wait3A_444 : memref<1x125xi32, #tpu.memory_space<vmem>> -> memref<125xi32, #tpu.memory_space<vmem>>
        %dma_wait3A_446 = arith.constant 0 : i32
        %dma_wait3A_447 = arith.constant 0 : i32
        %dma_wait3A_448 = tpu.memref_slice %arg10[%dma_wait3A_446, %dma_wait3A_447] : memref<10000x128xf32, #tpu.memory_space<vmem_shared>> -> memref<10000x128xf32, #tpu.memory_space<vmem_shared>>
        tpu.wait_indirect_dma semaphore(%arg20 : memref<!tpu.dma_semaphore, #tpu.memory_space<semaphore_mem>>) src(%arg9 : memref<125x128xf32, #tpu.memory_space<vmem>>) dst(%dma_wait3A_448 : memref<10000x128xf32, #tpu.memory_space<vmem_shared>>)
      } else {
      }
      %add3A_299 = arith.constant 2 : i32
      %add3A_300 = arith.addi %add3A_290, %add3A_299 : i32
      %lt3A_301 = arith.constant 80 : i32
      %lt3A_302 = arith.cmpi slt, %add3A_300, %lt3A_301 : i32
      %convert_element_type3A_303 = arith.extui %lt3A_302 : i1 to i32
      %cond3A_304 = arith.constant 0 : i32
      %cond3A_305 = arith.cmpi ne, %convert_element_type3A_303, %cond3A_304 : i32
      scf.if %cond3A_305 {
        %add3A_442 = arith.constant 2 : i32
        %add3A_443 = arith.addi %add3A_290, %add3A_442 : i32
        %add3A_444 = arith.addi %mul3A_2, %add3A_443 : i32
        %dma_start3A_445 = arith.constant 2 : i32
        %dma_start3A_446 = arith.constant 0 : i32
        %dma_start3A_447 = tpu.memref_slice %arg6[%dma_start3A_445, %dma_start3A_446] : memref<8x125xi32, #tpu.memory_space<vmem>> -> memref<2x125xi32, #tpu.memory_space<vmem>>
        %dma_start3A_448 = arith.constant 0 : i32
        %dma_start3A_449 = arith.constant 0 : i32
        %dma_start3A_450 = tpu.memref_slice %arg3[%add3A_444, %dma_start3A_448, %dma_start3A_449] : memref<2560x2x125xi32, #tpu.memory_space<hbm>> -> memref<1x2x125xi32, #tpu.memory_space<hbm>>
        %dma_start3A_451 = tpu.memref_squeeze %dma_start3A_450 : memref<1x2x125xi32, #tpu.memory_space<hbm>> -> memref<2x125xi32, #tpu.memory_space<hbm>>
        %dma_start3A_452 = arith.constant 2 : i32
        %dma_start3A_453 = arith.constant 0 : i32
        %dma_start3A_454 = tpu.memref_slice %arg6[%dma_start3A_452, %dma_start3A_453] : memref<8x125xi32, #tpu.memory_space<vmem>> -> memref<2x125xi32, #tpu.memory_space<vmem>>
        %dma_start3A_455 = arith.constant 0 : i32
        %dma_start3A_456 = arith.constant 0 : i32
        %dma_start3A_457 = tpu.memref_slice %arg3[%add3A_444, %dma_start3A_455, %dma_start3A_456] : memref<2560x2x125xi32, #tpu.memory_space<hbm>> -> memref<1x2x125xi32, #tpu.memory_space<hbm>>
        %dma_start3A_458 = tpu.memref_squeeze %dma_start3A_457 : memref<1x2x125xi32, #tpu.memory_space<hbm>> -> memref<2x125xi32, #tpu.memory_space<hbm>>
        tpu.enqueue_dma source(%dma_start3A_458 : memref<2x125xi32, #tpu.memory_space<hbm>>) target(%dma_start3A_454 : memref<2x125xi32, #tpu.memory_space<vmem>>) target_semaphore(%arg12 : memref<!tpu.dma_semaphore, #tpu.memory_space<semaphore_mem>>)
      } else {
      }
      %add3A_306 = arith.constant 1 : i32
      %add3A_307 = arith.addi %add3A_290, %add3A_306 : i32
      %lt3A_308 = arith.constant 80 : i32
      %lt3A_309 = arith.cmpi slt, %add3A_307, %lt3A_308 : i32
      %convert_element_type3A_310 = arith.extui %lt3A_309 : i1 to i32
      %cond3A_311 = arith.constant 0 : i32
      %cond3A_312 = arith.cmpi ne, %convert_element_type3A_310, %cond3A_311 : i32
      scf.if %cond3A_312 {
        %add3A_442 = arith.constant 1 : i32
        %add3A_443 = arith.addi %add3A_290, %add3A_442 : i32
        %add3A_444 = arith.addi %mul3A_2, %add3A_443 : i32
        %dma_wait3A_445 = arith.constant 0 : i32
        %dma_wait3A_446 = arith.constant 0 : i32
        %dma_wait3A_447 = tpu.memref_slice %arg6[%dma_wait3A_445, %dma_wait3A_446] : memref<8x125xi32, #tpu.memory_space<vmem>> -> memref<2x125xi32, #tpu.memory_space<vmem>>
        %dma_wait3A_448 = arith.constant 0 : i32
        %dma_wait3A_449 = arith.constant 0 : i32
        %dma_wait3A_450 = tpu.memref_slice %arg3[%add3A_444, %dma_wait3A_448, %dma_wait3A_449] : memref<2560x2x125xi32, #tpu.memory_space<hbm>> -> memref<1x2x125xi32, #tpu.memory_space<hbm>>
        %dma_wait3A_451 = tpu.memref_squeeze %dma_wait3A_450 : memref<1x2x125xi32, #tpu.memory_space<hbm>> -> memref<2x125xi32, #tpu.memory_space<hbm>>
        %dma_wait3A_452 = arith.constant 0 : i32
        %dma_wait3A_453 = arith.constant 0 : i32
        %dma_wait3A_454 = tpu.memref_slice %arg6[%dma_wait3A_452, %dma_wait3A_453] : memref<8x125xi32, #tpu.memory_space<vmem>> -> memref<2x125xi32, #tpu.memory_space<vmem>>
        %dma_wait3A_455 = arith.constant 0 : i32
        %dma_wait3A_456 = arith.constant 0 : i32
        %dma_wait3A_457 = tpu.memref_slice %arg3[%add3A_444, %dma_wait3A_455, %dma_wait3A_456] : memref<2560x2x125xi32, #tpu.memory_space<hbm>> -> memref<1x2x125xi32, #tpu.memory_space<hbm>>
        %dma_wait3A_458 = tpu.memref_squeeze %dma_wait3A_457 : memref<1x2x125xi32, #tpu.memory_space<hbm>> -> memref<2x125xi32, #tpu.memory_space<hbm>>
        tpu.wait_dma2 semaphore(%arg11 : memref<!tpu.dma_semaphore, #tpu.memory_space<semaphore_mem>>) src(%dma_wait3A_458 : memref<2x125xi32, #tpu.memory_space<hbm>>) dst(%dma_wait3A_454 : memref<2x125xi32, #tpu.memory_space<vmem>>)
        %dma_start3A_459 = arith.constant 0 : i32
        %dma_start3A_460 = arith.constant 0 : i32
        %dma_start3A_461 = tpu.memref_slice %arg6[%dma_start3A_459, %dma_start3A_460] : memref<8x125xi32, #tpu.memory_space<vmem>> -> memref<1x125xi32, #tpu.memory_space<vmem>>
        %dma_start3A_462 = tpu.memref_squeeze %dma_start3A_461 : memref<1x125xi32, #tpu.memory_space<vmem>> -> memref<125xi32, #tpu.memory_space<vmem>>
        %dma_start3A_463 = arith.constant 0 : i32
        %dma_start3A_464 = arith.constant 0 : i32
        %dma_start3A_465 = tpu.memref_slice %arg2[%dma_start3A_463, %dma_start3A_464] : memref<10000x128xf32, #tpu.memory_space<hbm>> -> memref<10000x128xf32, #tpu.memory_space<hbm>>
        tpu.enqueue_indirect_dma source(%dma_start3A_465 : memref<10000x128xf32, #tpu.memory_space<hbm>>) target(%arg9 : memref<125x128xf32, #tpu.memory_space<vmem>>) offsets(%dma_start3A_462 : memref<125xi32, #tpu.memory_space<vmem>>) semaphore(%arg17 : memref<!tpu.dma_semaphore, #tpu.memory_space<semaphore_mem>>)
      } else {
      }
      %lt3A_313 = arith.constant 80 : i32
      %lt3A_314 = arith.cmpi slt, %add3A_290, %lt3A_313 : i32
      %convert_element_type3A_315 = arith.extui %lt3A_314 : i1 to i32
      %cond3A_316 = arith.constant 0 : i32
      %cond3A_317 = arith.cmpi ne, %convert_element_type3A_315, %cond3A_316 : i32
      scf.if %cond3A_317 {
        %dma_wait3A_442 = arith.constant 6 : i32
        %dma_wait3A_443 = arith.constant 0 : i32
        %dma_wait3A_444 = tpu.memref_slice %arg6[%dma_wait3A_442, %dma_wait3A_443] : memref<8x125xi32, #tpu.memory_space<vmem>> -> memref<1x125xi32, #tpu.memory_space<vmem>>
        %dma_wait3A_445 = tpu.memref_squeeze %dma_wait3A_444 : memref<1x125xi32, #tpu.memory_space<vmem>> -> memref<125xi32, #tpu.memory_space<vmem>>
        %dma_wait3A_446 = arith.constant 0 : i32
        %dma_wait3A_447 = arith.constant 0 : i32
        %dma_wait3A_448 = tpu.memref_slice %arg2[%dma_wait3A_446, %dma_wait3A_447] : memref<10000x128xf32, #tpu.memory_space<hbm>> -> memref<10000x128xf32, #tpu.memory_space<hbm>>
        tpu.wait_indirect_dma semaphore(%arg16 : memref<!tpu.dma_semaphore, #tpu.memory_space<semaphore_mem>>) src(%dma_wait3A_448 : memref<10000x128xf32, #tpu.memory_space<hbm>>) dst(%arg8 : memref<125x128xf32, #tpu.memory_space<vmem>>)
        %dma_start3A_449 = arith.constant 7 : i32
        %dma_start3A_450 = arith.constant 0 : i32
        %dma_start3A_451 = tpu.memref_slice %arg6[%dma_start3A_449, %dma_start3A_450] : memref<8x125xi32, #tpu.memory_space<vmem>> -> memref<1x125xi32, #tpu.memory_space<vmem>>
        %dma_start3A_452 = tpu.memref_squeeze %dma_start3A_451 : memref<1x125xi32, #tpu.memory_space<vmem>> -> memref<125xi32, #tpu.memory_space<vmem>>
        %dma_start3A_453 = arith.constant 0 : i32
        %dma_start3A_454 = arith.constant 0 : i32
        %dma_start3A_455 = tpu.memref_slice %arg10[%dma_start3A_453, %dma_start3A_454] : memref<10000x128xf32, #tpu.memory_space<vmem_shared>> -> memref<10000x128xf32, #tpu.memory_space<vmem_shared>>
        tpu.enqueue_indirect_dma source(%arg8 : memref<125x128xf32, #tpu.memory_space<vmem>>) target(%dma_start3A_455 : memref<10000x128xf32, #tpu.memory_space<vmem_shared>>) offsets(%dma_start3A_452 : memref<125xi32, #tpu.memory_space<vmem>>) semaphore(%arg19 : memref<!tpu.dma_semaphore, #tpu.memory_space<semaphore_mem>>) {add = true}
      } else {
      }
      %mul3A_318 = arith.constant 12 : i32
      %mul3A_319 = arith.muli %scan3A_74, %mul3A_318 : i32
      %add3A_320 = arith.constant 8 : i32
      %add3A_321 = arith.addi %mul3A_319, %add3A_320 : i32
      %ge3A_322 = arith.constant 2 : i32
      %ge3A_323 = arith.cmpi sge, %add3A_321, %ge3A_322 : i32
      %lt3A_324 = arith.constant 82 : i32
      %lt3A_325 = arith.cmpi slt, %add3A_321, %lt3A_324 : i32
      %and3A_326 = arith.andi %ge3A_323, %lt3A_325 : i1
      %convert_element_type3A_327 = arith.extui %and3A_326 : i1 to i32
      %cond3A_328 = arith.constant 0 : i32
      %cond3A_329 = arith.cmpi ne, %convert_element_type3A_327, %cond3A_328 : i32
      scf.if %cond3A_329 {
        %dma_wait3A_442 = arith.constant 3 : i32
        %dma_wait3A_443 = arith.constant 0 : i32
        %dma_wait3A_444 = tpu.memref_slice %arg6[%dma_wait3A_442, %dma_wait3A_443] : memref<8x125xi32, #tpu.memory_space<vmem>> -> memref<1x125xi32, #tpu.memory_space<vmem>>
        %dma_wait3A_445 = tpu.memref_squeeze %dma_wait3A_444 : memref<1x125xi32, #tpu.memory_space<vmem>> -> memref<125xi32, #tpu.memory_space<vmem>>
        %dma_wait3A_446 = arith.constant 0 : i32
        %dma_wait3A_447 = arith.constant 0 : i32
        %dma_wait3A_448 = tpu.memref_slice %arg10[%dma_wait3A_446, %dma_wait3A_447] : memref<10000x128xf32, #tpu.memory_space<vmem_shared>> -> memref<10000x128xf32, #tpu.memory_space<vmem_shared>>
        tpu.wait_indirect_dma semaphore(%arg18 : memref<!tpu.dma_semaphore, #tpu.memory_space<semaphore_mem>>) src(%arg7 : memref<125x128xf32, #tpu.memory_space<vmem>>) dst(%dma_wait3A_448 : memref<10000x128xf32, #tpu.memory_space<vmem_shared>>)
      } else {
      }
      %add3A_330 = arith.constant 2 : i32
      %add3A_331 = arith.addi %add3A_321, %add3A_330 : i32
      %lt3A_332 = arith.constant 80 : i32
      %lt3A_333 = arith.cmpi slt, %add3A_331, %lt3A_332 : i32
      %convert_element_type3A_334 = arith.extui %lt3A_333 : i1 to i32
      %cond3A_335 = arith.constant 0 : i32
      %cond3A_336 = arith.cmpi ne, %convert_element_type3A_334, %cond3A_335 : i32
      scf.if %cond3A_336 {
        %add3A_442 = arith.constant 2 : i32
        %add3A_443 = arith.addi %add3A_321, %add3A_442 : i32
        %add3A_444 = arith.addi %mul3A_2, %add3A_443 : i32
        %dma_start3A_445 = arith.constant 4 : i32
        %dma_start3A_446 = arith.constant 0 : i32
        %dma_start3A_447 = tpu.memref_slice %arg6[%dma_start3A_445, %dma_start3A_446] : memref<8x125xi32, #tpu.memory_space<vmem>> -> memref<2x125xi32, #tpu.memory_space<vmem>>
        %dma_start3A_448 = arith.constant 0 : i32
        %dma_start3A_449 = arith.constant 0 : i32
        %dma_start3A_450 = tpu.memref_slice %arg3[%add3A_444, %dma_start3A_448, %dma_start3A_449] : memref<2560x2x125xi32, #tpu.memory_space<hbm>> -> memref<1x2x125xi32, #tpu.memory_space<hbm>>
        %dma_start3A_451 = tpu.memref_squeeze %dma_start3A_450 : memref<1x2x125xi32, #tpu.memory_space<hbm>> -> memref<2x125xi32, #tpu.memory_space<hbm>>
        %dma_start3A_452 = arith.constant 4 : i32
        %dma_start3A_453 = arith.constant 0 : i32
        %dma_start3A_454 = tpu.memref_slice %arg6[%dma_start3A_452, %dma_start3A_453] : memref<8x125xi32, #tpu.memory_space<vmem>> -> memref<2x125xi32, #tpu.memory_space<vmem>>
        %dma_start3A_455 = arith.constant 0 : i32
        %dma_start3A_456 = arith.constant 0 : i32
        %dma_start3A_457 = tpu.memref_slice %arg3[%add3A_444, %dma_start3A_455, %dma_start3A_456] : memref<2560x2x125xi32, #tpu.memory_space<hbm>> -> memref<1x2x125xi32, #tpu.memory_space<hbm>>
        %dma_start3A_458 = tpu.memref_squeeze %dma_start3A_457 : memref<1x2x125xi32, #tpu.memory_space<hbm>> -> memref<2x125xi32, #tpu.memory_space<hbm>>
        tpu.enqueue_dma source(%dma_start3A_458 : memref<2x125xi32, #tpu.memory_space<hbm>>) target(%dma_start3A_454 : memref<2x125xi32, #tpu.memory_space<vmem>>) target_semaphore(%arg13 : memref<!tpu.dma_semaphore, #tpu.memory_space<semaphore_mem>>)
      } else {
      }
      %add3A_337 = arith.constant 1 : i32
      %add3A_338 = arith.addi %add3A_321, %add3A_337 : i32
      %lt3A_339 = arith.constant 80 : i32
      %lt3A_340 = arith.cmpi slt, %add3A_338, %lt3A_339 : i32
      %convert_element_type3A_341 = arith.extui %lt3A_340 : i1 to i32
      %cond3A_342 = arith.constant 0 : i32
      %cond3A_343 = arith.cmpi ne, %convert_element_type3A_341, %cond3A_342 : i32
      scf.if %cond3A_343 {
        %add3A_442 = arith.constant 1 : i32
        %add3A_443 = arith.addi %add3A_321, %add3A_442 : i32
        %add3A_444 = arith.addi %mul3A_2, %add3A_443 : i32
        %dma_wait3A_445 = arith.constant 2 : i32
        %dma_wait3A_446 = arith.constant 0 : i32
        %dma_wait3A_447 = tpu.memref_slice %arg6[%dma_wait3A_445, %dma_wait3A_446] : memref<8x125xi32, #tpu.memory_space<vmem>> -> memref<2x125xi32, #tpu.memory_space<vmem>>
        %dma_wait3A_448 = arith.constant 0 : i32
        %dma_wait3A_449 = arith.constant 0 : i32
        %dma_wait3A_450 = tpu.memref_slice %arg3[%add3A_444, %dma_wait3A_448, %dma_wait3A_449] : memref<2560x2x125xi32, #tpu.memory_space<hbm>> -> memref<1x2x125xi32, #tpu.memory_space<hbm>>
        %dma_wait3A_451 = tpu.memref_squeeze %dma_wait3A_450 : memref<1x2x125xi32, #tpu.memory_space<hbm>> -> memref<2x125xi32, #tpu.memory_space<hbm>>
        %dma_wait3A_452 = arith.constant 2 : i32
        %dma_wait3A_453 = arith.constant 0 : i32
        %dma_wait3A_454 = tpu.memref_slice %arg6[%dma_wait3A_452, %dma_wait3A_453] : memref<8x125xi32, #tpu.memory_space<vmem>> -> memref<2x125xi32, #tpu.memory_space<vmem>>
        %dma_wait3A_455 = arith.constant 0 : i32
        %dma_wait3A_456 = arith.constant 0 : i32
        %dma_wait3A_457 = tpu.memref_slice %arg3[%add3A_444, %dma_wait3A_455, %dma_wait3A_456] : memref<2560x2x125xi32, #tpu.memory_space<hbm>> -> memref<1x2x125xi32, #tpu.memory_space<hbm>>
        %dma_wait3A_458 = tpu.memref_squeeze %dma_wait3A_457 : memref<1x2x125xi32, #tpu.memory_space<hbm>> -> memref<2x125xi32, #tpu.memory_space<hbm>>
        tpu.wait_dma2 semaphore(%arg12 : memref<!tpu.dma_semaphore, #tpu.memory_space<semaphore_mem>>) src(%dma_wait3A_458 : memref<2x125xi32, #tpu.memory_space<hbm>>) dst(%dma_wait3A_454 : memref<2x125xi32, #tpu.memory_space<vmem>>)
        %dma_start3A_459 = arith.constant 2 : i32
        %dma_start3A_460 = arith.constant 0 : i32
        %dma_start3A_461 = tpu.memref_slice %arg6[%dma_start3A_459, %dma_start3A_460] : memref<8x125xi32, #tpu.memory_space<vmem>> -> memref<1x125xi32, #tpu.memory_space<vmem>>
        %dma_start3A_462 = tpu.memref_squeeze %dma_start3A_461 : memref<1x125xi32, #tpu.memory_space<vmem>> -> memref<125xi32, #tpu.memory_space<vmem>>
        %dma_start3A_463 = arith.constant 0 : i32
        %dma_start3A_464 = arith.constant 0 : i32
        %dma_start3A_465 = tpu.memref_slice %arg2[%dma_start3A_463, %dma_start3A_464] : memref<10000x128xf32, #tpu.memory_space<hbm>> -> memref<10000x128xf32, #tpu.memory_space<hbm>>
        tpu.enqueue_indirect_dma source(%dma_start3A_465 : memref<10000x128xf32, #tpu.memory_space<hbm>>) target(%arg7 : memref<125x128xf32, #tpu.memory_space<vmem>>) offsets(%dma_start3A_462 : memref<125xi32, #tpu.memory_space<vmem>>) semaphore(%arg15 : memref<!tpu.dma_semaphore, #tpu.memory_space<semaphore_mem>>)
      } else {
      }
      %lt3A_344 = arith.constant 80 : i32
      %lt3A_345 = arith.cmpi slt, %add3A_321, %lt3A_344 : i32
      %convert_element_type3A_346 = arith.extui %lt3A_345 : i1 to i32
      %cond3A_347 = arith.constant 0 : i32
      %cond3A_348 = arith.cmpi ne, %convert_element_type3A_346, %cond3A_347 : i32
      scf.if %cond3A_348 {
        %dma_wait3A_442 = arith.constant 0 : i32
        %dma_wait3A_443 = arith.constant 0 : i32
        %dma_wait3A_444 = tpu.memref_slice %arg6[%dma_wait3A_442, %dma_wait3A_443] : memref<8x125xi32, #tpu.memory_space<vmem>> -> memref<1x125xi32, #tpu.memory_space<vmem>>
        %dma_wait3A_445 = tpu.memref_squeeze %dma_wait3A_444 : memref<1x125xi32, #tpu.memory_space<vmem>> -> memref<125xi32, #tpu.memory_space<vmem>>
        %dma_wait3A_446 = arith.constant 0 : i32
        %dma_wait3A_447 = arith.constant 0 : i32
        %dma_wait3A_448 = tpu.memref_slice %arg2[%dma_wait3A_446, %dma_wait3A_447] : memref<10000x128xf32, #tpu.memory_space<hbm>> -> memref<10000x128xf32, #tpu.memory_space<hbm>>
        tpu.wait_indirect_dma semaphore(%arg17 : memref<!tpu.dma_semaphore, #tpu.memory_space<semaphore_mem>>) src(%dma_wait3A_448 : memref<10000x128xf32, #tpu.memory_space<hbm>>) dst(%arg9 : memref<125x128xf32, #tpu.memory_space<vmem>>)
        %dma_start3A_449 = arith.constant 1 : i32
        %dma_start3A_450 = arith.constant 0 : i32
        %dma_start3A_451 = tpu.memref_slice %arg6[%dma_start3A_449, %dma_start3A_450] : memref<8x125xi32, #tpu.memory_space<vmem>> -> memref<1x125xi32, #tpu.memory_space<vmem>>
        %dma_start3A_452 = tpu.memref_squeeze %dma_start3A_451 : memref<1x125xi32, #tpu.memory_space<vmem>> -> memref<125xi32, #tpu.memory_space<vmem>>
        %dma_start3A_453 = arith.constant 0 : i32
        %dma_start3A_454 = arith.constant 0 : i32
        %dma_start3A_455 = tpu.memref_slice %arg10[%dma_start3A_453, %dma_start3A_454] : memref<10000x128xf32, #tpu.memory_space<vmem_shared>> -> memref<10000x128xf32, #tpu.memory_space<vmem_shared>>
        tpu.enqueue_indirect_dma source(%arg9 : memref<125x128xf32, #tpu.memory_space<vmem>>) target(%dma_start3A_455 : memref<10000x128xf32, #tpu.memory_space<vmem_shared>>) offsets(%dma_start3A_452 : memref<125xi32, #tpu.memory_space<vmem>>) semaphore(%arg20 : memref<!tpu.dma_semaphore, #tpu.memory_space<semaphore_mem>>) {add = true}
      } else {
      }
      %mul3A_349 = arith.constant 12 : i32
      %mul3A_350 = arith.muli %scan3A_74, %mul3A_349 : i32
      %add3A_351 = arith.constant 9 : i32
      %add3A_352 = arith.addi %mul3A_350, %add3A_351 : i32
      %ge3A_353 = arith.constant 2 : i32
      %ge3A_354 = arith.cmpi sge, %add3A_352, %ge3A_353 : i32
      %lt3A_355 = arith.constant 82 : i32
      %lt3A_356 = arith.cmpi slt, %add3A_352, %lt3A_355 : i32
      %and3A_357 = arith.andi %ge3A_354, %lt3A_356 : i1
      %convert_element_type3A_358 = arith.extui %and3A_357 : i1 to i32
      %cond3A_359 = arith.constant 0 : i32
      %cond3A_360 = arith.cmpi ne, %convert_element_type3A_358, %cond3A_359 : i32
      scf.if %cond3A_360 {
        %dma_wait3A_442 = arith.constant 5 : i32
        %dma_wait3A_443 = arith.constant 0 : i32
        %dma_wait3A_444 = tpu.memref_slice %arg6[%dma_wait3A_442, %dma_wait3A_443] : memref<8x125xi32, #tpu.memory_space<vmem>> -> memref<1x125xi32, #tpu.memory_space<vmem>>
        %dma_wait3A_445 = tpu.memref_squeeze %dma_wait3A_444 : memref<1x125xi32, #tpu.memory_space<vmem>> -> memref<125xi32, #tpu.memory_space<vmem>>
        %dma_wait3A_446 = arith.constant 0 : i32
        %dma_wait3A_447 = arith.constant 0 : i32
        %dma_wait3A_448 = tpu.memref_slice %arg10[%dma_wait3A_446, %dma_wait3A_447] : memref<10000x128xf32, #tpu.memory_space<vmem_shared>> -> memref<10000x128xf32, #tpu.memory_space<vmem_shared>>
        tpu.wait_indirect_dma semaphore(%arg19 : memref<!tpu.dma_semaphore, #tpu.memory_space<semaphore_mem>>) src(%arg8 : memref<125x128xf32, #tpu.memory_space<vmem>>) dst(%dma_wait3A_448 : memref<10000x128xf32, #tpu.memory_space<vmem_shared>>)
      } else {
      }
      %add3A_361 = arith.constant 2 : i32
      %add3A_362 = arith.addi %add3A_352, %add3A_361 : i32
      %lt3A_363 = arith.constant 80 : i32
      %lt3A_364 = arith.cmpi slt, %add3A_362, %lt3A_363 : i32
      %convert_element_type3A_365 = arith.extui %lt3A_364 : i1 to i32
      %cond3A_366 = arith.constant 0 : i32
      %cond3A_367 = arith.cmpi ne, %convert_element_type3A_365, %cond3A_366 : i32
      scf.if %cond3A_367 {
        %add3A_442 = arith.constant 2 : i32
        %add3A_443 = arith.addi %add3A_352, %add3A_442 : i32
        %add3A_444 = arith.addi %mul3A_2, %add3A_443 : i32
        %dma_start3A_445 = arith.constant 6 : i32
        %dma_start3A_446 = arith.constant 0 : i32
        %dma_start3A_447 = tpu.memref_slice %arg6[%dma_start3A_445, %dma_start3A_446] : memref<8x125xi32, #tpu.memory_space<vmem>> -> memref<2x125xi32, #tpu.memory_space<vmem>>
        %dma_start3A_448 = arith.constant 0 : i32
        %dma_start3A_449 = arith.constant 0 : i32
        %dma_start3A_450 = tpu.memref_slice %arg3[%add3A_444, %dma_start3A_448, %dma_start3A_449] : memref<2560x2x125xi32, #tpu.memory_space<hbm>> -> memref<1x2x125xi32, #tpu.memory_space<hbm>>
        %dma_start3A_451 = tpu.memref_squeeze %dma_start3A_450 : memref<1x2x125xi32, #tpu.memory_space<hbm>> -> memref<2x125xi32, #tpu.memory_space<hbm>>
        %dma_start3A_452 = arith.constant 6 : i32
        %dma_start3A_453 = arith.constant 0 : i32
        %dma_start3A_454 = tpu.memref_slice %arg6[%dma_start3A_452, %dma_start3A_453] : memref<8x125xi32, #tpu.memory_space<vmem>> -> memref<2x125xi32, #tpu.memory_space<vmem>>
        %dma_start3A_455 = arith.constant 0 : i32
        %dma_start3A_456 = arith.constant 0 : i32
        %dma_start3A_457 = tpu.memref_slice %arg3[%add3A_444, %dma_start3A_455, %dma_start3A_456] : memref<2560x2x125xi32, #tpu.memory_space<hbm>> -> memref<1x2x125xi32, #tpu.memory_space<hbm>>
        %dma_start3A_458 = tpu.memref_squeeze %dma_start3A_457 : memref<1x2x125xi32, #tpu.memory_space<hbm>> -> memref<2x125xi32, #tpu.memory_space<hbm>>
        tpu.enqueue_dma source(%dma_start3A_458 : memref<2x125xi32, #tpu.memory_space<hbm>>) target(%dma_start3A_454 : memref<2x125xi32, #tpu.memory_space<vmem>>) target_semaphore(%arg14 : memref<!tpu.dma_semaphore, #tpu.memory_space<semaphore_mem>>)
      } else {
      }
      %add3A_368 = arith.constant 1 : i32
      %add3A_369 = arith.addi %add3A_352, %add3A_368 : i32
      %lt3A_370 = arith.constant 80 : i32
      %lt3A_371 = arith.cmpi slt, %add3A_369, %lt3A_370 : i32
      %convert_element_type3A_372 = arith.extui %lt3A_371 : i1 to i32
      %cond3A_373 = arith.constant 0 : i32
      %cond3A_374 = arith.cmpi ne, %convert_element_type3A_372, %cond3A_373 : i32
      scf.if %cond3A_374 {
        %add3A_442 = arith.constant 1 : i32
        %add3A_443 = arith.addi %add3A_352, %add3A_442 : i32
        %add3A_444 = arith.addi %mul3A_2, %add3A_443 : i32
        %dma_wait3A_445 = arith.constant 4 : i32
        %dma_wait3A_446 = arith.constant 0 : i32
        %dma_wait3A_447 = tpu.memref_slice %arg6[%dma_wait3A_445, %dma_wait3A_446] : memref<8x125xi32, #tpu.memory_space<vmem>> -> memref<2x125xi32, #tpu.memory_space<vmem>>
        %dma_wait3A_448 = arith.constant 0 : i32
        %dma_wait3A_449 = arith.constant 0 : i32
        %dma_wait3A_450 = tpu.memref_slice %arg3[%add3A_444, %dma_wait3A_448, %dma_wait3A_449] : memref<2560x2x125xi32, #tpu.memory_space<hbm>> -> memref<1x2x125xi32, #tpu.memory_space<hbm>>
        %dma_wait3A_451 = tpu.memref_squeeze %dma_wait3A_450 : memref<1x2x125xi32, #tpu.memory_space<hbm>> -> memref<2x125xi32, #tpu.memory_space<hbm>>
        %dma_wait3A_452 = arith.constant 4 : i32
        %dma_wait3A_453 = arith.constant 0 : i32
        %dma_wait3A_454 = tpu.memref_slice %arg6[%dma_wait3A_452, %dma_wait3A_453] : memref<8x125xi32, #tpu.memory_space<vmem>> -> memref<2x125xi32, #tpu.memory_space<vmem>>
        %dma_wait3A_455 = arith.constant 0 : i32
        %dma_wait3A_456 = arith.constant 0 : i32
        %dma_wait3A_457 = tpu.memref_slice %arg3[%add3A_444, %dma_wait3A_455, %dma_wait3A_456] : memref<2560x2x125xi32, #tpu.memory_space<hbm>> -> memref<1x2x125xi32, #tpu.memory_space<hbm>>
        %dma_wait3A_458 = tpu.memref_squeeze %dma_wait3A_457 : memref<1x2x125xi32, #tpu.memory_space<hbm>> -> memref<2x125xi32, #tpu.memory_space<hbm>>
        tpu.wait_dma2 semaphore(%arg13 : memref<!tpu.dma_semaphore, #tpu.memory_space<semaphore_mem>>) src(%dma_wait3A_458 : memref<2x125xi32, #tpu.memory_space<hbm>>) dst(%dma_wait3A_454 : memref<2x125xi32, #tpu.memory_space<vmem>>)
        %dma_start3A_459 = arith.constant 4 : i32
        %dma_start3A_460 = arith.constant 0 : i32
        %dma_start3A_461 = tpu.memref_slice %arg6[%dma_start3A_459, %dma_start3A_460] : memref<8x125xi32, #tpu.memory_space<vmem>> -> memref<1x125xi32, #tpu.memory_space<vmem>>
        %dma_start3A_462 = tpu.memref_squeeze %dma_start3A_461 : memref<1x125xi32, #tpu.memory_space<vmem>> -> memref<125xi32, #tpu.memory_space<vmem>>
        %dma_start3A_463 = arith.constant 0 : i32
        %dma_start3A_464 = arith.constant 0 : i32
        %dma_start3A_465 = tpu.memref_slice %arg2[%dma_start3A_463, %dma_start3A_464] : memref<10000x128xf32, #tpu.memory_space<hbm>> -> memref<10000x128xf32, #tpu.memory_space<hbm>>
        tpu.enqueue_indirect_dma source(%dma_start3A_465 : memref<10000x128xf32, #tpu.memory_space<hbm>>) target(%arg8 : memref<125x128xf32, #tpu.memory_space<vmem>>) offsets(%dma_start3A_462 : memref<125xi32, #tpu.memory_space<vmem>>) semaphore(%arg16 : memref<!tpu.dma_semaphore, #tpu.memory_space<semaphore_mem>>)
      } else {
      }
      %lt3A_375 = arith.constant 80 : i32
      %lt3A_376 = arith.cmpi slt, %add3A_352, %lt3A_375 : i32
      %convert_element_type3A_377 = arith.extui %lt3A_376 : i1 to i32
      %cond3A_378 = arith.constant 0 : i32
      %cond3A_379 = arith.cmpi ne, %convert_element_type3A_377, %cond3A_378 : i32
      scf.if %cond3A_379 {
        %dma_wait3A_442 = arith.constant 2 : i32
        %dma_wait3A_443 = arith.constant 0 : i32
        %dma_wait3A_444 = tpu.memref_slice %arg6[%dma_wait3A_442, %dma_wait3A_443] : memref<8x125xi32, #tpu.memory_space<vmem>> -> memref<1x125xi32, #tpu.memory_space<vmem>>
        %dma_wait3A_445 = tpu.memref_squeeze %dma_wait3A_444 : memref<1x125xi32, #tpu.memory_space<vmem>> -> memref<125xi32, #tpu.memory_space<vmem>>
        %dma_wait3A_446 = arith.constant 0 : i32
        %dma_wait3A_447 = arith.constant 0 : i32
        %dma_wait3A_448 = tpu.memref_slice %arg2[%dma_wait3A_446, %dma_wait3A_447] : memref<10000x128xf32, #tpu.memory_space<hbm>> -> memref<10000x128xf32, #tpu.memory_space<hbm>>
        tpu.wait_indirect_dma semaphore(%arg15 : memref<!tpu.dma_semaphore, #tpu.memory_space<semaphore_mem>>) src(%dma_wait3A_448 : memref<10000x128xf32, #tpu.memory_space<hbm>>) dst(%arg7 : memref<125x128xf32, #tpu.memory_space<vmem>>)
        %dma_start3A_449 = arith.constant 3 : i32
        %dma_start3A_450 = arith.constant 0 : i32
        %dma_start3A_451 = tpu.memref_slice %arg6[%dma_start3A_449, %dma_start3A_450] : memref<8x125xi32, #tpu.memory_space<vmem>> -> memref<1x125xi32, #tpu.memory_space<vmem>>
        %dma_start3A_452 = tpu.memref_squeeze %dma_start3A_451 : memref<1x125xi32, #tpu.memory_space<vmem>> -> memref<125xi32, #tpu.memory_space<vmem>>
        %dma_start3A_453 = arith.constant 0 : i32
        %dma_start3A_454 = arith.constant 0 : i32
        %dma_start3A_455 = tpu.memref_slice %arg10[%dma_start3A_453, %dma_start3A_454] : memref<10000x128xf32, #tpu.memory_space<vmem_shared>> -> memref<10000x128xf32, #tpu.memory_space<vmem_shared>>
        tpu.enqueue_indirect_dma source(%arg7 : memref<125x128xf32, #tpu.memory_space<vmem>>) target(%dma_start3A_455 : memref<10000x128xf32, #tpu.memory_space<vmem_shared>>) offsets(%dma_start3A_452 : memref<125xi32, #tpu.memory_space<vmem>>) semaphore(%arg18 : memref<!tpu.dma_semaphore, #tpu.memory_space<semaphore_mem>>) {add = true}
      } else {
      }
      %mul3A_380 = arith.constant 12 : i32
      %mul3A_381 = arith.muli %scan3A_74, %mul3A_380 : i32
      %add3A_382 = arith.constant 10 : i32
      %add3A_383 = arith.addi %mul3A_381, %add3A_382 : i32
      %ge3A_384 = arith.constant 2 : i32
      %ge3A_385 = arith.cmpi sge, %add3A_383, %ge3A_384 : i32
      %lt3A_386 = arith.constant 82 : i32
      %lt3A_387 = arith.cmpi slt, %add3A_383, %lt3A_386 : i32
      %and3A_388 = arith.andi %ge3A_385, %lt3A_387 : i1
      %convert_element_type3A_389 = arith.extui %and3A_388 : i1 to i32
      %cond3A_390 = arith.constant 0 : i32
      %cond3A_391 = arith.cmpi ne, %convert_element_type3A_389, %cond3A_390 : i32
      scf.if %cond3A_391 {
        %dma_wait3A_442 = arith.constant 7 : i32
        %dma_wait3A_443 = arith.constant 0 : i32
        %dma_wait3A_444 = tpu.memref_slice %arg6[%dma_wait3A_442, %dma_wait3A_443] : memref<8x125xi32, #tpu.memory_space<vmem>> -> memref<1x125xi32, #tpu.memory_space<vmem>>
        %dma_wait3A_445 = tpu.memref_squeeze %dma_wait3A_444 : memref<1x125xi32, #tpu.memory_space<vmem>> -> memref<125xi32, #tpu.memory_space<vmem>>
        %dma_wait3A_446 = arith.constant 0 : i32
        %dma_wait3A_447 = arith.constant 0 : i32
        %dma_wait3A_448 = tpu.memref_slice %arg10[%dma_wait3A_446, %dma_wait3A_447] : memref<10000x128xf32, #tpu.memory_space<vmem_shared>> -> memref<10000x128xf32, #tpu.memory_space<vmem_shared>>
        tpu.wait_indirect_dma semaphore(%arg20 : memref<!tpu.dma_semaphore, #tpu.memory_space<semaphore_mem>>) src(%arg9 : memref<125x128xf32, #tpu.memory_space<vmem>>) dst(%dma_wait3A_448 : memref<10000x128xf32, #tpu.memory_space<vmem_shared>>)
      } else {
      }
      %add3A_392 = arith.constant 2 : i32
      %add3A_393 = arith.addi %add3A_383, %add3A_392 : i32
      %lt3A_394 = arith.constant 80 : i32
      %lt3A_395 = arith.cmpi slt, %add3A_393, %lt3A_394 : i32
      %convert_element_type3A_396 = arith.extui %lt3A_395 : i1 to i32
      %cond3A_397 = arith.constant 0 : i32
      %cond3A_398 = arith.cmpi ne, %convert_element_type3A_396, %cond3A_397 : i32
      scf.if %cond3A_398 {
        %add3A_442 = arith.constant 2 : i32
        %add3A_443 = arith.addi %add3A_383, %add3A_442 : i32
        %add3A_444 = arith.addi %mul3A_2, %add3A_443 : i32
        %dma_start3A_445 = arith.constant 0 : i32
        %dma_start3A_446 = arith.constant 0 : i32
        %dma_start3A_447 = tpu.memref_slice %arg6[%dma_start3A_445, %dma_start3A_446] : memref<8x125xi32, #tpu.memory_space<vmem>> -> memref<2x125xi32, #tpu.memory_space<vmem>>
        %dma_start3A_448 = arith.constant 0 : i32
        %dma_start3A_449 = arith.constant 0 : i32
        %dma_start3A_450 = tpu.memref_slice %arg3[%add3A_444, %dma_start3A_448, %dma_start3A_449] : memref<2560x2x125xi32, #tpu.memory_space<hbm>> -> memref<1x2x125xi32, #tpu.memory_space<hbm>>
        %dma_start3A_451 = tpu.memref_squeeze %dma_start3A_450 : memref<1x2x125xi32, #tpu.memory_space<hbm>> -> memref<2x125xi32, #tpu.memory_space<hbm>>
        %dma_start3A_452 = arith.constant 0 : i32
        %dma_start3A_453 = arith.constant 0 : i32
        %dma_start3A_454 = tpu.memref_slice %arg6[%dma_start3A_452, %dma_start3A_453] : memref<8x125xi32, #tpu.memory_space<vmem>> -> memref<2x125xi32, #tpu.memory_space<vmem>>
        %dma_start3A_455 = arith.constant 0 : i32
        %dma_start3A_456 = arith.constant 0 : i32
        %dma_start3A_457 = tpu.memref_slice %arg3[%add3A_444, %dma_start3A_455, %dma_start3A_456] : memref<2560x2x125xi32, #tpu.memory_space<hbm>> -> memref<1x2x125xi32, #tpu.memory_space<hbm>>
        %dma_start3A_458 = tpu.memref_squeeze %dma_start3A_457 : memref<1x2x125xi32, #tpu.memory_space<hbm>> -> memref<2x125xi32, #tpu.memory_space<hbm>>
        tpu.enqueue_dma source(%dma_start3A_458 : memref<2x125xi32, #tpu.memory_space<hbm>>) target(%dma_start3A_454 : memref<2x125xi32, #tpu.memory_space<vmem>>) target_semaphore(%arg11 : memref<!tpu.dma_semaphore, #tpu.memory_space<semaphore_mem>>)
      } else {
      }
      %add3A_399 = arith.constant 1 : i32
      %add3A_400 = arith.addi %add3A_383, %add3A_399 : i32
      %lt3A_401 = arith.constant 80 : i32
      %lt3A_402 = arith.cmpi slt, %add3A_400, %lt3A_401 : i32
      %convert_element_type3A_403 = arith.extui %lt3A_402 : i1 to i32
      %cond3A_404 = arith.constant 0 : i32
      %cond3A_405 = arith.cmpi ne, %convert_element_type3A_403, %cond3A_404 : i32
      scf.if %cond3A_405 {
        %add3A_442 = arith.constant 1 : i32
        %add3A_443 = arith.addi %add3A_383, %add3A_442 : i32
        %add3A_444 = arith.addi %mul3A_2, %add3A_443 : i32
        %dma_wait3A_445 = arith.constant 6 : i32
        %dma_wait3A_446 = arith.constant 0 : i32
        %dma_wait3A_447 = tpu.memref_slice %arg6[%dma_wait3A_445, %dma_wait3A_446] : memref<8x125xi32, #tpu.memory_space<vmem>> -> memref<2x125xi32, #tpu.memory_space<vmem>>
        %dma_wait3A_448 = arith.constant 0 : i32
        %dma_wait3A_449 = arith.constant 0 : i32
        %dma_wait3A_450 = tpu.memref_slice %arg3[%add3A_444, %dma_wait3A_448, %dma_wait3A_449] : memref<2560x2x125xi32, #tpu.memory_space<hbm>> -> memref<1x2x125xi32, #tpu.memory_space<hbm>>
        %dma_wait3A_451 = tpu.memref_squeeze %dma_wait3A_450 : memref<1x2x125xi32, #tpu.memory_space<hbm>> -> memref<2x125xi32, #tpu.memory_space<hbm>>
        %dma_wait3A_452 = arith.constant 6 : i32
        %dma_wait3A_453 = arith.constant 0 : i32
        %dma_wait3A_454 = tpu.memref_slice %arg6[%dma_wait3A_452, %dma_wait3A_453] : memref<8x125xi32, #tpu.memory_space<vmem>> -> memref<2x125xi32, #tpu.memory_space<vmem>>
        %dma_wait3A_455 = arith.constant 0 : i32
        %dma_wait3A_456 = arith.constant 0 : i32
        %dma_wait3A_457 = tpu.memref_slice %arg3[%add3A_444, %dma_wait3A_455, %dma_wait3A_456] : memref<2560x2x125xi32, #tpu.memory_space<hbm>> -> memref<1x2x125xi32, #tpu.memory_space<hbm>>
        %dma_wait3A_458 = tpu.memref_squeeze %dma_wait3A_457 : memref<1x2x125xi32, #tpu.memory_space<hbm>> -> memref<2x125xi32, #tpu.memory_space<hbm>>
        tpu.wait_dma2 semaphore(%arg14 : memref<!tpu.dma_semaphore, #tpu.memory_space<semaphore_mem>>) src(%dma_wait3A_458 : memref<2x125xi32, #tpu.memory_space<hbm>>) dst(%dma_wait3A_454 : memref<2x125xi32, #tpu.memory_space<vmem>>)
        %dma_start3A_459 = arith.constant 6 : i32
        %dma_start3A_460 = arith.constant 0 : i32
        %dma_start3A_461 = tpu.memref_slice %arg6[%dma_start3A_459, %dma_start3A_460] : memref<8x125xi32, #tpu.memory_space<vmem>> -> memref<1x125xi32, #tpu.memory_space<vmem>>
        %dma_start3A_462 = tpu.memref_squeeze %dma_start3A_461 : memref<1x125xi32, #tpu.memory_space<vmem>> -> memref<125xi32, #tpu.memory_space<vmem>>
        %dma_start3A_463 = arith.constant 0 : i32
        %dma_start3A_464 = arith.constant 0 : i32
        %dma_start3A_465 = tpu.memref_slice %arg2[%dma_start3A_463, %dma_start3A_464] : memref<10000x128xf32, #tpu.memory_space<hbm>> -> memref<10000x128xf32, #tpu.memory_space<hbm>>
        tpu.enqueue_indirect_dma source(%dma_start3A_465 : memref<10000x128xf32, #tpu.memory_space<hbm>>) target(%arg9 : memref<125x128xf32, #tpu.memory_space<vmem>>) offsets(%dma_start3A_462 : memref<125xi32, #tpu.memory_space<vmem>>) semaphore(%arg17 : memref<!tpu.dma_semaphore, #tpu.memory_space<semaphore_mem>>)
      } else {
      }
      %lt3A_406 = arith.constant 80 : i32
      %lt3A_407 = arith.cmpi slt, %add3A_383, %lt3A_406 : i32
      %convert_element_type3A_408 = arith.extui %lt3A_407 : i1 to i32
      %cond3A_409 = arith.constant 0 : i32
      %cond3A_410 = arith.cmpi ne, %convert_element_type3A_408, %cond3A_409 : i32
      scf.if %cond3A_410 {
        %dma_wait3A_442 = arith.constant 4 : i32
        %dma_wait3A_443 = arith.constant 0 : i32
        %dma_wait3A_444 = tpu.memref_slice %arg6[%dma_wait3A_442, %dma_wait3A_443] : memref<8x125xi32, #tpu.memory_space<vmem>> -> memref<1x125xi32, #tpu.memory_space<vmem>>
        %dma_wait3A_445 = tpu.memref_squeeze %dma_wait3A_444 : memref<1x125xi32, #tpu.memory_space<vmem>> -> memref<125xi32, #tpu.memory_space<vmem>>
        %dma_wait3A_446 = arith.constant 0 : i32
        %dma_wait3A_447 = arith.constant 0 : i32
        %dma_wait3A_448 = tpu.memref_slice %arg2[%dma_wait3A_446, %dma_wait3A_447] : memref<10000x128xf32, #tpu.memory_space<hbm>> -> memref<10000x128xf32, #tpu.memory_space<hbm>>
        tpu.wait_indirect_dma semaphore(%arg16 : memref<!tpu.dma_semaphore, #tpu.memory_space<semaphore_mem>>) src(%dma_wait3A_448 : memref<10000x128xf32, #tpu.memory_space<hbm>>) dst(%arg8 : memref<125x128xf32, #tpu.memory_space<vmem>>)
        %dma_start3A_449 = arith.constant 5 : i32
        %dma_start3A_450 = arith.constant 0 : i32
        %dma_start3A_451 = tpu.memref_slice %arg6[%dma_start3A_449, %dma_start3A_450] : memref<8x125xi32, #tpu.memory_space<vmem>> -> memref<1x125xi32, #tpu.memory_space<vmem>>
        %dma_start3A_452 = tpu.memref_squeeze %dma_start3A_451 : memref<1x125xi32, #tpu.memory_space<vmem>> -> memref<125xi32, #tpu.memory_space<vmem>>
        %dma_start3A_453 = arith.constant 0 : i32
        %dma_start3A_454 = arith.constant 0 : i32
        %dma_start3A_455 = tpu.memref_slice %arg10[%dma_start3A_453, %dma_start3A_454] : memref<10000x128xf32, #tpu.memory_space<vmem_shared>> -> memref<10000x128xf32, #tpu.memory_space<vmem_shared>>
        tpu.enqueue_indirect_dma source(%arg8 : memref<125x128xf32, #tpu.memory_space<vmem>>) target(%dma_start3A_455 : memref<10000x128xf32, #tpu.memory_space<vmem_shared>>) offsets(%dma_start3A_452 : memref<125xi32, #tpu.memory_space<vmem>>) semaphore(%arg19 : memref<!tpu.dma_semaphore, #tpu.memory_space<semaphore_mem>>) {add = true}
      } else {
      }
      %mul3A_411 = arith.constant 12 : i32
      %mul3A_412 = arith.muli %scan3A_74, %mul3A_411 : i32
      %add3A_413 = arith.constant 11 : i32
      %add3A_414 = arith.addi %mul3A_412, %add3A_413 : i32
      %ge3A_415 = arith.constant 2 : i32
      %ge3A_416 = arith.cmpi sge, %add3A_414, %ge3A_415 : i32
      %lt3A_417 = arith.constant 82 : i32
      %lt3A_418 = arith.cmpi slt, %add3A_414, %lt3A_417 : i32
      %and3A_419 = arith.andi %ge3A_416, %lt3A_418 : i1
      %convert_element_type3A_420 = arith.extui %and3A_419 : i1 to i32
      %cond3A_421 = arith.constant 0 : i32
      %cond3A_422 = arith.cmpi ne, %convert_element_type3A_420, %cond3A_421 : i32
      scf.if %cond3A_422 {
        %dma_wait3A_442 = arith.constant 1 : i32
        %dma_wait3A_443 = arith.constant 0 : i32
        %dma_wait3A_444 = tpu.memref_slice %arg6[%dma_wait3A_442, %dma_wait3A_443] : memref<8x125xi32, #tpu.memory_space<vmem>> -> memref<1x125xi32, #tpu.memory_space<vmem>>
        %dma_wait3A_445 = tpu.memref_squeeze %dma_wait3A_444 : memref<1x125xi32, #tpu.memory_space<vmem>> -> memref<125xi32, #tpu.memory_space<vmem>>
        %dma_wait3A_446 = arith.constant 0 : i32
        %dma_wait3A_447 = arith.constant 0 : i32
        %dma_wait3A_448 = tpu.memref_slice %arg10[%dma_wait3A_446, %dma_wait3A_447] : memref<10000x128xf32, #tpu.memory_space<vmem_shared>> -> memref<10000x128xf32, #tpu.memory_space<vmem_shared>>
        tpu.wait_indirect_dma semaphore(%arg18 : memref<!tpu.dma_semaphore, #tpu.memory_space<semaphore_mem>>) src(%arg7 : memref<125x128xf32, #tpu.memory_space<vmem>>) dst(%dma_wait3A_448 : memref<10000x128xf32, #tpu.memory_space<vmem_shared>>)
      } else {
      }
      %add3A_423 = arith.constant 2 : i32
      %add3A_424 = arith.addi %add3A_414, %add3A_423 : i32
      %lt3A_425 = arith.constant 80 : i32
      %lt3A_426 = arith.cmpi slt, %add3A_424, %lt3A_425 : i32
      %convert_element_type3A_427 = arith.extui %lt3A_426 : i1 to i32
      %cond3A_428 = arith.constant 0 : i32
      %cond3A_429 = arith.cmpi ne, %convert_element_type3A_427, %cond3A_428 : i32
      scf.if %cond3A_429 {
        %add3A_442 = arith.constant 2 : i32
        %add3A_443 = arith.addi %add3A_414, %add3A_442 : i32
        %add3A_444 = arith.addi %mul3A_2, %add3A_443 : i32
        %dma_start3A_445 = arith.constant 2 : i32
        %dma_start3A_446 = arith.constant 0 : i32
        %dma_start3A_447 = tpu.memref_slice %arg6[%dma_start3A_445, %dma_start3A_446] : memref<8x125xi32, #tpu.memory_space<vmem>> -> memref<2x125xi32, #tpu.memory_space<vmem>>
        %dma_start3A_448 = arith.constant 0 : i32
        %dma_start3A_449 = arith.constant 0 : i32
        %dma_start3A_450 = tpu.memref_slice %arg3[%add3A_444, %dma_start3A_448, %dma_start3A_449] : memref<2560x2x125xi32, #tpu.memory_space<hbm>> -> memref<1x2x125xi32, #tpu.memory_space<hbm>>
        %dma_start3A_451 = tpu.memref_squeeze %dma_start3A_450 : memref<1x2x125xi32, #tpu.memory_space<hbm>> -> memref<2x125xi32, #tpu.memory_space<hbm>>
        %dma_start3A_452 = arith.constant 2 : i32
        %dma_start3A_453 = arith.constant 0 : i32
        %dma_start3A_454 = tpu.memref_slice %arg6[%dma_start3A_452, %dma_start3A_453] : memref<8x125xi32, #tpu.memory_space<vmem>> -> memref<2x125xi32, #tpu.memory_space<vmem>>
        %dma_start3A_455 = arith.constant 0 : i32
        %dma_start3A_456 = arith.constant 0 : i32
        %dma_start3A_457 = tpu.memref_slice %arg3[%add3A_444, %dma_start3A_455, %dma_start3A_456] : memref<2560x2x125xi32, #tpu.memory_space<hbm>> -> memref<1x2x125xi32, #tpu.memory_space<hbm>>
        %dma_start3A_458 = tpu.memref_squeeze %dma_start3A_457 : memref<1x2x125xi32, #tpu.memory_space<hbm>> -> memref<2x125xi32, #tpu.memory_space<hbm>>
        tpu.enqueue_dma source(%dma_start3A_458 : memref<2x125xi32, #tpu.memory_space<hbm>>) target(%dma_start3A_454 : memref<2x125xi32, #tpu.memory_space<vmem>>) target_semaphore(%arg12 : memref<!tpu.dma_semaphore, #tpu.memory_space<semaphore_mem>>)
      } else {
      }
      %add3A_430 = arith.constant 1 : i32
      %add3A_431 = arith.addi %add3A_414, %add3A_430 : i32
      %lt3A_432 = arith.constant 80 : i32
      %lt3A_433 = arith.cmpi slt, %add3A_431, %lt3A_432 : i32
      %convert_element_type3A_434 = arith.extui %lt3A_433 : i1 to i32
      %cond3A_435 = arith.constant 0 : i32
      %cond3A_436 = arith.cmpi ne, %convert_element_type3A_434, %cond3A_435 : i32
      scf.if %cond3A_436 {
        %add3A_442 = arith.constant 1 : i32
        %add3A_443 = arith.addi %add3A_414, %add3A_442 : i32
        %add3A_444 = arith.addi %mul3A_2, %add3A_443 : i32
        %dma_wait3A_445 = arith.constant 0 : i32
        %dma_wait3A_446 = arith.constant 0 : i32
        %dma_wait3A_447 = tpu.memref_slice %arg6[%dma_wait3A_445, %dma_wait3A_446] : memref<8x125xi32, #tpu.memory_space<vmem>> -> memref<2x125xi32, #tpu.memory_space<vmem>>
        %dma_wait3A_448 = arith.constant 0 : i32
        %dma_wait3A_449 = arith.constant 0 : i32
        %dma_wait3A_450 = tpu.memref_slice %arg3[%add3A_444, %dma_wait3A_448, %dma_wait3A_449] : memref<2560x2x125xi32, #tpu.memory_space<hbm>> -> memref<1x2x125xi32, #tpu.memory_space<hbm>>
        %dma_wait3A_451 = tpu.memref_squeeze %dma_wait3A_450 : memref<1x2x125xi32, #tpu.memory_space<hbm>> -> memref<2x125xi32, #tpu.memory_space<hbm>>
        %dma_wait3A_452 = arith.constant 0 : i32
        %dma_wait3A_453 = arith.constant 0 : i32
        %dma_wait3A_454 = tpu.memref_slice %arg6[%dma_wait3A_452, %dma_wait3A_453] : memref<8x125xi32, #tpu.memory_space<vmem>> -> memref<2x125xi32, #tpu.memory_space<vmem>>
        %dma_wait3A_455 = arith.constant 0 : i32
        %dma_wait3A_456 = arith.constant 0 : i32
        %dma_wait3A_457 = tpu.memref_slice %arg3[%add3A_444, %dma_wait3A_455, %dma_wait3A_456] : memref<2560x2x125xi32, #tpu.memory_space<hbm>> -> memref<1x2x125xi32, #tpu.memory_space<hbm>>
        %dma_wait3A_458 = tpu.memref_squeeze %dma_wait3A_457 : memref<1x2x125xi32, #tpu.memory_space<hbm>> -> memref<2x125xi32, #tpu.memory_space<hbm>>
        tpu.wait_dma2 semaphore(%arg11 : memref<!tpu.dma_semaphore, #tpu.memory_space<semaphore_mem>>) src(%dma_wait3A_458 : memref<2x125xi32, #tpu.memory_space<hbm>>) dst(%dma_wait3A_454 : memref<2x125xi32, #tpu.memory_space<vmem>>)
        %dma_start3A_459 = arith.constant 0 : i32
        %dma_start3A_460 = arith.constant 0 : i32
        %dma_start3A_461 = tpu.memref_slice %arg6[%dma_start3A_459, %dma_start3A_460] : memref<8x125xi32, #tpu.memory_space<vmem>> -> memref<1x125xi32, #tpu.memory_space<vmem>>
        %dma_start3A_462 = tpu.memref_squeeze %dma_start3A_461 : memref<1x125xi32, #tpu.memory_space<vmem>> -> memref<125xi32, #tpu.memory_space<vmem>>
        %dma_start3A_463 = arith.constant 0 : i32
        %dma_start3A_464 = arith.constant 0 : i32
        %dma_start3A_465 = tpu.memref_slice %arg2[%dma_start3A_463, %dma_start3A_464] : memref<10000x128xf32, #tpu.memory_space<hbm>> -> memref<10000x128xf32, #tpu.memory_space<hbm>>
        tpu.enqueue_indirect_dma source(%dma_start3A_465 : memref<10000x128xf32, #tpu.memory_space<hbm>>) target(%arg7 : memref<125x128xf32, #tpu.memory_space<vmem>>) offsets(%dma_start3A_462 : memref<125xi32, #tpu.memory_space<vmem>>) semaphore(%arg15 : memref<!tpu.dma_semaphore, #tpu.memory_space<semaphore_mem>>)
      } else {
      }
      %lt3A_437 = arith.constant 80 : i32
      %lt3A_438 = arith.cmpi slt, %add3A_414, %lt3A_437 : i32
      %convert_element_type3A_439 = arith.extui %lt3A_438 : i1 to i32
      %cond3A_440 = arith.constant 0 : i32
      %cond3A_441 = arith.cmpi ne, %convert_element_type3A_439, %cond3A_440 : i32
      scf.if %cond3A_441 {
        %dma_wait3A_442 = arith.constant 6 : i32
        %dma_wait3A_443 = arith.constant 0 : i32
        %dma_wait3A_444 = tpu.memref_slice %arg6[%dma_wait3A_442, %dma_wait3A_443] : memref<8x125xi32, #tpu.memory_space<vmem>> -> memref<1x125xi32, #tpu.memory_space<vmem>>
        %dma_wait3A_445 = tpu.memref_squeeze %dma_wait3A_444 : memref<1x125xi32, #tpu.memory_space<vmem>> -> memref<125xi32, #tpu.memory_space<vmem>>
        %dma_wait3A_446 = arith.constant 0 : i32
        %dma_wait3A_447 = arith.constant 0 : i32
        %dma_wait3A_448 = tpu.memref_slice %arg2[%dma_wait3A_446, %dma_wait3A_447] : memref<10000x128xf32, #tpu.memory_space<hbm>> -> memref<10000x128xf32, #tpu.memory_space<hbm>>
        tpu.wait_indirect_dma semaphore(%arg17 : memref<!tpu.dma_semaphore, #tpu.memory_space<semaphore_mem>>) src(%dma_wait3A_448 : memref<10000x128xf32, #tpu.memory_space<hbm>>) dst(%arg9 : memref<125x128xf32, #tpu.memory_space<vmem>>)
        %dma_start3A_449 = arith.constant 7 : i32
        %dma_start3A_450 = arith.constant 0 : i32
        %dma_start3A_451 = tpu.memref_slice %arg6[%dma_start3A_449, %dma_start3A_450] : memref<8x125xi32, #tpu.memory_space<vmem>> -> memref<1x125xi32, #tpu.memory_space<vmem>>
        %dma_start3A_452 = tpu.memref_squeeze %dma_start3A_451 : memref<1x125xi32, #tpu.memory_space<vmem>> -> memref<125xi32, #tpu.memory_space<vmem>>
        %dma_start3A_453 = arith.constant 0 : i32
        %dma_start3A_454 = arith.constant 0 : i32
        %dma_start3A_455 = tpu.memref_slice %arg10[%dma_start3A_453, %dma_start3A_454] : memref<10000x128xf32, #tpu.memory_space<vmem_shared>> -> memref<10000x128xf32, #tpu.memory_space<vmem_shared>>
        tpu.enqueue_indirect_dma source(%arg9 : memref<125x128xf32, #tpu.memory_space<vmem>>) target(%dma_start3A_455 : memref<10000x128xf32, #tpu.memory_space<vmem_shared>>) offsets(%dma_start3A_452 : memref<125xi32, #tpu.memory_space<vmem>>) semaphore(%arg20 : memref<!tpu.dma_semaphore, #tpu.memory_space<semaphore_mem>>) {add = true}
      } else {
      }
    }
    %scan3A_66 = arith.constant 7 : i32
    %barrier3A_67 = arith.constant 0 : index
    tpu.barrier barrier_id(%barrier3A_67)
    %scan3A_68 = arith.constant 0 : i32
    %scan3A_69 = arith.constant 0 : i32
    %scan3A_70 = arith.constant 8 : i32
    %scan3A_71 = arith.addi %scan3A_69, %scan3A_70 : i32
    %scan3A_72 = arith.constant 1 : i32
    scf.for %scan3A_74 = %scan3A_69 to %scan3A_71 step %scan3A_72  : i32 {
      %mul3A_75 = arith.constant 16 : i32
      %mul3A_76 = arith.muli %scan3A_74, %mul3A_75 : i32
      %add3A_77 = arith.addi %arg1, %mul3A_76 : i32
      %lt3A = arith.constant 125 : i32
      %lt3A_78 = arith.cmpi slt, %add3A_77, %lt3A : i32
      %convert_element_type3A = arith.extui %lt3A_78 : i1 to i32
      %cond3A = arith.constant 0 : i32
      %cond3A_79 = arith.cmpi ne, %convert_element_type3A, %cond3A : i32
      scf.if %cond3A_79 {
        %mul3A_80 = arith.constant 80 : i32
        %mul3A_81 = arith.muli %add3A_77, %mul3A_80 : i32
        %mul3A_82 = arith.constant 10000 : i32
        %mul3A_83 = arith.muli %arg0, %mul3A_82 : i32
        %add3A_84 = arith.addi %mul3A_83, %mul3A_81 : i32
        "tpu.region"() ({
          %run_scoped3A = tpu.sem_alloc : memref<!tpu.dma_semaphore, #tpu.memory_space<semaphore_mem>>
          %dma_start3A_85 = arith.constant 0 : i32
          %dma_start3A_86 = tpu.memref_slice %arg5[%add3A_84, %dma_start3A_85] : memref<20000x128xf32, #tpu.memory_space<hbm>> -> memref<80x128xf32, #tpu.memory_space<hbm>>
          %dma_start3A_87 = arith.constant 0 : i32
          %dma_start3A_88 = tpu.memref_slice %arg10[%mul3A_81, %dma_start3A_87] : memref<10000x128xf32, #tpu.memory_space<vmem_shared>> -> memref<80x128xf32, #tpu.memory_space<vmem_shared>>
          tpu.enqueue_dma source(%dma_start3A_88 : memref<80x128xf32, #tpu.memory_space<vmem_shared>>) target(%dma_start3A_86 : memref<80x128xf32, #tpu.memory_space<hbm>>) target_semaphore(%run_scoped3A : memref<!tpu.dma_semaphore, #tpu.memory_space<semaphore_mem>>)
          %dma_wait3A_89 = arith.constant 0 : i32
          %dma_wait3A_90 = tpu.memref_slice %arg5[%add3A_84, %dma_wait3A_89] : memref<20000x128xf32, #tpu.memory_space<hbm>> -> memref<80x128xf32, #tpu.memory_space<hbm>>
          %dma_wait3A_91 = arith.constant 0 : i32
          %dma_wait3A_92 = tpu.memref_slice %arg10[%mul3A_81, %dma_wait3A_91] : memref<10000x128xf32, #tpu.memory_space<vmem_shared>> -> memref<80x128xf32, #tpu.memory_space<vmem_shared>>
          tpu.wait_dma2 semaphore(%run_scoped3A : memref<!tpu.dma_semaphore, #tpu.memory_space<semaphore_mem>>) src(%dma_wait3A_92 : memref<80x128xf32, #tpu.memory_space<vmem_shared>>) dst(%dma_wait3A_90 : memref<80x128xf32, #tpu.memory_space<hbm>>)
          tpu.yield
        }) : () -> ()
      } else {
      }
    }
    %scan3A_73 = arith.constant 8 : i32
    return
  }
}

#map = affine_map<(d0, d1) -> (0, 0)>
#map1 = affine_map<(d0, d1) -> (0, 0, 0)>
module attributes {stable_mosaic.version = 14 : i64} {
  func.func @k(%arg0: i32, %arg1: i32, %arg2: memref<10000x128xf32, #tpu.memory_space<hbm>>, %arg3: memref<2560x2x125xi32, #tpu.memory_space<hbm>>, %arg4: memref<80x128xf32, #tpu.memory_space<hbm>>, %arg5: memref<20000x128xf32, #tpu.memory_space<hbm>>, %arg6: memref<8x125xi32, #tpu.memory_space<vmem>>, %arg7: memref<125x128xf32, #tpu.memory_space<vmem>>, %arg8: memref<125x128xf32, #tpu.memory_space<vmem>>, %arg9: memref<125x128xf32, #tpu.memory_space<vmem>>, %arg10: memref<10000x128xf32, #tpu.memory_space<vmem_shared>>, %arg11: memref<!tpu.dma_semaphore, #tpu.memory_space<semaphore_mem>>, %arg12: memref<!tpu.dma_semaphore, #tpu.memory_space<semaphore_mem>>, %arg13: memref<!tpu.dma_semaphore, #tpu.memory_space<semaphore_mem>>, %arg14: memref<!tpu.dma_semaphore, #tpu.memory_space<semaphore_mem>>, %arg15: memref<!tpu.dma_semaphore, #tpu.memory_space<semaphore_mem>>, %arg16: memref<!tpu.dma_semaphore, #tpu.memory_space<semaphore_mem>>, %arg17: memref<!tpu.dma_semaphore, #tpu.memory_space<semaphore_mem>>, %arg18: memref<!tpu.dma_semaphore, #tpu.memory_space<semaphore_mem>>, %arg19: memref<!tpu.dma_semaphore, #tpu.memory_space<semaphore_mem>>, %arg20: memref<!tpu.dma_semaphore, #tpu.memory_space<semaphore_mem>>) attributes {dimension_semantics = [#tpu.dimension_semantics<core_parallel>, #tpu.dimension_semantics<subcore_parallel>], iteration_bounds = array<i64: 2, 16>, scalar_prefetch = 0 : i64, scratch_operands = 15 : i64, tpu.core_type = #tpu.core_type<sc_vector_subcore>, window_params = [{transform_indices = #map}, {transform_indices = #map1}, {transform_indices = #map}, {transform_indices = #map}]} {
    %mul3A = arith.constant 2 : i32
    %mul3A_0 = arith.muli %arg1, %mul3A : i32
    %add3A = arith.addi %mul3A_0, %arg0 : i32
    %mul3A_1 = arith.constant 80 : i32
    %mul3A_2 = arith.muli %add3A, %mul3A_1 : i32
    %add3A_3 = arith.constant 0 : i32
    %add3A_4 = arith.addi %mul3A_2, %add3A_3 : i32
    %dma_start3A = arith.constant 0 : i32
    %dma_start3A_5 = arith.constant 0 : i32
    %dma_start3A_6 = tpu.memref_slice %arg6[%dma_start3A, %dma_start3A_5] : memref<8x125xi32, #tpu.memory_space<vmem>> -> memref<2x125xi32, #tpu.memory_space<vmem>>
    %dma_start3A_7 = arith.constant 0 : i32
    %dma_start3A_8 = arith.constant 0 : i32
    %dma_start3A_9 = tpu.memref_slice %arg3[%add3A_4, %dma_start3A_7, %dma_start3A_8] : memref<2560x2x125xi32, #tpu.memory_space<hbm>> -> memref<1x2x125xi32, #tpu.memory_space<hbm>>
    %dma_start3A_10 = tpu.memref_squeeze %dma_start3A_9 : memref<1x2x125xi32, #tpu.memory_space<hbm>> -> memref<2x125xi32, #tpu.memory_space<hbm>>
    %dma_start3A_11 = arith.constant 0 : i32
    %dma_start3A_12 = arith.constant 0 : i32
    %dma_start3A_13 = tpu.memref_slice %arg6[%dma_start3A_11, %dma_start3A_12] : memref<8x125xi32, #tpu.memory_space<vmem>> -> memref<2x125xi32, #tpu.memory_space<vmem>>
    %dma_start3A_14 = arith.constant 0 : i32
    %dma_start3A_15 = arith.constant 0 : i32
    %dma_start3A_16 = tpu.memref_slice %arg3[%add3A_4, %dma_start3A_14, %dma_start3A_15] : memref<2560x2x125xi32, #tpu.memory_space<hbm>> -> memref<1x2x125xi32, #tpu.memory_space<hbm>>
    %dma_start3A_17 = tpu.memref_squeeze %dma_start3A_16 : memref<1x2x125xi32, #tpu.memory_space<hbm>> -> memref<2x125xi32, #tpu.memory_space<hbm>>
    tpu.enqueue_dma source(%dma_start3A_17 : memref<2x125xi32, #tpu.memory_space<hbm>>) target(%dma_start3A_13 : memref<2x125xi32, #tpu.memory_space<vmem>>) target_semaphore(%arg11 : memref<!tpu.dma_semaphore, #tpu.memory_space<semaphore_mem>>)
    %add3A_18 = arith.constant 1 : i32
    %add3A_19 = arith.addi %mul3A_2, %add3A_18 : i32
    %dma_start3A_20 = arith.constant 2 : i32
    %dma_start3A_21 = arith.constant 0 : i32
    %dma_start3A_22 = tpu.memref_slice %arg6[%dma_start3A_20, %dma_start3A_21] : memref<8x125xi32, #tpu.memory_space<vmem>> -> memref<2x125xi32, #tpu.memory_space<vmem>>
    %dma_start3A_23 = arith.constant 0 : i32
    %dma_start3A_24 = arith.constant 0 : i32
    %dma_start3A_25 = tpu.memref_slice %arg3[%add3A_19, %dma_start3A_23, %dma_start3A_24] : memref<2560x2x125xi32, #tpu.memory_space<hbm>> -> memref<1x2x125xi32, #tpu.memory_space<hbm>>
    %dma_start3A_26 = tpu.memref_squeeze %dma_start3A_25 : memref<1x2x125xi32, #tpu.memory_space<hbm>> -> memref<2x125xi32, #tpu.memory_space<hbm>>
    %dma_start3A_27 = arith.constant 2 : i32
    %dma_start3A_28 = arith.constant 0 : i32
    %dma_start3A_29 = tpu.memref_slice %arg6[%dma_start3A_27, %dma_start3A_28] : memref<8x125xi32, #tpu.memory_space<vmem>> -> memref<2x125xi32, #tpu.memory_space<vmem>>
    %dma_start3A_30 = arith.constant 0 : i32
    %dma_start3A_31 = arith.constant 0 : i32
    %dma_start3A_32 = tpu.memref_slice %arg3[%add3A_19, %dma_start3A_30, %dma_start3A_31] : memref<2560x2x125xi32, #tpu.memory_space<hbm>> -> memref<1x2x125xi32, #tpu.memory_space<hbm>>
    %dma_start3A_33 = tpu.memref_squeeze %dma_start3A_32 : memref<1x2x125xi32, #tpu.memory_space<hbm>> -> memref<2x125xi32, #tpu.memory_space<hbm>>
    tpu.enqueue_dma source(%dma_start3A_33 : memref<2x125xi32, #tpu.memory_space<hbm>>) target(%dma_start3A_29 : memref<2x125xi32, #tpu.memory_space<vmem>>) target_semaphore(%arg12 : memref<!tpu.dma_semaphore, #tpu.memory_space<semaphore_mem>>)
    %scan3A = arith.constant 0 : i32
    %scan3A_34 = arith.constant 0 : i32
    %scan3A_35 = arith.constant 8 : i32
    %scan3A_36 = arith.addi %scan3A_34, %scan3A_35 : i32
    %scan3A_37 = arith.constant 1 : i32
    scf.for %scan3A_74 = %scan3A_34 to %scan3A_36 step %scan3A_37  : i32 {
      %mul3A_75 = arith.constant 16 : i32
      %mul3A_76 = arith.muli %scan3A_74, %mul3A_75 : i32
      %add3A_77 = arith.addi %arg1, %mul3A_76 : i32
      %lt3A = arith.constant 125 : i32
      %lt3A_78 = arith.cmpi slt, %add3A_77, %lt3A : i32
      %convert_element_type3A = arith.extui %lt3A_78 : i1 to i32
      %cond3A = arith.constant 0 : i32
      %cond3A_79 = arith.cmpi ne, %convert_element_type3A, %cond3A : i32
      scf.if %cond3A_79 {
        %mul3A_80 = arith.constant 80 : i32
        %mul3A_81 = arith.muli %add3A_77, %mul3A_80 : i32
        "tpu.region"() ({
          %run_scoped3A = tpu.sem_alloc : memref<!tpu.dma_semaphore, #tpu.memory_space<semaphore_mem>>
          %dma_start3A_82 = arith.constant 0 : i32
          %dma_start3A_83 = tpu.memref_slice %arg10[%mul3A_81, %dma_start3A_82] : memref<10000x128xf32, #tpu.memory_space<vmem_shared>> -> memref<80x128xf32, #tpu.memory_space<vmem_shared>>
          tpu.enqueue_dma source(%arg4 : memref<80x128xf32, #tpu.memory_space<hbm>>) target(%dma_start3A_83 : memref<80x128xf32, #tpu.memory_space<vmem_shared>>) target_semaphore(%run_scoped3A : memref<!tpu.dma_semaphore, #tpu.memory_space<semaphore_mem>>)
          %dma_wait3A_84 = arith.constant 0 : i32
          %dma_wait3A_85 = tpu.memref_slice %arg10[%mul3A_81, %dma_wait3A_84] : memref<10000x128xf32, #tpu.memory_space<vmem_shared>> -> memref<80x128xf32, #tpu.memory_space<vmem_shared>>
          tpu.wait_dma2 semaphore(%run_scoped3A : memref<!tpu.dma_semaphore, #tpu.memory_space<semaphore_mem>>) src(%arg4 : memref<80x128xf32, #tpu.memory_space<hbm>>) dst(%dma_wait3A_85 : memref<80x128xf32, #tpu.memory_space<vmem_shared>>)
          tpu.yield
        }) : () -> ()
      } else {
      }
    }
    %scan3A_38 = arith.constant 8 : i32
    %add3A_39 = arith.constant 0 : i32
    %add3A_40 = arith.addi %mul3A_2, %add3A_39 : i32
    %dma_wait3A = arith.constant 0 : i32
    %dma_wait3A_41 = arith.constant 0 : i32
    %dma_wait3A_42 = tpu.memref_slice %arg6[%dma_wait3A, %dma_wait3A_41] : memref<8x125xi32, #tpu.memory_space<vmem>> -> memref<2x125xi32, #tpu.memory_space<vmem>>
    %dma_wait3A_43 = arith.constant 0 : i32
    %dma_wait3A_44 = arith.constant 0 : i32
    %dma_wait3A_45 = tpu.memref_slice %arg3[%add3A_40, %dma_wait3A_43, %dma_wait3A_44] : memref<2560x2x125xi32, #tpu.memory_space<hbm>> -> memref<1x2x125xi32, #tpu.memory_space<hbm>>
    %dma_wait3A_46 = tpu.memref_squeeze %dma_wait3A_45 : memref<1x2x125xi32, #tpu.memory_space<hbm>> -> memref<2x125xi32, #tpu.memory_space<hbm>>
    %dma_wait3A_47 = arith.constant 0 : i32
    %dma_wait3A_48 = arith.constant 0 : i32
    %dma_wait3A_49 = tpu.memref_slice %arg6[%dma_wait3A_47, %dma_wait3A_48] : memref<8x125xi32, #tpu.memory_space<vmem>> -> memref<2x125xi32, #tpu.memory_space<vmem>>
    %dma_wait3A_50 = arith.constant 0 : i32
    %dma_wait3A_51 = arith.constant 0 : i32
    %dma_wait3A_52 = tpu.memref_slice %arg3[%add3A_40, %dma_wait3A_50, %dma_wait3A_51] : memref<2560x2x125xi32, #tpu.memory_space<hbm>> -> memref<1x2x125xi32, #tpu.memory_space<hbm>>
    %dma_wait3A_53 = tpu.memref_squeeze %dma_wait3A_52 : memref<1x2x125xi32, #tpu.memory_space<hbm>> -> memref<2x125xi32, #tpu.memory_space<hbm>>
    tpu.wait_dma2 semaphore(%arg11 : memref<!tpu.dma_semaphore, #tpu.memory_space<semaphore_mem>>) src(%dma_wait3A_53 : memref<2x125xi32, #tpu.memory_space<hbm>>) dst(%dma_wait3A_49 : memref<2x125xi32, #tpu.memory_space<vmem>>)
    %dma_start3A_54 = arith.constant 0 : i32
    %dma_start3A_55 = arith.constant 0 : i32
    %dma_start3A_56 = tpu.memref_slice %arg6[%dma_start3A_54, %dma_start3A_55] : memref<8x125xi32, #tpu.memory_space<vmem>> -> memref<1x125xi32, #tpu.memory_space<vmem>>
    %dma_start3A_57 = tpu.memref_squeeze %dma_start3A_56 : memref<1x125xi32, #tpu.memory_space<vmem>> -> memref<125xi32, #tpu.memory_space<vmem>>
    %dma_start3A_58 = arith.constant 0 : i32
    %dma_start3A_59 = arith.constant 0 : i32
    %dma_start3A_60 = tpu.memref_slice %arg2[%dma_start3A_58, %dma_start3A_59] : memref<10000x128xf32, #tpu.memory_space<hbm>> -> memref<10000x128xf32, #tpu.memory_space<hbm>>
    tpu.enqueue_indirect_dma source(%dma_start3A_60 : memref<10000x128xf32, #tpu.memory_space<hbm>>) target(%arg7 : memref<125x128xf32, #tpu.memory_space<vmem>>) offsets(%dma_start3A_57 : memref<125xi32, #tpu.memory_space<vmem>>) semaphore(%arg15 : memref<!tpu.dma_semaphore, #tpu.memory_space<semaphore_mem>>)
    %barrier3A = arith.constant 0 : index
    tpu.barrier barrier_id(%barrier3A)
    %scan3A_61 = arith.constant 0 : i32
    %scan3A_62 = arith.constant 0 : i32
    %scan3A_63 = arith.constant 7 : i32
    %scan3A_64 = arith.addi %scan3A_62, %scan3A_63 : i32
    %scan3A_65 = arith.constant 1 : i32
    scf.for %scan3A_74 = %scan3A_62 to %scan3A_64 step %scan3A_65  : i32 {
      %mul3A_75 = arith.constant 12 : i32
      %mul3A_76 = arith.muli %scan3A_74, %mul3A_75 : i32
      %add3A_77 = arith.constant 0 : i32
      %add3A_78 = arith.addi %mul3A_76, %add3A_77 : i32
      %ge3A = arith.constant 2 : i32
      %ge3A_79 = arith.cmpi sge, %add3A_78, %ge3A : i32
      %lt3A = arith.constant 82 : i32
      %lt3A_80 = arith.cmpi slt, %add3A_78, %lt3A : i32
      %and3A = arith.andi %ge3A_79, %lt3A_80 : i1
      %convert_element_type3A = arith.extui %and3A : i1 to i32
      %cond3A = arith.constant 0 : i32
      %cond3A_81 = arith.cmpi ne, %convert_element_type3A, %cond3A : i32
      scf.if %cond3A_81 {
        %dma_wait3A_442 = arith.constant 3 : i32
        %dma_wait3A_443 = arith.constant 0 : i32
        %dma_wait3A_444 = tpu.memref_slice %arg6[%dma_wait3A_442, %dma_wait3A_443] : memref<8x125xi32, #tpu.memory_space<vmem>> -> memref<1x125xi32, #tpu.memory_space<vmem>>
        %dma_wait3A_445 = tpu.memref_squeeze %dma_wait3A_444 : memref<1x125xi32, #tpu.memory_space<vmem>> -> memref<125xi32, #tpu.memory_space<vmem>>
        %dma_wait3A_446 = arith.constant 0 : i32
        %dma_wait3A_447 = arith.constant 0 : i32
        %dma_wait3A_448 = tpu.memref_slice %arg10[%dma_wait3A_446, %dma_wait3A_447] : memref<10000x128xf32, #tpu.memory_space<vmem_shared>> -> memref<10000x128xf32, #tpu.memory_space<vmem_shared>>
        tpu.wait_indirect_dma semaphore(%arg19 : memref<!tpu.dma_semaphore, #tpu.memory_space<semaphore_mem>>) src(%arg8 : memref<125x128xf32, #tpu.memory_space<vmem>>) dst(%dma_wait3A_448 : memref<10000x128xf32, #tpu.memory_space<vmem_shared>>)
      } else {
      }
      %add3A_82 = arith.constant 2 : i32
      %add3A_83 = arith.addi %add3A_78, %add3A_82 : i32
      %lt3A_84 = arith.constant 80 : i32
      %lt3A_85 = arith.cmpi slt, %add3A_83, %lt3A_84 : i32
      %convert_element_type3A_86 = arith.extui %lt3A_85 : i1 to i32
      %cond3A_87 = arith.constant 0 : i32
      %cond3A_88 = arith.cmpi ne, %convert_element_type3A_86, %cond3A_87 : i32
      scf.if %cond3A_88 {
        %add3A_442 = arith.constant 2 : i32
        %add3A_443 = arith.addi %add3A_78, %add3A_442 : i32
        %add3A_444 = arith.addi %mul3A_2, %add3A_443 : i32
        %dma_start3A_445 = arith.constant 4 : i32
        %dma_start3A_446 = arith.constant 0 : i32
        %dma_start3A_447 = tpu.memref_slice %arg6[%dma_start3A_445, %dma_start3A_446] : memref<8x125xi32, #tpu.memory_space<vmem>> -> memref<2x125xi32, #tpu.memory_space<vmem>>
        %dma_start3A_448 = arith.constant 0 : i32
        %dma_start3A_449 = arith.constant 0 : i32
        %dma_start3A_450 = tpu.memref_slice %arg3[%add3A_444, %dma_start3A_448, %dma_start3A_449] : memref<2560x2x125xi32, #tpu.memory_space<hbm>> -> memref<1x2x125xi32, #tpu.memory_space<hbm>>
        %dma_start3A_451 = tpu.memref_squeeze %dma_start3A_450 : memref<1x2x125xi32, #tpu.memory_space<hbm>> -> memref<2x125xi32, #tpu.memory_space<hbm>>
        %dma_start3A_452 = arith.constant 4 : i32
        %dma_start3A_453 = arith.constant 0 : i32
        %dma_start3A_454 = tpu.memref_slice %arg6[%dma_start3A_452, %dma_start3A_453] : memref<8x125xi32, #tpu.memory_space<vmem>> -> memref<2x125xi32, #tpu.memory_space<vmem>>
        %dma_start3A_455 = arith.constant 0 : i32
        %dma_start3A_456 = arith.constant 0 : i32
        %dma_start3A_457 = tpu.memref_slice %arg3[%add3A_444, %dma_start3A_455, %dma_start3A_456] : memref<2560x2x125xi32, #tpu.memory_space<hbm>> -> memref<1x2x125xi32, #tpu.memory_space<hbm>>
        %dma_start3A_458 = tpu.memref_squeeze %dma_start3A_457 : memref<1x2x125xi32, #tpu.memory_space<hbm>> -> memref<2x125xi32, #tpu.memory_space<hbm>>
        tpu.enqueue_dma source(%dma_start3A_458 : memref<2x125xi32, #tpu.memory_space<hbm>>) target(%dma_start3A_454 : memref<2x125xi32, #tpu.memory_space<vmem>>) target_semaphore(%arg13 : memref<!tpu.dma_semaphore, #tpu.memory_space<semaphore_mem>>)
      } else {
      }
      %add3A_89 = arith.constant 1 : i32
      %add3A_90 = arith.addi %add3A_78, %add3A_89 : i32
      %lt3A_91 = arith.constant 80 : i32
      %lt3A_92 = arith.cmpi slt, %add3A_90, %lt3A_91 : i32
      %convert_element_type3A_93 = arith.extui %lt3A_92 : i1 to i32
      %cond3A_94 = arith.constant 0 : i32
      %cond3A_95 = arith.cmpi ne, %convert_element_type3A_93, %cond3A_94 : i32
      scf.if %cond3A_95 {
        %add3A_442 = arith.constant 1 : i32
        %add3A_443 = arith.addi %add3A_78, %add3A_442 : i32
        %add3A_444 = arith.addi %mul3A_2, %add3A_443 : i32
        %dma_wait3A_445 = arith.constant 2 : i32
        %dma_wait3A_446 = arith.constant 0 : i32
        %dma_wait3A_447 = tpu.memref_slice %arg6[%dma_wait3A_445, %dma_wait3A_446] : memref<8x125xi32, #tpu.memory_space<vmem>> -> memref<2x125xi32, #tpu.memory_space<vmem>>
        %dma_wait3A_448 = arith.constant 0 : i32
        %dma_wait3A_449 = arith.constant 0 : i32
        %dma_wait3A_450 = tpu.memref_slice %arg3[%add3A_444, %dma_wait3A_448, %dma_wait3A_449] : memref<2560x2x125xi32, #tpu.memory_space<hbm>> -> memref<1x2x125xi32, #tpu.memory_space<hbm>>
        %dma_wait3A_451 = tpu.memref_squeeze %dma_wait3A_450 : memref<1x2x125xi32, #tpu.memory_space<hbm>> -> memref<2x125xi32, #tpu.memory_space<hbm>>
        %dma_wait3A_452 = arith.constant 2 : i32
        %dma_wait3A_453 = arith.constant 0 : i32
        %dma_wait3A_454 = tpu.memref_slice %arg6[%dma_wait3A_452, %dma_wait3A_453] : memref<8x125xi32, #tpu.memory_space<vmem>> -> memref<2x125xi32, #tpu.memory_space<vmem>>
        %dma_wait3A_455 = arith.constant 0 : i32
        %dma_wait3A_456 = arith.constant 0 : i32
        %dma_wait3A_457 = tpu.memref_slice %arg3[%add3A_444, %dma_wait3A_455, %dma_wait3A_456] : memref<2560x2x125xi32, #tpu.memory_space<hbm>> -> memref<1x2x125xi32, #tpu.memory_space<hbm>>
        %dma_wait3A_458 = tpu.memref_squeeze %dma_wait3A_457 : memref<1x2x125xi32, #tpu.memory_space<hbm>> -> memref<2x125xi32, #tpu.memory_space<hbm>>
        tpu.wait_dma2 semaphore(%arg12 : memref<!tpu.dma_semaphore, #tpu.memory_space<semaphore_mem>>) src(%dma_wait3A_458 : memref<2x125xi32, #tpu.memory_space<hbm>>) dst(%dma_wait3A_454 : memref<2x125xi32, #tpu.memory_space<vmem>>)
        %dma_start3A_459 = arith.constant 2 : i32
        %dma_start3A_460 = arith.constant 0 : i32
        %dma_start3A_461 = tpu.memref_slice %arg6[%dma_start3A_459, %dma_start3A_460] : memref<8x125xi32, #tpu.memory_space<vmem>> -> memref<1x125xi32, #tpu.memory_space<vmem>>
        %dma_start3A_462 = tpu.memref_squeeze %dma_start3A_461 : memref<1x125xi32, #tpu.memory_space<vmem>> -> memref<125xi32, #tpu.memory_space<vmem>>
        %dma_start3A_463 = arith.constant 0 : i32
        %dma_start3A_464 = arith.constant 0 : i32
        %dma_start3A_465 = tpu.memref_slice %arg2[%dma_start3A_463, %dma_start3A_464] : memref<10000x128xf32, #tpu.memory_space<hbm>> -> memref<10000x128xf32, #tpu.memory_space<hbm>>
        tpu.enqueue_indirect_dma source(%dma_start3A_465 : memref<10000x128xf32, #tpu.memory_space<hbm>>) target(%arg8 : memref<125x128xf32, #tpu.memory_space<vmem>>) offsets(%dma_start3A_462 : memref<125xi32, #tpu.memory_space<vmem>>) semaphore(%arg16 : memref<!tpu.dma_semaphore, #tpu.memory_space<semaphore_mem>>)
      } else {
      }
      %lt3A_96 = arith.constant 80 : i32
      %lt3A_97 = arith.cmpi slt, %add3A_78, %lt3A_96 : i32
      %convert_element_type3A_98 = arith.extui %lt3A_97 : i1 to i32
      %cond3A_99 = arith.constant 0 : i32
      %cond3A_100 = arith.cmpi ne, %convert_element_type3A_98, %cond3A_99 : i32
      scf.if %cond3A_100 {
        %dma_wait3A_442 = arith.constant 0 : i32
        %dma_wait3A_443 = arith.constant 0 : i32
        %dma_wait3A_444 = tpu.memref_slice %arg6[%dma_wait3A_442, %dma_wait3A_443] : memref<8x125xi32, #tpu.memory_space<vmem>> -> memref<1x125xi32, #tpu.memory_space<vmem>>
        %dma_wait3A_445 = tpu.memref_squeeze %dma_wait3A_444 : memref<1x125xi32, #tpu.memory_space<vmem>> -> memref<125xi32, #tpu.memory_space<vmem>>
        %dma_wait3A_446 = arith.constant 0 : i32
        %dma_wait3A_447 = arith.constant 0 : i32
        %dma_wait3A_448 = tpu.memref_slice %arg2[%dma_wait3A_446, %dma_wait3A_447] : memref<10000x128xf32, #tpu.memory_space<hbm>> -> memref<10000x128xf32, #tpu.memory_space<hbm>>
        tpu.wait_indirect_dma semaphore(%arg15 : memref<!tpu.dma_semaphore, #tpu.memory_space<semaphore_mem>>) src(%dma_wait3A_448 : memref<10000x128xf32, #tpu.memory_space<hbm>>) dst(%arg7 : memref<125x128xf32, #tpu.memory_space<vmem>>)
        %dma_start3A_449 = arith.constant 1 : i32
        %dma_start3A_450 = arith.constant 0 : i32
        %dma_start3A_451 = tpu.memref_slice %arg6[%dma_start3A_449, %dma_start3A_450] : memref<8x125xi32, #tpu.memory_space<vmem>> -> memref<1x125xi32, #tpu.memory_space<vmem>>
        %dma_start3A_452 = tpu.memref_squeeze %dma_start3A_451 : memref<1x125xi32, #tpu.memory_space<vmem>> -> memref<125xi32, #tpu.memory_space<vmem>>
        %dma_start3A_453 = arith.constant 0 : i32
        %dma_start3A_454 = arith.constant 0 : i32
        %dma_start3A_455 = tpu.memref_slice %arg10[%dma_start3A_453, %dma_start3A_454] : memref<10000x128xf32, #tpu.memory_space<vmem_shared>> -> memref<10000x128xf32, #tpu.memory_space<vmem_shared>>
        tpu.enqueue_indirect_dma source(%arg7 : memref<125x128xf32, #tpu.memory_space<vmem>>) target(%dma_start3A_455 : memref<10000x128xf32, #tpu.memory_space<vmem_shared>>) offsets(%dma_start3A_452 : memref<125xi32, #tpu.memory_space<vmem>>) semaphore(%arg18 : memref<!tpu.dma_semaphore, #tpu.memory_space<semaphore_mem>>) {add = true}
      } else {
      }
      %mul3A_101 = arith.constant 12 : i32
      %mul3A_102 = arith.muli %scan3A_74, %mul3A_101 : i32
      %add3A_103 = arith.constant 1 : i32
      %add3A_104 = arith.addi %mul3A_102, %add3A_103 : i32
      %ge3A_105 = arith.constant 2 : i32
      %ge3A_106 = arith.cmpi sge, %add3A_104, %ge3A_105 : i32
      %lt3A_107 = arith.constant 82 : i32
      %lt3A_108 = arith.cmpi slt, %add3A_104, %lt3A_107 : i32
      %and3A_109 = arith.andi %ge3A_106, %lt3A_108 : i1
      %convert_element_type3A_110 = arith.extui %and3A_109 : i1 to i32
      %cond3A_111 = arith.constant 0 : i32
      %cond3A_112 = arith.cmpi ne, %convert_element_type3A_110, %cond3A_111 : i32
      scf.if %cond3A_112 {
        %dma_wait3A_442 = arith.constant 5 : i32
        %dma_wait3A_443 = arith.constant 0 : i32
        %dma_wait3A_444 = tpu.memref_slice %arg6[%dma_wait3A_442, %dma_wait3A_443] : memref<8x125xi32, #tpu.memory_space<vmem>> -> memref<1x125xi32, #tpu.memory_space<vmem>>
        %dma_wait3A_445 = tpu.memref_squeeze %dma_wait3A_444 : memref<1x125xi32, #tpu.memory_space<vmem>> -> memref<125xi32, #tpu.memory_space<vmem>>
        %dma_wait3A_446 = arith.constant 0 : i32
        %dma_wait3A_447 = arith.constant 0 : i32
        %dma_wait3A_448 = tpu.memref_slice %arg10[%dma_wait3A_446, %dma_wait3A_447] : memref<10000x128xf32, #tpu.memory_space<vmem_shared>> -> memref<10000x128xf32, #tpu.memory_space<vmem_shared>>
        tpu.wait_indirect_dma semaphore(%arg20 : memref<!tpu.dma_semaphore, #tpu.memory_space<semaphore_mem>>) src(%arg9 : memref<125x128xf32, #tpu.memory_space<vmem>>) dst(%dma_wait3A_448 : memref<10000x128xf32, #tpu.memory_space<vmem_shared>>)
      } else {
      }
      %add3A_113 = arith.constant 2 : i32
      %add3A_114 = arith.addi %add3A_104, %add3A_113 : i32
      %lt3A_115 = arith.constant 80 : i32
      %lt3A_116 = arith.cmpi slt, %add3A_114, %lt3A_115 : i32
      %convert_element_type3A_117 = arith.extui %lt3A_116 : i1 to i32
      %cond3A_118 = arith.constant 0 : i32
      %cond3A_119 = arith.cmpi ne, %convert_element_type3A_117, %cond3A_118 : i32
      scf.if %cond3A_119 {
        %add3A_442 = arith.constant 2 : i32
        %add3A_443 = arith.addi %add3A_104, %add3A_442 : i32
        %add3A_444 = arith.addi %mul3A_2, %add3A_443 : i32
        %dma_start3A_445 = arith.constant 6 : i32
        %dma_start3A_446 = arith.constant 0 : i32
        %dma_start3A_447 = tpu.memref_slice %arg6[%dma_start3A_445, %dma_start3A_446] : memref<8x125xi32, #tpu.memory_space<vmem>> -> memref<2x125xi32, #tpu.memory_space<vmem>>
        %dma_start3A_448 = arith.constant 0 : i32
        %dma_start3A_449 = arith.constant 0 : i32
        %dma_start3A_450 = tpu.memref_slice %arg3[%add3A_444, %dma_start3A_448, %dma_start3A_449] : memref<2560x2x125xi32, #tpu.memory_space<hbm>> -> memref<1x2x125xi32, #tpu.memory_space<hbm>>
        %dma_start3A_451 = tpu.memref_squeeze %dma_start3A_450 : memref<1x2x125xi32, #tpu.memory_space<hbm>> -> memref<2x125xi32, #tpu.memory_space<hbm>>
        %dma_start3A_452 = arith.constant 6 : i32
        %dma_start3A_453 = arith.constant 0 : i32
        %dma_start3A_454 = tpu.memref_slice %arg6[%dma_start3A_452, %dma_start3A_453] : memref<8x125xi32, #tpu.memory_space<vmem>> -> memref<2x125xi32, #tpu.memory_space<vmem>>
        %dma_start3A_455 = arith.constant 0 : i32
        %dma_start3A_456 = arith.constant 0 : i32
        %dma_start3A_457 = tpu.memref_slice %arg3[%add3A_444, %dma_start3A_455, %dma_start3A_456] : memref<2560x2x125xi32, #tpu.memory_space<hbm>> -> memref<1x2x125xi32, #tpu.memory_space<hbm>>
        %dma_start3A_458 = tpu.memref_squeeze %dma_start3A_457 : memref<1x2x125xi32, #tpu.memory_space<hbm>> -> memref<2x125xi32, #tpu.memory_space<hbm>>
        tpu.enqueue_dma source(%dma_start3A_458 : memref<2x125xi32, #tpu.memory_space<hbm>>) target(%dma_start3A_454 : memref<2x125xi32, #tpu.memory_space<vmem>>) target_semaphore(%arg14 : memref<!tpu.dma_semaphore, #tpu.memory_space<semaphore_mem>>)
      } else {
      }
      %add3A_120 = arith.constant 1 : i32
      %add3A_121 = arith.addi %add3A_104, %add3A_120 : i32
      %lt3A_122 = arith.constant 80 : i32
      %lt3A_123 = arith.cmpi slt, %add3A_121, %lt3A_122 : i32
      %convert_element_type3A_124 = arith.extui %lt3A_123 : i1 to i32
      %cond3A_125 = arith.constant 0 : i32
      %cond3A_126 = arith.cmpi ne, %convert_element_type3A_124, %cond3A_125 : i32
      scf.if %cond3A_126 {
        %add3A_442 = arith.constant 1 : i32
        %add3A_443 = arith.addi %add3A_104, %add3A_442 : i32
        %add3A_444 = arith.addi %mul3A_2, %add3A_443 : i32
        %dma_wait3A_445 = arith.constant 4 : i32
        %dma_wait3A_446 = arith.constant 0 : i32
        %dma_wait3A_447 = tpu.memref_slice %arg6[%dma_wait3A_445, %dma_wait3A_446] : memref<8x125xi32, #tpu.memory_space<vmem>> -> memref<2x125xi32, #tpu.memory_space<vmem>>
        %dma_wait3A_448 = arith.constant 0 : i32
        %dma_wait3A_449 = arith.constant 0 : i32
        %dma_wait3A_450 = tpu.memref_slice %arg3[%add3A_444, %dma_wait3A_448, %dma_wait3A_449] : memref<2560x2x125xi32, #tpu.memory_space<hbm>> -> memref<1x2x125xi32, #tpu.memory_space<hbm>>
        %dma_wait3A_451 = tpu.memref_squeeze %dma_wait3A_450 : memref<1x2x125xi32, #tpu.memory_space<hbm>> -> memref<2x125xi32, #tpu.memory_space<hbm>>
        %dma_wait3A_452 = arith.constant 4 : i32
        %dma_wait3A_453 = arith.constant 0 : i32
        %dma_wait3A_454 = tpu.memref_slice %arg6[%dma_wait3A_452, %dma_wait3A_453] : memref<8x125xi32, #tpu.memory_space<vmem>> -> memref<2x125xi32, #tpu.memory_space<vmem>>
        %dma_wait3A_455 = arith.constant 0 : i32
        %dma_wait3A_456 = arith.constant 0 : i32
        %dma_wait3A_457 = tpu.memref_slice %arg3[%add3A_444, %dma_wait3A_455, %dma_wait3A_456] : memref<2560x2x125xi32, #tpu.memory_space<hbm>> -> memref<1x2x125xi32, #tpu.memory_space<hbm>>
        %dma_wait3A_458 = tpu.memref_squeeze %dma_wait3A_457 : memref<1x2x125xi32, #tpu.memory_space<hbm>> -> memref<2x125xi32, #tpu.memory_space<hbm>>
        tpu.wait_dma2 semaphore(%arg13 : memref<!tpu.dma_semaphore, #tpu.memory_space<semaphore_mem>>) src(%dma_wait3A_458 : memref<2x125xi32, #tpu.memory_space<hbm>>) dst(%dma_wait3A_454 : memref<2x125xi32, #tpu.memory_space<vmem>>)
        %dma_start3A_459 = arith.constant 4 : i32
        %dma_start3A_460 = arith.constant 0 : i32
        %dma_start3A_461 = tpu.memref_slice %arg6[%dma_start3A_459, %dma_start3A_460] : memref<8x125xi32, #tpu.memory_space<vmem>> -> memref<1x125xi32, #tpu.memory_space<vmem>>
        %dma_start3A_462 = tpu.memref_squeeze %dma_start3A_461 : memref<1x125xi32, #tpu.memory_space<vmem>> -> memref<125xi32, #tpu.memory_space<vmem>>
        %dma_start3A_463 = arith.constant 0 : i32
        %dma_start3A_464 = arith.constant 0 : i32
        %dma_start3A_465 = tpu.memref_slice %arg2[%dma_start3A_463, %dma_start3A_464] : memref<10000x128xf32, #tpu.memory_space<hbm>> -> memref<10000x128xf32, #tpu.memory_space<hbm>>
        tpu.enqueue_indirect_dma source(%dma_start3A_465 : memref<10000x128xf32, #tpu.memory_space<hbm>>) target(%arg9 : memref<125x128xf32, #tpu.memory_space<vmem>>) offsets(%dma_start3A_462 : memref<125xi32, #tpu.memory_space<vmem>>) semaphore(%arg17 : memref<!tpu.dma_semaphore, #tpu.memory_space<semaphore_mem>>)
      } else {
      }
      %lt3A_127 = arith.constant 80 : i32
      %lt3A_128 = arith.cmpi slt, %add3A_104, %lt3A_127 : i32
      %convert_element_type3A_129 = arith.extui %lt3A_128 : i1 to i32
      %cond3A_130 = arith.constant 0 : i32
      %cond3A_131 = arith.cmpi ne, %convert_element_type3A_129, %cond3A_130 : i32
      scf.if %cond3A_131 {
        %dma_wait3A_442 = arith.constant 2 : i32
        %dma_wait3A_443 = arith.constant 0 : i32
        %dma_wait3A_444 = tpu.memref_slice %arg6[%dma_wait3A_442, %dma_wait3A_443] : memref<8x125xi32, #tpu.memory_space<vmem>> -> memref<1x125xi32, #tpu.memory_space<vmem>>
        %dma_wait3A_445 = tpu.memref_squeeze %dma_wait3A_444 : memref<1x125xi32, #tpu.memory_space<vmem>> -> memref<125xi32, #tpu.memory_space<vmem>>
        %dma_wait3A_446 = arith.constant 0 : i32
        %dma_wait3A_447 = arith.constant 0 : i32
        %dma_wait3A_448 = tpu.memref_slice %arg2[%dma_wait3A_446, %dma_wait3A_447] : memref<10000x128xf32, #tpu.memory_space<hbm>> -> memref<10000x128xf32, #tpu.memory_space<hbm>>
        tpu.wait_indirect_dma semaphore(%arg16 : memref<!tpu.dma_semaphore, #tpu.memory_space<semaphore_mem>>) src(%dma_wait3A_448 : memref<10000x128xf32, #tpu.memory_space<hbm>>) dst(%arg8 : memref<125x128xf32, #tpu.memory_space<vmem>>)
        %dma_start3A_449 = arith.constant 3 : i32
        %dma_start3A_450 = arith.constant 0 : i32
        %dma_start3A_451 = tpu.memref_slice %arg6[%dma_start3A_449, %dma_start3A_450] : memref<8x125xi32, #tpu.memory_space<vmem>> -> memref<1x125xi32, #tpu.memory_space<vmem>>
        %dma_start3A_452 = tpu.memref_squeeze %dma_start3A_451 : memref<1x125xi32, #tpu.memory_space<vmem>> -> memref<125xi32, #tpu.memory_space<vmem>>
        %dma_start3A_453 = arith.constant 0 : i32
        %dma_start3A_454 = arith.constant 0 : i32
        %dma_start3A_455 = tpu.memref_slice %arg10[%dma_start3A_453, %dma_start3A_454] : memref<10000x128xf32, #tpu.memory_space<vmem_shared>> -> memref<10000x128xf32, #tpu.memory_space<vmem_shared>>
        tpu.enqueue_indirect_dma source(%arg8 : memref<125x128xf32, #tpu.memory_space<vmem>>) target(%dma_start3A_455 : memref<10000x128xf32, #tpu.memory_space<vmem_shared>>) offsets(%dma_start3A_452 : memref<125xi32, #tpu.memory_space<vmem>>) semaphore(%arg19 : memref<!tpu.dma_semaphore, #tpu.memory_space<semaphore_mem>>) {add = true}
      } else {
      }
      %mul3A_132 = arith.constant 12 : i32
      %mul3A_133 = arith.muli %scan3A_74, %mul3A_132 : i32
      %add3A_134 = arith.constant 2 : i32
      %add3A_135 = arith.addi %mul3A_133, %add3A_134 : i32
      %ge3A_136 = arith.constant 2 : i32
      %ge3A_137 = arith.cmpi sge, %add3A_135, %ge3A_136 : i32
      %lt3A_138 = arith.constant 82 : i32
      %lt3A_139 = arith.cmpi slt, %add3A_135, %lt3A_138 : i32
      %and3A_140 = arith.andi %ge3A_137, %lt3A_139 : i1
      %convert_element_type3A_141 = arith.extui %and3A_140 : i1 to i32
      %cond3A_142 = arith.constant 0 : i32
      %cond3A_143 = arith.cmpi ne, %convert_element_type3A_141, %cond3A_142 : i32
      scf.if %cond3A_143 {
        %dma_wait3A_442 = arith.constant 7 : i32
        %dma_wait3A_443 = arith.constant 0 : i32
        %dma_wait3A_444 = tpu.memref_slice %arg6[%dma_wait3A_442, %dma_wait3A_443] : memref<8x125xi32, #tpu.memory_space<vmem>> -> memref<1x125xi32, #tpu.memory_space<vmem>>
        %dma_wait3A_445 = tpu.memref_squeeze %dma_wait3A_444 : memref<1x125xi32, #tpu.memory_space<vmem>> -> memref<125xi32, #tpu.memory_space<vmem>>
        %dma_wait3A_446 = arith.constant 0 : i32
        %dma_wait3A_447 = arith.constant 0 : i32
        %dma_wait3A_448 = tpu.memref_slice %arg10[%dma_wait3A_446, %dma_wait3A_447] : memref<10000x128xf32, #tpu.memory_space<vmem_shared>> -> memref<10000x128xf32, #tpu.memory_space<vmem_shared>>
        tpu.wait_indirect_dma semaphore(%arg18 : memref<!tpu.dma_semaphore, #tpu.memory_space<semaphore_mem>>) src(%arg7 : memref<125x128xf32, #tpu.memory_space<vmem>>) dst(%dma_wait3A_448 : memref<10000x128xf32, #tpu.memory_space<vmem_shared>>)
      } else {
      }
      %add3A_144 = arith.constant 2 : i32
      %add3A_145 = arith.addi %add3A_135, %add3A_144 : i32
      %lt3A_146 = arith.constant 80 : i32
      %lt3A_147 = arith.cmpi slt, %add3A_145, %lt3A_146 : i32
      %convert_element_type3A_148 = arith.extui %lt3A_147 : i1 to i32
      %cond3A_149 = arith.constant 0 : i32
      %cond3A_150 = arith.cmpi ne, %convert_element_type3A_148, %cond3A_149 : i32
      scf.if %cond3A_150 {
        %add3A_442 = arith.constant 2 : i32
        %add3A_443 = arith.addi %add3A_135, %add3A_442 : i32
        %add3A_444 = arith.addi %mul3A_2, %add3A_443 : i32
        %dma_start3A_445 = arith.constant 0 : i32
        %dma_start3A_446 = arith.constant 0 : i32
        %dma_start3A_447 = tpu.memref_slice %arg6[%dma_start3A_445, %dma_start3A_446] : memref<8x125xi32, #tpu.memory_space<vmem>> -> memref<2x125xi32, #tpu.memory_space<vmem>>
        %dma_start3A_448 = arith.constant 0 : i32
        %dma_start3A_449 = arith.constant 0 : i32
        %dma_start3A_450 = tpu.memref_slice %arg3[%add3A_444, %dma_start3A_448, %dma_start3A_449] : memref<2560x2x125xi32, #tpu.memory_space<hbm>> -> memref<1x2x125xi32, #tpu.memory_space<hbm>>
        %dma_start3A_451 = tpu.memref_squeeze %dma_start3A_450 : memref<1x2x125xi32, #tpu.memory_space<hbm>> -> memref<2x125xi32, #tpu.memory_space<hbm>>
        %dma_start3A_452 = arith.constant 0 : i32
        %dma_start3A_453 = arith.constant 0 : i32
        %dma_start3A_454 = tpu.memref_slice %arg6[%dma_start3A_452, %dma_start3A_453] : memref<8x125xi32, #tpu.memory_space<vmem>> -> memref<2x125xi32, #tpu.memory_space<vmem>>
        %dma_start3A_455 = arith.constant 0 : i32
        %dma_start3A_456 = arith.constant 0 : i32
        %dma_start3A_457 = tpu.memref_slice %arg3[%add3A_444, %dma_start3A_455, %dma_start3A_456] : memref<2560x2x125xi32, #tpu.memory_space<hbm>> -> memref<1x2x125xi32, #tpu.memory_space<hbm>>
        %dma_start3A_458 = tpu.memref_squeeze %dma_start3A_457 : memref<1x2x125xi32, #tpu.memory_space<hbm>> -> memref<2x125xi32, #tpu.memory_space<hbm>>
        tpu.enqueue_dma source(%dma_start3A_458 : memref<2x125xi32, #tpu.memory_space<hbm>>) target(%dma_start3A_454 : memref<2x125xi32, #tpu.memory_space<vmem>>) target_semaphore(%arg11 : memref<!tpu.dma_semaphore, #tpu.memory_space<semaphore_mem>>)
      } else {
      }
      %add3A_151 = arith.constant 1 : i32
      %add3A_152 = arith.addi %add3A_135, %add3A_151 : i32
      %lt3A_153 = arith.constant 80 : i32
      %lt3A_154 = arith.cmpi slt, %add3A_152, %lt3A_153 : i32
      %convert_element_type3A_155 = arith.extui %lt3A_154 : i1 to i32
      %cond3A_156 = arith.constant 0 : i32
      %cond3A_157 = arith.cmpi ne, %convert_element_type3A_155, %cond3A_156 : i32
      scf.if %cond3A_157 {
        %add3A_442 = arith.constant 1 : i32
        %add3A_443 = arith.addi %add3A_135, %add3A_442 : i32
        %add3A_444 = arith.addi %mul3A_2, %add3A_443 : i32
        %dma_wait3A_445 = arith.constant 6 : i32
        %dma_wait3A_446 = arith.constant 0 : i32
        %dma_wait3A_447 = tpu.memref_slice %arg6[%dma_wait3A_445, %dma_wait3A_446] : memref<8x125xi32, #tpu.memory_space<vmem>> -> memref<2x125xi32, #tpu.memory_space<vmem>>
        %dma_wait3A_448 = arith.constant 0 : i32
        %dma_wait3A_449 = arith.constant 0 : i32
        %dma_wait3A_450 = tpu.memref_slice %arg3[%add3A_444, %dma_wait3A_448, %dma_wait3A_449] : memref<2560x2x125xi32, #tpu.memory_space<hbm>> -> memref<1x2x125xi32, #tpu.memory_space<hbm>>
        %dma_wait3A_451 = tpu.memref_squeeze %dma_wait3A_450 : memref<1x2x125xi32, #tpu.memory_space<hbm>> -> memref<2x125xi32, #tpu.memory_space<hbm>>
        %dma_wait3A_452 = arith.constant 6 : i32
        %dma_wait3A_453 = arith.constant 0 : i32
        %dma_wait3A_454 = tpu.memref_slice %arg6[%dma_wait3A_452, %dma_wait3A_453] : memref<8x125xi32, #tpu.memory_space<vmem>> -> memref<2x125xi32, #tpu.memory_space<vmem>>
        %dma_wait3A_455 = arith.constant 0 : i32
        %dma_wait3A_456 = arith.constant 0 : i32
        %dma_wait3A_457 = tpu.memref_slice %arg3[%add3A_444, %dma_wait3A_455, %dma_wait3A_456] : memref<2560x2x125xi32, #tpu.memory_space<hbm>> -> memref<1x2x125xi32, #tpu.memory_space<hbm>>
        %dma_wait3A_458 = tpu.memref_squeeze %dma_wait3A_457 : memref<1x2x125xi32, #tpu.memory_space<hbm>> -> memref<2x125xi32, #tpu.memory_space<hbm>>
        tpu.wait_dma2 semaphore(%arg14 : memref<!tpu.dma_semaphore, #tpu.memory_space<semaphore_mem>>) src(%dma_wait3A_458 : memref<2x125xi32, #tpu.memory_space<hbm>>) dst(%dma_wait3A_454 : memref<2x125xi32, #tpu.memory_space<vmem>>)
        %dma_start3A_459 = arith.constant 6 : i32
        %dma_start3A_460 = arith.constant 0 : i32
        %dma_start3A_461 = tpu.memref_slice %arg6[%dma_start3A_459, %dma_start3A_460] : memref<8x125xi32, #tpu.memory_space<vmem>> -> memref<1x125xi32, #tpu.memory_space<vmem>>
        %dma_start3A_462 = tpu.memref_squeeze %dma_start3A_461 : memref<1x125xi32, #tpu.memory_space<vmem>> -> memref<125xi32, #tpu.memory_space<vmem>>
        %dma_start3A_463 = arith.constant 0 : i32
        %dma_start3A_464 = arith.constant 0 : i32
        %dma_start3A_465 = tpu.memref_slice %arg2[%dma_start3A_463, %dma_start3A_464] : memref<10000x128xf32, #tpu.memory_space<hbm>> -> memref<10000x128xf32, #tpu.memory_space<hbm>>
        tpu.enqueue_indirect_dma source(%dma_start3A_465 : memref<10000x128xf32, #tpu.memory_space<hbm>>) target(%arg7 : memref<125x128xf32, #tpu.memory_space<vmem>>) offsets(%dma_start3A_462 : memref<125xi32, #tpu.memory_space<vmem>>) semaphore(%arg15 : memref<!tpu.dma_semaphore, #tpu.memory_space<semaphore_mem>>)
      } else {
      }
      %lt3A_158 = arith.constant 80 : i32
      %lt3A_159 = arith.cmpi slt, %add3A_135, %lt3A_158 : i32
      %convert_element_type3A_160 = arith.extui %lt3A_159 : i1 to i32
      %cond3A_161 = arith.constant 0 : i32
      %cond3A_162 = arith.cmpi ne, %convert_element_type3A_160, %cond3A_161 : i32
      scf.if %cond3A_162 {
        %dma_wait3A_442 = arith.constant 4 : i32
        %dma_wait3A_443 = arith.constant 0 : i32
        %dma_wait3A_444 = tpu.memref_slice %arg6[%dma_wait3A_442, %dma_wait3A_443] : memref<8x125xi32, #tpu.memory_space<vmem>> -> memref<1x125xi32, #tpu.memory_space<vmem>>
        %dma_wait3A_445 = tpu.memref_squeeze %dma_wait3A_444 : memref<1x125xi32, #tpu.memory_space<vmem>> -> memref<125xi32, #tpu.memory_space<vmem>>
        %dma_wait3A_446 = arith.constant 0 : i32
        %dma_wait3A_447 = arith.constant 0 : i32
        %dma_wait3A_448 = tpu.memref_slice %arg2[%dma_wait3A_446, %dma_wait3A_447] : memref<10000x128xf32, #tpu.memory_space<hbm>> -> memref<10000x128xf32, #tpu.memory_space<hbm>>
        tpu.wait_indirect_dma semaphore(%arg17 : memref<!tpu.dma_semaphore, #tpu.memory_space<semaphore_mem>>) src(%dma_wait3A_448 : memref<10000x128xf32, #tpu.memory_space<hbm>>) dst(%arg9 : memref<125x128xf32, #tpu.memory_space<vmem>>)
        %dma_start3A_449 = arith.constant 5 : i32
        %dma_start3A_450 = arith.constant 0 : i32
        %dma_start3A_451 = tpu.memref_slice %arg6[%dma_start3A_449, %dma_start3A_450] : memref<8x125xi32, #tpu.memory_space<vmem>> -> memref<1x125xi32, #tpu.memory_space<vmem>>
        %dma_start3A_452 = tpu.memref_squeeze %dma_start3A_451 : memref<1x125xi32, #tpu.memory_space<vmem>> -> memref<125xi32, #tpu.memory_space<vmem>>
        %dma_start3A_453 = arith.constant 0 : i32
        %dma_start3A_454 = arith.constant 0 : i32
        %dma_start3A_455 = tpu.memref_slice %arg10[%dma_start3A_453, %dma_start3A_454] : memref<10000x128xf32, #tpu.memory_space<vmem_shared>> -> memref<10000x128xf32, #tpu.memory_space<vmem_shared>>
        tpu.enqueue_indirect_dma source(%arg9 : memref<125x128xf32, #tpu.memory_space<vmem>>) target(%dma_start3A_455 : memref<10000x128xf32, #tpu.memory_space<vmem_shared>>) offsets(%dma_start3A_452 : memref<125xi32, #tpu.memory_space<vmem>>) semaphore(%arg20 : memref<!tpu.dma_semaphore, #tpu.memory_space<semaphore_mem>>) {add = true}
      } else {
      }
      %mul3A_163 = arith.constant 12 : i32
      %mul3A_164 = arith.muli %scan3A_74, %mul3A_163 : i32
      %add3A_165 = arith.constant 3 : i32
      %add3A_166 = arith.addi %mul3A_164, %add3A_165 : i32
      %ge3A_167 = arith.constant 2 : i32
      %ge3A_168 = arith.cmpi sge, %add3A_166, %ge3A_167 : i32
      %lt3A_169 = arith.constant 82 : i32
      %lt3A_170 = arith.cmpi slt, %add3A_166, %lt3A_169 : i32
      %and3A_171 = arith.andi %ge3A_168, %lt3A_170 : i1
      %convert_element_type3A_172 = arith.extui %and3A_171 : i1 to i32
      %cond3A_173 = arith.constant 0 : i32
      %cond3A_174 = arith.cmpi ne, %convert_element_type3A_172, %cond3A_173 : i32
      scf.if %cond3A_174 {
        %dma_wait3A_442 = arith.constant 1 : i32
        %dma_wait3A_443 = arith.constant 0 : i32
        %dma_wait3A_444 = tpu.memref_slice %arg6[%dma_wait3A_442, %dma_wait3A_443] : memref<8x125xi32, #tpu.memory_space<vmem>> -> memref<1x125xi32, #tpu.memory_space<vmem>>
        %dma_wait3A_445 = tpu.memref_squeeze %dma_wait3A_444 : memref<1x125xi32, #tpu.memory_space<vmem>> -> memref<125xi32, #tpu.memory_space<vmem>>
        %dma_wait3A_446 = arith.constant 0 : i32
        %dma_wait3A_447 = arith.constant 0 : i32
        %dma_wait3A_448 = tpu.memref_slice %arg10[%dma_wait3A_446, %dma_wait3A_447] : memref<10000x128xf32, #tpu.memory_space<vmem_shared>> -> memref<10000x128xf32, #tpu.memory_space<vmem_shared>>
        tpu.wait_indirect_dma semaphore(%arg19 : memref<!tpu.dma_semaphore, #tpu.memory_space<semaphore_mem>>) src(%arg8 : memref<125x128xf32, #tpu.memory_space<vmem>>) dst(%dma_wait3A_448 : memref<10000x128xf32, #tpu.memory_space<vmem_shared>>)
      } else {
      }
      %add3A_175 = arith.constant 2 : i32
      %add3A_176 = arith.addi %add3A_166, %add3A_175 : i32
      %lt3A_177 = arith.constant 80 : i32
      %lt3A_178 = arith.cmpi slt, %add3A_176, %lt3A_177 : i32
      %convert_element_type3A_179 = arith.extui %lt3A_178 : i1 to i32
      %cond3A_180 = arith.constant 0 : i32
      %cond3A_181 = arith.cmpi ne, %convert_element_type3A_179, %cond3A_180 : i32
      scf.if %cond3A_181 {
        %add3A_442 = arith.constant 2 : i32
        %add3A_443 = arith.addi %add3A_166, %add3A_442 : i32
        %add3A_444 = arith.addi %mul3A_2, %add3A_443 : i32
        %dma_start3A_445 = arith.constant 2 : i32
        %dma_start3A_446 = arith.constant 0 : i32
        %dma_start3A_447 = tpu.memref_slice %arg6[%dma_start3A_445, %dma_start3A_446] : memref<8x125xi32, #tpu.memory_space<vmem>> -> memref<2x125xi32, #tpu.memory_space<vmem>>
        %dma_start3A_448 = arith.constant 0 : i32
        %dma_start3A_449 = arith.constant 0 : i32
        %dma_start3A_450 = tpu.memref_slice %arg3[%add3A_444, %dma_start3A_448, %dma_start3A_449] : memref<2560x2x125xi32, #tpu.memory_space<hbm>> -> memref<1x2x125xi32, #tpu.memory_space<hbm>>
        %dma_start3A_451 = tpu.memref_squeeze %dma_start3A_450 : memref<1x2x125xi32, #tpu.memory_space<hbm>> -> memref<2x125xi32, #tpu.memory_space<hbm>>
        %dma_start3A_452 = arith.constant 2 : i32
        %dma_start3A_453 = arith.constant 0 : i32
        %dma_start3A_454 = tpu.memref_slice %arg6[%dma_start3A_452, %dma_start3A_453] : memref<8x125xi32, #tpu.memory_space<vmem>> -> memref<2x125xi32, #tpu.memory_space<vmem>>
        %dma_start3A_455 = arith.constant 0 : i32
        %dma_start3A_456 = arith.constant 0 : i32
        %dma_start3A_457 = tpu.memref_slice %arg3[%add3A_444, %dma_start3A_455, %dma_start3A_456] : memref<2560x2x125xi32, #tpu.memory_space<hbm>> -> memref<1x2x125xi32, #tpu.memory_space<hbm>>
        %dma_start3A_458 = tpu.memref_squeeze %dma_start3A_457 : memref<1x2x125xi32, #tpu.memory_space<hbm>> -> memref<2x125xi32, #tpu.memory_space<hbm>>
        tpu.enqueue_dma source(%dma_start3A_458 : memref<2x125xi32, #tpu.memory_space<hbm>>) target(%dma_start3A_454 : memref<2x125xi32, #tpu.memory_space<vmem>>) target_semaphore(%arg12 : memref<!tpu.dma_semaphore, #tpu.memory_space<semaphore_mem>>)
      } else {
      }
      %add3A_182 = arith.constant 1 : i32
      %add3A_183 = arith.addi %add3A_166, %add3A_182 : i32
      %lt3A_184 = arith.constant 80 : i32
      %lt3A_185 = arith.cmpi slt, %add3A_183, %lt3A_184 : i32
      %convert_element_type3A_186 = arith.extui %lt3A_185 : i1 to i32
      %cond3A_187 = arith.constant 0 : i32
      %cond3A_188 = arith.cmpi ne, %convert_element_type3A_186, %cond3A_187 : i32
      scf.if %cond3A_188 {
        %add3A_442 = arith.constant 1 : i32
        %add3A_443 = arith.addi %add3A_166, %add3A_442 : i32
        %add3A_444 = arith.addi %mul3A_2, %add3A_443 : i32
        %dma_wait3A_445 = arith.constant 0 : i32
        %dma_wait3A_446 = arith.constant 0 : i32
        %dma_wait3A_447 = tpu.memref_slice %arg6[%dma_wait3A_445, %dma_wait3A_446] : memref<8x125xi32, #tpu.memory_space<vmem>> -> memref<2x125xi32, #tpu.memory_space<vmem>>
        %dma_wait3A_448 = arith.constant 0 : i32
        %dma_wait3A_449 = arith.constant 0 : i32
        %dma_wait3A_450 = tpu.memref_slice %arg3[%add3A_444, %dma_wait3A_448, %dma_wait3A_449] : memref<2560x2x125xi32, #tpu.memory_space<hbm>> -> memref<1x2x125xi32, #tpu.memory_space<hbm>>
        %dma_wait3A_451 = tpu.memref_squeeze %dma_wait3A_450 : memref<1x2x125xi32, #tpu.memory_space<hbm>> -> memref<2x125xi32, #tpu.memory_space<hbm>>
        %dma_wait3A_452 = arith.constant 0 : i32
        %dma_wait3A_453 = arith.constant 0 : i32
        %dma_wait3A_454 = tpu.memref_slice %arg6[%dma_wait3A_452, %dma_wait3A_453] : memref<8x125xi32, #tpu.memory_space<vmem>> -> memref<2x125xi32, #tpu.memory_space<vmem>>
        %dma_wait3A_455 = arith.constant 0 : i32
        %dma_wait3A_456 = arith.constant 0 : i32
        %dma_wait3A_457 = tpu.memref_slice %arg3[%add3A_444, %dma_wait3A_455, %dma_wait3A_456] : memref<2560x2x125xi32, #tpu.memory_space<hbm>> -> memref<1x2x125xi32, #tpu.memory_space<hbm>>
        %dma_wait3A_458 = tpu.memref_squeeze %dma_wait3A_457 : memref<1x2x125xi32, #tpu.memory_space<hbm>> -> memref<2x125xi32, #tpu.memory_space<hbm>>
        tpu.wait_dma2 semaphore(%arg11 : memref<!tpu.dma_semaphore, #tpu.memory_space<semaphore_mem>>) src(%dma_wait3A_458 : memref<2x125xi32, #tpu.memory_space<hbm>>) dst(%dma_wait3A_454 : memref<2x125xi32, #tpu.memory_space<vmem>>)
        %dma_start3A_459 = arith.constant 0 : i32
        %dma_start3A_460 = arith.constant 0 : i32
        %dma_start3A_461 = tpu.memref_slice %arg6[%dma_start3A_459, %dma_start3A_460] : memref<8x125xi32, #tpu.memory_space<vmem>> -> memref<1x125xi32, #tpu.memory_space<vmem>>
        %dma_start3A_462 = tpu.memref_squeeze %dma_start3A_461 : memref<1x125xi32, #tpu.memory_space<vmem>> -> memref<125xi32, #tpu.memory_space<vmem>>
        %dma_start3A_463 = arith.constant 0 : i32
        %dma_start3A_464 = arith.constant 0 : i32
        %dma_start3A_465 = tpu.memref_slice %arg2[%dma_start3A_463, %dma_start3A_464] : memref<10000x128xf32, #tpu.memory_space<hbm>> -> memref<10000x128xf32, #tpu.memory_space<hbm>>
        tpu.enqueue_indirect_dma source(%dma_start3A_465 : memref<10000x128xf32, #tpu.memory_space<hbm>>) target(%arg8 : memref<125x128xf32, #tpu.memory_space<vmem>>) offsets(%dma_start3A_462 : memref<125xi32, #tpu.memory_space<vmem>>) semaphore(%arg16 : memref<!tpu.dma_semaphore, #tpu.memory_space<semaphore_mem>>)
      } else {
      }
      %lt3A_189 = arith.constant 80 : i32
      %lt3A_190 = arith.cmpi slt, %add3A_166, %lt3A_189 : i32
      %convert_element_type3A_191 = arith.extui %lt3A_190 : i1 to i32
      %cond3A_192 = arith.constant 0 : i32
      %cond3A_193 = arith.cmpi ne, %convert_element_type3A_191, %cond3A_192 : i32
      scf.if %cond3A_193 {
        %dma_wait3A_442 = arith.constant 6 : i32
        %dma_wait3A_443 = arith.constant 0 : i32
        %dma_wait3A_444 = tpu.memref_slice %arg6[%dma_wait3A_442, %dma_wait3A_443] : memref<8x125xi32, #tpu.memory_space<vmem>> -> memref<1x125xi32, #tpu.memory_space<vmem>>
        %dma_wait3A_445 = tpu.memref_squeeze %dma_wait3A_444 : memref<1x125xi32, #tpu.memory_space<vmem>> -> memref<125xi32, #tpu.memory_space<vmem>>
        %dma_wait3A_446 = arith.constant 0 : i32
        %dma_wait3A_447 = arith.constant 0 : i32
        %dma_wait3A_448 = tpu.memref_slice %arg2[%dma_wait3A_446, %dma_wait3A_447] : memref<10000x128xf32, #tpu.memory_space<hbm>> -> memref<10000x128xf32, #tpu.memory_space<hbm>>
        tpu.wait_indirect_dma semaphore(%arg15 : memref<!tpu.dma_semaphore, #tpu.memory_space<semaphore_mem>>) src(%dma_wait3A_448 : memref<10000x128xf32, #tpu.memory_space<hbm>>) dst(%arg7 : memref<125x128xf32, #tpu.memory_space<vmem>>)
        %dma_start3A_449 = arith.constant 7 : i32
        %dma_start3A_450 = arith.constant 0 : i32
        %dma_start3A_451 = tpu.memref_slice %arg6[%dma_start3A_449, %dma_start3A_450] : memref<8x125xi32, #tpu.memory_space<vmem>> -> memref<1x125xi32, #tpu.memory_space<vmem>>
        %dma_start3A_452 = tpu.memref_squeeze %dma_start3A_451 : memref<1x125xi32, #tpu.memory_space<vmem>> -> memref<125xi32, #tpu.memory_space<vmem>>
        %dma_start3A_453 = arith.constant 0 : i32
        %dma_start3A_454 = arith.constant 0 : i32
        %dma_start3A_455 = tpu.memref_slice %arg10[%dma_start3A_453, %dma_start3A_454] : memref<10000x128xf32, #tpu.memory_space<vmem_shared>> -> memref<10000x128xf32, #tpu.memory_space<vmem_shared>>
        tpu.enqueue_indirect_dma source(%arg7 : memref<125x128xf32, #tpu.memory_space<vmem>>) target(%dma_start3A_455 : memref<10000x128xf32, #tpu.memory_space<vmem_shared>>) offsets(%dma_start3A_452 : memref<125xi32, #tpu.memory_space<vmem>>) semaphore(%arg18 : memref<!tpu.dma_semaphore, #tpu.memory_space<semaphore_mem>>) {add = true}
      } else {
      }
      %mul3A_194 = arith.constant 12 : i32
      %mul3A_195 = arith.muli %scan3A_74, %mul3A_194 : i32
      %add3A_196 = arith.constant 4 : i32
      %add3A_197 = arith.addi %mul3A_195, %add3A_196 : i32
      %ge3A_198 = arith.constant 2 : i32
      %ge3A_199 = arith.cmpi sge, %add3A_197, %ge3A_198 : i32
      %lt3A_200 = arith.constant 82 : i32
      %lt3A_201 = arith.cmpi slt, %add3A_197, %lt3A_200 : i32
      %and3A_202 = arith.andi %ge3A_199, %lt3A_201 : i1
      %convert_element_type3A_203 = arith.extui %and3A_202 : i1 to i32
      %cond3A_204 = arith.constant 0 : i32
      %cond3A_205 = arith.cmpi ne, %convert_element_type3A_203, %cond3A_204 : i32
      scf.if %cond3A_205 {
        %dma_wait3A_442 = arith.constant 3 : i32
        %dma_wait3A_443 = arith.constant 0 : i32
        %dma_wait3A_444 = tpu.memref_slice %arg6[%dma_wait3A_442, %dma_wait3A_443] : memref<8x125xi32, #tpu.memory_space<vmem>> -> memref<1x125xi32, #tpu.memory_space<vmem>>
        %dma_wait3A_445 = tpu.memref_squeeze %dma_wait3A_444 : memref<1x125xi32, #tpu.memory_space<vmem>> -> memref<125xi32, #tpu.memory_space<vmem>>
        %dma_wait3A_446 = arith.constant 0 : i32
        %dma_wait3A_447 = arith.constant 0 : i32
        %dma_wait3A_448 = tpu.memref_slice %arg10[%dma_wait3A_446, %dma_wait3A_447] : memref<10000x128xf32, #tpu.memory_space<vmem_shared>> -> memref<10000x128xf32, #tpu.memory_space<vmem_shared>>
        tpu.wait_indirect_dma semaphore(%arg20 : memref<!tpu.dma_semaphore, #tpu.memory_space<semaphore_mem>>) src(%arg9 : memref<125x128xf32, #tpu.memory_space<vmem>>) dst(%dma_wait3A_448 : memref<10000x128xf32, #tpu.memory_space<vmem_shared>>)
      } else {
      }
      %add3A_206 = arith.constant 2 : i32
      %add3A_207 = arith.addi %add3A_197, %add3A_206 : i32
      %lt3A_208 = arith.constant 80 : i32
      %lt3A_209 = arith.cmpi slt, %add3A_207, %lt3A_208 : i32
      %convert_element_type3A_210 = arith.extui %lt3A_209 : i1 to i32
      %cond3A_211 = arith.constant 0 : i32
      %cond3A_212 = arith.cmpi ne, %convert_element_type3A_210, %cond3A_211 : i32
      scf.if %cond3A_212 {
        %add3A_442 = arith.constant 2 : i32
        %add3A_443 = arith.addi %add3A_197, %add3A_442 : i32
        %add3A_444 = arith.addi %mul3A_2, %add3A_443 : i32
        %dma_start3A_445 = arith.constant 4 : i32
        %dma_start3A_446 = arith.constant 0 : i32
        %dma_start3A_447 = tpu.memref_slice %arg6[%dma_start3A_445, %dma_start3A_446] : memref<8x125xi32, #tpu.memory_space<vmem>> -> memref<2x125xi32, #tpu.memory_space<vmem>>
        %dma_start3A_448 = arith.constant 0 : i32
        %dma_start3A_449 = arith.constant 0 : i32
        %dma_start3A_450 = tpu.memref_slice %arg3[%add3A_444, %dma_start3A_448, %dma_start3A_449] : memref<2560x2x125xi32, #tpu.memory_space<hbm>> -> memref<1x2x125xi32, #tpu.memory_space<hbm>>
        %dma_start3A_451 = tpu.memref_squeeze %dma_start3A_450 : memref<1x2x125xi32, #tpu.memory_space<hbm>> -> memref<2x125xi32, #tpu.memory_space<hbm>>
        %dma_start3A_452 = arith.constant 4 : i32
        %dma_start3A_453 = arith.constant 0 : i32
        %dma_start3A_454 = tpu.memref_slice %arg6[%dma_start3A_452, %dma_start3A_453] : memref<8x125xi32, #tpu.memory_space<vmem>> -> memref<2x125xi32, #tpu.memory_space<vmem>>
        %dma_start3A_455 = arith.constant 0 : i32
        %dma_start3A_456 = arith.constant 0 : i32
        %dma_start3A_457 = tpu.memref_slice %arg3[%add3A_444, %dma_start3A_455, %dma_start3A_456] : memref<2560x2x125xi32, #tpu.memory_space<hbm>> -> memref<1x2x125xi32, #tpu.memory_space<hbm>>
        %dma_start3A_458 = tpu.memref_squeeze %dma_start3A_457 : memref<1x2x125xi32, #tpu.memory_space<hbm>> -> memref<2x125xi32, #tpu.memory_space<hbm>>
        tpu.enqueue_dma source(%dma_start3A_458 : memref<2x125xi32, #tpu.memory_space<hbm>>) target(%dma_start3A_454 : memref<2x125xi32, #tpu.memory_space<vmem>>) target_semaphore(%arg13 : memref<!tpu.dma_semaphore, #tpu.memory_space<semaphore_mem>>)
      } else {
      }
      %add3A_213 = arith.constant 1 : i32
      %add3A_214 = arith.addi %add3A_197, %add3A_213 : i32
      %lt3A_215 = arith.constant 80 : i32
      %lt3A_216 = arith.cmpi slt, %add3A_214, %lt3A_215 : i32
      %convert_element_type3A_217 = arith.extui %lt3A_216 : i1 to i32
      %cond3A_218 = arith.constant 0 : i32
      %cond3A_219 = arith.cmpi ne, %convert_element_type3A_217, %cond3A_218 : i32
      scf.if %cond3A_219 {
        %add3A_442 = arith.constant 1 : i32
        %add3A_443 = arith.addi %add3A_197, %add3A_442 : i32
        %add3A_444 = arith.addi %mul3A_2, %add3A_443 : i32
        %dma_wait3A_445 = arith.constant 2 : i32
        %dma_wait3A_446 = arith.constant 0 : i32
        %dma_wait3A_447 = tpu.memref_slice %arg6[%dma_wait3A_445, %dma_wait3A_446] : memref<8x125xi32, #tpu.memory_space<vmem>> -> memref<2x125xi32, #tpu.memory_space<vmem>>
        %dma_wait3A_448 = arith.constant 0 : i32
        %dma_wait3A_449 = arith.constant 0 : i32
        %dma_wait3A_450 = tpu.memref_slice %arg3[%add3A_444, %dma_wait3A_448, %dma_wait3A_449] : memref<2560x2x125xi32, #tpu.memory_space<hbm>> -> memref<1x2x125xi32, #tpu.memory_space<hbm>>
        %dma_wait3A_451 = tpu.memref_squeeze %dma_wait3A_450 : memref<1x2x125xi32, #tpu.memory_space<hbm>> -> memref<2x125xi32, #tpu.memory_space<hbm>>
        %dma_wait3A_452 = arith.constant 2 : i32
        %dma_wait3A_453 = arith.constant 0 : i32
        %dma_wait3A_454 = tpu.memref_slice %arg6[%dma_wait3A_452, %dma_wait3A_453] : memref<8x125xi32, #tpu.memory_space<vmem>> -> memref<2x125xi32, #tpu.memory_space<vmem>>
        %dma_wait3A_455 = arith.constant 0 : i32
        %dma_wait3A_456 = arith.constant 0 : i32
        %dma_wait3A_457 = tpu.memref_slice %arg3[%add3A_444, %dma_wait3A_455, %dma_wait3A_456] : memref<2560x2x125xi32, #tpu.memory_space<hbm>> -> memref<1x2x125xi32, #tpu.memory_space<hbm>>
        %dma_wait3A_458 = tpu.memref_squeeze %dma_wait3A_457 : memref<1x2x125xi32, #tpu.memory_space<hbm>> -> memref<2x125xi32, #tpu.memory_space<hbm>>
        tpu.wait_dma2 semaphore(%arg12 : memref<!tpu.dma_semaphore, #tpu.memory_space<semaphore_mem>>) src(%dma_wait3A_458 : memref<2x125xi32, #tpu.memory_space<hbm>>) dst(%dma_wait3A_454 : memref<2x125xi32, #tpu.memory_space<vmem>>)
        %dma_start3A_459 = arith.constant 2 : i32
        %dma_start3A_460 = arith.constant 0 : i32
        %dma_start3A_461 = tpu.memref_slice %arg6[%dma_start3A_459, %dma_start3A_460] : memref<8x125xi32, #tpu.memory_space<vmem>> -> memref<1x125xi32, #tpu.memory_space<vmem>>
        %dma_start3A_462 = tpu.memref_squeeze %dma_start3A_461 : memref<1x125xi32, #tpu.memory_space<vmem>> -> memref<125xi32, #tpu.memory_space<vmem>>
        %dma_start3A_463 = arith.constant 0 : i32
        %dma_start3A_464 = arith.constant 0 : i32
        %dma_start3A_465 = tpu.memref_slice %arg2[%dma_start3A_463, %dma_start3A_464] : memref<10000x128xf32, #tpu.memory_space<hbm>> -> memref<10000x128xf32, #tpu.memory_space<hbm>>
        tpu.enqueue_indirect_dma source(%dma_start3A_465 : memref<10000x128xf32, #tpu.memory_space<hbm>>) target(%arg9 : memref<125x128xf32, #tpu.memory_space<vmem>>) offsets(%dma_start3A_462 : memref<125xi32, #tpu.memory_space<vmem>>) semaphore(%arg17 : memref<!tpu.dma_semaphore, #tpu.memory_space<semaphore_mem>>)
      } else {
      }
      %lt3A_220 = arith.constant 80 : i32
      %lt3A_221 = arith.cmpi slt, %add3A_197, %lt3A_220 : i32
      %convert_element_type3A_222 = arith.extui %lt3A_221 : i1 to i32
      %cond3A_223 = arith.constant 0 : i32
      %cond3A_224 = arith.cmpi ne, %convert_element_type3A_222, %cond3A_223 : i32
      scf.if %cond3A_224 {
        %dma_wait3A_442 = arith.constant 0 : i32
        %dma_wait3A_443 = arith.constant 0 : i32
        %dma_wait3A_444 = tpu.memref_slice %arg6[%dma_wait3A_442, %dma_wait3A_443] : memref<8x125xi32, #tpu.memory_space<vmem>> -> memref<1x125xi32, #tpu.memory_space<vmem>>
        %dma_wait3A_445 = tpu.memref_squeeze %dma_wait3A_444 : memref<1x125xi32, #tpu.memory_space<vmem>> -> memref<125xi32, #tpu.memory_space<vmem>>
        %dma_wait3A_446 = arith.constant 0 : i32
        %dma_wait3A_447 = arith.constant 0 : i32
        %dma_wait3A_448 = tpu.memref_slice %arg2[%dma_wait3A_446, %dma_wait3A_447] : memref<10000x128xf32, #tpu.memory_space<hbm>> -> memref<10000x128xf32, #tpu.memory_space<hbm>>
        tpu.wait_indirect_dma semaphore(%arg16 : memref<!tpu.dma_semaphore, #tpu.memory_space<semaphore_mem>>) src(%dma_wait3A_448 : memref<10000x128xf32, #tpu.memory_space<hbm>>) dst(%arg8 : memref<125x128xf32, #tpu.memory_space<vmem>>)
        %dma_start3A_449 = arith.constant 1 : i32
        %dma_start3A_450 = arith.constant 0 : i32
        %dma_start3A_451 = tpu.memref_slice %arg6[%dma_start3A_449, %dma_start3A_450] : memref<8x125xi32, #tpu.memory_space<vmem>> -> memref<1x125xi32, #tpu.memory_space<vmem>>
        %dma_start3A_452 = tpu.memref_squeeze %dma_start3A_451 : memref<1x125xi32, #tpu.memory_space<vmem>> -> memref<125xi32, #tpu.memory_space<vmem>>
        %dma_start3A_453 = arith.constant 0 : i32
        %dma_start3A_454 = arith.constant 0 : i32
        %dma_start3A_455 = tpu.memref_slice %arg10[%dma_start3A_453, %dma_start3A_454] : memref<10000x128xf32, #tpu.memory_space<vmem_shared>> -> memref<10000x128xf32, #tpu.memory_space<vmem_shared>>
        tpu.enqueue_indirect_dma source(%arg8 : memref<125x128xf32, #tpu.memory_space<vmem>>) target(%dma_start3A_455 : memref<10000x128xf32, #tpu.memory_space<vmem_shared>>) offsets(%dma_start3A_452 : memref<125xi32, #tpu.memory_space<vmem>>) semaphore(%arg19 : memref<!tpu.dma_semaphore, #tpu.memory_space<semaphore_mem>>) {add = true}
      } else {
      }
      %mul3A_225 = arith.constant 12 : i32
      %mul3A_226 = arith.muli %scan3A_74, %mul3A_225 : i32
      %add3A_227 = arith.constant 5 : i32
      %add3A_228 = arith.addi %mul3A_226, %add3A_227 : i32
      %ge3A_229 = arith.constant 2 : i32
      %ge3A_230 = arith.cmpi sge, %add3A_228, %ge3A_229 : i32
      %lt3A_231 = arith.constant 82 : i32
      %lt3A_232 = arith.cmpi slt, %add3A_228, %lt3A_231 : i32
      %and3A_233 = arith.andi %ge3A_230, %lt3A_232 : i1
      %convert_element_type3A_234 = arith.extui %and3A_233 : i1 to i32
      %cond3A_235 = arith.constant 0 : i32
      %cond3A_236 = arith.cmpi ne, %convert_element_type3A_234, %cond3A_235 : i32
      scf.if %cond3A_236 {
        %dma_wait3A_442 = arith.constant 5 : i32
        %dma_wait3A_443 = arith.constant 0 : i32
        %dma_wait3A_444 = tpu.memref_slice %arg6[%dma_wait3A_442, %dma_wait3A_443] : memref<8x125xi32, #tpu.memory_space<vmem>> -> memref<1x125xi32, #tpu.memory_space<vmem>>
        %dma_wait3A_445 = tpu.memref_squeeze %dma_wait3A_444 : memref<1x125xi32, #tpu.memory_space<vmem>> -> memref<125xi32, #tpu.memory_space<vmem>>
        %dma_wait3A_446 = arith.constant 0 : i32
        %dma_wait3A_447 = arith.constant 0 : i32
        %dma_wait3A_448 = tpu.memref_slice %arg10[%dma_wait3A_446, %dma_wait3A_447] : memref<10000x128xf32, #tpu.memory_space<vmem_shared>> -> memref<10000x128xf32, #tpu.memory_space<vmem_shared>>
        tpu.wait_indirect_dma semaphore(%arg18 : memref<!tpu.dma_semaphore, #tpu.memory_space<semaphore_mem>>) src(%arg7 : memref<125x128xf32, #tpu.memory_space<vmem>>) dst(%dma_wait3A_448 : memref<10000x128xf32, #tpu.memory_space<vmem_shared>>)
      } else {
      }
      %add3A_237 = arith.constant 2 : i32
      %add3A_238 = arith.addi %add3A_228, %add3A_237 : i32
      %lt3A_239 = arith.constant 80 : i32
      %lt3A_240 = arith.cmpi slt, %add3A_238, %lt3A_239 : i32
      %convert_element_type3A_241 = arith.extui %lt3A_240 : i1 to i32
      %cond3A_242 = arith.constant 0 : i32
      %cond3A_243 = arith.cmpi ne, %convert_element_type3A_241, %cond3A_242 : i32
      scf.if %cond3A_243 {
        %add3A_442 = arith.constant 2 : i32
        %add3A_443 = arith.addi %add3A_228, %add3A_442 : i32
        %add3A_444 = arith.addi %mul3A_2, %add3A_443 : i32
        %dma_start3A_445 = arith.constant 6 : i32
        %dma_start3A_446 = arith.constant 0 : i32
        %dma_start3A_447 = tpu.memref_slice %arg6[%dma_start3A_445, %dma_start3A_446] : memref<8x125xi32, #tpu.memory_space<vmem>> -> memref<2x125xi32, #tpu.memory_space<vmem>>
        %dma_start3A_448 = arith.constant 0 : i32
        %dma_start3A_449 = arith.constant 0 : i32
        %dma_start3A_450 = tpu.memref_slice %arg3[%add3A_444, %dma_start3A_448, %dma_start3A_449] : memref<2560x2x125xi32, #tpu.memory_space<hbm>> -> memref<1x2x125xi32, #tpu.memory_space<hbm>>
        %dma_start3A_451 = tpu.memref_squeeze %dma_start3A_450 : memref<1x2x125xi32, #tpu.memory_space<hbm>> -> memref<2x125xi32, #tpu.memory_space<hbm>>
        %dma_start3A_452 = arith.constant 6 : i32
        %dma_start3A_453 = arith.constant 0 : i32
        %dma_start3A_454 = tpu.memref_slice %arg6[%dma_start3A_452, %dma_start3A_453] : memref<8x125xi32, #tpu.memory_space<vmem>> -> memref<2x125xi32, #tpu.memory_space<vmem>>
        %dma_start3A_455 = arith.constant 0 : i32
        %dma_start3A_456 = arith.constant 0 : i32
        %dma_start3A_457 = tpu.memref_slice %arg3[%add3A_444, %dma_start3A_455, %dma_start3A_456] : memref<2560x2x125xi32, #tpu.memory_space<hbm>> -> memref<1x2x125xi32, #tpu.memory_space<hbm>>
        %dma_start3A_458 = tpu.memref_squeeze %dma_start3A_457 : memref<1x2x125xi32, #tpu.memory_space<hbm>> -> memref<2x125xi32, #tpu.memory_space<hbm>>
        tpu.enqueue_dma source(%dma_start3A_458 : memref<2x125xi32, #tpu.memory_space<hbm>>) target(%dma_start3A_454 : memref<2x125xi32, #tpu.memory_space<vmem>>) target_semaphore(%arg14 : memref<!tpu.dma_semaphore, #tpu.memory_space<semaphore_mem>>)
      } else {
      }
      %add3A_244 = arith.constant 1 : i32
      %add3A_245 = arith.addi %add3A_228, %add3A_244 : i32
      %lt3A_246 = arith.constant 80 : i32
      %lt3A_247 = arith.cmpi slt, %add3A_245, %lt3A_246 : i32
      %convert_element_type3A_248 = arith.extui %lt3A_247 : i1 to i32
      %cond3A_249 = arith.constant 0 : i32
      %cond3A_250 = arith.cmpi ne, %convert_element_type3A_248, %cond3A_249 : i32
      scf.if %cond3A_250 {
        %add3A_442 = arith.constant 1 : i32
        %add3A_443 = arith.addi %add3A_228, %add3A_442 : i32
        %add3A_444 = arith.addi %mul3A_2, %add3A_443 : i32
        %dma_wait3A_445 = arith.constant 4 : i32
        %dma_wait3A_446 = arith.constant 0 : i32
        %dma_wait3A_447 = tpu.memref_slice %arg6[%dma_wait3A_445, %dma_wait3A_446] : memref<8x125xi32, #tpu.memory_space<vmem>> -> memref<2x125xi32, #tpu.memory_space<vmem>>
        %dma_wait3A_448 = arith.constant 0 : i32
        %dma_wait3A_449 = arith.constant 0 : i32
        %dma_wait3A_450 = tpu.memref_slice %arg3[%add3A_444, %dma_wait3A_448, %dma_wait3A_449] : memref<2560x2x125xi32, #tpu.memory_space<hbm>> -> memref<1x2x125xi32, #tpu.memory_space<hbm>>
        %dma_wait3A_451 = tpu.memref_squeeze %dma_wait3A_450 : memref<1x2x125xi32, #tpu.memory_space<hbm>> -> memref<2x125xi32, #tpu.memory_space<hbm>>
        %dma_wait3A_452 = arith.constant 4 : i32
        %dma_wait3A_453 = arith.constant 0 : i32
        %dma_wait3A_454 = tpu.memref_slice %arg6[%dma_wait3A_452, %dma_wait3A_453] : memref<8x125xi32, #tpu.memory_space<vmem>> -> memref<2x125xi32, #tpu.memory_space<vmem>>
        %dma_wait3A_455 = arith.constant 0 : i32
        %dma_wait3A_456 = arith.constant 0 : i32
        %dma_wait3A_457 = tpu.memref_slice %arg3[%add3A_444, %dma_wait3A_455, %dma_wait3A_456] : memref<2560x2x125xi32, #tpu.memory_space<hbm>> -> memref<1x2x125xi32, #tpu.memory_space<hbm>>
        %dma_wait3A_458 = tpu.memref_squeeze %dma_wait3A_457 : memref<1x2x125xi32, #tpu.memory_space<hbm>> -> memref<2x125xi32, #tpu.memory_space<hbm>>
        tpu.wait_dma2 semaphore(%arg13 : memref<!tpu.dma_semaphore, #tpu.memory_space<semaphore_mem>>) src(%dma_wait3A_458 : memref<2x125xi32, #tpu.memory_space<hbm>>) dst(%dma_wait3A_454 : memref<2x125xi32, #tpu.memory_space<vmem>>)
        %dma_start3A_459 = arith.constant 4 : i32
        %dma_start3A_460 = arith.constant 0 : i32
        %dma_start3A_461 = tpu.memref_slice %arg6[%dma_start3A_459, %dma_start3A_460] : memref<8x125xi32, #tpu.memory_space<vmem>> -> memref<1x125xi32, #tpu.memory_space<vmem>>
        %dma_start3A_462 = tpu.memref_squeeze %dma_start3A_461 : memref<1x125xi32, #tpu.memory_space<vmem>> -> memref<125xi32, #tpu.memory_space<vmem>>
        %dma_start3A_463 = arith.constant 0 : i32
        %dma_start3A_464 = arith.constant 0 : i32
        %dma_start3A_465 = tpu.memref_slice %arg2[%dma_start3A_463, %dma_start3A_464] : memref<10000x128xf32, #tpu.memory_space<hbm>> -> memref<10000x128xf32, #tpu.memory_space<hbm>>
        tpu.enqueue_indirect_dma source(%dma_start3A_465 : memref<10000x128xf32, #tpu.memory_space<hbm>>) target(%arg7 : memref<125x128xf32, #tpu.memory_space<vmem>>) offsets(%dma_start3A_462 : memref<125xi32, #tpu.memory_space<vmem>>) semaphore(%arg15 : memref<!tpu.dma_semaphore, #tpu.memory_space<semaphore_mem>>)
      } else {
      }
      %lt3A_251 = arith.constant 80 : i32
      %lt3A_252 = arith.cmpi slt, %add3A_228, %lt3A_251 : i32
      %convert_element_type3A_253 = arith.extui %lt3A_252 : i1 to i32
      %cond3A_254 = arith.constant 0 : i32
      %cond3A_255 = arith.cmpi ne, %convert_element_type3A_253, %cond3A_254 : i32
      scf.if %cond3A_255 {
        %dma_wait3A_442 = arith.constant 2 : i32
        %dma_wait3A_443 = arith.constant 0 : i32
        %dma_wait3A_444 = tpu.memref_slice %arg6[%dma_wait3A_442, %dma_wait3A_443] : memref<8x125xi32, #tpu.memory_space<vmem>> -> memref<1x125xi32, #tpu.memory_space<vmem>>
        %dma_wait3A_445 = tpu.memref_squeeze %dma_wait3A_444 : memref<1x125xi32, #tpu.memory_space<vmem>> -> memref<125xi32, #tpu.memory_space<vmem>>
        %dma_wait3A_446 = arith.constant 0 : i32
        %dma_wait3A_447 = arith.constant 0 : i32
        %dma_wait3A_448 = tpu.memref_slice %arg2[%dma_wait3A_446, %dma_wait3A_447] : memref<10000x128xf32, #tpu.memory_space<hbm>> -> memref<10000x128xf32, #tpu.memory_space<hbm>>
        tpu.wait_indirect_dma semaphore(%arg17 : memref<!tpu.dma_semaphore, #tpu.memory_space<semaphore_mem>>) src(%dma_wait3A_448 : memref<10000x128xf32, #tpu.memory_space<hbm>>) dst(%arg9 : memref<125x128xf32, #tpu.memory_space<vmem>>)
        %dma_start3A_449 = arith.constant 3 : i32
        %dma_start3A_450 = arith.constant 0 : i32
        %dma_start3A_451 = tpu.memref_slice %arg6[%dma_start3A_449, %dma_start3A_450] : memref<8x125xi32, #tpu.memory_space<vmem>> -> memref<1x125xi32, #tpu.memory_space<vmem>>
        %dma_start3A_452 = tpu.memref_squeeze %dma_start3A_451 : memref<1x125xi32, #tpu.memory_space<vmem>> -> memref<125xi32, #tpu.memory_space<vmem>>
        %dma_start3A_453 = arith.constant 0 : i32
        %dma_start3A_454 = arith.constant 0 : i32
        %dma_start3A_455 = tpu.memref_slice %arg10[%dma_start3A_453, %dma_start3A_454] : memref<10000x128xf32, #tpu.memory_space<vmem_shared>> -> memref<10000x128xf32, #tpu.memory_space<vmem_shared>>
        tpu.enqueue_indirect_dma source(%arg9 : memref<125x128xf32, #tpu.memory_space<vmem>>) target(%dma_start3A_455 : memref<10000x128xf32, #tpu.memory_space<vmem_shared>>) offsets(%dma_start3A_452 : memref<125xi32, #tpu.memory_space<vmem>>) semaphore(%arg20 : memref<!tpu.dma_semaphore, #tpu.memory_space<semaphore_mem>>) {add = true}
      } else {
      }
      %mul3A_256 = arith.constant 12 : i32
      %mul3A_257 = arith.muli %scan3A_74, %mul3A_256 : i32
      %add3A_258 = arith.constant 6 : i32
      %add3A_259 = arith.addi %mul3A_257, %add3A_258 : i32
      %ge3A_260 = arith.constant 2 : i32
      %ge3A_261 = arith.cmpi sge, %add3A_259, %ge3A_260 : i32
      %lt3A_262 = arith.constant 82 : i32
      %lt3A_263 = arith.cmpi slt, %add3A_259, %lt3A_262 : i32
      %and3A_264 = arith.andi %ge3A_261, %lt3A_263 : i1
      %convert_element_type3A_265 = arith.extui %and3A_264 : i1 to i32
      %cond3A_266 = arith.constant 0 : i32
      %cond3A_267 = arith.cmpi ne, %convert_element_type3A_265, %cond3A_266 : i32
      scf.if %cond3A_267 {
        %dma_wait3A_442 = arith.constant 7 : i32
        %dma_wait3A_443 = arith.constant 0 : i32
        %dma_wait3A_444 = tpu.memref_slice %arg6[%dma_wait3A_442, %dma_wait3A_443] : memref<8x125xi32, #tpu.memory_space<vmem>> -> memref<1x125xi32, #tpu.memory_space<vmem>>
        %dma_wait3A_445 = tpu.memref_squeeze %dma_wait3A_444 : memref<1x125xi32, #tpu.memory_space<vmem>> -> memref<125xi32, #tpu.memory_space<vmem>>
        %dma_wait3A_446 = arith.constant 0 : i32
        %dma_wait3A_447 = arith.constant 0 : i32
        %dma_wait3A_448 = tpu.memref_slice %arg10[%dma_wait3A_446, %dma_wait3A_447] : memref<10000x128xf32, #tpu.memory_space<vmem_shared>> -> memref<10000x128xf32, #tpu.memory_space<vmem_shared>>
        tpu.wait_indirect_dma semaphore(%arg19 : memref<!tpu.dma_semaphore, #tpu.memory_space<semaphore_mem>>) src(%arg8 : memref<125x128xf32, #tpu.memory_space<vmem>>) dst(%dma_wait3A_448 : memref<10000x128xf32, #tpu.memory_space<vmem_shared>>)
      } else {
      }
      %add3A_268 = arith.constant 2 : i32
      %add3A_269 = arith.addi %add3A_259, %add3A_268 : i32
      %lt3A_270 = arith.constant 80 : i32
      %lt3A_271 = arith.cmpi slt, %add3A_269, %lt3A_270 : i32
      %convert_element_type3A_272 = arith.extui %lt3A_271 : i1 to i32
      %cond3A_273 = arith.constant 0 : i32
      %cond3A_274 = arith.cmpi ne, %convert_element_type3A_272, %cond3A_273 : i32
      scf.if %cond3A_274 {
        %add3A_442 = arith.constant 2 : i32
        %add3A_443 = arith.addi %add3A_259, %add3A_442 : i32
        %add3A_444 = arith.addi %mul3A_2, %add3A_443 : i32
        %dma_start3A_445 = arith.constant 0 : i32
        %dma_start3A_446 = arith.constant 0 : i32
        %dma_start3A_447 = tpu.memref_slice %arg6[%dma_start3A_445, %dma_start3A_446] : memref<8x125xi32, #tpu.memory_space<vmem>> -> memref<2x125xi32, #tpu.memory_space<vmem>>
        %dma_start3A_448 = arith.constant 0 : i32
        %dma_start3A_449 = arith.constant 0 : i32
        %dma_start3A_450 = tpu.memref_slice %arg3[%add3A_444, %dma_start3A_448, %dma_start3A_449] : memref<2560x2x125xi32, #tpu.memory_space<hbm>> -> memref<1x2x125xi32, #tpu.memory_space<hbm>>
        %dma_start3A_451 = tpu.memref_squeeze %dma_start3A_450 : memref<1x2x125xi32, #tpu.memory_space<hbm>> -> memref<2x125xi32, #tpu.memory_space<hbm>>
        %dma_start3A_452 = arith.constant 0 : i32
        %dma_start3A_453 = arith.constant 0 : i32
        %dma_start3A_454 = tpu.memref_slice %arg6[%dma_start3A_452, %dma_start3A_453] : memref<8x125xi32, #tpu.memory_space<vmem>> -> memref<2x125xi32, #tpu.memory_space<vmem>>
        %dma_start3A_455 = arith.constant 0 : i32
        %dma_start3A_456 = arith.constant 0 : i32
        %dma_start3A_457 = tpu.memref_slice %arg3[%add3A_444, %dma_start3A_455, %dma_start3A_456] : memref<2560x2x125xi32, #tpu.memory_space<hbm>> -> memref<1x2x125xi32, #tpu.memory_space<hbm>>
        %dma_start3A_458 = tpu.memref_squeeze %dma_start3A_457 : memref<1x2x125xi32, #tpu.memory_space<hbm>> -> memref<2x125xi32, #tpu.memory_space<hbm>>
        tpu.enqueue_dma source(%dma_start3A_458 : memref<2x125xi32, #tpu.memory_space<hbm>>) target(%dma_start3A_454 : memref<2x125xi32, #tpu.memory_space<vmem>>) target_semaphore(%arg11 : memref<!tpu.dma_semaphore, #tpu.memory_space<semaphore_mem>>)
      } else {
      }
      %add3A_275 = arith.constant 1 : i32
      %add3A_276 = arith.addi %add3A_259, %add3A_275 : i32
      %lt3A_277 = arith.constant 80 : i32
      %lt3A_278 = arith.cmpi slt, %add3A_276, %lt3A_277 : i32
      %convert_element_type3A_279 = arith.extui %lt3A_278 : i1 to i32
      %cond3A_280 = arith.constant 0 : i32
      %cond3A_281 = arith.cmpi ne, %convert_element_type3A_279, %cond3A_280 : i32
      scf.if %cond3A_281 {
        %add3A_442 = arith.constant 1 : i32
        %add3A_443 = arith.addi %add3A_259, %add3A_442 : i32
        %add3A_444 = arith.addi %mul3A_2, %add3A_443 : i32
        %dma_wait3A_445 = arith.constant 6 : i32
        %dma_wait3A_446 = arith.constant 0 : i32
        %dma_wait3A_447 = tpu.memref_slice %arg6[%dma_wait3A_445, %dma_wait3A_446] : memref<8x125xi32, #tpu.memory_space<vmem>> -> memref<2x125xi32, #tpu.memory_space<vmem>>
        %dma_wait3A_448 = arith.constant 0 : i32
        %dma_wait3A_449 = arith.constant 0 : i32
        %dma_wait3A_450 = tpu.memref_slice %arg3[%add3A_444, %dma_wait3A_448, %dma_wait3A_449] : memref<2560x2x125xi32, #tpu.memory_space<hbm>> -> memref<1x2x125xi32, #tpu.memory_space<hbm>>
        %dma_wait3A_451 = tpu.memref_squeeze %dma_wait3A_450 : memref<1x2x125xi32, #tpu.memory_space<hbm>> -> memref<2x125xi32, #tpu.memory_space<hbm>>
        %dma_wait3A_452 = arith.constant 6 : i32
        %dma_wait3A_453 = arith.constant 0 : i32
        %dma_wait3A_454 = tpu.memref_slice %arg6[%dma_wait3A_452, %dma_wait3A_453] : memref<8x125xi32, #tpu.memory_space<vmem>> -> memref<2x125xi32, #tpu.memory_space<vmem>>
        %dma_wait3A_455 = arith.constant 0 : i32
        %dma_wait3A_456 = arith.constant 0 : i32
        %dma_wait3A_457 = tpu.memref_slice %arg3[%add3A_444, %dma_wait3A_455, %dma_wait3A_456] : memref<2560x2x125xi32, #tpu.memory_space<hbm>> -> memref<1x2x125xi32, #tpu.memory_space<hbm>>
        %dma_wait3A_458 = tpu.memref_squeeze %dma_wait3A_457 : memref<1x2x125xi32, #tpu.memory_space<hbm>> -> memref<2x125xi32, #tpu.memory_space<hbm>>
        tpu.wait_dma2 semaphore(%arg14 : memref<!tpu.dma_semaphore, #tpu.memory_space<semaphore_mem>>) src(%dma_wait3A_458 : memref<2x125xi32, #tpu.memory_space<hbm>>) dst(%dma_wait3A_454 : memref<2x125xi32, #tpu.memory_space<vmem>>)
        %dma_start3A_459 = arith.constant 6 : i32
        %dma_start3A_460 = arith.constant 0 : i32
        %dma_start3A_461 = tpu.memref_slice %arg6[%dma_start3A_459, %dma_start3A_460] : memref<8x125xi32, #tpu.memory_space<vmem>> -> memref<1x125xi32, #tpu.memory_space<vmem>>
        %dma_start3A_462 = tpu.memref_squeeze %dma_start3A_461 : memref<1x125xi32, #tpu.memory_space<vmem>> -> memref<125xi32, #tpu.memory_space<vmem>>
        %dma_start3A_463 = arith.constant 0 : i32
        %dma_start3A_464 = arith.constant 0 : i32
        %dma_start3A_465 = tpu.memref_slice %arg2[%dma_start3A_463, %dma_start3A_464] : memref<10000x128xf32, #tpu.memory_space<hbm>> -> memref<10000x128xf32, #tpu.memory_space<hbm>>
        tpu.enqueue_indirect_dma source(%dma_start3A_465 : memref<10000x128xf32, #tpu.memory_space<hbm>>) target(%arg8 : memref<125x128xf32, #tpu.memory_space<vmem>>) offsets(%dma_start3A_462 : memref<125xi32, #tpu.memory_space<vmem>>) semaphore(%arg16 : memref<!tpu.dma_semaphore, #tpu.memory_space<semaphore_mem>>)
      } else {
      }
      %lt3A_282 = arith.constant 80 : i32
      %lt3A_283 = arith.cmpi slt, %add3A_259, %lt3A_282 : i32
      %convert_element_type3A_284 = arith.extui %lt3A_283 : i1 to i32
      %cond3A_285 = arith.constant 0 : i32
      %cond3A_286 = arith.cmpi ne, %convert_element_type3A_284, %cond3A_285 : i32
      scf.if %cond3A_286 {
        %dma_wait3A_442 = arith.constant 4 : i32
        %dma_wait3A_443 = arith.constant 0 : i32
        %dma_wait3A_444 = tpu.memref_slice %arg6[%dma_wait3A_442, %dma_wait3A_443] : memref<8x125xi32, #tpu.memory_space<vmem>> -> memref<1x125xi32, #tpu.memory_space<vmem>>
        %dma_wait3A_445 = tpu.memref_squeeze %dma_wait3A_444 : memref<1x125xi32, #tpu.memory_space<vmem>> -> memref<125xi32, #tpu.memory_space<vmem>>
        %dma_wait3A_446 = arith.constant 0 : i32
        %dma_wait3A_447 = arith.constant 0 : i32
        %dma_wait3A_448 = tpu.memref_slice %arg2[%dma_wait3A_446, %dma_wait3A_447] : memref<10000x128xf32, #tpu.memory_space<hbm>> -> memref<10000x128xf32, #tpu.memory_space<hbm>>
        tpu.wait_indirect_dma semaphore(%arg15 : memref<!tpu.dma_semaphore, #tpu.memory_space<semaphore_mem>>) src(%dma_wait3A_448 : memref<10000x128xf32, #tpu.memory_space<hbm>>) dst(%arg7 : memref<125x128xf32, #tpu.memory_space<vmem>>)
        %dma_start3A_449 = arith.constant 5 : i32
        %dma_start3A_450 = arith.constant 0 : i32
        %dma_start3A_451 = tpu.memref_slice %arg6[%dma_start3A_449, %dma_start3A_450] : memref<8x125xi32, #tpu.memory_space<vmem>> -> memref<1x125xi32, #tpu.memory_space<vmem>>
        %dma_start3A_452 = tpu.memref_squeeze %dma_start3A_451 : memref<1x125xi32, #tpu.memory_space<vmem>> -> memref<125xi32, #tpu.memory_space<vmem>>
        %dma_start3A_453 = arith.constant 0 : i32
        %dma_start3A_454 = arith.constant 0 : i32
        %dma_start3A_455 = tpu.memref_slice %arg10[%dma_start3A_453, %dma_start3A_454] : memref<10000x128xf32, #tpu.memory_space<vmem_shared>> -> memref<10000x128xf32, #tpu.memory_space<vmem_shared>>
        tpu.enqueue_indirect_dma source(%arg7 : memref<125x128xf32, #tpu.memory_space<vmem>>) target(%dma_start3A_455 : memref<10000x128xf32, #tpu.memory_space<vmem_shared>>) offsets(%dma_start3A_452 : memref<125xi32, #tpu.memory_space<vmem>>) semaphore(%arg18 : memref<!tpu.dma_semaphore, #tpu.memory_space<semaphore_mem>>) {add = true}
      } else {
      }
      %mul3A_287 = arith.constant 12 : i32
      %mul3A_288 = arith.muli %scan3A_74, %mul3A_287 : i32
      %add3A_289 = arith.constant 7 : i32
      %add3A_290 = arith.addi %mul3A_288, %add3A_289 : i32
      %ge3A_291 = arith.constant 2 : i32
      %ge3A_292 = arith.cmpi sge, %add3A_290, %ge3A_291 : i32
      %lt3A_293 = arith.constant 82 : i32
      %lt3A_294 = arith.cmpi slt, %add3A_290, %lt3A_293 : i32
      %and3A_295 = arith.andi %ge3A_292, %lt3A_294 : i1
      %convert_element_type3A_296 = arith.extui %and3A_295 : i1 to i32
      %cond3A_297 = arith.constant 0 : i32
      %cond3A_298 = arith.cmpi ne, %convert_element_type3A_296, %cond3A_297 : i32
      scf.if %cond3A_298 {
        %dma_wait3A_442 = arith.constant 1 : i32
        %dma_wait3A_443 = arith.constant 0 : i32
        %dma_wait3A_444 = tpu.memref_slice %arg6[%dma_wait3A_442, %dma_wait3A_443] : memref<8x125xi32, #tpu.memory_space<vmem>> -> memref<1x125xi32, #tpu.memory_space<vmem>>
        %dma_wait3A_445 = tpu.memref_squeeze %dma_wait3A_444 : memref<1x125xi32, #tpu.memory_space<vmem>> -> memref<125xi32, #tpu.memory_space<vmem>>
        %dma_wait3A_446 = arith.constant 0 : i32
        %dma_wait3A_447 = arith.constant 0 : i32
        %dma_wait3A_448 = tpu.memref_slice %arg10[%dma_wait3A_446, %dma_wait3A_447] : memref<10000x128xf32, #tpu.memory_space<vmem_shared>> -> memref<10000x128xf32, #tpu.memory_space<vmem_shared>>
        tpu.wait_indirect_dma semaphore(%arg20 : memref<!tpu.dma_semaphore, #tpu.memory_space<semaphore_mem>>) src(%arg9 : memref<125x128xf32, #tpu.memory_space<vmem>>) dst(%dma_wait3A_448 : memref<10000x128xf32, #tpu.memory_space<vmem_shared>>)
      } else {
      }
      %add3A_299 = arith.constant 2 : i32
      %add3A_300 = arith.addi %add3A_290, %add3A_299 : i32
      %lt3A_301 = arith.constant 80 : i32
      %lt3A_302 = arith.cmpi slt, %add3A_300, %lt3A_301 : i32
      %convert_element_type3A_303 = arith.extui %lt3A_302 : i1 to i32
      %cond3A_304 = arith.constant 0 : i32
      %cond3A_305 = arith.cmpi ne, %convert_element_type3A_303, %cond3A_304 : i32
      scf.if %cond3A_305 {
        %add3A_442 = arith.constant 2 : i32
        %add3A_443 = arith.addi %add3A_290, %add3A_442 : i32
        %add3A_444 = arith.addi %mul3A_2, %add3A_443 : i32
        %dma_start3A_445 = arith.constant 2 : i32
        %dma_start3A_446 = arith.constant 0 : i32
        %dma_start3A_447 = tpu.memref_slice %arg6[%dma_start3A_445, %dma_start3A_446] : memref<8x125xi32, #tpu.memory_space<vmem>> -> memref<2x125xi32, #tpu.memory_space<vmem>>
        %dma_start3A_448 = arith.constant 0 : i32
        %dma_start3A_449 = arith.constant 0 : i32
        %dma_start3A_450 = tpu.memref_slice %arg3[%add3A_444, %dma_start3A_448, %dma_start3A_449] : memref<2560x2x125xi32, #tpu.memory_space<hbm>> -> memref<1x2x125xi32, #tpu.memory_space<hbm>>
        %dma_start3A_451 = tpu.memref_squeeze %dma_start3A_450 : memref<1x2x125xi32, #tpu.memory_space<hbm>> -> memref<2x125xi32, #tpu.memory_space<hbm>>
        %dma_start3A_452 = arith.constant 2 : i32
        %dma_start3A_453 = arith.constant 0 : i32
        %dma_start3A_454 = tpu.memref_slice %arg6[%dma_start3A_452, %dma_start3A_453] : memref<8x125xi32, #tpu.memory_space<vmem>> -> memref<2x125xi32, #tpu.memory_space<vmem>>
        %dma_start3A_455 = arith.constant 0 : i32
        %dma_start3A_456 = arith.constant 0 : i32
        %dma_start3A_457 = tpu.memref_slice %arg3[%add3A_444, %dma_start3A_455, %dma_start3A_456] : memref<2560x2x125xi32, #tpu.memory_space<hbm>> -> memref<1x2x125xi32, #tpu.memory_space<hbm>>
        %dma_start3A_458 = tpu.memref_squeeze %dma_start3A_457 : memref<1x2x125xi32, #tpu.memory_space<hbm>> -> memref<2x125xi32, #tpu.memory_space<hbm>>
        tpu.enqueue_dma source(%dma_start3A_458 : memref<2x125xi32, #tpu.memory_space<hbm>>) target(%dma_start3A_454 : memref<2x125xi32, #tpu.memory_space<vmem>>) target_semaphore(%arg12 : memref<!tpu.dma_semaphore, #tpu.memory_space<semaphore_mem>>)
      } else {
      }
      %add3A_306 = arith.constant 1 : i32
      %add3A_307 = arith.addi %add3A_290, %add3A_306 : i32
      %lt3A_308 = arith.constant 80 : i32
      %lt3A_309 = arith.cmpi slt, %add3A_307, %lt3A_308 : i32
      %convert_element_type3A_310 = arith.extui %lt3A_309 : i1 to i32
      %cond3A_311 = arith.constant 0 : i32
      %cond3A_312 = arith.cmpi ne, %convert_element_type3A_310, %cond3A_311 : i32
      scf.if %cond3A_312 {
        %add3A_442 = arith.constant 1 : i32
        %add3A_443 = arith.addi %add3A_290, %add3A_442 : i32
        %add3A_444 = arith.addi %mul3A_2, %add3A_443 : i32
        %dma_wait3A_445 = arith.constant 0 : i32
        %dma_wait3A_446 = arith.constant 0 : i32
        %dma_wait3A_447 = tpu.memref_slice %arg6[%dma_wait3A_445, %dma_wait3A_446] : memref<8x125xi32, #tpu.memory_space<vmem>> -> memref<2x125xi32, #tpu.memory_space<vmem>>
        %dma_wait3A_448 = arith.constant 0 : i32
        %dma_wait3A_449 = arith.constant 0 : i32
        %dma_wait3A_450 = tpu.memref_slice %arg3[%add3A_444, %dma_wait3A_448, %dma_wait3A_449] : memref<2560x2x125xi32, #tpu.memory_space<hbm>> -> memref<1x2x125xi32, #tpu.memory_space<hbm>>
        %dma_wait3A_451 = tpu.memref_squeeze %dma_wait3A_450 : memref<1x2x125xi32, #tpu.memory_space<hbm>> -> memref<2x125xi32, #tpu.memory_space<hbm>>
        %dma_wait3A_452 = arith.constant 0 : i32
        %dma_wait3A_453 = arith.constant 0 : i32
        %dma_wait3A_454 = tpu.memref_slice %arg6[%dma_wait3A_452, %dma_wait3A_453] : memref<8x125xi32, #tpu.memory_space<vmem>> -> memref<2x125xi32, #tpu.memory_space<vmem>>
        %dma_wait3A_455 = arith.constant 0 : i32
        %dma_wait3A_456 = arith.constant 0 : i32
        %dma_wait3A_457 = tpu.memref_slice %arg3[%add3A_444, %dma_wait3A_455, %dma_wait3A_456] : memref<2560x2x125xi32, #tpu.memory_space<hbm>> -> memref<1x2x125xi32, #tpu.memory_space<hbm>>
        %dma_wait3A_458 = tpu.memref_squeeze %dma_wait3A_457 : memref<1x2x125xi32, #tpu.memory_space<hbm>> -> memref<2x125xi32, #tpu.memory_space<hbm>>
        tpu.wait_dma2 semaphore(%arg11 : memref<!tpu.dma_semaphore, #tpu.memory_space<semaphore_mem>>) src(%dma_wait3A_458 : memref<2x125xi32, #tpu.memory_space<hbm>>) dst(%dma_wait3A_454 : memref<2x125xi32, #tpu.memory_space<vmem>>)
        %dma_start3A_459 = arith.constant 0 : i32
        %dma_start3A_460 = arith.constant 0 : i32
        %dma_start3A_461 = tpu.memref_slice %arg6[%dma_start3A_459, %dma_start3A_460] : memref<8x125xi32, #tpu.memory_space<vmem>> -> memref<1x125xi32, #tpu.memory_space<vmem>>
        %dma_start3A_462 = tpu.memref_squeeze %dma_start3A_461 : memref<1x125xi32, #tpu.memory_space<vmem>> -> memref<125xi32, #tpu.memory_space<vmem>>
        %dma_start3A_463 = arith.constant 0 : i32
        %dma_start3A_464 = arith.constant 0 : i32
        %dma_start3A_465 = tpu.memref_slice %arg2[%dma_start3A_463, %dma_start3A_464] : memref<10000x128xf32, #tpu.memory_space<hbm>> -> memref<10000x128xf32, #tpu.memory_space<hbm>>
        tpu.enqueue_indirect_dma source(%dma_start3A_465 : memref<10000x128xf32, #tpu.memory_space<hbm>>) target(%arg9 : memref<125x128xf32, #tpu.memory_space<vmem>>) offsets(%dma_start3A_462 : memref<125xi32, #tpu.memory_space<vmem>>) semaphore(%arg17 : memref<!tpu.dma_semaphore, #tpu.memory_space<semaphore_mem>>)
      } else {
      }
      %lt3A_313 = arith.constant 80 : i32
      %lt3A_314 = arith.cmpi slt, %add3A_290, %lt3A_313 : i32
      %convert_element_type3A_315 = arith.extui %lt3A_314 : i1 to i32
      %cond3A_316 = arith.constant 0 : i32
      %cond3A_317 = arith.cmpi ne, %convert_element_type3A_315, %cond3A_316 : i32
      scf.if %cond3A_317 {
        %dma_wait3A_442 = arith.constant 6 : i32
        %dma_wait3A_443 = arith.constant 0 : i32
        %dma_wait3A_444 = tpu.memref_slice %arg6[%dma_wait3A_442, %dma_wait3A_443] : memref<8x125xi32, #tpu.memory_space<vmem>> -> memref<1x125xi32, #tpu.memory_space<vmem>>
        %dma_wait3A_445 = tpu.memref_squeeze %dma_wait3A_444 : memref<1x125xi32, #tpu.memory_space<vmem>> -> memref<125xi32, #tpu.memory_space<vmem>>
        %dma_wait3A_446 = arith.constant 0 : i32
        %dma_wait3A_447 = arith.constant 0 : i32
        %dma_wait3A_448 = tpu.memref_slice %arg2[%dma_wait3A_446, %dma_wait3A_447] : memref<10000x128xf32, #tpu.memory_space<hbm>> -> memref<10000x128xf32, #tpu.memory_space<hbm>>
        tpu.wait_indirect_dma semaphore(%arg16 : memref<!tpu.dma_semaphore, #tpu.memory_space<semaphore_mem>>) src(%dma_wait3A_448 : memref<10000x128xf32, #tpu.memory_space<hbm>>) dst(%arg8 : memref<125x128xf32, #tpu.memory_space<vmem>>)
        %dma_start3A_449 = arith.constant 7 : i32
        %dma_start3A_450 = arith.constant 0 : i32
        %dma_start3A_451 = tpu.memref_slice %arg6[%dma_start3A_449, %dma_start3A_450] : memref<8x125xi32, #tpu.memory_space<vmem>> -> memref<1x125xi32, #tpu.memory_space<vmem>>
        %dma_start3A_452 = tpu.memref_squeeze %dma_start3A_451 : memref<1x125xi32, #tpu.memory_space<vmem>> -> memref<125xi32, #tpu.memory_space<vmem>>
        %dma_start3A_453 = arith.constant 0 : i32
        %dma_start3A_454 = arith.constant 0 : i32
        %dma_start3A_455 = tpu.memref_slice %arg10[%dma_start3A_453, %dma_start3A_454] : memref<10000x128xf32, #tpu.memory_space<vmem_shared>> -> memref<10000x128xf32, #tpu.memory_space<vmem_shared>>
        tpu.enqueue_indirect_dma source(%arg8 : memref<125x128xf32, #tpu.memory_space<vmem>>) target(%dma_start3A_455 : memref<10000x128xf32, #tpu.memory_space<vmem_shared>>) offsets(%dma_start3A_452 : memref<125xi32, #tpu.memory_space<vmem>>) semaphore(%arg19 : memref<!tpu.dma_semaphore, #tpu.memory_space<semaphore_mem>>) {add = true}
      } else {
      }
      %mul3A_318 = arith.constant 12 : i32
      %mul3A_319 = arith.muli %scan3A_74, %mul3A_318 : i32
      %add3A_320 = arith.constant 8 : i32
      %add3A_321 = arith.addi %mul3A_319, %add3A_320 : i32
      %ge3A_322 = arith.constant 2 : i32
      %ge3A_323 = arith.cmpi sge, %add3A_321, %ge3A_322 : i32
      %lt3A_324 = arith.constant 82 : i32
      %lt3A_325 = arith.cmpi slt, %add3A_321, %lt3A_324 : i32
      %and3A_326 = arith.andi %ge3A_323, %lt3A_325 : i1
      %convert_element_type3A_327 = arith.extui %and3A_326 : i1 to i32
      %cond3A_328 = arith.constant 0 : i32
      %cond3A_329 = arith.cmpi ne, %convert_element_type3A_327, %cond3A_328 : i32
      scf.if %cond3A_329 {
        %dma_wait3A_442 = arith.constant 3 : i32
        %dma_wait3A_443 = arith.constant 0 : i32
        %dma_wait3A_444 = tpu.memref_slice %arg6[%dma_wait3A_442, %dma_wait3A_443] : memref<8x125xi32, #tpu.memory_space<vmem>> -> memref<1x125xi32, #tpu.memory_space<vmem>>
        %dma_wait3A_445 = tpu.memref_squeeze %dma_wait3A_444 : memref<1x125xi32, #tpu.memory_space<vmem>> -> memref<125xi32, #tpu.memory_space<vmem>>
        %dma_wait3A_446 = arith.constant 0 : i32
        %dma_wait3A_447 = arith.constant 0 : i32
        %dma_wait3A_448 = tpu.memref_slice %arg10[%dma_wait3A_446, %dma_wait3A_447] : memref<10000x128xf32, #tpu.memory_space<vmem_shared>> -> memref<10000x128xf32, #tpu.memory_space<vmem_shared>>
        tpu.wait_indirect_dma semaphore(%arg18 : memref<!tpu.dma_semaphore, #tpu.memory_space<semaphore_mem>>) src(%arg7 : memref<125x128xf32, #tpu.memory_space<vmem>>) dst(%dma_wait3A_448 : memref<10000x128xf32, #tpu.memory_space<vmem_shared>>)
      } else {
      }
      %add3A_330 = arith.constant 2 : i32
      %add3A_331 = arith.addi %add3A_321, %add3A_330 : i32
      %lt3A_332 = arith.constant 80 : i32
      %lt3A_333 = arith.cmpi slt, %add3A_331, %lt3A_332 : i32
      %convert_element_type3A_334 = arith.extui %lt3A_333 : i1 to i32
      %cond3A_335 = arith.constant 0 : i32
      %cond3A_336 = arith.cmpi ne, %convert_element_type3A_334, %cond3A_335 : i32
      scf.if %cond3A_336 {
        %add3A_442 = arith.constant 2 : i32
        %add3A_443 = arith.addi %add3A_321, %add3A_442 : i32
        %add3A_444 = arith.addi %mul3A_2, %add3A_443 : i32
        %dma_start3A_445 = arith.constant 4 : i32
        %dma_start3A_446 = arith.constant 0 : i32
        %dma_start3A_447 = tpu.memref_slice %arg6[%dma_start3A_445, %dma_start3A_446] : memref<8x125xi32, #tpu.memory_space<vmem>> -> memref<2x125xi32, #tpu.memory_space<vmem>>
        %dma_start3A_448 = arith.constant 0 : i32
        %dma_start3A_449 = arith.constant 0 : i32
        %dma_start3A_450 = tpu.memref_slice %arg3[%add3A_444, %dma_start3A_448, %dma_start3A_449] : memref<2560x2x125xi32, #tpu.memory_space<hbm>> -> memref<1x2x125xi32, #tpu.memory_space<hbm>>
        %dma_start3A_451 = tpu.memref_squeeze %dma_start3A_450 : memref<1x2x125xi32, #tpu.memory_space<hbm>> -> memref<2x125xi32, #tpu.memory_space<hbm>>
        %dma_start3A_452 = arith.constant 4 : i32
        %dma_start3A_453 = arith.constant 0 : i32
        %dma_start3A_454 = tpu.memref_slice %arg6[%dma_start3A_452, %dma_start3A_453] : memref<8x125xi32, #tpu.memory_space<vmem>> -> memref<2x125xi32, #tpu.memory_space<vmem>>
        %dma_start3A_455 = arith.constant 0 : i32
        %dma_start3A_456 = arith.constant 0 : i32
        %dma_start3A_457 = tpu.memref_slice %arg3[%add3A_444, %dma_start3A_455, %dma_start3A_456] : memref<2560x2x125xi32, #tpu.memory_space<hbm>> -> memref<1x2x125xi32, #tpu.memory_space<hbm>>
        %dma_start3A_458 = tpu.memref_squeeze %dma_start3A_457 : memref<1x2x125xi32, #tpu.memory_space<hbm>> -> memref<2x125xi32, #tpu.memory_space<hbm>>
        tpu.enqueue_dma source(%dma_start3A_458 : memref<2x125xi32, #tpu.memory_space<hbm>>) target(%dma_start3A_454 : memref<2x125xi32, #tpu.memory_space<vmem>>) target_semaphore(%arg13 : memref<!tpu.dma_semaphore, #tpu.memory_space<semaphore_mem>>)
      } else {
      }
      %add3A_337 = arith.constant 1 : i32
      %add3A_338 = arith.addi %add3A_321, %add3A_337 : i32
      %lt3A_339 = arith.constant 80 : i32
      %lt3A_340 = arith.cmpi slt, %add3A_338, %lt3A_339 : i32
      %convert_element_type3A_341 = arith.extui %lt3A_340 : i1 to i32
      %cond3A_342 = arith.constant 0 : i32
      %cond3A_343 = arith.cmpi ne, %convert_element_type3A_341, %cond3A_342 : i32
      scf.if %cond3A_343 {
        %add3A_442 = arith.constant 1 : i32
        %add3A_443 = arith.addi %add3A_321, %add3A_442 : i32
        %add3A_444 = arith.addi %mul3A_2, %add3A_443 : i32
        %dma_wait3A_445 = arith.constant 2 : i32
        %dma_wait3A_446 = arith.constant 0 : i32
        %dma_wait3A_447 = tpu.memref_slice %arg6[%dma_wait3A_445, %dma_wait3A_446] : memref<8x125xi32, #tpu.memory_space<vmem>> -> memref<2x125xi32, #tpu.memory_space<vmem>>
        %dma_wait3A_448 = arith.constant 0 : i32
        %dma_wait3A_449 = arith.constant 0 : i32
        %dma_wait3A_450 = tpu.memref_slice %arg3[%add3A_444, %dma_wait3A_448, %dma_wait3A_449] : memref<2560x2x125xi32, #tpu.memory_space<hbm>> -> memref<1x2x125xi32, #tpu.memory_space<hbm>>
        %dma_wait3A_451 = tpu.memref_squeeze %dma_wait3A_450 : memref<1x2x125xi32, #tpu.memory_space<hbm>> -> memref<2x125xi32, #tpu.memory_space<hbm>>
        %dma_wait3A_452 = arith.constant 2 : i32
        %dma_wait3A_453 = arith.constant 0 : i32
        %dma_wait3A_454 = tpu.memref_slice %arg6[%dma_wait3A_452, %dma_wait3A_453] : memref<8x125xi32, #tpu.memory_space<vmem>> -> memref<2x125xi32, #tpu.memory_space<vmem>>
        %dma_wait3A_455 = arith.constant 0 : i32
        %dma_wait3A_456 = arith.constant 0 : i32
        %dma_wait3A_457 = tpu.memref_slice %arg3[%add3A_444, %dma_wait3A_455, %dma_wait3A_456] : memref<2560x2x125xi32, #tpu.memory_space<hbm>> -> memref<1x2x125xi32, #tpu.memory_space<hbm>>
        %dma_wait3A_458 = tpu.memref_squeeze %dma_wait3A_457 : memref<1x2x125xi32, #tpu.memory_space<hbm>> -> memref<2x125xi32, #tpu.memory_space<hbm>>
        tpu.wait_dma2 semaphore(%arg12 : memref<!tpu.dma_semaphore, #tpu.memory_space<semaphore_mem>>) src(%dma_wait3A_458 : memref<2x125xi32, #tpu.memory_space<hbm>>) dst(%dma_wait3A_454 : memref<2x125xi32, #tpu.memory_space<vmem>>)
        %dma_start3A_459 = arith.constant 2 : i32
        %dma_start3A_460 = arith.constant 0 : i32
        %dma_start3A_461 = tpu.memref_slice %arg6[%dma_start3A_459, %dma_start3A_460] : memref<8x125xi32, #tpu.memory_space<vmem>> -> memref<1x125xi32, #tpu.memory_space<vmem>>
        %dma_start3A_462 = tpu.memref_squeeze %dma_start3A_461 : memref<1x125xi32, #tpu.memory_space<vmem>> -> memref<125xi32, #tpu.memory_space<vmem>>
        %dma_start3A_463 = arith.constant 0 : i32
        %dma_start3A_464 = arith.constant 0 : i32
        %dma_start3A_465 = tpu.memref_slice %arg2[%dma_start3A_463, %dma_start3A_464] : memref<10000x128xf32, #tpu.memory_space<hbm>> -> memref<10000x128xf32, #tpu.memory_space<hbm>>
        tpu.enqueue_indirect_dma source(%dma_start3A_465 : memref<10000x128xf32, #tpu.memory_space<hbm>>) target(%arg7 : memref<125x128xf32, #tpu.memory_space<vmem>>) offsets(%dma_start3A_462 : memref<125xi32, #tpu.memory_space<vmem>>) semaphore(%arg15 : memref<!tpu.dma_semaphore, #tpu.memory_space<semaphore_mem>>)
      } else {
      }
      %lt3A_344 = arith.constant 80 : i32
      %lt3A_345 = arith.cmpi slt, %add3A_321, %lt3A_344 : i32
      %convert_element_type3A_346 = arith.extui %lt3A_345 : i1 to i32
      %cond3A_347 = arith.constant 0 : i32
      %cond3A_348 = arith.cmpi ne, %convert_element_type3A_346, %cond3A_347 : i32
      scf.if %cond3A_348 {
        %dma_wait3A_442 = arith.constant 0 : i32
        %dma_wait3A_443 = arith.constant 0 : i32
        %dma_wait3A_444 = tpu.memref_slice %arg6[%dma_wait3A_442, %dma_wait3A_443] : memref<8x125xi32, #tpu.memory_space<vmem>> -> memref<1x125xi32, #tpu.memory_space<vmem>>
        %dma_wait3A_445 = tpu.memref_squeeze %dma_wait3A_444 : memref<1x125xi32, #tpu.memory_space<vmem>> -> memref<125xi32, #tpu.memory_space<vmem>>
        %dma_wait3A_446 = arith.constant 0 : i32
        %dma_wait3A_447 = arith.constant 0 : i32
        %dma_wait3A_448 = tpu.memref_slice %arg2[%dma_wait3A_446, %dma_wait3A_447] : memref<10000x128xf32, #tpu.memory_space<hbm>> -> memref<10000x128xf32, #tpu.memory_space<hbm>>
        tpu.wait_indirect_dma semaphore(%arg17 : memref<!tpu.dma_semaphore, #tpu.memory_space<semaphore_mem>>) src(%dma_wait3A_448 : memref<10000x128xf32, #tpu.memory_space<hbm>>) dst(%arg9 : memref<125x128xf32, #tpu.memory_space<vmem>>)
        %dma_start3A_449 = arith.constant 1 : i32
        %dma_start3A_450 = arith.constant 0 : i32
        %dma_start3A_451 = tpu.memref_slice %arg6[%dma_start3A_449, %dma_start3A_450] : memref<8x125xi32, #tpu.memory_space<vmem>> -> memref<1x125xi32, #tpu.memory_space<vmem>>
        %dma_start3A_452 = tpu.memref_squeeze %dma_start3A_451 : memref<1x125xi32, #tpu.memory_space<vmem>> -> memref<125xi32, #tpu.memory_space<vmem>>
        %dma_start3A_453 = arith.constant 0 : i32
        %dma_start3A_454 = arith.constant 0 : i32
        %dma_start3A_455 = tpu.memref_slice %arg10[%dma_start3A_453, %dma_start3A_454] : memref<10000x128xf32, #tpu.memory_space<vmem_shared>> -> memref<10000x128xf32, #tpu.memory_space<vmem_shared>>
        tpu.enqueue_indirect_dma source(%arg9 : memref<125x128xf32, #tpu.memory_space<vmem>>) target(%dma_start3A_455 : memref<10000x128xf32, #tpu.memory_space<vmem_shared>>) offsets(%dma_start3A_452 : memref<125xi32, #tpu.memory_space<vmem>>) semaphore(%arg20 : memref<!tpu.dma_semaphore, #tpu.memory_space<semaphore_mem>>) {add = true}
      } else {
      }
      %mul3A_349 = arith.constant 12 : i32
      %mul3A_350 = arith.muli %scan3A_74, %mul3A_349 : i32
      %add3A_351 = arith.constant 9 : i32
      %add3A_352 = arith.addi %mul3A_350, %add3A_351 : i32
      %ge3A_353 = arith.constant 2 : i32
      %ge3A_354 = arith.cmpi sge, %add3A_352, %ge3A_353 : i32
      %lt3A_355 = arith.constant 82 : i32
      %lt3A_356 = arith.cmpi slt, %add3A_352, %lt3A_355 : i32
      %and3A_357 = arith.andi %ge3A_354, %lt3A_356 : i1
      %convert_element_type3A_358 = arith.extui %and3A_357 : i1 to i32
      %cond3A_359 = arith.constant 0 : i32
      %cond3A_360 = arith.cmpi ne, %convert_element_type3A_358, %cond3A_359 : i32
      scf.if %cond3A_360 {
        %dma_wait3A_442 = arith.constant 5 : i32
        %dma_wait3A_443 = arith.constant 0 : i32
        %dma_wait3A_444 = tpu.memref_slice %arg6[%dma_wait3A_442, %dma_wait3A_443] : memref<8x125xi32, #tpu.memory_space<vmem>> -> memref<1x125xi32, #tpu.memory_space<vmem>>
        %dma_wait3A_445 = tpu.memref_squeeze %dma_wait3A_444 : memref<1x125xi32, #tpu.memory_space<vmem>> -> memref<125xi32, #tpu.memory_space<vmem>>
        %dma_wait3A_446 = arith.constant 0 : i32
        %dma_wait3A_447 = arith.constant 0 : i32
        %dma_wait3A_448 = tpu.memref_slice %arg10[%dma_wait3A_446, %dma_wait3A_447] : memref<10000x128xf32, #tpu.memory_space<vmem_shared>> -> memref<10000x128xf32, #tpu.memory_space<vmem_shared>>
        tpu.wait_indirect_dma semaphore(%arg19 : memref<!tpu.dma_semaphore, #tpu.memory_space<semaphore_mem>>) src(%arg8 : memref<125x128xf32, #tpu.memory_space<vmem>>) dst(%dma_wait3A_448 : memref<10000x128xf32, #tpu.memory_space<vmem_shared>>)
      } else {
      }
      %add3A_361 = arith.constant 2 : i32
      %add3A_362 = arith.addi %add3A_352, %add3A_361 : i32
      %lt3A_363 = arith.constant 80 : i32
      %lt3A_364 = arith.cmpi slt, %add3A_362, %lt3A_363 : i32
      %convert_element_type3A_365 = arith.extui %lt3A_364 : i1 to i32
      %cond3A_366 = arith.constant 0 : i32
      %cond3A_367 = arith.cmpi ne, %convert_element_type3A_365, %cond3A_366 : i32
      scf.if %cond3A_367 {
        %add3A_442 = arith.constant 2 : i32
        %add3A_443 = arith.addi %add3A_352, %add3A_442 : i32
        %add3A_444 = arith.addi %mul3A_2, %add3A_443 : i32
        %dma_start3A_445 = arith.constant 6 : i32
        %dma_start3A_446 = arith.constant 0 : i32
        %dma_start3A_447 = tpu.memref_slice %arg6[%dma_start3A_445, %dma_start3A_446] : memref<8x125xi32, #tpu.memory_space<vmem>> -> memref<2x125xi32, #tpu.memory_space<vmem>>
        %dma_start3A_448 = arith.constant 0 : i32
        %dma_start3A_449 = arith.constant 0 : i32
        %dma_start3A_450 = tpu.memref_slice %arg3[%add3A_444, %dma_start3A_448, %dma_start3A_449] : memref<2560x2x125xi32, #tpu.memory_space<hbm>> -> memref<1x2x125xi32, #tpu.memory_space<hbm>>
        %dma_start3A_451 = tpu.memref_squeeze %dma_start3A_450 : memref<1x2x125xi32, #tpu.memory_space<hbm>> -> memref<2x125xi32, #tpu.memory_space<hbm>>
        %dma_start3A_452 = arith.constant 6 : i32
        %dma_start3A_453 = arith.constant 0 : i32
        %dma_start3A_454 = tpu.memref_slice %arg6[%dma_start3A_452, %dma_start3A_453] : memref<8x125xi32, #tpu.memory_space<vmem>> -> memref<2x125xi32, #tpu.memory_space<vmem>>
        %dma_start3A_455 = arith.constant 0 : i32
        %dma_start3A_456 = arith.constant 0 : i32
        %dma_start3A_457 = tpu.memref_slice %arg3[%add3A_444, %dma_start3A_455, %dma_start3A_456] : memref<2560x2x125xi32, #tpu.memory_space<hbm>> -> memref<1x2x125xi32, #tpu.memory_space<hbm>>
        %dma_start3A_458 = tpu.memref_squeeze %dma_start3A_457 : memref<1x2x125xi32, #tpu.memory_space<hbm>> -> memref<2x125xi32, #tpu.memory_space<hbm>>
        tpu.enqueue_dma source(%dma_start3A_458 : memref<2x125xi32, #tpu.memory_space<hbm>>) target(%dma_start3A_454 : memref<2x125xi32, #tpu.memory_space<vmem>>) target_semaphore(%arg14 : memref<!tpu.dma_semaphore, #tpu.memory_space<semaphore_mem>>)
      } else {
      }
      %add3A_368 = arith.constant 1 : i32
      %add3A_369 = arith.addi %add3A_352, %add3A_368 : i32
      %lt3A_370 = arith.constant 80 : i32
      %lt3A_371 = arith.cmpi slt, %add3A_369, %lt3A_370 : i32
      %convert_element_type3A_372 = arith.extui %lt3A_371 : i1 to i32
      %cond3A_373 = arith.constant 0 : i32
      %cond3A_374 = arith.cmpi ne, %convert_element_type3A_372, %cond3A_373 : i32
      scf.if %cond3A_374 {
        %add3A_442 = arith.constant 1 : i32
        %add3A_443 = arith.addi %add3A_352, %add3A_442 : i32
        %add3A_444 = arith.addi %mul3A_2, %add3A_443 : i32
        %dma_wait3A_445 = arith.constant 4 : i32
        %dma_wait3A_446 = arith.constant 0 : i32
        %dma_wait3A_447 = tpu.memref_slice %arg6[%dma_wait3A_445, %dma_wait3A_446] : memref<8x125xi32, #tpu.memory_space<vmem>> -> memref<2x125xi32, #tpu.memory_space<vmem>>
        %dma_wait3A_448 = arith.constant 0 : i32
        %dma_wait3A_449 = arith.constant 0 : i32
        %dma_wait3A_450 = tpu.memref_slice %arg3[%add3A_444, %dma_wait3A_448, %dma_wait3A_449] : memref<2560x2x125xi32, #tpu.memory_space<hbm>> -> memref<1x2x125xi32, #tpu.memory_space<hbm>>
        %dma_wait3A_451 = tpu.memref_squeeze %dma_wait3A_450 : memref<1x2x125xi32, #tpu.memory_space<hbm>> -> memref<2x125xi32, #tpu.memory_space<hbm>>
        %dma_wait3A_452 = arith.constant 4 : i32
        %dma_wait3A_453 = arith.constant 0 : i32
        %dma_wait3A_454 = tpu.memref_slice %arg6[%dma_wait3A_452, %dma_wait3A_453] : memref<8x125xi32, #tpu.memory_space<vmem>> -> memref<2x125xi32, #tpu.memory_space<vmem>>
        %dma_wait3A_455 = arith.constant 0 : i32
        %dma_wait3A_456 = arith.constant 0 : i32
        %dma_wait3A_457 = tpu.memref_slice %arg3[%add3A_444, %dma_wait3A_455, %dma_wait3A_456] : memref<2560x2x125xi32, #tpu.memory_space<hbm>> -> memref<1x2x125xi32, #tpu.memory_space<hbm>>
        %dma_wait3A_458 = tpu.memref_squeeze %dma_wait3A_457 : memref<1x2x125xi32, #tpu.memory_space<hbm>> -> memref<2x125xi32, #tpu.memory_space<hbm>>
        tpu.wait_dma2 semaphore(%arg13 : memref<!tpu.dma_semaphore, #tpu.memory_space<semaphore_mem>>) src(%dma_wait3A_458 : memref<2x125xi32, #tpu.memory_space<hbm>>) dst(%dma_wait3A_454 : memref<2x125xi32, #tpu.memory_space<vmem>>)
        %dma_start3A_459 = arith.constant 4 : i32
        %dma_start3A_460 = arith.constant 0 : i32
        %dma_start3A_461 = tpu.memref_slice %arg6[%dma_start3A_459, %dma_start3A_460] : memref<8x125xi32, #tpu.memory_space<vmem>> -> memref<1x125xi32, #tpu.memory_space<vmem>>
        %dma_start3A_462 = tpu.memref_squeeze %dma_start3A_461 : memref<1x125xi32, #tpu.memory_space<vmem>> -> memref<125xi32, #tpu.memory_space<vmem>>
        %dma_start3A_463 = arith.constant 0 : i32
        %dma_start3A_464 = arith.constant 0 : i32
        %dma_start3A_465 = tpu.memref_slice %arg2[%dma_start3A_463, %dma_start3A_464] : memref<10000x128xf32, #tpu.memory_space<hbm>> -> memref<10000x128xf32, #tpu.memory_space<hbm>>
        tpu.enqueue_indirect_dma source(%dma_start3A_465 : memref<10000x128xf32, #tpu.memory_space<hbm>>) target(%arg8 : memref<125x128xf32, #tpu.memory_space<vmem>>) offsets(%dma_start3A_462 : memref<125xi32, #tpu.memory_space<vmem>>) semaphore(%arg16 : memref<!tpu.dma_semaphore, #tpu.memory_space<semaphore_mem>>)
      } else {
      }
      %lt3A_375 = arith.constant 80 : i32
      %lt3A_376 = arith.cmpi slt, %add3A_352, %lt3A_375 : i32
      %convert_element_type3A_377 = arith.extui %lt3A_376 : i1 to i32
      %cond3A_378 = arith.constant 0 : i32
      %cond3A_379 = arith.cmpi ne, %convert_element_type3A_377, %cond3A_378 : i32
      scf.if %cond3A_379 {
        %dma_wait3A_442 = arith.constant 2 : i32
        %dma_wait3A_443 = arith.constant 0 : i32
        %dma_wait3A_444 = tpu.memref_slice %arg6[%dma_wait3A_442, %dma_wait3A_443] : memref<8x125xi32, #tpu.memory_space<vmem>> -> memref<1x125xi32, #tpu.memory_space<vmem>>
        %dma_wait3A_445 = tpu.memref_squeeze %dma_wait3A_444 : memref<1x125xi32, #tpu.memory_space<vmem>> -> memref<125xi32, #tpu.memory_space<vmem>>
        %dma_wait3A_446 = arith.constant 0 : i32
        %dma_wait3A_447 = arith.constant 0 : i32
        %dma_wait3A_448 = tpu.memref_slice %arg2[%dma_wait3A_446, %dma_wait3A_447] : memref<10000x128xf32, #tpu.memory_space<hbm>> -> memref<10000x128xf32, #tpu.memory_space<hbm>>
        tpu.wait_indirect_dma semaphore(%arg15 : memref<!tpu.dma_semaphore, #tpu.memory_space<semaphore_mem>>) src(%dma_wait3A_448 : memref<10000x128xf32, #tpu.memory_space<hbm>>) dst(%arg7 : memref<125x128xf32, #tpu.memory_space<vmem>>)
        %dma_start3A_449 = arith.constant 3 : i32
        %dma_start3A_450 = arith.constant 0 : i32
        %dma_start3A_451 = tpu.memref_slice %arg6[%dma_start3A_449, %dma_start3A_450] : memref<8x125xi32, #tpu.memory_space<vmem>> -> memref<1x125xi32, #tpu.memory_space<vmem>>
        %dma_start3A_452 = tpu.memref_squeeze %dma_start3A_451 : memref<1x125xi32, #tpu.memory_space<vmem>> -> memref<125xi32, #tpu.memory_space<vmem>>
        %dma_start3A_453 = arith.constant 0 : i32
        %dma_start3A_454 = arith.constant 0 : i32
        %dma_start3A_455 = tpu.memref_slice %arg10[%dma_start3A_453, %dma_start3A_454] : memref<10000x128xf32, #tpu.memory_space<vmem_shared>> -> memref<10000x128xf32, #tpu.memory_space<vmem_shared>>
        tpu.enqueue_indirect_dma source(%arg7 : memref<125x128xf32, #tpu.memory_space<vmem>>) target(%dma_start3A_455 : memref<10000x128xf32, #tpu.memory_space<vmem_shared>>) offsets(%dma_start3A_452 : memref<125xi32, #tpu.memory_space<vmem>>) semaphore(%arg18 : memref<!tpu.dma_semaphore, #tpu.memory_space<semaphore_mem>>) {add = true}
      } else {
      }
      %mul3A_380 = arith.constant 12 : i32
      %mul3A_381 = arith.muli %scan3A_74, %mul3A_380 : i32
      %add3A_382 = arith.constant 10 : i32
      %add3A_383 = arith.addi %mul3A_381, %add3A_382 : i32
      %ge3A_384 = arith.constant 2 : i32
      %ge3A_385 = arith.cmpi sge, %add3A_383, %ge3A_384 : i32
      %lt3A_386 = arith.constant 82 : i32
      %lt3A_387 = arith.cmpi slt, %add3A_383, %lt3A_386 : i32
      %and3A_388 = arith.andi %ge3A_385, %lt3A_387 : i1
      %convert_element_type3A_389 = arith.extui %and3A_388 : i1 to i32
      %cond3A_390 = arith.constant 0 : i32
      %cond3A_391 = arith.cmpi ne, %convert_element_type3A_389, %cond3A_390 : i32
      scf.if %cond3A_391 {
        %dma_wait3A_442 = arith.constant 7 : i32
        %dma_wait3A_443 = arith.constant 0 : i32
        %dma_wait3A_444 = tpu.memref_slice %arg6[%dma_wait3A_442, %dma_wait3A_443] : memref<8x125xi32, #tpu.memory_space<vmem>> -> memref<1x125xi32, #tpu.memory_space<vmem>>
        %dma_wait3A_445 = tpu.memref_squeeze %dma_wait3A_444 : memref<1x125xi32, #tpu.memory_space<vmem>> -> memref<125xi32, #tpu.memory_space<vmem>>
        %dma_wait3A_446 = arith.constant 0 : i32
        %dma_wait3A_447 = arith.constant 0 : i32
        %dma_wait3A_448 = tpu.memref_slice %arg10[%dma_wait3A_446, %dma_wait3A_447] : memref<10000x128xf32, #tpu.memory_space<vmem_shared>> -> memref<10000x128xf32, #tpu.memory_space<vmem_shared>>
        tpu.wait_indirect_dma semaphore(%arg20 : memref<!tpu.dma_semaphore, #tpu.memory_space<semaphore_mem>>) src(%arg9 : memref<125x128xf32, #tpu.memory_space<vmem>>) dst(%dma_wait3A_448 : memref<10000x128xf32, #tpu.memory_space<vmem_shared>>)
      } else {
      }
      %add3A_392 = arith.constant 2 : i32
      %add3A_393 = arith.addi %add3A_383, %add3A_392 : i32
      %lt3A_394 = arith.constant 80 : i32
      %lt3A_395 = arith.cmpi slt, %add3A_393, %lt3A_394 : i32
      %convert_element_type3A_396 = arith.extui %lt3A_395 : i1 to i32
      %cond3A_397 = arith.constant 0 : i32
      %cond3A_398 = arith.cmpi ne, %convert_element_type3A_396, %cond3A_397 : i32
      scf.if %cond3A_398 {
        %add3A_442 = arith.constant 2 : i32
        %add3A_443 = arith.addi %add3A_383, %add3A_442 : i32
        %add3A_444 = arith.addi %mul3A_2, %add3A_443 : i32
        %dma_start3A_445 = arith.constant 0 : i32
        %dma_start3A_446 = arith.constant 0 : i32
        %dma_start3A_447 = tpu.memref_slice %arg6[%dma_start3A_445, %dma_start3A_446] : memref<8x125xi32, #tpu.memory_space<vmem>> -> memref<2x125xi32, #tpu.memory_space<vmem>>
        %dma_start3A_448 = arith.constant 0 : i32
        %dma_start3A_449 = arith.constant 0 : i32
        %dma_start3A_450 = tpu.memref_slice %arg3[%add3A_444, %dma_start3A_448, %dma_start3A_449] : memref<2560x2x125xi32, #tpu.memory_space<hbm>> -> memref<1x2x125xi32, #tpu.memory_space<hbm>>
        %dma_start3A_451 = tpu.memref_squeeze %dma_start3A_450 : memref<1x2x125xi32, #tpu.memory_space<hbm>> -> memref<2x125xi32, #tpu.memory_space<hbm>>
        %dma_start3A_452 = arith.constant 0 : i32
        %dma_start3A_453 = arith.constant 0 : i32
        %dma_start3A_454 = tpu.memref_slice %arg6[%dma_start3A_452, %dma_start3A_453] : memref<8x125xi32, #tpu.memory_space<vmem>> -> memref<2x125xi32, #tpu.memory_space<vmem>>
        %dma_start3A_455 = arith.constant 0 : i32
        %dma_start3A_456 = arith.constant 0 : i32
        %dma_start3A_457 = tpu.memref_slice %arg3[%add3A_444, %dma_start3A_455, %dma_start3A_456] : memref<2560x2x125xi32, #tpu.memory_space<hbm>> -> memref<1x2x125xi32, #tpu.memory_space<hbm>>
        %dma_start3A_458 = tpu.memref_squeeze %dma_start3A_457 : memref<1x2x125xi32, #tpu.memory_space<hbm>> -> memref<2x125xi32, #tpu.memory_space<hbm>>
        tpu.enqueue_dma source(%dma_start3A_458 : memref<2x125xi32, #tpu.memory_space<hbm>>) target(%dma_start3A_454 : memref<2x125xi32, #tpu.memory_space<vmem>>) target_semaphore(%arg11 : memref<!tpu.dma_semaphore, #tpu.memory_space<semaphore_mem>>)
      } else {
      }
      %add3A_399 = arith.constant 1 : i32
      %add3A_400 = arith.addi %add3A_383, %add3A_399 : i32
      %lt3A_401 = arith.constant 80 : i32
      %lt3A_402 = arith.cmpi slt, %add3A_400, %lt3A_401 : i32
      %convert_element_type3A_403 = arith.extui %lt3A_402 : i1 to i32
      %cond3A_404 = arith.constant 0 : i32
      %cond3A_405 = arith.cmpi ne, %convert_element_type3A_403, %cond3A_404 : i32
      scf.if %cond3A_405 {
        %add3A_442 = arith.constant 1 : i32
        %add3A_443 = arith.addi %add3A_383, %add3A_442 : i32
        %add3A_444 = arith.addi %mul3A_2, %add3A_443 : i32
        %dma_wait3A_445 = arith.constant 6 : i32
        %dma_wait3A_446 = arith.constant 0 : i32
        %dma_wait3A_447 = tpu.memref_slice %arg6[%dma_wait3A_445, %dma_wait3A_446] : memref<8x125xi32, #tpu.memory_space<vmem>> -> memref<2x125xi32, #tpu.memory_space<vmem>>
        %dma_wait3A_448 = arith.constant 0 : i32
        %dma_wait3A_449 = arith.constant 0 : i32
        %dma_wait3A_450 = tpu.memref_slice %arg3[%add3A_444, %dma_wait3A_448, %dma_wait3A_449] : memref<2560x2x125xi32, #tpu.memory_space<hbm>> -> memref<1x2x125xi32, #tpu.memory_space<hbm>>
        %dma_wait3A_451 = tpu.memref_squeeze %dma_wait3A_450 : memref<1x2x125xi32, #tpu.memory_space<hbm>> -> memref<2x125xi32, #tpu.memory_space<hbm>>
        %dma_wait3A_452 = arith.constant 6 : i32
        %dma_wait3A_453 = arith.constant 0 : i32
        %dma_wait3A_454 = tpu.memref_slice %arg6[%dma_wait3A_452, %dma_wait3A_453] : memref<8x125xi32, #tpu.memory_space<vmem>> -> memref<2x125xi32, #tpu.memory_space<vmem>>
        %dma_wait3A_455 = arith.constant 0 : i32
        %dma_wait3A_456 = arith.constant 0 : i32
        %dma_wait3A_457 = tpu.memref_slice %arg3[%add3A_444, %dma_wait3A_455, %dma_wait3A_456] : memref<2560x2x125xi32, #tpu.memory_space<hbm>> -> memref<1x2x125xi32, #tpu.memory_space<hbm>>
        %dma_wait3A_458 = tpu.memref_squeeze %dma_wait3A_457 : memref<1x2x125xi32, #tpu.memory_space<hbm>> -> memref<2x125xi32, #tpu.memory_space<hbm>>
        tpu.wait_dma2 semaphore(%arg14 : memref<!tpu.dma_semaphore, #tpu.memory_space<semaphore_mem>>) src(%dma_wait3A_458 : memref<2x125xi32, #tpu.memory_space<hbm>>) dst(%dma_wait3A_454 : memref<2x125xi32, #tpu.memory_space<vmem>>)
        %dma_start3A_459 = arith.constant 6 : i32
        %dma_start3A_460 = arith.constant 0 : i32
        %dma_start3A_461 = tpu.memref_slice %arg6[%dma_start3A_459, %dma_start3A_460] : memref<8x125xi32, #tpu.memory_space<vmem>> -> memref<1x125xi32, #tpu.memory_space<vmem>>
        %dma_start3A_462 = tpu.memref_squeeze %dma_start3A_461 : memref<1x125xi32, #tpu.memory_space<vmem>> -> memref<125xi32, #tpu.memory_space<vmem>>
        %dma_start3A_463 = arith.constant 0 : i32
        %dma_start3A_464 = arith.constant 0 : i32
        %dma_start3A_465 = tpu.memref_slice %arg2[%dma_start3A_463, %dma_start3A_464] : memref<10000x128xf32, #tpu.memory_space<hbm>> -> memref<10000x128xf32, #tpu.memory_space<hbm>>
        tpu.enqueue_indirect_dma source(%dma_start3A_465 : memref<10000x128xf32, #tpu.memory_space<hbm>>) target(%arg9 : memref<125x128xf32, #tpu.memory_space<vmem>>) offsets(%dma_start3A_462 : memref<125xi32, #tpu.memory_space<vmem>>) semaphore(%arg17 : memref<!tpu.dma_semaphore, #tpu.memory_space<semaphore_mem>>)
      } else {
      }
      %lt3A_406 = arith.constant 80 : i32
      %lt3A_407 = arith.cmpi slt, %add3A_383, %lt3A_406 : i32
      %convert_element_type3A_408 = arith.extui %lt3A_407 : i1 to i32
      %cond3A_409 = arith.constant 0 : i32
      %cond3A_410 = arith.cmpi ne, %convert_element_type3A_408, %cond3A_409 : i32
      scf.if %cond3A_410 {
        %dma_wait3A_442 = arith.constant 4 : i32
        %dma_wait3A_443 = arith.constant 0 : i32
        %dma_wait3A_444 = tpu.memref_slice %arg6[%dma_wait3A_442, %dma_wait3A_443] : memref<8x125xi32, #tpu.memory_space<vmem>> -> memref<1x125xi32, #tpu.memory_space<vmem>>
        %dma_wait3A_445 = tpu.memref_squeeze %dma_wait3A_444 : memref<1x125xi32, #tpu.memory_space<vmem>> -> memref<125xi32, #tpu.memory_space<vmem>>
        %dma_wait3A_446 = arith.constant 0 : i32
        %dma_wait3A_447 = arith.constant 0 : i32
        %dma_wait3A_448 = tpu.memref_slice %arg2[%dma_wait3A_446, %dma_wait3A_447] : memref<10000x128xf32, #tpu.memory_space<hbm>> -> memref<10000x128xf32, #tpu.memory_space<hbm>>
        tpu.wait_indirect_dma semaphore(%arg16 : memref<!tpu.dma_semaphore, #tpu.memory_space<semaphore_mem>>) src(%dma_wait3A_448 : memref<10000x128xf32, #tpu.memory_space<hbm>>) dst(%arg8 : memref<125x128xf32, #tpu.memory_space<vmem>>)
        %dma_start3A_449 = arith.constant 5 : i32
        %dma_start3A_450 = arith.constant 0 : i32
        %dma_start3A_451 = tpu.memref_slice %arg6[%dma_start3A_449, %dma_start3A_450] : memref<8x125xi32, #tpu.memory_space<vmem>> -> memref<1x125xi32, #tpu.memory_space<vmem>>
        %dma_start3A_452 = tpu.memref_squeeze %dma_start3A_451 : memref<1x125xi32, #tpu.memory_space<vmem>> -> memref<125xi32, #tpu.memory_space<vmem>>
        %dma_start3A_453 = arith.constant 0 : i32
        %dma_start3A_454 = arith.constant 0 : i32
        %dma_start3A_455 = tpu.memref_slice %arg10[%dma_start3A_453, %dma_start3A_454] : memref<10000x128xf32, #tpu.memory_space<vmem_shared>> -> memref<10000x128xf32, #tpu.memory_space<vmem_shared>>
        tpu.enqueue_indirect_dma source(%arg8 : memref<125x128xf32, #tpu.memory_space<vmem>>) target(%dma_start3A_455 : memref<10000x128xf32, #tpu.memory_space<vmem_shared>>) offsets(%dma_start3A_452 : memref<125xi32, #tpu.memory_space<vmem>>) semaphore(%arg19 : memref<!tpu.dma_semaphore, #tpu.memory_space<semaphore_mem>>) {add = true}
      } else {
      }
      %mul3A_411 = arith.constant 12 : i32
      %mul3A_412 = arith.muli %scan3A_74, %mul3A_411 : i32
      %add3A_413 = arith.constant 11 : i32
      %add3A_414 = arith.addi %mul3A_412, %add3A_413 : i32
      %ge3A_415 = arith.constant 2 : i32
      %ge3A_416 = arith.cmpi sge, %add3A_414, %ge3A_415 : i32
      %lt3A_417 = arith.constant 82 : i32
      %lt3A_418 = arith.cmpi slt, %add3A_414, %lt3A_417 : i32
      %and3A_419 = arith.andi %ge3A_416, %lt3A_418 : i1
      %convert_element_type3A_420 = arith.extui %and3A_419 : i1 to i32
      %cond3A_421 = arith.constant 0 : i32
      %cond3A_422 = arith.cmpi ne, %convert_element_type3A_420, %cond3A_421 : i32
      scf.if %cond3A_422 {
        %dma_wait3A_442 = arith.constant 1 : i32
        %dma_wait3A_443 = arith.constant 0 : i32
        %dma_wait3A_444 = tpu.memref_slice %arg6[%dma_wait3A_442, %dma_wait3A_443] : memref<8x125xi32, #tpu.memory_space<vmem>> -> memref<1x125xi32, #tpu.memory_space<vmem>>
        %dma_wait3A_445 = tpu.memref_squeeze %dma_wait3A_444 : memref<1x125xi32, #tpu.memory_space<vmem>> -> memref<125xi32, #tpu.memory_space<vmem>>
        %dma_wait3A_446 = arith.constant 0 : i32
        %dma_wait3A_447 = arith.constant 0 : i32
        %dma_wait3A_448 = tpu.memref_slice %arg10[%dma_wait3A_446, %dma_wait3A_447] : memref<10000x128xf32, #tpu.memory_space<vmem_shared>> -> memref<10000x128xf32, #tpu.memory_space<vmem_shared>>
        tpu.wait_indirect_dma semaphore(%arg18 : memref<!tpu.dma_semaphore, #tpu.memory_space<semaphore_mem>>) src(%arg7 : memref<125x128xf32, #tpu.memory_space<vmem>>) dst(%dma_wait3A_448 : memref<10000x128xf32, #tpu.memory_space<vmem_shared>>)
      } else {
      }
      %add3A_423 = arith.constant 2 : i32
      %add3A_424 = arith.addi %add3A_414, %add3A_423 : i32
      %lt3A_425 = arith.constant 80 : i32
      %lt3A_426 = arith.cmpi slt, %add3A_424, %lt3A_425 : i32
      %convert_element_type3A_427 = arith.extui %lt3A_426 : i1 to i32
      %cond3A_428 = arith.constant 0 : i32
      %cond3A_429 = arith.cmpi ne, %convert_element_type3A_427, %cond3A_428 : i32
      scf.if %cond3A_429 {
        %add3A_442 = arith.constant 2 : i32
        %add3A_443 = arith.addi %add3A_414, %add3A_442 : i32
        %add3A_444 = arith.addi %mul3A_2, %add3A_443 : i32
        %dma_start3A_445 = arith.constant 2 : i32
        %dma_start3A_446 = arith.constant 0 : i32
        %dma_start3A_447 = tpu.memref_slice %arg6[%dma_start3A_445, %dma_start3A_446] : memref<8x125xi32, #tpu.memory_space<vmem>> -> memref<2x125xi32, #tpu.memory_space<vmem>>
        %dma_start3A_448 = arith.constant 0 : i32
        %dma_start3A_449 = arith.constant 0 : i32
        %dma_start3A_450 = tpu.memref_slice %arg3[%add3A_444, %dma_start3A_448, %dma_start3A_449] : memref<2560x2x125xi32, #tpu.memory_space<hbm>> -> memref<1x2x125xi32, #tpu.memory_space<hbm>>
        %dma_start3A_451 = tpu.memref_squeeze %dma_start3A_450 : memref<1x2x125xi32, #tpu.memory_space<hbm>> -> memref<2x125xi32, #tpu.memory_space<hbm>>
        %dma_start3A_452 = arith.constant 2 : i32
        %dma_start3A_453 = arith.constant 0 : i32
        %dma_start3A_454 = tpu.memref_slice %arg6[%dma_start3A_452, %dma_start3A_453] : memref<8x125xi32, #tpu.memory_space<vmem>> -> memref<2x125xi32, #tpu.memory_space<vmem>>
        %dma_start3A_455 = arith.constant 0 : i32
        %dma_start3A_456 = arith.constant 0 : i32
        %dma_start3A_457 = tpu.memref_slice %arg3[%add3A_444, %dma_start3A_455, %dma_start3A_456] : memref<2560x2x125xi32, #tpu.memory_space<hbm>> -> memref<1x2x125xi32, #tpu.memory_space<hbm>>
        %dma_start3A_458 = tpu.memref_squeeze %dma_start3A_457 : memref<1x2x125xi32, #tpu.memory_space<hbm>> -> memref<2x125xi32, #tpu.memory_space<hbm>>
        tpu.enqueue_dma source(%dma_start3A_458 : memref<2x125xi32, #tpu.memory_space<hbm>>) target(%dma_start3A_454 : memref<2x125xi32, #tpu.memory_space<vmem>>) target_semaphore(%arg12 : memref<!tpu.dma_semaphore, #tpu.memory_space<semaphore_mem>>)
      } else {
      }
      %add3A_430 = arith.constant 1 : i32
      %add3A_431 = arith.addi %add3A_414, %add3A_430 : i32
      %lt3A_432 = arith.constant 80 : i32
      %lt3A_433 = arith.cmpi slt, %add3A_431, %lt3A_432 : i32
      %convert_element_type3A_434 = arith.extui %lt3A_433 : i1 to i32
      %cond3A_435 = arith.constant 0 : i32
      %cond3A_436 = arith.cmpi ne, %convert_element_type3A_434, %cond3A_435 : i32
      scf.if %cond3A_436 {
        %add3A_442 = arith.constant 1 : i32
        %add3A_443 = arith.addi %add3A_414, %add3A_442 : i32
        %add3A_444 = arith.addi %mul3A_2, %add3A_443 : i32
        %dma_wait3A_445 = arith.constant 0 : i32
        %dma_wait3A_446 = arith.constant 0 : i32
        %dma_wait3A_447 = tpu.memref_slice %arg6[%dma_wait3A_445, %dma_wait3A_446] : memref<8x125xi32, #tpu.memory_space<vmem>> -> memref<2x125xi32, #tpu.memory_space<vmem>>
        %dma_wait3A_448 = arith.constant 0 : i32
        %dma_wait3A_449 = arith.constant 0 : i32
        %dma_wait3A_450 = tpu.memref_slice %arg3[%add3A_444, %dma_wait3A_448, %dma_wait3A_449] : memref<2560x2x125xi32, #tpu.memory_space<hbm>> -> memref<1x2x125xi32, #tpu.memory_space<hbm>>
        %dma_wait3A_451 = tpu.memref_squeeze %dma_wait3A_450 : memref<1x2x125xi32, #tpu.memory_space<hbm>> -> memref<2x125xi32, #tpu.memory_space<hbm>>
        %dma_wait3A_452 = arith.constant 0 : i32
        %dma_wait3A_453 = arith.constant 0 : i32
        %dma_wait3A_454 = tpu.memref_slice %arg6[%dma_wait3A_452, %dma_wait3A_453] : memref<8x125xi32, #tpu.memory_space<vmem>> -> memref<2x125xi32, #tpu.memory_space<vmem>>
        %dma_wait3A_455 = arith.constant 0 : i32
        %dma_wait3A_456 = arith.constant 0 : i32
        %dma_wait3A_457 = tpu.memref_slice %arg3[%add3A_444, %dma_wait3A_455, %dma_wait3A_456] : memref<2560x2x125xi32, #tpu.memory_space<hbm>> -> memref<1x2x125xi32, #tpu.memory_space<hbm>>
        %dma_wait3A_458 = tpu.memref_squeeze %dma_wait3A_457 : memref<1x2x125xi32, #tpu.memory_space<hbm>> -> memref<2x125xi32, #tpu.memory_space<hbm>>
        tpu.wait_dma2 semaphore(%arg11 : memref<!tpu.dma_semaphore, #tpu.memory_space<semaphore_mem>>) src(%dma_wait3A_458 : memref<2x125xi32, #tpu.memory_space<hbm>>) dst(%dma_wait3A_454 : memref<2x125xi32, #tpu.memory_space<vmem>>)
        %dma_start3A_459 = arith.constant 0 : i32
        %dma_start3A_460 = arith.constant 0 : i32
        %dma_start3A_461 = tpu.memref_slice %arg6[%dma_start3A_459, %dma_start3A_460] : memref<8x125xi32, #tpu.memory_space<vmem>> -> memref<1x125xi32, #tpu.memory_space<vmem>>
        %dma_start3A_462 = tpu.memref_squeeze %dma_start3A_461 : memref<1x125xi32, #tpu.memory_space<vmem>> -> memref<125xi32, #tpu.memory_space<vmem>>
        %dma_start3A_463 = arith.constant 0 : i32
        %dma_start3A_464 = arith.constant 0 : i32
        %dma_start3A_465 = tpu.memref_slice %arg2[%dma_start3A_463, %dma_start3A_464] : memref<10000x128xf32, #tpu.memory_space<hbm>> -> memref<10000x128xf32, #tpu.memory_space<hbm>>
        tpu.enqueue_indirect_dma source(%dma_start3A_465 : memref<10000x128xf32, #tpu.memory_space<hbm>>) target(%arg7 : memref<125x128xf32, #tpu.memory_space<vmem>>) offsets(%dma_start3A_462 : memref<125xi32, #tpu.memory_space<vmem>>) semaphore(%arg15 : memref<!tpu.dma_semaphore, #tpu.memory_space<semaphore_mem>>)
      } else {
      }
      %lt3A_437 = arith.constant 80 : i32
      %lt3A_438 = arith.cmpi slt, %add3A_414, %lt3A_437 : i32
      %convert_element_type3A_439 = arith.extui %lt3A_438 : i1 to i32
      %cond3A_440 = arith.constant 0 : i32
      %cond3A_441 = arith.cmpi ne, %convert_element_type3A_439, %cond3A_440 : i32
      scf.if %cond3A_441 {
        %dma_wait3A_442 = arith.constant 6 : i32
        %dma_wait3A_443 = arith.constant 0 : i32
        %dma_wait3A_444 = tpu.memref_slice %arg6[%dma_wait3A_442, %dma_wait3A_443] : memref<8x125xi32, #tpu.memory_space<vmem>> -> memref<1x125xi32, #tpu.memory_space<vmem>>
        %dma_wait3A_445 = tpu.memref_squeeze %dma_wait3A_444 : memref<1x125xi32, #tpu.memory_space<vmem>> -> memref<125xi32, #tpu.memory_space<vmem>>
        %dma_wait3A_446 = arith.constant 0 : i32
        %dma_wait3A_447 = arith.constant 0 : i32
        %dma_wait3A_448 = tpu.memref_slice %arg2[%dma_wait3A_446, %dma_wait3A_447] : memref<10000x128xf32, #tpu.memory_space<hbm>> -> memref<10000x128xf32, #tpu.memory_space<hbm>>
        tpu.wait_indirect_dma semaphore(%arg17 : memref<!tpu.dma_semaphore, #tpu.memory_space<semaphore_mem>>) src(%dma_wait3A_448 : memref<10000x128xf32, #tpu.memory_space<hbm>>) dst(%arg9 : memref<125x128xf32, #tpu.memory_space<vmem>>)
        %dma_start3A_449 = arith.constant 7 : i32
        %dma_start3A_450 = arith.constant 0 : i32
        %dma_start3A_451 = tpu.memref_slice %arg6[%dma_start3A_449, %dma_start3A_450] : memref<8x125xi32, #tpu.memory_space<vmem>> -> memref<1x125xi32, #tpu.memory_space<vmem>>
        %dma_start3A_452 = tpu.memref_squeeze %dma_start3A_451 : memref<1x125xi32, #tpu.memory_space<vmem>> -> memref<125xi32, #tpu.memory_space<vmem>>
        %dma_start3A_453 = arith.constant 0 : i32
        %dma_start3A_454 = arith.constant 0 : i32
        %dma_start3A_455 = tpu.memref_slice %arg10[%dma_start3A_453, %dma_start3A_454] : memref<10000x128xf32, #tpu.memory_space<vmem_shared>> -> memref<10000x128xf32, #tpu.memory_space<vmem_shared>>
        tpu.enqueue_indirect_dma source(%arg9 : memref<125x128xf32, #tpu.memory_space<vmem>>) target(%dma_start3A_455 : memref<10000x128xf32, #tpu.memory_space<vmem_shared>>) offsets(%dma_start3A_452 : memref<125xi32, #tpu.memory_space<vmem>>) semaphore(%arg20 : memref<!tpu.dma_semaphore, #tpu.memory_space<semaphore_mem>>) {add = true}
      } else {
      }
    }
    %scan3A_66 = arith.constant 7 : i32
    %barrier3A_67 = arith.constant 0 : index
    tpu.barrier barrier_id(%barrier3A_67)
    %scan3A_68 = arith.constant 0 : i32
    %scan3A_69 = arith.constant 0 : i32
    %scan3A_70 = arith.constant 8 : i32
    %scan3A_71 = arith.addi %scan3A_69, %scan3A_70 : i32
    %scan3A_72 = arith.constant 1 : i32
    scf.for %scan3A_74 = %scan3A_69 to %scan3A_71 step %scan3A_72  : i32 {
      %mul3A_75 = arith.constant 16 : i32
      %mul3A_76 = arith.muli %scan3A_74, %mul3A_75 : i32
      %add3A_77 = arith.addi %arg1, %mul3A_76 : i32
      %lt3A = arith.constant 125 : i32
      %lt3A_78 = arith.cmpi slt, %add3A_77, %lt3A : i32
      %convert_element_type3A = arith.extui %lt3A_78 : i1 to i32
      %cond3A = arith.constant 0 : i32
      %cond3A_79 = arith.cmpi ne, %convert_element_type3A, %cond3A : i32
      scf.if %cond3A_79 {
        %mul3A_80 = arith.constant 80 : i32
        %mul3A_81 = arith.muli %add3A_77, %mul3A_80 : i32
        %mul3A_82 = arith.constant 10000 : i32
        %mul3A_83 = arith.muli %arg0, %mul3A_82 : i32
        %add3A_84 = arith.addi %mul3A_83, %mul3A_81 : i32
        "tpu.region"() ({
          %run_scoped3A = tpu.sem_alloc : memref<!tpu.dma_semaphore, #tpu.memory_space<semaphore_mem>>
          %dma_start3A_85 = arith.constant 0 : i32
          %dma_start3A_86 = tpu.memref_slice %arg5[%add3A_84, %dma_start3A_85] : memref<20000x128xf32, #tpu.memory_space<hbm>> -> memref<80x128xf32, #tpu.memory_space<hbm>>
          %dma_start3A_87 = arith.constant 0 : i32
          %dma_start3A_88 = tpu.memref_slice %arg10[%mul3A_81, %dma_start3A_87] : memref<10000x128xf32, #tpu.memory_space<vmem_shared>> -> memref<80x128xf32, #tpu.memory_space<vmem_shared>>
          tpu.enqueue_dma source(%dma_start3A_88 : memref<80x128xf32, #tpu.memory_space<vmem_shared>>) target(%dma_start3A_86 : memref<80x128xf32, #tpu.memory_space<hbm>>) target_semaphore(%run_scoped3A : memref<!tpu.dma_semaphore, #tpu.memory_space<semaphore_mem>>)
          %dma_wait3A_89 = arith.constant 0 : i32
          %dma_wait3A_90 = tpu.memref_slice %arg5[%add3A_84, %dma_wait3A_89] : memref<20000x128xf32, #tpu.memory_space<hbm>> -> memref<80x128xf32, #tpu.memory_space<hbm>>
          %dma_wait3A_91 = arith.constant 0 : i32
          %dma_wait3A_92 = tpu.memref_slice %arg10[%mul3A_81, %dma_wait3A_91] : memref<10000x128xf32, #tpu.memory_space<vmem_shared>> -> memref<80x128xf32, #tpu.memory_space<vmem_shared>>
          tpu.wait_dma2 semaphore(%run_scoped3A : memref<!tpu.dma_semaphore, #tpu.memory_space<semaphore_mem>>) src(%dma_wait3A_92 : memref<80x128xf32, #tpu.memory_space<vmem_shared>>) dst(%dma_wait3A_90 : memref<80x128xf32, #tpu.memory_space<hbm>>)
          tpu.yield
        }) : () -> ()
      } else {
      }
    }
    %scan3A_73 = arith.constant 8 : i32
    return
  }
}

module attributes {stable_mosaic.version = 14 : i64} {
  func.func @body(%arg0: i32, %arg1: memref<2000x128xf32, #tpu.memory_space<vmem>>, %arg2: memref<2000x128xf32, #tpu.memory_space<vmem>>, %arg3: memref<2000x128xf32, #tpu.memory_space<vmem>>, %arg4: memref<128x128xf32, #tpu.memory_space<vmem>>, %arg5: memref<128x128xf32, #tpu.memory_space<vmem>>, %arg6: memref<1x128xf32, #tpu.memory_space<vmem>>, %arg7: memref<2000x128xf32, #tpu.memory_space<vmem>>) attributes {dimension_semantics = [#tpu.dimension_semantics<arbitrary>], iteration_bounds = array<i64: 5>, scalar_prefetch = 0 : i64, scratch_operands = 0 : i64, tpu.core_type = #tpu.core_type<tc>, window_params = [{transform_indices = @transform_0, window_bounds = array<i64: 2000, 128>}, {transform_indices = @transform_1, window_bounds = array<i64: 2000, 128>}, {transform_indices = @transform_2, window_bounds = array<i64: 2000, 128>}, {pipeline_mode = #tpu.pipeline_mode<synchronous>, transform_indices = @transform_3, window_bounds = array<i64: 128, 128>}, {pipeline_mode = #tpu.pipeline_mode<synchronous>, transform_indices = @transform_4, window_bounds = array<i64: 128, 128>}, {pipeline_mode = #tpu.pipeline_mode<synchronous>, transform_indices = @transform_5, window_bounds = array<i64: 1, 128>}, {transform_indices = @transform_6, window_bounds = array<i64: 2000, 128>}]} {
    %get3A = arith.constant 0 : index
    %get3A_0 = arith.constant 0 : index
    %get3A_1 = vector.load %arg1[%get3A, %get3A_0] : memref<2000x128xf32, #tpu.memory_space<vmem>>, vector<2000x128xf32>
    %get3A_2 = arith.constant 0 : index
    %get3A_3 = arith.constant 0 : index
    %get3A_4 = vector.load %arg2[%get3A_2, %get3A_3] : memref<2000x128xf32, #tpu.memory_space<vmem>>, vector<2000x128xf32>
    %add3A = arith.addf %get3A_1, %get3A_4 : vector<2000x128xf32>
    %get3A_5 = arith.constant 0 : index
    %get3A_6 = arith.constant 0 : index
    %get3A_7 = vector.load %arg4[%get3A_5, %get3A_6] : memref<128x128xf32, #tpu.memory_space<vmem>>, vector<128x128xf32>
    %dot_general3A = arith.constant dense<0.000000e+00> : vector<2000x128xf32>
    %dot_general3A_8 = tpu.matmul %add3A, %get3A_7, %dot_general3A {dimension_numbers = #tpu.dot_dimension_numbers<[1], [0], [0], [1], [0, 0, 1, 1], [], []>, transpose_lhs_hint = false} : vector<2000x128xf32>, vector<128x128xf32>, vector<2000x128xf32> -> vector<2000x128xf32>
    %get3A_9 = arith.constant 0 : index
    %get3A_10 = arith.constant 0 : index
    %get3A_11 = vector.load %arg3[%get3A_9, %get3A_10] : memref<2000x128xf32, #tpu.memory_space<vmem>>, vector<2000x128xf32>
    %get3A_12 = arith.constant 0 : index
    %get3A_13 = arith.constant 0 : index
    %get3A_14 = vector.load %arg5[%get3A_12, %get3A_13] : memref<128x128xf32, #tpu.memory_space<vmem>>, vector<128x128xf32>
    %dot_general3A_15 = arith.constant dense<0.000000e+00> : vector<2000x128xf32>
    %dot_general3A_16 = tpu.matmul %get3A_11, %get3A_14, %dot_general3A_15 {dimension_numbers = #tpu.dot_dimension_numbers<[1], [0], [0], [1], [0, 0, 1, 1], [], []>, transpose_lhs_hint = false} : vector<2000x128xf32>, vector<128x128xf32>, vector<2000x128xf32> -> vector<2000x128xf32>
    %add3A_17 = arith.addf %dot_general3A_8, %dot_general3A_16 : vector<2000x128xf32>
    %get3A_18 = arith.constant 0 : index
    %get3A_19 = arith.constant 0 : index
    %get3A_20 = vector.load %arg6[%get3A_18, %get3A_19] : memref<1x128xf32, #tpu.memory_space<vmem>>, vector<1x128xf32>
    %add3A_21 = vector.broadcast %get3A_20 : vector<1x128xf32> to vector<2000x128xf32>
    %add3A_22 = arith.addf %add3A_17, %add3A_21 : vector<2000x128xf32>
    %max3A = arith.constant 0.000000e+00 : f32
    %max3A_23 = vector.broadcast %max3A : f32 to vector<2000x128xf32>
    %max3A_24 = arith.maximumf %add3A_22, %max3A_23 : vector<2000x128xf32>
    %swap3A = arith.constant 0 : index
    %swap3A_25 = arith.constant 0 : index
    %swap3A_26 = vector.load %arg7[%swap3A, %swap3A_25] : memref<2000x128xf32, #tpu.memory_space<vmem>>, vector<2000x128xf32>
    tpu.vector_store %arg7[%swap3A, %swap3A_25], %max3A_24 {strides = array<i32>} : memref<2000x128xf32, #tpu.memory_space<vmem>>, vector<2000x128xf32>,
    return
  }
  func.func @transform_0(%arg0: i32) -> (i32, i32) {
    %c0_i32 = arith.constant 0 : i32
    %c0_i32_0 = arith.constant 0 : i32
    return %arg0, %c0_i32 : i32, i32
  }
  func.func @transform_1(%arg0: i32) -> (i32, i32) {
    %add3A = arith.constant 5 : i32
    %add3A_0 = arith.addi %arg0, %add3A : i32
    %c0_i32 = arith.constant 0 : i32
    %c0_i32_1 = arith.constant 0 : i32
    return %add3A_0, %c0_i32 : i32, i32
  }
  func.func @transform_2(%arg0: i32) -> (i32, i32) {
    %c0_i32 = arith.constant 0 : i32
    %c0_i32_0 = arith.constant 0 : i32
    return %arg0, %c0_i32 : i32, i32
  }
  func.func @transform_3(%arg0: i32) -> (i32, i32) {
    %c0_i32 = arith.constant 0 : i32
    %c0_i32_0 = arith.constant 0 : i32
    %c0_i32_1 = arith.constant 0 : i32
    return %c0_i32, %c0_i32_0 : i32, i32
  }
  func.func @transform_4(%arg0: i32) -> (i32, i32) {
    %c0_i32 = arith.constant 0 : i32
    %c0_i32_0 = arith.constant 0 : i32
    %c0_i32_1 = arith.constant 0 : i32
    return %c0_i32, %c0_i32_0 : i32, i32
  }
  func.func @transform_5(%arg0: i32) -> (i32, i32) {
    %c0_i32 = arith.constant 0 : i32
    %c0_i32_0 = arith.constant 0 : i32
    %c0_i32_1 = arith.constant 0 : i32
    return %c0_i32, %c0_i32_0 : i32, i32
  }
  func.func @transform_6(%arg0: i32) -> (i32, i32) {
    %c0_i32 = arith.constant 0 : i32
    %c0_i32_0 = arith.constant 0 : i32
    return %arg0, %c0_i32 : i32, i32
  }
}

module attributes {stable_mosaic.version = 14 : i64} {
  func.func @body(%arg0: i32, %arg1: memref<2000x128xf32, #tpu.memory_space<vmem>>, %arg2: memref<2000x128xf32, #tpu.memory_space<vmem>>, %arg3: memref<2000x128xf32, #tpu.memory_space<vmem>>, %arg4: memref<128x128xf32, #tpu.memory_space<vmem>>, %arg5: memref<128x128xf32, #tpu.memory_space<vmem>>, %arg6: memref<1x128xf32, #tpu.memory_space<vmem>>, %arg7: memref<1x1x2000xi32, #tpu.memory_space<vmem>>, %arg8: memref<128x512xf32, #tpu.memory_space<vmem>>, %arg9: memref<1x512xf32, #tpu.memory_space<vmem>>, %arg10: memref<1x512xf32, #tpu.memory_space<vmem>>, %arg11: memref<1x512xf32, #tpu.memory_space<vmem>>, %arg12: memref<512x128xf32, #tpu.memory_space<vmem>>, %arg13: memref<1x128xf32, #tpu.memory_space<vmem>>, %arg14: memref<64x128xf32, #tpu.memory_space<vmem>>, %arg15: memref<64x128xf32, #tpu.memory_space<vmem>>) attributes {dimension_semantics = [#tpu.dimension_semantics<arbitrary>], iteration_bounds = array<i64: 5>, scalar_prefetch = 0 : i64, scratch_operands = 1 : i64, tpu.core_type = #tpu.core_type<tc>, window_params = [{transform_indices = @transform_0, window_bounds = array<i64: 2000, 128>}, {transform_indices = @transform_1, window_bounds = array<i64: 2000, 128>}, {transform_indices = @transform_2, window_bounds = array<i64: 2000, 128>}, {pipeline_mode = #tpu.pipeline_mode<synchronous>, transform_indices = @transform_3, window_bounds = array<i64: 128, 128>}, {pipeline_mode = #tpu.pipeline_mode<synchronous>, transform_indices = @transform_4, window_bounds = array<i64: 128, 128>}, {pipeline_mode = #tpu.pipeline_mode<synchronous>, transform_indices = @transform_5, window_bounds = array<i64: 1, 128>}, {transform_indices = @transform_6, window_bounds = array<i64: 1, 1, 2000>}, {pipeline_mode = #tpu.pipeline_mode<synchronous>, transform_indices = @transform_7, window_bounds = array<i64: 128, 512>}, {pipeline_mode = #tpu.pipeline_mode<synchronous>, transform_indices = @transform_8, window_bounds = array<i64: 1, 512>}, {pipeline_mode = #tpu.pipeline_mode<synchronous>, transform_indices = @transform_9, window_bounds = array<i64: 1, 512>}, {pipeline_mode = #tpu.pipeline_mode<synchronous>, transform_indices = @transform_10, window_bounds = array<i64: 1, 512>}, {pipeline_mode = #tpu.pipeline_mode<synchronous>, transform_indices = @transform_11, window_bounds = array<i64: 512, 128>}, {pipeline_mode = #tpu.pipeline_mode<synchronous>, transform_indices = @transform_12, window_bounds = array<i64: 1, 128>}, {pipeline_mode = #tpu.pipeline_mode<synchronous>, transform_indices = @transform_13, window_bounds = array<i64: 64, 128>}]} {
    %eq3A = arith.constant 0 : i32
    %eq3A_0 = arith.cmpi eq, %arg0, %eq3A : i32
    %convert_element_type3A = arith.extui %eq3A_0 : i1 to i32
    %cond3A = arith.constant 0 : i32
    %cond3A_1 = arith.cmpi ne, %convert_element_type3A, %cond3A : i32
    scf.if %cond3A_1 {
      %broadcast_in_dim3A = arith.constant 0.000000e+00 : f32
      %broadcast_in_dim3A_49 = vector.broadcast %broadcast_in_dim3A : f32 to vector<64x128xf32>
      %swap3A_50 = arith.constant 0 : index
      %swap3A_51 = arith.constant 0 : index
      %swap3A_52 = vector.load %arg15[%swap3A_50, %swap3A_51] : memref<64x128xf32, #tpu.memory_space<vmem>>, vector<64x128xf32>
      tpu.vector_store %arg15[%swap3A_50, %swap3A_51], %broadcast_in_dim3A_49 {strides = array<i32>} : memref<64x128xf32, #tpu.memory_space<vmem>>, vector<64x128xf32>,
    } else {
    }
    %get3A = arith.constant 0 : index
    %get3A_2 = arith.constant 0 : index
    %get3A_3 = vector.load %arg1[%get3A, %get3A_2] : memref<2000x128xf32, #tpu.memory_space<vmem>>, vector<2000x128xf32>
    %get3A_4 = arith.constant 0 : index
    %get3A_5 = arith.constant 0 : index
    %get3A_6 = vector.load %arg2[%get3A_4, %get3A_5] : memref<2000x128xf32, #tpu.memory_space<vmem>>, vector<2000x128xf32>
    %add3A = arith.addf %get3A_3, %get3A_6 : vector<2000x128xf32>
    %get3A_7 = arith.constant 0 : index
    %get3A_8 = arith.constant 0 : index
    %get3A_9 = vector.load %arg4[%get3A_7, %get3A_8] : memref<128x128xf32, #tpu.memory_space<vmem>>, vector<128x128xf32>
    %dot_general3A = arith.constant dense<0.000000e+00> : vector<2000x128xf32>
    %dot_general3A_10 = tpu.matmul %add3A, %get3A_9, %dot_general3A {dimension_numbers = #tpu.dot_dimension_numbers<[1], [0], [0], [1], [0, 0, 1, 1], [], []>, transpose_lhs_hint = false} : vector<2000x128xf32>, vector<128x128xf32>, vector<2000x128xf32> -> vector<2000x128xf32>
    %get3A_11 = arith.constant 0 : index
    %get3A_12 = arith.constant 0 : index
    %get3A_13 = vector.load %arg3[%get3A_11, %get3A_12] : memref<2000x128xf32, #tpu.memory_space<vmem>>, vector<2000x128xf32>
    %get3A_14 = arith.constant 0 : index
    %get3A_15 = arith.constant 0 : index
    %get3A_16 = vector.load %arg5[%get3A_14, %get3A_15] : memref<128x128xf32, #tpu.memory_space<vmem>>, vector<128x128xf32>
    %dot_general3A_17 = arith.constant dense<0.000000e+00> : vector<2000x128xf32>
    %dot_general3A_18 = tpu.matmul %get3A_13, %get3A_16, %dot_general3A_17 {dimension_numbers = #tpu.dot_dimension_numbers<[1], [0], [0], [1], [0, 0, 1, 1], [], []>, transpose_lhs_hint = false} : vector<2000x128xf32>, vector<128x128xf32>, vector<2000x128xf32> -> vector<2000x128xf32>
    %add3A_19 = arith.addf %dot_general3A_10, %dot_general3A_18 : vector<2000x128xf32>
    %get3A_20 = arith.constant 0 : index
    %get3A_21 = arith.constant 0 : index
    %get3A_22 = vector.load %arg6[%get3A_20, %get3A_21] : memref<1x128xf32, #tpu.memory_space<vmem>>, vector<1x128xf32>
    %add3A_23 = vector.broadcast %get3A_22 : vector<1x128xf32> to vector<2000x128xf32>
    %add3A_24 = arith.addf %add3A_19, %add3A_23 : vector<2000x128xf32>
    %max3A = arith.constant 0.000000e+00 : f32
    %max3A_25 = vector.broadcast %max3A : f32 to vector<2000x128xf32>
    %max3A_26 = arith.maximumf %add3A_24, %max3A_25 : vector<2000x128xf32>
    %get3A_27 = arith.constant 0 : index
    %get3A_28 = arith.constant 0 : index
    %get3A_29 = arith.constant 0 : index
    %get3A_30 = vector.load %arg7[%get3A_27, %get3A_28, %get3A_29] : memref<1x1x2000xi32, #tpu.memory_space<vmem>>, vector<1x1x2000xi32>
    %get3A_31 = vector.shape_cast %get3A_30 : vector<1x1x2000xi32> to vector<1x2000xi32>
    %iota3A = tpu.iota {dimensions = array<i32: 0>} : vector<64x2000xi32>
    %eq3A_32 = vector.broadcast %get3A_31 : vector<1x2000xi32> to vector<64x2000xi32>
    %eq3A_33 = arith.cmpi eq, %iota3A, %eq3A_32 : vector<64x2000xi32>
    %convert_element_type3A_34 = arith.extui %eq3A_33 : vector<64x2000xi1> to vector<64x2000xi32>
    %convert_element_type3A_35 = arith.sitofp %convert_element_type3A_34 : vector<64x2000xi32> to vector<64x2000xf32>
    %get3A_36 = arith.constant 0 : index
    %get3A_37 = arith.constant 0 : index
    %get3A_38 = vector.load %arg15[%get3A_36, %get3A_37] : memref<64x128xf32, #tpu.memory_space<vmem>>, vector<64x128xf32>
    %dot_general3A_39 = arith.constant dense<0.000000e+00> : vector<64x128xf32>
    %dot_general3A_40 = tpu.matmul %convert_element_type3A_35, %max3A_26, %dot_general3A_39 {dimension_numbers = #tpu.dot_dimension_numbers<[1], [0], [0], [1], [0, 0, 1, 1], [], []>, transpose_lhs_hint = false} : vector<64x2000xf32>, vector<2000x128xf32>, vector<64x128xf32> -> vector<64x128xf32>
    %add3A_41 = arith.addf %get3A_38, %dot_general3A_40 : vector<64x128xf32>
    %swap3A = arith.constant 0 : index
    %swap3A_42 = arith.constant 0 : index
    %swap3A_43 = vector.load %arg15[%swap3A, %swap3A_42] : memref<64x128xf32, #tpu.memory_space<vmem>>, vector<64x128xf32>
    tpu.vector_store %arg15[%swap3A, %swap3A_42], %add3A_41 {strides = array<i32>} : memref<64x128xf32, #tpu.memory_space<vmem>>, vector<64x128xf32>,
    %eq3A_44 = arith.constant 4 : i32
    %eq3A_45 = arith.cmpi eq, %arg0, %eq3A_44 : i32
    %convert_element_type3A_46 = arith.extui %eq3A_45 : i1 to i32
    %cond3A_47 = arith.constant 0 : i32
    %cond3A_48 = arith.cmpi ne, %convert_element_type3A_46, %cond3A_47 : i32
    scf.if %cond3A_48 {
      %get3A_49 = arith.constant 0 : index
      %get3A_50 = arith.constant 0 : index
      %get3A_51 = vector.load %arg15[%get3A_49, %get3A_50] : memref<64x128xf32, #tpu.memory_space<vmem>>, vector<64x128xf32>
      %get3A_52 = arith.constant 0 : index
      %get3A_53 = arith.constant 0 : index
      %get3A_54 = vector.load %arg8[%get3A_52, %get3A_53] : memref<128x512xf32, #tpu.memory_space<vmem>>, vector<128x512xf32>
      %dot_general3A_55 = arith.constant dense<0.000000e+00> : vector<64x512xf32>
      %dot_general3A_56 = tpu.matmul %get3A_51, %get3A_54, %dot_general3A_55 {dimension_numbers = #tpu.dot_dimension_numbers<[1], [0], [0], [1], [0, 0, 1, 1], [], []>, transpose_lhs_hint = false} : vector<64x128xf32>, vector<128x512xf32>, vector<64x512xf32> -> vector<64x512xf32>
      %get3A_57 = arith.constant 0 : index
      %get3A_58 = arith.constant 0 : index
      %get3A_59 = vector.load %arg9[%get3A_57, %get3A_58] : memref<1x512xf32, #tpu.memory_space<vmem>>, vector<1x512xf32>
      %add3A_60 = vector.broadcast %get3A_59 : vector<1x512xf32> to vector<64x512xf32>
      %add3A_61 = arith.addf %dot_general3A_56, %add3A_60 : vector<64x512xf32>
      %reduce_sum3A = arith.constant dense<0.000000e+00> : vector<512xf32>
      %reduce_sum3A_62 = vector.multi_reduction <add>, %add3A_61, %reduce_sum3A [0] : vector<64x512xf32> to vector<512xf32>
      %broadcast_in_dim3A = vector.shape_cast %reduce_sum3A_62 : vector<512xf32> to vector<1x512xf32>
      %div3A = arith.constant 6.400000e+01 : f32
      %div3A_63 = vector.broadcast %div3A : f32 to vector<1x512xf32>
      %div3A_64 = arith.divf %broadcast_in_dim3A, %div3A_63 : vector<1x512xf32>
      %sub3A = vector.broadcast %div3A_64 : vector<1x512xf32> to vector<64x512xf32>
      %sub3A_65 = arith.subf %add3A_61, %sub3A : vector<64x512xf32>
      %sub3A_66 = vector.broadcast %div3A_64 : vector<1x512xf32> to vector<64x512xf32>
      %sub3A_67 = arith.subf %add3A_61, %sub3A_66 : vector<64x512xf32>
      %mul3A = arith.mulf %sub3A_65, %sub3A_67 : vector<64x512xf32>
      %reduce_sum3A_68 = arith.constant dense<0.000000e+00> : vector<512xf32>
      %reduce_sum3A_69 = vector.multi_reduction <add>, %mul3A, %reduce_sum3A_68 [0] : vector<64x512xf32> to vector<512xf32>
      %broadcast_in_dim3A_70 = vector.shape_cast %reduce_sum3A_69 : vector<512xf32> to vector<1x512xf32>
      %div3A_71 = arith.constant 6.400000e+01 : f32
      %div3A_72 = vector.broadcast %div3A_71 : f32 to vector<1x512xf32>
      %div3A_73 = arith.divf %broadcast_in_dim3A_70, %div3A_72 : vector<1x512xf32>
      %sub3A_74 = vector.broadcast %div3A_64 : vector<1x512xf32> to vector<64x512xf32>
      %sub3A_75 = arith.subf %add3A_61, %sub3A_74 : vector<64x512xf32>
      %add3A_76 = arith.constant 9.99999974E-6 : f32
      %add3A_77 = vector.broadcast %add3A_76 : f32 to vector<1x512xf32>
      %add3A_78 = arith.addf %div3A_73, %add3A_77 : vector<1x512xf32>
      %rsqrt3A = math.rsqrt %add3A_78 : vector<1x512xf32>
      %mul3A_79 = vector.broadcast %rsqrt3A : vector<1x512xf32> to vector<64x512xf32>
      %mul3A_80 = arith.mulf %sub3A_75, %mul3A_79 : vector<64x512xf32>
      %get3A_81 = arith.constant 0 : index
      %get3A_82 = arith.constant 0 : index
      %get3A_83 = vector.load %arg10[%get3A_81, %get3A_82] : memref<1x512xf32, #tpu.memory_space<vmem>>, vector<1x512xf32>
      %mul3A_84 = vector.broadcast %get3A_83 : vector<1x512xf32> to vector<64x512xf32>
      %mul3A_85 = arith.mulf %mul3A_80, %mul3A_84 : vector<64x512xf32>
      %get3A_86 = arith.constant 0 : index
      %get3A_87 = arith.constant 0 : index
      %get3A_88 = vector.load %arg11[%get3A_86, %get3A_87] : memref<1x512xf32, #tpu.memory_space<vmem>>, vector<1x512xf32>
      %add3A_89 = vector.broadcast %get3A_88 : vector<1x512xf32> to vector<64x512xf32>
      %add3A_90 = arith.addf %mul3A_85, %add3A_89 : vector<64x512xf32>
      %max3A_91 = arith.constant 0.000000e+00 : f32
      %max3A_92 = vector.broadcast %max3A_91 : f32 to vector<64x512xf32>
      %max3A_93 = arith.maximumf %add3A_90, %max3A_92 : vector<64x512xf32>
      %get3A_94 = arith.constant 0 : index
      %get3A_95 = arith.constant 0 : index
      %get3A_96 = vector.load %arg12[%get3A_94, %get3A_95] : memref<512x128xf32, #tpu.memory_space<vmem>>, vector<512x128xf32>
      %dot_general3A_97 = arith.constant dense<0.000000e+00> : vector<64x128xf32>
      %dot_general3A_98 = tpu.matmul %max3A_93, %get3A_96, %dot_general3A_97 {dimension_numbers = #tpu.dot_dimension_numbers<[1], [0], [0], [1], [0, 0, 1, 1], [], []>, transpose_lhs_hint = false} : vector<64x512xf32>, vector<512x128xf32>, vector<64x128xf32> -> vector<64x128xf32>
      %get3A_99 = arith.constant 0 : index
      %get3A_100 = arith.constant 0 : index
      %get3A_101 = vector.load %arg13[%get3A_99, %get3A_100] : memref<1x128xf32, #tpu.memory_space<vmem>>, vector<1x128xf32>
      %add3A_102 = vector.broadcast %get3A_101 : vector<1x128xf32> to vector<64x128xf32>
      %add3A_103 = arith.addf %dot_general3A_98, %add3A_102 : vector<64x128xf32>
      %logistic3A = arith.negf %add3A_103 : vector<64x128xf32>
      %logistic3A_104 = math.exp %logistic3A : vector<64x128xf32>
      %logistic3A_105 = arith.constant 1.000000e+00 : f32
      %logistic3A_106 = vector.broadcast %logistic3A_105 : f32 to vector<64x128xf32>
      %logistic3A_107 = arith.addf %logistic3A_106, %logistic3A_104 : vector<64x128xf32>
      %logistic3A_108 = arith.divf %logistic3A_106, %logistic3A_107 : vector<64x128xf32>
      %swap3A_109 = arith.constant 0 : index
      %swap3A_110 = arith.constant 0 : index
      %swap3A_111 = vector.load %arg14[%swap3A_109, %swap3A_110] : memref<64x128xf32, #tpu.memory_space<vmem>>, vector<64x128xf32>
      tpu.vector_store %arg14[%swap3A_109, %swap3A_110], %logistic3A_108 {strides = array<i32>} : memref<64x128xf32, #tpu.memory_space<vmem>>, vector<64x128xf32>,
    } else {
    }
    return
  }
  func.func @transform_0(%arg0: i32) -> (i32, i32) {
    %c0_i32 = arith.constant 0 : i32
    %c0_i32_0 = arith.constant 0 : i32
    return %arg0, %c0_i32 : i32, i32
  }
  func.func @transform_1(%arg0: i32) -> (i32, i32) {
    %add3A = arith.constant 5 : i32
    %add3A_0 = arith.addi %arg0, %add3A : i32
    %c0_i32 = arith.constant 0 : i32
    %c0_i32_1 = arith.constant 0 : i32
    return %add3A_0, %c0_i32 : i32, i32
  }
  func.func @transform_2(%arg0: i32) -> (i32, i32) {
    %c0_i32 = arith.constant 0 : i32
    %c0_i32_0 = arith.constant 0 : i32
    return %arg0, %c0_i32 : i32, i32
  }
  func.func @transform_3(%arg0: i32) -> (i32, i32) {
    %c0_i32 = arith.constant 0 : i32
    %c0_i32_0 = arith.constant 0 : i32
    %c0_i32_1 = arith.constant 0 : i32
    return %c0_i32, %c0_i32_0 : i32, i32
  }
  func.func @transform_4(%arg0: i32) -> (i32, i32) {
    %c0_i32 = arith.constant 0 : i32
    %c0_i32_0 = arith.constant 0 : i32
    %c0_i32_1 = arith.constant 0 : i32
    return %c0_i32, %c0_i32_0 : i32, i32
  }
  func.func @transform_5(%arg0: i32) -> (i32, i32) {
    %c0_i32 = arith.constant 0 : i32
    %c0_i32_0 = arith.constant 0 : i32
    %c0_i32_1 = arith.constant 0 : i32
    return %c0_i32, %c0_i32_0 : i32, i32
  }
  func.func @transform_6(%arg0: i32) -> (i32, i32, i32) {
    %c0_i32 = arith.constant 0 : i32
    %c0_i32_0 = arith.constant 0 : i32
    %c0_i32_1 = arith.constant 0 : i32
    return %arg0, %c0_i32, %c0_i32_0 : i32, i32, i32
  }
  func.func @transform_7(%arg0: i32) -> (i32, i32) {
    %c0_i32 = arith.constant 0 : i32
    %c0_i32_0 = arith.constant 0 : i32
    %c0_i32_1 = arith.constant 0 : i32
    return %c0_i32, %c0_i32_0 : i32, i32
  }
  func.func @transform_8(%arg0: i32) -> (i32, i32) {
    %c0_i32 = arith.constant 0 : i32
    %c0_i32_0 = arith.constant 0 : i32
    %c0_i32_1 = arith.constant 0 : i32
    return %c0_i32, %c0_i32_0 : i32, i32
  }
  func.func @transform_9(%arg0: i32) -> (i32, i32) {
    %c0_i32 = arith.constant 0 : i32
    %c0_i32_0 = arith.constant 0 : i32
    %c0_i32_1 = arith.constant 0 : i32
    return %c0_i32, %c0_i32_0 : i32, i32
  }
  func.func @transform_10(%arg0: i32) -> (i32, i32) {
    %c0_i32 = arith.constant 0 : i32
    %c0_i32_0 = arith.constant 0 : i32
    %c0_i32_1 = arith.constant 0 : i32
    return %c0_i32, %c0_i32_0 : i32, i32
  }
  func.func @transform_11(%arg0: i32) -> (i32, i32) {
    %c0_i32 = arith.constant 0 : i32
    %c0_i32_0 = arith.constant 0 : i32
    %c0_i32_1 = arith.constant 0 : i32
    return %c0_i32, %c0_i32_0 : i32, i32
  }
  func.func @transform_12(%arg0: i32) -> (i32, i32) {
    %c0_i32 = arith.constant 0 : i32
    %c0_i32_0 = arith.constant 0 : i32
    %c0_i32_1 = arith.constant 0 : i32
    return %c0_i32, %c0_i32_0 : i32, i32
  }
  func.func @transform_13(%arg0: i32) -> (i32, i32) {
    %c0_i32 = arith.constant 0 : i32
    %c0_i32_0 = arith.constant 0 : i32
    %c0_i32_1 = arith.constant 0 : i32
    return %c0_i32, %c0_i32_0 : i32, i32
  }
}

</mosaic_0001>

<sc_bundles>
// kernel: kernel.6.cloned.1.call-start
scs
__scs_entry_jumppad:
0x0: {  	(pc) =	sbr.rel $0x88, $3  }
0x1: {  	(tag) =	ssettag $0x0;
	lr =	simm.s32 $0x1  }
0x2: {  	[smem:$0x3F92] =	sst lr;
	_ =	strace $0xD0000000  }
0x3: {  	_ = 	snop  }
0x4: {  	_ = 	snop  }
0x5: {  	_ = 	snop  }
0x6: {  	_ = 	snop  }
0x7: {  	_ = 	snop  }
__scs_overlays_trampoline_lowered:
0x8: {  	[smem:$0x3FA1] =	sst s0  }
0x9: {  	[smem:$0x3FA2] =	sst s1  }
0xa: {  	[smem:$0x3FA3] =	sst s2  }
0xb: {  	[smem:$0x3FA4] =	sst s3  }
0xc: {  	[smem:$0x3FA5] =	sst s4  }
0xd: {  	[smem:$0x3FA6] =	sst s5  }
0xe: {  	[smem:$0x3FA7] =	sst s6  }
0xf: {  	[smem:$0x3FA8] =	sst s7  }
0x10: {  	[smem:$0x3FA9] =	sst s8  }
0x11: {  	[smem:$0x3FAA] =	sst s9;
	s0 =	simm.s32 @!p0 $0x0  }
0x12: {  	s1 =	sld [smem:$0x3F90];
	s0 =	simm.s32 @p0 $0x1  }
0x13: {  	[smem:$0x3FAB] =	sst s0;
	s0 =	simm.s32 @!p1 $0x0  }
0x14: {  	s2 =	sld [smem:$0x3F8F];
	s0 =	simm.s32 @p1 $0x1  }
0x15: {  	[smem:$0x3FAC] =	sst s0;
	s0 =	simm.s32 @!p2 $0x0  }
0x16: {  	s3 =	sld [smem:$0x3FDB];
	s0 =	simm.s32 @p2 $0x1  }
0x17: {  	s4 =	simm.s32 $0x1BF5;
	[smem:$0x3FAE] =	sst s0  }
0x18: {  	s0 =	sld [smem:$0x3F91];
	_ =	swait.ge [sflag:s4], $0x0  }
0x19: {  	s7 =	sld [smem:$0x3F92]  }
0x1a: {  	s8 =	sadd.s32 $0xFFFFE003, lr  }
0x1b: {  	s9 =	sadd.s32 $0xFFFFFEF7, lr;
	s5 =	simm.s32 $0xFFFFFFFF;
	p2 =	slt.u32 s8, $0xFFFFF086  }
0x1c: {  	p1 =	slt.u32 s9, $0xF7A;
	s5 =	simm.s32 @!p2 $0x0  }
0x1d: {  	s5 =	simm.s32 @p1 $0x1;
	p0 =	seq.s32 s7, s2  }
0x1e: {  	s7 =	smul.u32 @!p0 $0xF7A, s2;
	p2 =	seq.s32 @!p0 s5, $0x0  }
0x1f: {  	s9 =	smul.u32 $0xF7A, s1;
	s8 =	simm.s32 @!p0 $0x1BF5;
	p2 =	por !p2, p0  }
0x20: {  	[sflag:s8] =	ssyncset.s32 @!p0 $0xFFFFF086;
	s6 =	sadd.s32 @!p0 s3, s7;
	s7 =	simm.s32 @!p0 $0x108  }
0x21: {  	s3 =	sadd.s32 s3, s9;
	s6 =	sadd.s32 @!p0 $0x88, s6;
	s7 =	simm.s32 @p2 $0x1082  }
0x22: {  	[simem:s7], [sflag:s8] =	dma.local @!p0 [hbm:s6], $0xF7A  }
0x23: {  	s9 =	sor.u32 $0xD0000000, s2;
	s6 =	simm.s32 $0x108;
	_ =	swait.ge @!p0 [sflag:s8], $0x0  }
0x24: {  	s3 =	sadd.s32 $0x88, s3;
	s6 =	simm.s32 @!p1 $0x1082;
	[sflag:s4] =	ssyncset.s32 $0xFFFFF086  }
0x25: {  	[simem:s6], [sflag:s4] =	dma.local [hbm:s3], $0xF7A  }
0x26: {  	[smem:$0x3F92] =	sst s1;
	(tag) =	ssettag s2;
	_ =	strace s9  }
0x27: {  	s1 =	sld [smem:$0x3FA2]  }
0x28: {  	s2 =	sld [smem:$0x3FA3]  }
0x29: {  	s4 =	sld [smem:$0x3FA5]  }
0x2a: {  	p0 =	seq.s32 s5, $0x0;
	s5 =	sld [smem:$0x3FA6]  }
0x2b: {  	s6 =	sld [smem:$0x3FA7]  }
0x2c: {  	s7 =	sld [smem:$0x3FA8]  }
0x2d: {  	s3 =	simm.s32 $0x108;
	s8 =	sld [smem:$0x3FA9]  }
0x2e: {  	s3 =	simm.s32 @!p0 $0x1082;
	s9 =	sld [smem:$0x3FAA]  }
0x2f: {  	lr =	sadd.s32 s0, s3;
	s0 =	sld [smem:$0x3FA1]  }
0x30: {  	s3 =	sld [smem:$0x3FA4]  }
0x31: {  	[smem:$0x3FAD] =	sst s10  }
0x32: {  	s10 =	sld [smem:$0x3FAB];
	_ =	sdelay $0x3  }
0x33: {  	p0 =	seq.s32 s10, $0x1;
	s10 =	sld [smem:$0x3FAD];
	_ =	sdelay $0x3  }
0x34: {  	[smem:$0x3FAD] =	sst s10  }
0x35: {  	s10 =	sld [smem:$0x3FAC];
	_ =	sdelay $0x3  }
0x36: {  	p1 =	seq.s32 s10, $0x1;
	s10 =	sld [smem:$0x3FAD];
	_ =	sdelay $0x3  }
0x37: {  	[smem:$0x3FAD] =	sst s10  }
0x38: {  	s10 =	sld [smem:$0x3FAE]  }
0x39: {  	_ = 	snop;
	(pc) =	sbr.ind lr, $3  }
0x3a: {  	_ = 	snop  }
0x3b: {  	_ = 	snop  }
0x3c: {  	p2 =	seq.s32 s10, $0x1;
	s10 =	sld [smem:$0x3FAD]  }
0x3d: {  	_ =	shalt  }
0x3e: {  	_ =	shalt  }
0x3f: {  	_ =	shalt  }
0x40: {  	_ =	shalt  }
0x41: {  	_ =	shalt  }
0x42: {  	_ =	shalt  }
0x43: {  	_ =	shalt  }
0x44: {  	_ =	shalt  }
0x45: {  	_ =	shalt  }
0x46: {  	_ =	shalt  }
0x47: {  	_ =	shalt  }
0x48: {  	_ =	shalt  }
0x49: {  	_ =	shalt  }
0x4a: {  	_ =	shalt  }
0x4b: {  	_ =	shalt  }
0x4c: {  	_ =	shalt  }
0x4d: {  	_ =	shalt  }
0x4e: {  	_ =	shalt  }
0x4f: {  	_ =	shalt  }
0x50: {  	_ =	shalt  }
0x51: {  	_ =	shalt  }
0x52: {  	_ =	shalt  }
0x53: {  	_ =	shalt  }
0x54: {  	_ =	shalt  }
0x55: {  	_ =	shalt  }
0x56: {  	_ =	shalt  }
0x57: {  	_ =	shalt  }
0x58: {  	_ =	shalt  }
0x59: {  	_ =	shalt  }
0x5a: {  	_ =	shalt  }
0x5b: {  	_ =	shalt  }
0x5c: {  	_ =	shalt  }
0x5d: {  	_ =	shalt  }
0x5e: {  	_ =	shalt  }
0x5f: {  	_ =	shalt  }
0x60: {  	_ =	shalt  }
0x61: {  	_ =	shalt  }
0x62: {  	_ =	shalt  }
0x63: {  	_ =	shalt  }
0x64: {  	_ =	shalt  }
0x65: {  	_ =	shalt  }
0x66: {  	_ =	shalt  }
0x67: {  	_ =	shalt  }
0x68: {  	_ =	shalt  }
0x69: {  	_ =	shalt  }
0x6a: {  	_ =	shalt  }
0x6b: {  	_ =	shalt  }
0x6c: {  	_ =	shalt  }
0x6d: {  	_ =	shalt  }
0x6e: {  	_ =	shalt  }
0x6f: {  	_ =	shalt  }
0x70: {  	_ =	shalt  }
0x71: {  	_ =	shalt  }
0x72: {  	_ =	shalt  }
0x73: {  	_ =	shalt  }
0x74: {  	_ =	shalt  }
0x75: {  	_ =	shalt  }
0x76: {  	_ =	shalt  }
0x77: {  	_ =	shalt  }
0x78: {  	_ =	shalt  }
0x79: {  	_ =	shalt  }
0x7a: {  	_ =	shalt  }
0x7b: {  	_ =	shalt  }
0x7c: {  	_ =	shalt  }
0x7d: {  	_ =	shalt  }
0x7e: {  	_ =	shalt  }
0x7f: {  	_ =	shalt  }
0x80: {  	_ =	shalt  }
0x81: {  	_ =	shalt  }
0x82: {  	_ =	shalt  }
0x83: {  	_ =	shalt  }
0x84: {  	_ =	shalt  }
0x85: {  	_ =	shalt  }
0x86: {  	_ =	shalt  }
0x87: {  	_ =	shalt  }
.Lfunc_end0:
.L_simem_size_0:
called_computation_lowered:
.L_overlay_start_0:
0x88: {  	s2 =	sld [smem:$0x3FD9]  }
0x89: {  	s3 =	sld [smem:$0x3FFE];
	_ =	sdelay $0x1  }
0x8a: {  	s1 =	srdreg.scid  }
0x8b: {  	s0 =	sand.u32 $0x1, s1  }
0x8c: {  	s17 =	sshll.u32 s0, $0xA;
	s2 =	sadd.s32 s3, s2  }
0x8d: {  	s2 =	sadd.s32 s2, s17  }
0x8e: {  	[smem:$0x3FB9] =	sst s2  }
0x8f: {  	_ = 	snop  }
0x90: {  	s2 =	sld [smem:$0x3FC9];
	(tm) =	ssettm $0x1  }
0x91: {  	s18 =	sld [smem:$0x3FFB];
	_ =	sdelay $0x3  }
0x92: {  	_ =	strace s18  }
0x93: {  	s3 =	sld [smem:$0x3FFC];
	_ =	sdelay $0x3  }
0x94: {  	_ =	strace s3  }
0x95: {  	s3 =	sld [smem:$0x3FFD];
	_ =	sdelay $0x3  }
0x96: {  	_ =	strace s3  }
0x97: {  	_ =	strace $0x8FFFFFFF  }
0x98: {  	s19 =	sld [smem:$0x3FDB];
	_ =	sdelay $0x1  }
0x99: {  	s4 =	simm.s32 $_scs_section_size  }
0x9a: {  	s5 =	simm.s32 $_size__tile_overlayer_lowered;
	s6 =	simm.s32 $_tile_overlayer_lowered  }
0x9b: {  	s22 =	simm.s32 $0x1BFF;
	s21 =	sshll.u32 s6, $0x1;
	s3 =	sadd.s32 s4, s19  }
0x9c: {  	s7 =	simm.s32 $0x0;
	s20 =	sshll.u32 s5, $0x1;
	s5 =	sadd.s32 s21, s3  }
0x9d: {  	[timem:s7], [sflag:s22] =	dma.local [hbm:s5], s20  }
0x9e: {  	_ =	swait.ge [sflag:s22], s20  }
0x9f: {  	s4 =	ssub.s32 $0x0, s20;
	[sflag:s22] =	ssyncset.done $0x0  }
0xa0: {  	[sflag:s22] =	ssyncadd.s32 s4;
	_ =	sdelay $0x1  }
0xa1: {  	s23 =	simm.s32 $0x1B8B  }
0xa2: {  	_ =	swait.ge [sflag:s23], $0x1  }
0xa3: {  	[sflag:s23] =	ssyncset.done $0x0  }
0xa4: {  	s25 =	simm.s32 $0x1B8E;
	s24 =	sld [smem:$0x3FFE];
	[sflag:s23] =	ssyncadd.s32 $0xFFFFFFFF  }
0xa5: {  	s26 =	simm.s32 $execute0_lowered;
	[smem:$0x3FD2] =	sst s25  }
0xa6: {  	s5 =	sshll.u32 s26, $0x1;
	_ =	strace $0x80000046;
	[dreg:$0x1] =	wrdreg $0xFFFFFFFF  }
0xa7: {  	s28 =	simm.s32 $_size_execute0_lowered;
	s3 =	sadd.s32 s3, s5;
	[dreg:$0x0] =	wrdreg $0x0  }
0xa8: {  	s5 =	sshll.u32 s28, $0x1;
	[dreg:$0x2] =	wrdreg s3  }
0xa9: {  	[dreg:$0x3] =	wrdreg s5  }
0xaa: {  	[dreg:$0x4] =	wrdreg $0xC0  }
0xab: {  	_ =	task [dreg:s7], $0x5FFFF  }
0xac: {  	[dreg:$0x1] =	wrdreg $0xFFFFFFFF  }
0xad: {  	[dreg:$0x0] =	wrdreg $0x60  }
0xae: {  	[dreg:$0x2] =	wrdreg s2  }
0xaf: {  	[dreg:$0x3] =	wrdreg s24  }
0xb0: {  	[dreg:$0x4] =	wrdreg $0xC4000  }
0xb1: {  	[dreg:$0x5] =	wrdreg $0x9  }
0xb2: {  	_ =	task.clear_ibuf [dreg:s7], $0x6FFFF;
	_ =	strace $0x90000046  }
0xb3: {  	s29 =	simm.s32 $0x9;
	_ =	strace $0x80000048  }
0xb4: {  	_ =	swait.ge [sflag:s29], $0x1  }
0xb5: {  	[sflag:s29] =	ssyncadd.s32 $0xFFFFFFFF  }
0xb6: {  	_ =	strace $0x90000048  }
0xb7: {  	_ =	sfence  }
0xb8: {  	s30 =	sld [smem:$0x0];
	_ =	sdelay $0x2  }
0xb9: {  	s31 =	sshll.u32 s1, $0xD;
	s1 =	sshrl.u32 s1, $0x2  }
0xba: {  	s3 =	sand.u32 $0x4000, s31;
	s1 =	sadd.s32 s1, s30  }
0xbb: {  	s0 =	sor.u32 s3, s0;
	s1 =	sshll.u32 s1, $0x11  }
0xbc: {  	s0 =	sor.u32 s1, s0  }
0xbd: {  	s0 =	sadd.s32 $0x8F2B, s0  }
0xbe: {  	[sflag:s0] =	ssyncadd.remote.s32 $0x1  }
0xbf: {  	_ =	sfence.sel $0xFFFF  }
0xc0: {  	[dreg:$0x0] =	wrdreg $0xFFFFFFFF;
	(pc) =	sbr.abs _section_cstart, $3  }
0xc1: {  	[dreg:$0x1] =	wrdreg $0xFFFFFFFF  }
0xc2: {  	_ =	task.clear_ibuf [dreg:s7], $0x2FFFF;
	_ =	strace $0x9FFFFFFF  }
0xc3: {  	(tm) =	ssettm $0x7FFFFFFF  }
tec
execute0_lowered:
.L_overlay_start_1:
0x0: {  	(tag) =	ssettag $0x1  }
0x1: {  	s1 =	rddreg [dreg:$0x0]  }
0x2: {  	s0 =	rddreg [dreg:$0x1]  }
0x3: {  	s3 =	srdreg.scid;
	s21 =	stileid.u32  }
0x4: {  	s2 =	rddreg [dreg:$0x2];
	s8 =	smul.u32 $0x500, s21  }
0x5: {  	s30 =	simm.s32 $0xB;
	s4 =	sand.u32 $0x1, s3;
	s26 =	smul.u32 $0xA0, s21  }
0x6: {  	s31 =	simm.s32 $0x0;
	s7 =	sor.u32 $0x10, s21;
	s5 =	smul.u32 $0x27100, s4  }
0x7: {  	s3 =	simm.s32 $0x0;
	s10 =	sor.u32 $0x20, s21;
	s11 =	smul.u32 $0x500, s7  }
0x8: {  	s13 =	sshll.u32 s21, $0x1;
	s14 =	sor.u32 $0x40, s21;
	s12 =	smul.u32 $0x500, s10  }
0x9: {  	s16 =	sor.u32 $0x50, s21;
	s18 =	sor.u32 $0x60, s21;
	s17 =	smul.u32 $0x500, s14  }
0xa: {  	s20 =	sor.u32 $0x70, s21;
	[smem:$0x7FF] =	sst s3;
	s19 =	smul.u32 $0x500, s16  }
0xb: {  	s6 =	ssub.s32 $0x2, s4;
	s13 =	sor.u32 s4, s13;
	s23 =	smul.u32 $0x500, s20  }
0xc: {  	s4 =	smul.u32 $0x50, s4;
	p0 =	sgt.u32 s20, $0x7C;
	s9 =	sshrl.u32 s6, $0x1  }
0xd: {  	s5 =	sadd.s32 s5, s0;
	s6 =	ssub.s32 s6, s9;
	s9 =	sor.u32 $0x30, s21  }
0xe: {  	_ =	strace $0x80000047;
	s15 =	smul.u32 $0x500, s9;
	s5 =	sadd.s32 $0x16E00, s5  }
0xf: {  	s6 =	smax.u32 s6, $0x1;
	s28 =	sadd.s32 s5, s19;
	s19 =	smul.u32 $0xA00, s13  }
0x10: {  	s8 =	sadd.s32 s5, s8;
	s11 =	sadd.s32 s5, s11;
	s13 =	smul.u32 $0xA000, s16  }
0x11: {  	s22 =	sadd.s32 s5, s12;
	[dreg:$0xe] =	wrdreg s6;
	s16 =	smul.u32 $0xA000, s20  }
0x12: {  	s25 =	sadd.s32 s5, s17;
	[dreg:$0x4] =	wrdreg s8;
	s8 =	smul.u32 $0x500, s18  }
0x13: {  	s17 =	sadd.s32 $0x2800, s0;
	[dreg:$0x8] =	wrdreg s25;
	s25 =	smul.u32 $0xA000, s7  }
0x14: {  	[dreg:$0x6] =	wrdreg s22;
	s22 =	sadd.s32 s4, s26;
	s26 =	smul.u32 $0xA000, s10  }
0x15: {  	s0 =	sadd.s32 $0x16800, s0;
	[dreg:$0x9] =	wrdreg s28;
	s28 =	smul.u32 $0xA000, s9  }
0x16: {  	[dreg:$0x5] =	wrdreg s11;
	s24 =	sadd.s32 s5, s15;
	s10 =	smul.u32 $0xA000, s14  }
0x17: {  	[dreg:$0xc] =	wrdreg s0;
	s15 =	smul.u32 $0xA000, s18;
	s7 =	simm.s32 $0x1  }
0x18: {  	s11 =	simm.s32 $0x2;
	[dreg:$0x7] =	wrdreg s24;
	s24 =	sadd.s32 s17, s19  }
0x19: {  	s0 =	sshll.u32 s22, $0x5;
	s19 =	sshrl.u32 s16, $0x2;
	s16 =	simm.s32 $0x80  }
0x1a: {  	s8 =	sadd.s32 s5, s8;
	s5 =	sadd.s32 s5, s23;
	s23 =	smul.u32 $0xA000, s21  }
0x1b: {  	s9 =	sadd.s32 s0, s17;
	s14 =	sshrl.u32 s26, $0x2;
	s6 =	sshrl.u32 s10, $0x2  }
0x1c: {  	s0 =	sshrl.u32 s13, $0x2;
	s18 =	sshrl.u32 s15, $0x2;
	[dreg:$0xd] =	wrdreg s24  }
0x1d: {  	s22 =	sadd.s32 $0x20, s24;
	s10 =	simm.s32 $0x200;
	[dreg:$0xa] =	wrdreg s8  }
0x1e: {  	s15 =	simm.s32 $0x5;
	s13 =	simm.s32 $0x9;
	[dreg:$0xb] =	wrdreg s5  }
0x1f: {  	s5 =	sshll.u32 s21, $0x6;
	s8 =	sshrl.u32 s25, $0x2;
	s17 =	sadd.s32 s6, s2  }
0x20: {  	s0 =	sadd.s32 s0, s2;
	s20 =	sadd.s32 s18, s2;
	[dreg:$0x18] =	wrdreg s22  }
0x21: {  	s21 =	sadd.s32 s19, s2;
	s24 =	sadd.s32 $0x140, s9;
	[dreg:$0x14] =	wrdreg s17  }
0x22: {  	s25 =	sadd.s32 $0x100, s9;
	s26 =	sadd.s32 $0xC0, s9;
	[dreg:$0x15] =	wrdreg s0  }
0x23: {  	s19 =	simm.s32 $0x3;
	s22 =	simm.s32 $0x180;
	[dreg:$0x16] =	wrdreg s20  }
0x24: {  	s18 =	simm.s32 $0x380;
	s6 =	simm.s32 $0xA;
	[dreg:$0x17] =	wrdreg s21  }
0x25: {  	s4 =	sshrl.u32 s23, $0x2;
	s29 =	sor.u32 $0x1C0B, s5;
	[dreg:$0x1a] =	wrdreg s24  }
0x26: {  	s12 =	sadd.s32 s8, s2;
	s5 =	sadd.s32 s14, s2;
	[dreg:$0x1b] =	wrdreg s25  }
0x27: {  	s23 =	sadd.s32 $0x180, s9;
	[dreg:$0x1c] =	wrdreg s26;
	s0 =	smov.u32 s9  }
0x28: {  	s8 =	simm.s32 $0x7D;
	s14 =	simm.s32 $0x300;
	s20 =	simm.s32 $0x8400  }
0x29: {  	s21 =	simm.s32 $0x6;
	s24 =	simm.s32 $0x4;
	[dreg:$0x11] =	wrdreg s12  }
0x2a: {  	s25 =	simm.s32 $0x7;
	s26 =	simm.s32 $0x280;
	[dreg:$0x12] =	wrdreg s5  }
.Ltmp0:
0x2b: {  	s4 =	sadd.s32 s4, s2;
	[dreg:$0x19] =	wrdreg s23;
	(pc) =	sbr.rel .LBB2_1-.Ltmp0, $4  }
0x2c: {  	s5 =	simm.s32 $0x100;
	s12 =	simm.s32 $0x4400;
	[dreg:$0x10] =	wrdreg s29  }
0x2d: {  	[dreg:$0xf] =	wrdreg s4;
	s4 =	sshrl.u32 s28, $0x2;
	s28 =	sadd.s32 $0x80, s9  }
0x2e: {  	s23 =	simm.s32 $0x8;
	s4 =	sadd.s32 s4, s2;
	[dreg:$0x1d] =	wrdreg s28  }
0x2f: {  	[dreg:$0x13] =	wrdreg s4;
	s4 =	sadd.s32 $0x40, s9;
	s9 =	simm.s32 $0x400  }
.LBB2_4:
0x30: {  	_ =	swait.ge [sflag:s21], $0x3E80  }
0x31: {  	[sflag:s21] =	ssyncset.done $0x0  }
0x32: {  	[sflag:s21] =	ssyncadd.s32 $0xFFFFC180  }
0x33: {  	[spmem:s2] =	stream.indirect.scatter.add.f32 [tilespmem:s12], [sflag:$0x9], $0x80, s18, s8, $0xb8;
	[tilespmem:$0x1FC80] =	vst v63  }
0x34: {  	_ =	swait.ge [sflag:s23], $0x3E80  }
0x35: {  	[sflag:s23] =	ssyncset.done $0x0  }
0x36: {  	[sflag:s23] =	ssyncadd.s32 $0xFFFFC180  }
0x37: {  	_ =	swait.ge [sflag:s13], $0x3E80  }
0x38: {  	[sflag:s13] =	ssyncset.done $0x0  }
0x39: {  	[sflag:s13] =	ssyncadd.s32 $0xFFFFC180  }
0x3a: {  	[bflag:$0x0] =	sbarrier.arrive $0xFFFF  }
0x3b: {  	s17 =	rddreg [dreg:$0x4]  }
0x3c: {  	s29 =	rddreg [dreg:$0x10]  }
0x3d: {  	s30 =	simm.s32 $0xB;
	s28 =	rddreg [dreg:$0x1f]  }
0x3e: {  	[hbm:s17], [sflag:s29] =	dma.local [spmem:s28], $0x500  }
0x3f: {  	_ =	swait.ge [sflag:s30], $0x500  }
0x40: {  	s28 =	sld [smem:$0x7F7]  }
0x41: {  	[sflag:s30] =	ssyncset.done $0x0  }
0x42: {  	s17 =	rddreg [dreg:$0x5];
	[sflag:s30] =	ssyncadd.s32 $0xFFFFFB00  }
0x43: {  	[hbm:s17], [sflag:s29] =	dma.local [spmem:s28], $0x500  }
0x44: {  	_ =	swait.ge [sflag:s30], $0x500  }
0x45: {  	s28 =	sld [smem:$0x7F8]  }
0x46: {  	[sflag:s30] =	ssyncset.done $0x0  }
0x47: {  	s17 =	rddreg [dreg:$0x6];
	[sflag:s30] =	ssyncadd.s32 $0xFFFFFB00  }
0x48: {  	[hbm:s17], [sflag:s29] =	dma.local [spmem:s28], $0x500  }
0x49: {  	_ =	swait.ge [sflag:s30], $0x500  }
0x4a: {  	s28 =	sld [smem:$0x7F9]  }
0x4b: {  	[sflag:s30] =	ssyncset.done $0x0  }
0x4c: {  	s17 =	rddreg [dreg:$0x7];
	[sflag:s30] =	ssyncadd.s32 $0xFFFFFB00  }
0x4d: {  	[hbm:s17], [sflag:s29] =	dma.local [spmem:s28], $0x500  }
0x4e: {  	_ =	swait.ge [sflag:s30], $0x500  }
0x4f: {  	s28 =	sld [smem:$0x7FA]  }
0x50: {  	[sflag:s30] =	ssyncset.done $0x0  }
0x51: {  	s17 =	rddreg [dreg:$0x8];
	[sflag:s30] =	ssyncadd.s32 $0xFFFFFB00  }
0x52: {  	[hbm:s17], [sflag:s29] =	dma.local [spmem:s28], $0x500  }
0x53: {  	_ =	swait.ge [sflag:s30], $0x500  }
0x54: {  	s28 =	sld [smem:$0x7FB]  }
0x55: {  	[sflag:s30] =	ssyncset.done $0x0  }
0x56: {  	s17 =	rddreg [dreg:$0x9];
	[sflag:s30] =	ssyncadd.s32 $0xFFFFFB00  }
0x57: {  	[hbm:s17], [sflag:s29] =	dma.local [spmem:s28], $0x500  }
0x58: {  	_ =	swait.ge [sflag:s30], $0x500  }
0x59: {  	s28 =	sld [smem:$0x7FC]  }
0x5a: {  	[sflag:s30] =	ssyncset.done $0x0  }
0x5b: {  	s17 =	rddreg [dreg:$0xa];
	[sflag:s30] =	ssyncadd.s32 $0xFFFFFB00  }
0x5c: {  	[hbm:s17], [sflag:s29] =	dma.local [spmem:s28], $0x500  }
0x5d: {  	_ =	swait.ge [sflag:s30], $0x500  }
0x5e: {  	s28 =	sld [smem:$0x7FD]  }
0x5f: {  	[sflag:s30] =	ssyncset.done $0x0  }
0x60: {  	s17 =	rddreg [dreg:$0xb];
	[sflag:s30] =	ssyncadd.s32 $0xFFFFFB00  }
0x61: {  	[hbm:s17], [sflag:s29] =	dma.local @!p0 [spmem:s28], $0x500  }
0x62: {  	s17 =	simm.s32 @!p0 $0xB  }
0x63: {  	_ =	swait.ge @!p0 [sflag:s17], $0x500  }
0x64: {  	s31 =	rddreg [dreg:$0x1e]  }
0x65: {  	s28 =	rddreg [dreg:$0xe];
	s31 =	sadd.s32 $0x1, s31  }
0x66: {  	p1 =	sne.s32 s31, s28  }
.Ltmp1:
0x67: {  	_ = 	snop;
	(pc) =	sbr.rel @!p1 .LBB2_5-.Ltmp1, $3  }
0x68: {  	_ =	sdelay $0x1  }
0x69: {  	[sflag:s17] =	ssyncset.done @!p0 $0x0  }
0x6a: {  	[sflag:s17] =	ssyncadd.s32 @!p0 $0xFFFFFB00  }
.LBB2_1:
0x6b: {  	[dreg:$0x1e] =	wrdreg s31  }
0x6c: {  	s17 =	rddreg [dreg:$0xd]  }
0x6d: {  	[tilespmem:s3], [sflag:$0x1] =	stream.linear.gather [hbm4b:s17+s3], $0x100, $0x38;
	[tilespmem:$0x1FC80] =	vst v63  }
0x6e: {  	s31 =	rddreg [dreg:$0x18]  }
0x6f: {  	[tilespmem:s5], [sflag:$0x2] =	stream.linear.gather [hbm4b:s31+s3], $0x100, $0x38;
	[tilespmem:$0x1FC80] =	vst v63  }
0x70: {  	s31 =	rddreg [dreg:$0xf]  }
0x71: {  	s17 =	rddreg [dreg:$0xc];
	s28 =	sshrl.u32 s31, $0x3  }
0x72: {  	[dreg:$0x1f] =	wrdreg s28  }
0x73: {  	[spmem:s28], [sflag:s29] =	dma.local [hbm:s17], $0x500  }
0x74: {  	_ =	swait.ge [sflag:s30], $0x500  }
0x75: {  	s28 =	rddreg [dreg:$0x11]  }
0x76: {  	[sflag:s30] =	ssyncset.done $0x0;
	s28 =	sshrl.u32 s28, $0x3  }
0x77: {  	[sflag:s30] =	ssyncadd.s32 $0xFFFFFB00;
	[smem:$0x7F7] =	sst s28  }
0x78: {  	[spmem:s28], [sflag:s29] =	dma.local [hbm:s17], $0x500  }
0x79: {  	_ =	swait.ge [sflag:s30], $0x500  }
0x7a: {  	s28 =	rddreg [dreg:$0x12]  }
0x7b: {  	[sflag:s30] =	ssyncset.done $0x0;
	s28 =	sshrl.u32 s28, $0x3  }
0x7c: {  	[sflag:s30] =	ssyncadd.s32 $0xFFFFFB00;
	[smem:$0x7F8] =	sst s28  }
0x7d: {  	[spmem:s28], [sflag:s29] =	dma.local [hbm:s17], $0x500  }
0x7e: {  	_ =	swait.ge [sflag:s30], $0x500  }
0x7f: {  	s28 =	rddreg [dreg:$0x13]  }
0x80: {  	[sflag:s30] =	ssyncset.done $0x0;
	s28 =	sshrl.u32 s28, $0x3  }
0x81: {  	[sflag:s30] =	ssyncadd.s32 $0xFFFFFB00;
	[smem:$0x7F9] =	sst s28  }
0x82: {  	[spmem:s28], [sflag:s29] =	dma.local [hbm:s17], $0x500  }
0x83: {  	_ =	swait.ge [sflag:s30], $0x500  }
0x84: {  	s28 =	rddreg [dreg:$0x14]  }
0x85: {  	[sflag:s30] =	ssyncset.done $0x0;
	s28 =	sshrl.u32 s28, $0x3  }
0x86: {  	[sflag:s30] =	ssyncadd.s32 $0xFFFFFB00;
	[smem:$0x7FA] =	sst s28  }
0x87: {  	[spmem:s28], [sflag:s29] =	dma.local [hbm:s17], $0x500  }
0x88: {  	_ =	swait.ge [sflag:s30], $0x500  }
0x89: {  	s28 =	rddreg [dreg:$0x15]  }
0x8a: {  	[sflag:s30] =	ssyncset.done $0x0;
	s28 =	sshrl.u32 s28, $0x3  }
0x8b: {  	[sflag:s30] =	ssyncadd.s32 $0xFFFFFB00;
	[smem:$0x7FB] =	sst s28  }
0x8c: {  	[spmem:s28], [sflag:s29] =	dma.local [hbm:s17], $0x500  }
0x8d: {  	_ =	swait.ge [sflag:s30], $0x500  }
0x8e: {  	s28 =	rddreg [dreg:$0x16]  }
0x8f: {  	[sflag:s30] =	ssyncset.done $0x0;
	s28 =	sshrl.u32 s28, $0x3  }
0x90: {  	[sflag:s30] =	ssyncadd.s32 $0xFFFFFB00;
	[smem:$0x7FC] =	sst s28  }
0x91: {  	[spmem:s28], [sflag:s29] =	dma.local [hbm:s17], $0x500  }
0x92: {  	_ =	swait.ge [sflag:s30], $0x500  }
0x93: {  	s28 =	rddreg [dreg:$0x17]  }
0x94: {  	[sflag:s30] =	ssyncset.done $0x0;
	s28 =	sshrl.u32 @!p0 s28, $0x3  }
0x95: {  	[sflag:s30] =	ssyncadd.s32 $0xFFFFFB00;
	[smem:$0x7FD] =	sst s28  }
0x96: {  	[spmem:s28], [sflag:s29] =	dma.local @!p0 [hbm:s17], $0x500  }
0x97: {  	s17 =	simm.s32 @!p0 $0xB  }
0x98: {  	_ =	swait.ge @!p0 [sflag:s17], $0x500  }
0x99: {  	[sflag:s17] =	ssyncset.done @!p0 $0x0  }
0x9a: {  	[sflag:s17] =	ssyncadd.s32 @!p0 $0xFFFFFB00  }
0x9b: {  	_ =	swait.ge [sflag:s7], $0x100  }
0x9c: {  	[sflag:s7] =	ssyncset.done $0x0  }
0x9d: {  	[sflag:s7] =	ssyncadd.s32 $0xFFFFFF00  }
0x9e: {  	[tilespmem:s9], [sflag:$0x5] =	stream.indirect.gather [hbm4b:s1+s8], $0x80, s3, s8, $0xb8;
	[tilespmem:$0x1FC80] =	vst v63  }
0x9f: {  	s28 =	simm.s32 $0x0;
	s17 =	simm.s32 $0xFFFFFFFC;
	[bflag:$0x0] =	sbarrier.arrive $0xFFFF  }
.LBB2_2:
0xa0: {  	p1 =	sgt.u32 s17, $0x4F  }
0xa1: {  	s29 =	simm.s32 @!p1 $0x9  }
0xa2: {  	_ =	swait.ge @!p1 [sflag:s29], $0x3E80  }
0xa3: {  	[sflag:s29] =	ssyncset.done @!p1 $0x0  }
0xa4: {  	[sflag:s29] =	ssyncadd.s32 @!p1 $0xFFFFC180;
	s29 =	sadd.s32 s28, s4  }
0xa5: {  	[tilespmem:s10], [sflag:$0x3] =	stream.linear.gather [hbm4b:s29+s3], $0x100, $0x38;
	[tilespmem:$0x1FC80] =	vst v63  }
0xa6: {  	_ =	swait.ge [sflag:s11], $0x100  }
0xa7: {  	[sflag:s11] =	ssyncset.done $0x0  }
0xa8: {  	[sflag:s11] =	ssyncadd.s32 $0xFFFFFF00  }
0xa9: {  	[tilespmem:s12], [sflag:$0x6] =	stream.indirect.gather [hbm4b:s1+s8], $0x80, s5, s8, $0xb8;
	[tilespmem:$0x1FC80] =	vst v63  }
0xaa: {  	_ =	swait.ge [sflag:s15], $0x3E80  }
0xab: {  	p1 =	seq.s32 s28, $0x0;
	[sflag:s15] =	ssyncset.done $0x0  }
0xac: {  	s30 =	simm.s32 @!p1 $0xA;
	[sflag:s15] =	ssyncadd.s32 $0xFFFFC180  }
0xad: {  	[spmem:s2] =	stream.indirect.scatter.add.f32 [tilespmem:s9], [sflag:$0x8], $0x80, s16, s8, $0xb8;
	[tilespmem:$0x1FC80] =	vst v63  }
0xae: {  	_ =	swait.ge @!p1 [sflag:s30], $0x3E80  }
0xaf: {  	s29 =	sadd.s32 s28, s0;
	[sflag:s30] =	ssyncset.done @!p1 $0x0  }
0xb0: {  	s31 =	sadd.s32 $0x60, s29;
	[sflag:s30] =	ssyncadd.s32 @!p1 $0xFFFFC180  }
0xb1: {  	[tilespmem:s14], [sflag:$0x4] =	stream.linear.gather [hbm4b:s31+s3], $0x100, $0x38;
	[tilespmem:$0x1FC80] =	vst v63  }
0xb2: {  	_ =	swait.ge [sflag:s19], $0x100  }
0xb3: {  	[sflag:s19] =	ssyncset.done $0x0  }
0xb4: {  	[sflag:s19] =	ssyncadd.s32 $0xFFFFFF00  }
0xb5: {  	[tilespmem:s20], [sflag:$0x7] =	stream.indirect.gather [hbm4b:s1+s8], $0x80, s10, s8, $0xb8;
	[tilespmem:$0x1FC80] =	vst v63  }
0xb6: {  	_ =	swait.ge [sflag:s21], $0x3E80  }
0xb7: {  	[sflag:s21] =	ssyncset.done $0x0  }
0xb8: {  	[sflag:s21] =	ssyncadd.s32 $0xFFFFC180  }
0xb9: {  	[spmem:s2] =	stream.indirect.scatter.add.f32 [tilespmem:s12], [sflag:$0x9], $0x80, s22, s8, $0xb8;
	[tilespmem:$0x1FC80] =	vst v63  }
0xba: {  	_ =	swait.ge [sflag:s23], $0x3E80  }
0xbb: {  	[sflag:s23] =	ssyncset.done $0x0;
	s31 =	rddreg [dreg:$0x1d]  }
0xbc: {  	[sflag:s23] =	ssyncadd.s32 $0xFFFFC180;
	s30 =	sadd.s32 s28, s31  }
0xbd: {  	[tilespmem:s3], [sflag:$0x1] =	stream.linear.gather [hbm4b:s30+s3], $0x100, $0x38;
	[tilespmem:$0x1FC80] =	vst v63  }
0xbe: {  	_ =	swait.ge [sflag:s24], $0x100  }
0xbf: {  	[sflag:s24] =	ssyncset.done $0x0  }
0xc0: {  	[sflag:s24] =	ssyncadd.s32 $0xFFFFFF00  }
0xc1: {  	[tilespmem:s9], [sflag:$0x5] =	stream.indirect.gather [hbm4b:s1+s8], $0x80, s14, s8, $0xb8;
	[tilespmem:$0x1FC80] =	vst v63  }
0xc2: {  	_ =	swait.ge [sflag:s25], $0x3E80  }
0xc3: {  	[sflag:s25] =	ssyncset.done $0x0  }
0xc4: {  	[sflag:s25] =	ssyncadd.s32 $0xFFFFC180  }
0xc5: {  	[spmem:s2] =	stream.indirect.scatter.add.f32 [tilespmem:s20], [sflag:$0xA], $0x80, s26, s8, $0xb8;
	[tilespmem:$0x1FC80] =	vst v63  }
0xc6: {  	_ =	swait.ge [sflag:s13], $0x3E80  }
0xc7: {  	[sflag:s13] =	ssyncset.done $0x0  }
0xc8: {  	s31 =	sadd.s32 $0xA0, s29;
	[sflag:s13] =	ssyncadd.s32 $0xFFFFC180  }
0xc9: {  	[tilespmem:s5], [sflag:$0x2] =	stream.linear.gather [hbm4b:s31+s3], $0x100, $0x38;
	[tilespmem:$0x1FC80] =	vst v63  }
0xca: {  	_ =	swait.ge [sflag:s7], $0x100  }
0xcb: {  	[sflag:s7] =	ssyncset.done $0x0  }
0xcc: {  	[sflag:s7] =	ssyncadd.s32 $0xFFFFFF00  }
0xcd: {  	[tilespmem:s12], [sflag:$0x6] =	stream.indirect.gather [hbm4b:s1+s8], $0x80, s3, s8, $0xb8;
	[tilespmem:$0x1FC80] =	vst v63  }
0xce: {  	_ =	swait.ge [sflag:s15], $0x3E80  }
0xcf: {  	[sflag:s15] =	ssyncset.done $0x0  }
0xd0: {  	[sflag:s15] =	ssyncadd.s32 $0xFFFFC180  }
0xd1: {  	[spmem:s2] =	stream.indirect.scatter.add.f32 [tilespmem:s9], [sflag:$0x8], $0x80, s18, s8, $0xb8;
	[tilespmem:$0x1FC80] =	vst v63  }
0xd2: {  	_ =	swait.ge [sflag:s6], $0x3E80  }
0xd3: {  	[sflag:s6] =	ssyncset.done $0x0;
	s31 =	rddreg [dreg:$0x1c]  }
0xd4: {  	[sflag:s6] =	ssyncadd.s32 $0xFFFFC180;
	s30 =	sadd.s32 s28, s31  }
0xd5: {  	[tilespmem:s10], [sflag:$0x3] =	stream.linear.gather [hbm4b:s30+s3], $0x100, $0x38;
	[tilespmem:$0x1FC80] =	vst v63  }
0xd6: {  	_ =	swait.ge [sflag:s11], $0x100  }
0xd7: {  	[sflag:s11] =	ssyncset.done $0x0  }
0xd8: {  	[sflag:s11] =	ssyncadd.s32 $0xFFFFFF00  }
0xd9: {  	[tilespmem:s20], [sflag:$0x7] =	stream.indirect.gather [hbm4b:s1+s8], $0x80, s5, s8, $0xb8;
	[tilespmem:$0x1FC80] =	vst v63  }
0xda: {  	_ =	swait.ge [sflag:s21], $0x3E80  }
0xdb: {  	[sflag:s21] =	ssyncset.done $0x0  }
0xdc: {  	[sflag:s21] =	ssyncadd.s32 $0xFFFFC180  }
0xdd: {  	[spmem:s2] =	stream.indirect.scatter.add.f32 [tilespmem:s12], [sflag:$0x9], $0x80, s16, s8, $0xb8;
	[tilespmem:$0x1FC80] =	vst v63  }
0xde: {  	_ =	swait.ge [sflag:s23], $0x3E80  }
0xdf: {  	[sflag:s23] =	ssyncset.done $0x0  }
0xe0: {  	s31 =	sadd.s32 $0xE0, s29;
	[sflag:s23] =	ssyncadd.s32 $0xFFFFC180  }
0xe1: {  	[tilespmem:s14], [sflag:$0x4] =	stream.linear.gather [hbm4b:s31+s3], $0x100, $0x38;
	[tilespmem:$0x1FC80] =	vst v63  }
0xe2: {  	_ =	swait.ge [sflag:s19], $0x100  }
0xe3: {  	[sflag:s19] =	ssyncset.done $0x0  }
0xe4: {  	[sflag:s19] =	ssyncadd.s32 $0xFFFFFF00  }
0xe5: {  	[tilespmem:s9], [sflag:$0x5] =	stream.indirect.gather [hbm4b:s1+s8], $0x80, s10, s8, $0xb8;
	[tilespmem:$0x1FC80] =	vst v63  }
0xe6: {  	_ =	swait.ge [sflag:s25], $0x3E80  }
0xe7: {  	[sflag:s25] =	ssyncset.done $0x0  }
0xe8: {  	[sflag:s25] =	ssyncadd.s32 $0xFFFFC180  }
0xe9: {  	[spmem:s2] =	stream.indirect.scatter.add.f32 [tilespmem:s20], [sflag:$0xA], $0x80, s22, s8, $0xb8;
	[tilespmem:$0x1FC80] =	vst v63  }
0xea: {  	_ =	swait.ge [sflag:s13], $0x3E80  }
0xeb: {  	p1 =	seq.s32 s28, $0x900;
	[sflag:s13] =	ssyncset.done $0x0;
	s30 =	rddreg [dreg:$0x1b]  }
0xec: {  	s31 =	simm.s32 @!p1 $0x0;
	[sflag:s13] =	ssyncadd.s32 $0xFFFFC180;
	s30 =	sadd.s32 @!p1 s28, s30  }
0xed: {  	[tilespmem:s31], [sflag:$0x1] =	stream.linear.gather @!p1 [hbm4b:s30+s31], $0x100, $0x38;
	[tilespmem:$0x1FC80] =	vst v63  }
0xee: {  	_ =	swait.ge [sflag:s24], $0x100  }
0xef: {  	[sflag:s24] =	ssyncset.done $0x0  }
0xf0: {  	[sflag:s24] =	ssyncadd.s32 $0xFFFFFF00  }
0xf1: {  	[tilespmem:s12], [sflag:$0x6] =	stream.indirect.gather [hbm4b:s1+s8], $0x80, s14, s8, $0xb8;
	[tilespmem:$0x1FC80] =	vst v63  }
0xf2: {  	_ =	swait.ge [sflag:s15], $0x3E80  }
0xf3: {  	[sflag:s15] =	ssyncset.done $0x0  }
.Ltmp2:
0xf4: {  	[sflag:s15] =	ssyncadd.s32 $0xFFFFC180;
	(pc) =	sbr.rel @p1 .LBB2_4-.Ltmp2, $4  }
0xf5: {  	[spmem:s2] =	stream.indirect.scatter.add.f32 [tilespmem:s9], [sflag:$0x8], $0x80, s26, s8, $0xb8;
	[tilespmem:$0x1FC80] =	vst v63  }
0xf6: {  	_ =	swait.ge [sflag:s6], $0x3E80  }
0xf7: {  	[sflag:s6] =	ssyncset.done $0x0  }
0xf8: {  	[sflag:s6] =	ssyncadd.s32 $0xFFFFC180  }
0xf9: {  	s30 =	sadd.s32 $0x120, s29  }
0xfa: {  	[tilespmem:s5], [sflag:$0x2] =	stream.linear.gather [hbm4b:s30+s3], $0x100, $0x38;
	[tilespmem:$0x1FC80] =	vst v63  }
0xfb: {  	_ =	swait.ge [sflag:s7], $0x100  }
0xfc: {  	[sflag:s7] =	ssyncset.done $0x0  }
0xfd: {  	[sflag:s7] =	ssyncadd.s32 $0xFFFFFF00  }
0xfe: {  	[tilespmem:s20], [sflag:$0x7] =	stream.indirect.gather [hbm4b:s1+s8], $0x80, s3, s8, $0xb8;
	[tilespmem:$0x1FC80] =	vst v63  }
0xff: {  	_ =	swait.ge [sflag:s21], $0x3E80  }
0x100: {  	[sflag:s21] =	ssyncset.done $0x0  }
0x101: {  	[sflag:s21] =	ssyncadd.s32 $0xFFFFC180  }
0x102: {  	[spmem:s2] =	stream.indirect.scatter.add.f32 [tilespmem:s12], [sflag:$0x9], $0x80, s18, s8, $0xb8;
	[tilespmem:$0x1FC80] =	vst v63  }
0x103: {  	_ =	swait.ge [sflag:s23], $0x3E80  }
0x104: {  	[sflag:s23] =	ssyncset.done $0x0;
	s31 =	rddreg [dreg:$0x1a]  }
0x105: {  	[sflag:s23] =	ssyncadd.s32 $0xFFFFC180;
	s30 =	sadd.s32 s28, s31  }
0x106: {  	[tilespmem:s10], [sflag:$0x3] =	stream.linear.gather [hbm4b:s30+s3], $0x100, $0x38;
	[tilespmem:$0x1FC80] =	vst v63  }
0x107: {  	_ =	swait.ge [sflag:s11], $0x100  }
0x108: {  	[sflag:s11] =	ssyncset.done $0x0  }
0x109: {  	[sflag:s11] =	ssyncadd.s32 $0xFFFFFF00  }
0x10a: {  	[tilespmem:s9], [sflag:$0x5] =	stream.indirect.gather [hbm4b:s1+s8], $0x80, s5, s8, $0xb8;
	[tilespmem:$0x1FC80] =	vst v63  }
0x10b: {  	_ =	swait.ge [sflag:s25], $0x3E80  }
0x10c: {  	[sflag:s25] =	ssyncset.done $0x0  }
0x10d: {  	[sflag:s25] =	ssyncadd.s32 $0xFFFFC180  }
0x10e: {  	[spmem:s2] =	stream.indirect.scatter.add.f32 [tilespmem:s20], [sflag:$0xA], $0x80, s16, s8, $0xb8;
	[tilespmem:$0x1FC80] =	vst v63  }
0x10f: {  	_ =	swait.ge [sflag:s13], $0x3E80  }
0x110: {  	[sflag:s13] =	ssyncset.done $0x0  }
0x111: {  	s31 =	sadd.s32 $0x160, s29;
	[sflag:s13] =	ssyncadd.s32 $0xFFFFC180  }
0x112: {  	[tilespmem:s14], [sflag:$0x4] =	stream.linear.gather [hbm4b:s31+s3], $0x100, $0x38;
	[tilespmem:$0x1FC80] =	vst v63  }
0x113: {  	_ =	swait.ge [sflag:s19], $0x100  }
0x114: {  	[sflag:s19] =	ssyncset.done $0x0  }
0x115: {  	[sflag:s19] =	ssyncadd.s32 $0xFFFFFF00  }
0x116: {  	[tilespmem:s12], [sflag:$0x6] =	stream.indirect.gather [hbm4b:s1+s8], $0x80, s10, s8, $0xb8;
	[tilespmem:$0x1FC80] =	vst v63  }
0x117: {  	_ =	swait.ge [sflag:s15], $0x3E80  }
0x118: {  	[sflag:s15] =	ssyncset.done $0x0  }
0x119: {  	[sflag:s15] =	ssyncadd.s32 $0xFFFFC180  }
0x11a: {  	[spmem:s2] =	stream.indirect.scatter.add.f32 [tilespmem:s9], [sflag:$0x8], $0x80, s22, s8, $0xb8;
	[tilespmem:$0x1FC80] =	vst v63  }
0x11b: {  	_ =	swait.ge [sflag:s6], $0x3E80  }
0x11c: {  	[sflag:s6] =	ssyncset.done $0x0;
	s31 =	rddreg [dreg:$0x19]  }
0x11d: {  	[sflag:s6] =	ssyncadd.s32 $0xFFFFC180;
	s30 =	sadd.s32 s28, s31  }
0x11e: {  	[tilespmem:s3], [sflag:$0x1] =	stream.linear.gather [hbm4b:s30+s3], $0x100, $0x38;
	[tilespmem:$0x1FC80] =	vst v63  }
0x11f: {  	_ =	swait.ge [sflag:s24], $0x100  }
0x120: {  	[sflag:s24] =	ssyncset.done $0x0  }
0x121: {  	[sflag:s24] =	ssyncadd.s32 $0xFFFFFF00  }
0x122: {  	[tilespmem:s20], [sflag:$0x7] =	stream.indirect.gather [hbm4b:s1+s8], $0x80, s14, s8, $0xb8;
	[tilespmem:$0x1FC80] =	vst v63  }
0x123: {  	_ =	swait.ge [sflag:s21], $0x3E80  }
0x124: {  	[sflag:s21] =	ssyncset.done $0x0  }
0x125: {  	[sflag:s21] =	ssyncadd.s32 $0xFFFFC180  }
0x126: {  	[spmem:s2] =	stream.indirect.scatter.add.f32 [tilespmem:s12], [sflag:$0x9], $0x80, s26, s8, $0xb8;
	[tilespmem:$0x1FC80] =	vst v63  }
0x127: {  	_ =	swait.ge [sflag:s23], $0x3E80  }
0x128: {  	[sflag:s23] =	ssyncset.done $0x0  }
0x129: {  	s31 =	sadd.s32 $0x1A0, s29;
	[sflag:s23] =	ssyncadd.s32 $0xFFFFC180  }
0x12a: {  	[tilespmem:s5], [sflag:$0x2] =	stream.linear.gather [hbm4b:s31+s3], $0x100, $0x38;
	[tilespmem:$0x1FC80] =	vst v63  }
0x12b: {  	_ =	swait.ge [sflag:s7], $0x100  }
0x12c: {  	[sflag:s7] =	ssyncset.done $0x0  }
0x12d: {  	[sflag:s7] =	ssyncadd.s32 $0xFFFFFF00  }
0x12e: {  	[tilespmem:s9], [sflag:$0x5] =	stream.indirect.gather [hbm4b:s1+s8], $0x80, s3, s8, $0xb8;
	[tilespmem:$0x1FC80] =	vst v63  }
.Ltmp3:
0x12f: {  	_ = 	snop;
	(pc) =	sbr.rel .LBB2_2-.Ltmp3, $4  }
0x130: {  	_ =	swait.ge [sflag:s25], $0x3E80  }
0x131: {  	[sflag:s25] =	ssyncset.done $0x0  }
0x132: {  	s17 =	sadd.s32 $0xC, s17;
	s28 =	sadd.s32 $0x180, s28;
	[sflag:s25] =	ssyncadd.s32 $0xFFFFC180  }
0x133: {  	[spmem:s2] =	stream.indirect.scatter.add.f32 [tilespmem:s20], [sflag:$0xA], $0x80, s18, s8, $0xb8;
	[tilespmem:$0x1FC80] =	vst v63  }
.LBB2_5:
0x134: {  	_ =	sfence.sel $0x180000  }
0x135: {  	[bflag:$0x0] =	sbarrier.arrive $0xFFFF  }
0x136: {  	_ =	strace $0x90000047  }
0x137: {  	s0 =	stileid.u32;
	[bflag:$0x2] =	sbarrier.arrive $0xFFFF  }
0x138: {  	p0 =	sne.s32 s0, $0x0;
	s0 =	rddreg [dreg:$0x3]  }
0x139: {  	s0 =	sadd.s32 @!p0 $0x100000, s0  }
0x13a: {  	[sflag:s0] =	ssyncadd.tile.s32 @!p0 $0x1;
	_ =	shalt  }
.Lfunc_end2:
_tile_overlayer_lowered:
.L_overlay_start_2:
0x13b: {  	(tag) =	ssettag $0x2  }
0x13c: {  	s0 =	rddreg [dreg:$0x0];
	s2 =	stileid.u32  }
0x13d: {  	s1 =	rddreg [dreg:$0x1];
	p0 =	sne.s32 s2, $0x0  }
0x13e: {  	s3 =	rddreg [dreg:$0x2];
	[bflag:$0x3] =	sbarrier.arrive $0xFFFF;
	s2 =	simm.s32 @!p0 $0x1C0B  }
0x13f: {  	[timem:s3], [sflag:s2] =	dma.local @!p0 [hbm:s0], s1  }
0x140: {  	s0 =	simm.s32 @!p0 $0xB  }
0x141: {  	_ =	swait.ge @!p0 [sflag:s0], s1  }
0x142: {  	s1 =	ssub.s32 @!p0 $0x0, s1;
	[sflag:s0] =	ssyncset.done @!p0 $0x0  }
0x143: {  	[sflag:s0] =	ssyncadd.s32 @!p0 s1  }
0x144: {  	[bflag:$0x3] =	sbarrier.arrive $0xFFFF  }
0x145: {  	_ =	shalt  }

// kernel: kernel.9.cloned.1.call-start
scs
__scs_entry_jumppad:
0x0: {  	(pc) =	sbr.rel $0x88, $3  }
0x1: {  	(tag) =	ssettag $0x0;
	lr =	simm.s32 $0x1  }
0x2: {  	[smem:$0x3F92] =	sst lr;
	_ =	strace $0xD0000000  }
0x3: {  	_ = 	snop  }
0x4: {  	_ = 	snop  }
0x5: {  	_ = 	snop  }
0x6: {  	_ = 	snop  }
0x7: {  	_ = 	snop  }
__scs_overlays_trampoline_lowered:
0x8: {  	[smem:$0x3FA1] =	sst s0  }
0x9: {  	[smem:$0x3FA2] =	sst s1  }
0xa: {  	[smem:$0x3FA3] =	sst s2  }
0xb: {  	[smem:$0x3FA4] =	sst s3  }
0xc: {  	[smem:$0x3FA5] =	sst s4  }
0xd: {  	[smem:$0x3FA6] =	sst s5  }
0xe: {  	[smem:$0x3FA7] =	sst s6  }
0xf: {  	[smem:$0x3FA8] =	sst s7  }
0x10: {  	[smem:$0x3FA9] =	sst s8  }
0x11: {  	[smem:$0x3FAA] =	sst s9;
	s0 =	simm.s32 @!p0 $0x0  }
0x12: {  	s1 =	sld [smem:$0x3F90];
	s0 =	simm.s32 @p0 $0x1  }
0x13: {  	[smem:$0x3FAB] =	sst s0;
	s0 =	simm.s32 @!p1 $0x0  }
0x14: {  	s2 =	sld [smem:$0x3F8F];
	s0 =	simm.s32 @p1 $0x1  }
0x15: {  	[smem:$0x3FAC] =	sst s0;
	s0 =	simm.s32 @!p2 $0x0  }
0x16: {  	s3 =	sld [smem:$0x3FDB];
	s0 =	simm.s32 @p2 $0x1  }
0x17: {  	s4 =	simm.s32 $0x1BF5;
	[smem:$0x3FAE] =	sst s0  }
0x18: {  	s0 =	sld [smem:$0x3F91];
	_ =	swait.ge [sflag:s4], $0x0  }
0x19: {  	s7 =	sld [smem:$0x3F92]  }
0x1a: {  	s8 =	sadd.s32 $0xFFFFE003, lr  }
0x1b: {  	s9 =	sadd.s32 $0xFFFFFEF7, lr;
	s5 =	simm.s32 $0xFFFFFFFF;
	p2 =	slt.u32 s8, $0xFFFFF086  }
0x1c: {  	p1 =	slt.u32 s9, $0xF7A;
	s5 =	simm.s32 @!p2 $0x0  }
0x1d: {  	s5 =	simm.s32 @p1 $0x1;
	p0 =	seq.s32 s7, s2  }
0x1e: {  	s7 =	smul.u32 @!p0 $0xF7A, s2;
	p2 =	seq.s32 @!p0 s5, $0x0  }
0x1f: {  	s9 =	smul.u32 $0xF7A, s1;
	s8 =	simm.s32 @!p0 $0x1BF5;
	p2 =	por !p2, p0  }
0x20: {  	[sflag:s8] =	ssyncset.s32 @!p0 $0xFFFFF086;
	s6 =	sadd.s32 @!p0 s3, s7;
	s7 =	simm.s32 @!p0 $0x108  }
0x21: {  	s3 =	sadd.s32 s3, s9;
	s6 =	sadd.s32 @!p0 $0x88, s6;
	s7 =	simm.s32 @p2 $0x1082  }
0x22: {  	[simem:s7], [sflag:s8] =	dma.local @!p0 [hbm:s6], $0xF7A  }
0x23: {  	s9 =	sor.u32 $0xD0000000, s2;
	s6 =	simm.s32 $0x108;
	_ =	swait.ge @!p0 [sflag:s8], $0x0  }
0x24: {  	s3 =	sadd.s32 $0x88, s3;
	s6 =	simm.s32 @!p1 $0x1082;
	[sflag:s4] =	ssyncset.s32 $0xFFFFF086  }
0x25: {  	[simem:s6], [sflag:s4] =	dma.local [hbm:s3], $0xF7A  }
0x26: {  	[smem:$0x3F92] =	sst s1;
	(tag) =	ssettag s2;
	_ =	strace s9  }
0x27: {  	s1 =	sld [smem:$0x3FA2]  }
0x28: {  	s2 =	sld [smem:$0x3FA3]  }
0x29: {  	s4 =	sld [smem:$0x3FA5]  }
0x2a: {  	p0 =	seq.s32 s5, $0x0;
	s5 =	sld [smem:$0x3FA6]  }
0x2b: {  	s6 =	sld [smem:$0x3FA7]  }
0x2c: {  	s7 =	sld [smem:$0x3FA8]  }
0x2d: {  	s3 =	simm.s32 $0x108;
	s8 =	sld [smem:$0x3FA9]  }
0x2e: {  	s3 =	simm.s32 @!p0 $0x1082;
	s9 =	sld [smem:$0x3FAA]  }
0x2f: {  	lr =	sadd.s32 s0, s3;
	s0 =	sld [smem:$0x3FA1]  }
0x30: {  	s3 =	sld [smem:$0x3FA4]  }
0x31: {  	[smem:$0x3FAD] =	sst s10  }
0x32: {  	s10 =	sld [smem:$0x3FAB];
	_ =	sdelay $0x3  }
0x33: {  	p0 =	seq.s32 s10, $0x1;
	s10 =	sld [smem:$0x3FAD];
	_ =	sdelay $0x3  }
0x34: {  	[smem:$0x3FAD] =	sst s10  }
0x35: {  	s10 =	sld [smem:$0x3FAC];
	_ =	sdelay $0x3  }
0x36: {  	p1 =	seq.s32 s10, $0x1;
	s10 =	sld [smem:$0x3FAD];
	_ =	sdelay $0x3  }
0x37: {  	[smem:$0x3FAD] =	sst s10  }
0x38: {  	s10 =	sld [smem:$0x3FAE]  }
0x39: {  	_ = 	snop;
	(pc) =	sbr.ind lr, $3  }
0x3a: {  	_ = 	snop  }
0x3b: {  	_ = 	snop  }
0x3c: {  	p2 =	seq.s32 s10, $0x1;
	s10 =	sld [smem:$0x3FAD]  }
0x3d: {  	_ =	shalt  }
0x3e: {  	_ =	shalt  }
0x3f: {  	_ =	shalt  }
0x40: {  	_ =	shalt  }
0x41: {  	_ =	shalt  }
0x42: {  	_ =	shalt  }
0x43: {  	_ =	shalt  }
0x44: {  	_ =	shalt  }
0x45: {  	_ =	shalt  }
0x46: {  	_ =	shalt  }
0x47: {  	_ =	shalt  }
0x48: {  	_ =	shalt  }
0x49: {  	_ =	shalt  }
0x4a: {  	_ =	shalt  }
0x4b: {  	_ =	shalt  }
0x4c: {  	_ =	shalt  }
0x4d: {  	_ =	shalt  }
0x4e: {  	_ =	shalt  }
0x4f: {  	_ =	shalt  }
0x50: {  	_ =	shalt  }
0x51: {  	_ =	shalt  }
0x52: {  	_ =	shalt  }
0x53: {  	_ =	shalt  }
0x54: {  	_ =	shalt  }
0x55: {  	_ =	shalt  }
0x56: {  	_ =	shalt  }
0x57: {  	_ =	shalt  }
0x58: {  	_ =	shalt  }
0x59: {  	_ =	shalt  }
0x5a: {  	_ =	shalt  }
0x5b: {  	_ =	shalt  }
0x5c: {  	_ =	shalt  }
0x5d: {  	_ =	shalt  }
0x5e: {  	_ =	shalt  }
0x5f: {  	_ =	shalt  }
0x60: {  	_ =	shalt  }
0x61: {  	_ =	shalt  }
0x62: {  	_ =	shalt  }
0x63: {  	_ =	shalt  }
0x64: {  	_ =	shalt  }
0x65: {  	_ =	shalt  }
0x66: {  	_ =	shalt  }
0x67: {  	_ =	shalt  }
0x68: {  	_ =	shalt  }
0x69: {  	_ =	shalt  }
0x6a: {  	_ =	shalt  }
0x6b: {  	_ =	shalt  }
0x6c: {  	_ =	shalt  }
0x6d: {  	_ =	shalt  }
0x6e: {  	_ =	shalt  }
0x6f: {  	_ =	shalt  }
0x70: {  	_ =	shalt  }
0x71: {  	_ =	shalt  }
0x72: {  	_ =	shalt  }
0x73: {  	_ =	shalt  }
0x74: {  	_ =	shalt  }
0x75: {  	_ =	shalt  }
0x76: {  	_ =	shalt  }
0x77: {  	_ =	shalt  }
0x78: {  	_ =	shalt  }
0x79: {  	_ =	shalt  }
0x7a: {  	_ =	shalt  }
0x7b: {  	_ =	shalt  }
0x7c: {  	_ =	shalt  }
0x7d: {  	_ =	shalt  }
0x7e: {  	_ =	shalt  }
0x7f: {  	_ =	shalt  }
0x80: {  	_ =	shalt  }
0x81: {  	_ =	shalt  }
0x82: {  	_ =	shalt  }
0x83: {  	_ =	shalt  }
0x84: {  	_ =	shalt  }
0x85: {  	_ =	shalt  }
0x86: {  	_ =	shalt  }
0x87: {  	_ =	shalt  }
.Lfunc_end0:
.L_simem_size_0:
called_computation.1_lowered:
.L_overlay_start_0:
0x88: {  	s2 =	sld [smem:$0x3FD9]  }
0x89: {  	s3 =	sld [smem:$0x3FFE];
	_ =	sdelay $0x1  }
0x8a: {  	s1 =	srdreg.scid  }
0x8b: {  	s0 =	sand.u32 $0x1, s1  }
0x8c: {  	s16 =	sshll.u32 s0, $0xA;
	s2 =	sadd.s32 s3, s2  }
0x8d: {  	s2 =	sadd.s32 s2, s16  }
0x8e: {  	[smem:$0x3FB9] =	sst s2  }
0x8f: {  	_ = 	snop  }
0x90: {  	(tm) =	ssettm $0x1  }
0x91: {  	s17 =	sld [smem:$0x3FFB];
	_ =	sdelay $0x3  }
0x92: {  	_ =	strace s17  }
0x93: {  	s2 =	sld [smem:$0x3FFC];
	_ =	sdelay $0x3  }
0x94: {  	_ =	strace s2  }
0x95: {  	s2 =	sld [smem:$0x3FFD];
	_ =	sdelay $0x3  }
0x96: {  	_ =	strace s2  }
0x97: {  	_ =	strace $0x8FFFFFFF  }
0x98: {  	s18 =	sld [smem:$0x3FDB];
	_ =	sdelay $0x1  }
0x99: {  	s19 =	simm.s32 $_scs_section_size  }
0x9a: {  	s4 =	simm.s32 $_size__tile_overlayer_lowered;
	s5 =	simm.s32 $_tile_overlayer_lowered  }
0x9b: {  	s22 =	simm.s32 $0x1BFF;
	s21 =	sshll.u32 s5, $0x1;
	s2 =	sadd.s32 s19, s18  }
0x9c: {  	s6 =	simm.s32 $0x0;
	s20 =	sshll.u32 s4, $0x1;
	s4 =	sadd.s32 s21, s2  }
0x9d: {  	[timem:s6], [sflag:s22] =	dma.local [hbm:s4], s20  }
0x9e: {  	_ =	swait.ge [sflag:s22], s20  }
0x9f: {  	s3 =	ssub.s32 $0x0, s20;
	[sflag:s22] =	ssyncset.done $0x0  }
0xa0: {  	[sflag:s22] =	ssyncadd.s32 s3;
	_ =	sdelay $0x1  }
0xa1: {  	s23 =	simm.s32 $0x1B8B  }
0xa2: {  	_ =	swait.ge [sflag:s23], $0x1  }
0xa3: {  	[sflag:s23] =	ssyncset.done $0x0  }
0xa4: {  	s25 =	simm.s32 $0x1B8E;
	s24 =	sld [smem:$0x3FFE];
	[sflag:s23] =	ssyncadd.s32 $0xFFFFFFFF  }
0xa5: {  	s26 =	simm.s32 $execute0_lowered;
	[smem:$0x3FD2] =	sst s25  }
0xa6: {  	s4 =	sshll.u32 s26, $0x1;
	_ =	strace $0x80000049;
	[dreg:$0x1] =	wrdreg $0xFFFFFFFF  }
0xa7: {  	s28 =	simm.s32 $_size_execute0_lowered;
	s2 =	sadd.s32 s2, s4;
	[dreg:$0x0] =	wrdreg $0x0  }
0xa8: {  	s4 =	sshll.u32 s28, $0x1;
	[dreg:$0x2] =	wrdreg s2  }
0xa9: {  	[dreg:$0x3] =	wrdreg s4  }
0xaa: {  	[dreg:$0x4] =	wrdreg $0xC0  }
0xab: {  	_ =	task [dreg:s6], $0x5FFFF  }
0xac: {  	[dreg:$0x1] =	wrdreg $0xFFFFFFFF  }
0xad: {  	[dreg:$0x0] =	wrdreg $0x60  }
0xae: {  	[dreg:$0x2] =	wrdreg s24  }
0xaf: {  	[dreg:$0x3] =	wrdreg $0xC4000  }
0xb0: {  	[dreg:$0x4] =	wrdreg $0x9  }
0xb1: {  	_ =	task.clear_ibuf [dreg:s6], $0x5FFFF;
	_ =	strace $0x90000049  }
0xb2: {  	s29 =	simm.s32 $0x9;
	_ =	strace $0x8000004B  }
0xb3: {  	_ =	swait.ge [sflag:s29], $0x1  }
0xb4: {  	[sflag:s29] =	ssyncadd.s32 $0xFFFFFFFF  }
0xb5: {  	_ =	strace $0x9000004B  }
0xb6: {  	_ =	sfence  }
0xb7: {  	s30 =	sld [smem:$0x0];
	_ =	sdelay $0x2  }
0xb8: {  	s31 =	sshll.u32 s1, $0xD;
	s1 =	sshrl.u32 s1, $0x2  }
0xb9: {  	s3 =	sand.u32 $0x4000, s31;
	s1 =	sadd.s32 s1, s30  }
0xba: {  	s0 =	sor.u32 s3, s0;
	s1 =	sshll.u32 s1, $0x11  }
0xbb: {  	s0 =	sor.u32 s1, s0  }
0xbc: {  	s0 =	sadd.s32 $0x8F2B, s0  }
0xbd: {  	[sflag:s0] =	ssyncadd.remote.s32 $0x1  }
0xbe: {  	_ =	sfence.sel $0xFFFF  }
0xbf: {  	[dreg:$0x0] =	wrdreg $0xFFFFFFFF;
	(pc) =	sbr.abs _section_cstart, $3  }
0xc0: {  	[dreg:$0x1] =	wrdreg $0xFFFFFFFF  }
0xc1: {  	_ =	task.clear_ibuf [dreg:s6], $0x2FFFF;
	_ =	strace $0x9FFFFFFF  }
0xc2: {  	(tm) =	ssettm $0x7FFFFFFF  }
0xc3: {  	_ =	shalt  }
tec
execute0_lowered:
.L_overlay_start_1:
0x0: {  	(tag) =	ssettag $0x1  }
0x1: {  	s0 =	rddreg [dreg:$0x0]  }
0x2: {  	s1 =	rddreg [dreg:$0x1];
	s21 =	stileid.u32  }
0x3: {  	s3 =	srdreg.scid;
	s2 =	simm.s32 $0x0;
	s8 =	smul.u32 $0x500, s21  }
0x4: {  	s30 =	simm.s32 $0xB;
	s3 =	sand.u32 $0x1, s3;
	s26 =	smul.u32 $0xA0, s21  }
0x5: {  	s31 =	simm.s32 $0x0;
	s7 =	sor.u32 $0x10, s21;
	s5 =	smul.u32 $0x27100, s3  }
0x6: {  	[smem:$0x7FF] =	sst s2;
	s10 =	sor.u32 $0x20, s21;
	s11 =	smul.u32 $0x500, s7  }
0x7: {  	s4 =	sadd.s32 $0x16E00, s0;
	s14 =	sor.u32 $0x40, s21;
	s12 =	smul.u32 $0x500, s10  }
0x8: {  	s13 =	sshll.u32 s21, $0x1;
	s16 =	sor.u32 $0x50, s21;
	s17 =	smul.u32 $0x500, s14  }
0x9: {  	s18 =	sor.u32 $0x60, s21;
	s20 =	sor.u32 $0x70, s21;
	s19 =	smul.u32 $0x500, s16  }
0xa: {  	_ =	strace $0x8000004A;
	s6 =	ssub.s32 $0x2, s3;
	s23 =	smul.u32 $0x500, s20  }
0xb: {  	s13 =	sor.u32 s3, s13;
	s3 =	smul.u32 $0x50, s3;
	s9 =	sshrl.u32 s6, $0x1  }
0xc: {  	s5 =	sadd.s32 s5, s0;
	s6 =	ssub.s32 s6, s9;
	s9 =	sor.u32 $0x30, s21  }
0xd: {  	p0 =	sgt.u32 s20, $0x7C;
	s15 =	smul.u32 $0x500, s9;
	s5 =	sadd.s32 $0x3E000, s5  }
0xe: {  	s6 =	smax.u32 s6, $0x1;
	s28 =	sadd.s32 s5, s19;
	s19 =	smul.u32 $0xA00, s13  }
0xf: {  	s8 =	sadd.s32 s5, s8;
	s11 =	sadd.s32 s5, s11;
	s13 =	smul.u32 $0xA000, s16  }
0x10: {  	s22 =	sadd.s32 s5, s12;
	[dreg:$0xd] =	wrdreg s6;
	s16 =	smul.u32 $0xA000, s20  }
0x11: {  	s25 =	sadd.s32 s5, s17;
	[dreg:$0x3] =	wrdreg s8;
	s8 =	smul.u32 $0x500, s18  }
0x12: {  	s17 =	sadd.s32 $0x2800, s0;
	[dreg:$0x7] =	wrdreg s25;
	s25 =	smul.u32 $0xA000, s7  }
0x13: {  	[dreg:$0x5] =	wrdreg s22;
	s22 =	sadd.s32 s3, s26;
	s26 =	smul.u32 $0xA000, s10  }
0x14: {  	s0 =	sadd.s32 $0x16800, s0;
	[dreg:$0x8] =	wrdreg s28;
	s28 =	smul.u32 $0xA000, s9  }
0x15: {  	[dreg:$0x4] =	wrdreg s11;
	s24 =	sadd.s32 s5, s15;
	s10 =	smul.u32 $0xA000, s14  }
0x16: {  	[dreg:$0xb] =	wrdreg s0;
	s15 =	smul.u32 $0xA000, s18;
	s7 =	simm.s32 $0x1  }
0x17: {  	s11 =	simm.s32 $0x2;
	[dreg:$0x6] =	wrdreg s24;
	s24 =	sadd.s32 s17, s19  }
0x18: {  	s0 =	sshll.u32 s22, $0x5;
	s19 =	sshrl.u32 s16, $0x2;
	s16 =	simm.s32 $0x80  }
0x19: {  	s8 =	sadd.s32 s5, s8;
	s5 =	sadd.s32 s5, s23;
	s23 =	smul.u32 $0xA000, s21  }
0x1a: {  	s9 =	sadd.s32 s0, s17;
	s14 =	sshrl.u32 s26, $0x2;
	s6 =	sshrl.u32 s10, $0x2  }
0x1b: {  	s0 =	sshrl.u32 s13, $0x2;
	s18 =	sshrl.u32 s15, $0x2;
	[dreg:$0xc] =	wrdreg s24  }
0x1c: {  	s22 =	sadd.s32 $0x20, s24;
	s10 =	simm.s32 $0x200;
	[dreg:$0x9] =	wrdreg s8  }
0x1d: {  	s15 =	simm.s32 $0x5;
	s13 =	simm.s32 $0x9;
	[dreg:$0xa] =	wrdreg s5  }
0x1e: {  	s5 =	sshll.u32 s21, $0x6;
	s8 =	sshrl.u32 s25, $0x2;
	s17 =	sadd.s32 s6, s1  }
0x1f: {  	s0 =	sadd.s32 s0, s1;
	s20 =	sadd.s32 s18, s1;
	[dreg:$0x17] =	wrdreg s22  }
0x20: {  	s21 =	sadd.s32 s19, s1;
	s24 =	sadd.s32 $0x140, s9;
	[dreg:$0x13] =	wrdreg s17  }
0x21: {  	s25 =	sadd.s32 $0x100, s9;
	s26 =	sadd.s32 $0xC0, s9;
	[dreg:$0x14] =	wrdreg s0  }
0x22: {  	s19 =	simm.s32 $0x3;
	s22 =	simm.s32 $0x180;
	[dreg:$0x15] =	wrdreg s20  }
0x23: {  	s18 =	simm.s32 $0x380;
	s6 =	simm.s32 $0xA;
	[dreg:$0x16] =	wrdreg s21  }
0x24: {  	s3 =	sshrl.u32 s23, $0x2;
	s29 =	sor.u32 $0x1C0B, s5;
	[dreg:$0x19] =	wrdreg s24  }
0x25: {  	s12 =	sadd.s32 s8, s1;
	s5 =	sadd.s32 s14, s1;
	[dreg:$0x1a] =	wrdreg s25  }
0x26: {  	s23 =	sadd.s32 $0x180, s9;
	[dreg:$0x1b] =	wrdreg s26;
	s0 =	smov.u32 s9  }
0x27: {  	s8 =	simm.s32 $0x7D;
	s14 =	simm.s32 $0x300;
	s20 =	simm.s32 $0x8400  }
0x28: {  	s21 =	simm.s32 $0x6;
	s24 =	simm.s32 $0x4;
	[dreg:$0x10] =	wrdreg s12  }
0x29: {  	s25 =	simm.s32 $0x7;
	s26 =	simm.s32 $0x280;
	[dreg:$0x11] =	wrdreg s5  }
.Ltmp0:
0x2a: {  	s3 =	sadd.s32 s3, s1;
	[dreg:$0x18] =	wrdreg s23;
	(pc) =	sbr.rel .LBB2_1-.Ltmp0, $4  }
0x2b: {  	s5 =	simm.s32 $0x100;
	s12 =	simm.s32 $0x4400;
	[dreg:$0xf] =	wrdreg s29  }
0x2c: {  	[dreg:$0xe] =	wrdreg s3;
	s3 =	sshrl.u32 s28, $0x2;
	s28 =	sadd.s32 $0x80, s9  }
0x2d: {  	s23 =	simm.s32 $0x8;
	s3 =	sadd.s32 s3, s1;
	[dreg:$0x1c] =	wrdreg s28  }
0x2e: {  	[dreg:$0x12] =	wrdreg s3;
	s3 =	sadd.s32 $0x40, s9;
	s9 =	simm.s32 $0x400  }
.LBB2_4:
0x2f: {  	_ =	swait.ge [sflag:s21], $0x3E80  }
0x30: {  	[sflag:s21] =	ssyncset.done $0x0  }
0x31: {  	[sflag:s21] =	ssyncadd.s32 $0xFFFFC180  }
0x32: {  	[spmem:s1] =	stream.indirect.scatter.add.f32 [tilespmem:s12], [sflag:$0x9], $0x80, s18, s8, $0xb8;
	[tilespmem:$0x1FC80] =	vst v63  }
0x33: {  	_ =	swait.ge [sflag:s23], $0x3E80  }
0x34: {  	[sflag:s23] =	ssyncset.done $0x0  }
0x35: {  	[sflag:s23] =	ssyncadd.s32 $0xFFFFC180  }
0x36: {  	_ =	swait.ge [sflag:s13], $0x3E80  }
0x37: {  	[sflag:s13] =	ssyncset.done $0x0  }
0x38: {  	[sflag:s13] =	ssyncadd.s32 $0xFFFFC180  }
0x39: {  	[bflag:$0x0] =	sbarrier.arrive $0xFFFF  }
0x3a: {  	s17 =	rddreg [dreg:$0x3]  }
0x3b: {  	s29 =	rddreg [dreg:$0xf]  }
0x3c: {  	s30 =	simm.s32 $0xB;
	s28 =	rddreg [dreg:$0x1e]  }
0x3d: {  	[hbm:s17], [sflag:s29] =	dma.local [spmem:s28], $0x500  }
0x3e: {  	_ =	swait.ge [sflag:s30], $0x500  }
0x3f: {  	[sflag:s30] =	ssyncset.done $0x0;
	s17 =	rddreg [dreg:$0x4]  }
0x40: {  	s28 =	rddreg [dreg:$0x1f];
	[sflag:s30] =	ssyncadd.s32 $0xFFFFFB00  }
0x41: {  	[hbm:s17], [sflag:s29] =	dma.local [spmem:s28], $0x500  }
0x42: {  	_ =	swait.ge [sflag:s30], $0x500  }
0x43: {  	s28 =	sld [smem:$0x7F8]  }
0x44: {  	[sflag:s30] =	ssyncset.done $0x0  }
0x45: {  	s17 =	rddreg [dreg:$0x5];
	[sflag:s30] =	ssyncadd.s32 $0xFFFFFB00  }
0x46: {  	[hbm:s17], [sflag:s29] =	dma.local [spmem:s28], $0x500  }
0x47: {  	_ =	swait.ge [sflag:s30], $0x500  }
0x48: {  	s28 =	sld [smem:$0x7F9]  }
0x49: {  	[sflag:s30] =	ssyncset.done $0x0  }
0x4a: {  	s17 =	rddreg [dreg:$0x6];
	[sflag:s30] =	ssyncadd.s32 $0xFFFFFB00  }
0x4b: {  	[hbm:s17], [sflag:s29] =	dma.local [spmem:s28], $0x500  }
0x4c: {  	_ =	swait.ge [sflag:s30], $0x500  }
0x4d: {  	s28 =	sld [smem:$0x7FA]  }
0x4e: {  	[sflag:s30] =	ssyncset.done $0x0  }
0x4f: {  	s17 =	rddreg [dreg:$0x7];
	[sflag:s30] =	ssyncadd.s32 $0xFFFFFB00  }
0x50: {  	[hbm:s17], [sflag:s29] =	dma.local [spmem:s28], $0x500  }
0x51: {  	_ =	swait.ge [sflag:s30], $0x500  }
0x52: {  	s28 =	sld [smem:$0x7FB]  }
0x53: {  	[sflag:s30] =	ssyncset.done $0x0  }
0x54: {  	s17 =	rddreg [dreg:$0x8];
	[sflag:s30] =	ssyncadd.s32 $0xFFFFFB00  }
0x55: {  	[hbm:s17], [sflag:s29] =	dma.local [spmem:s28], $0x500  }
0x56: {  	_ =	swait.ge [sflag:s30], $0x500  }
0x57: {  	s28 =	sld [smem:$0x7FC]  }
0x58: {  	[sflag:s30] =	ssyncset.done $0x0  }
0x59: {  	s17 =	rddreg [dreg:$0x9];
	[sflag:s30] =	ssyncadd.s32 $0xFFFFFB00  }
0x5a: {  	[hbm:s17], [sflag:s29] =	dma.local [spmem:s28], $0x500  }
0x5b: {  	_ =	swait.ge [sflag:s30], $0x500  }
0x5c: {  	s28 =	sld [smem:$0x7FD]  }
0x5d: {  	[sflag:s30] =	ssyncset.done $0x0  }
0x5e: {  	s17 =	rddreg [dreg:$0xa];
	[sflag:s30] =	ssyncadd.s32 $0xFFFFFB00  }
0x5f: {  	[hbm:s17], [sflag:s29] =	dma.local @!p0 [spmem:s28], $0x500  }
0x60: {  	s17 =	simm.s32 @!p0 $0xB  }
0x61: {  	_ =	swait.ge @!p0 [sflag:s17], $0x500  }
0x62: {  	s31 =	rddreg [dreg:$0x1d]  }
0x63: {  	s28 =	rddreg [dreg:$0xd];
	s31 =	sadd.s32 $0x1, s31  }
0x64: {  	p1 =	sne.s32 s31, s28  }
.Ltmp1:
0x65: {  	_ = 	snop;
	(pc) =	sbr.rel @!p1 .LBB2_5-.Ltmp1, $3  }
0x66: {  	_ =	sdelay $0x1  }
0x67: {  	[sflag:s17] =	ssyncset.done @!p0 $0x0  }
0x68: {  	[sflag:s17] =	ssyncadd.s32 @!p0 $0xFFFFFB00  }
.LBB2_1:
0x69: {  	[dreg:$0x1d] =	wrdreg s31  }
0x6a: {  	s17 =	rddreg [dreg:$0xc]  }
0x6b: {  	[tilespmem:s2], [sflag:$0x1] =	stream.linear.gather [hbm4b:s17+s2], $0x100, $0x38;
	[tilespmem:$0x1FC80] =	vst v63  }
0x6c: {  	s31 =	rddreg [dreg:$0x17]  }
0x6d: {  	[tilespmem:s5], [sflag:$0x2] =	stream.linear.gather [hbm4b:s31+s2], $0x100, $0x38;
	[tilespmem:$0x1FC80] =	vst v63  }
0x6e: {  	s31 =	rddreg [dreg:$0xe]  }
0x6f: {  	s17 =	rddreg [dreg:$0xb];
	s28 =	sshrl.u32 s31, $0x3  }
0x70: {  	[dreg:$0x1e] =	wrdreg s28  }
0x71: {  	[spmem:s28], [sflag:s29] =	dma.local [hbm:s17], $0x500  }
0x72: {  	_ =	swait.ge [sflag:s30], $0x500  }
0x73: {  	s28 =	rddreg [dreg:$0x10]  }
0x74: {  	[sflag:s30] =	ssyncset.done $0x0;
	s28 =	sshrl.u32 s28, $0x3  }
0x75: {  	[sflag:s30] =	ssyncadd.s32 $0xFFFFFB00;
	[dreg:$0x1f] =	wrdreg s28  }
0x76: {  	[spmem:s28], [sflag:s29] =	dma.local [hbm:s17], $0x500  }
0x77: {  	_ =	swait.ge [sflag:s30], $0x500  }
0x78: {  	s28 =	rddreg [dreg:$0x11]  }
0x79: {  	[sflag:s30] =	ssyncset.done $0x0;
	s28 =	sshrl.u32 s28, $0x3  }
0x7a: {  	[sflag:s30] =	ssyncadd.s32 $0xFFFFFB00;
	[smem:$0x7F8] =	sst s28  }
0x7b: {  	[spmem:s28], [sflag:s29] =	dma.local [hbm:s17], $0x500  }
0x7c: {  	_ =	swait.ge [sflag:s30], $0x500  }
0x7d: {  	s28 =	rddreg [dreg:$0x12]  }
0x7e: {  	[sflag:s30] =	ssyncset.done $0x0;
	s28 =	sshrl.u32 s28, $0x3  }
0x7f: {  	[sflag:s30] =	ssyncadd.s32 $0xFFFFFB00;
	[smem:$0x7F9] =	sst s28  }
0x80: {  	[spmem:s28], [sflag:s29] =	dma.local [hbm:s17], $0x500  }
0x81: {  	_ =	swait.ge [sflag:s30], $0x500  }
0x82: {  	s28 =	rddreg [dreg:$0x13]  }
0x83: {  	[sflag:s30] =	ssyncset.done $0x0;
	s28 =	sshrl.u32 s28, $0x3  }
0x84: {  	[sflag:s30] =	ssyncadd.s32 $0xFFFFFB00;
	[smem:$0x7FA] =	sst s28  }
0x85: {  	[spmem:s28], [sflag:s29] =	dma.local [hbm:s17], $0x500  }
0x86: {  	_ =	swait.ge [sflag:s30], $0x500  }
0x87: {  	s28 =	rddreg [dreg:$0x14]  }
0x88: {  	[sflag:s30] =	ssyncset.done $0x0;
	s28 =	sshrl.u32 s28, $0x3  }
0x89: {  	[sflag:s30] =	ssyncadd.s32 $0xFFFFFB00;
	[smem:$0x7FB] =	sst s28  }
0x8a: {  	[spmem:s28], [sflag:s29] =	dma.local [hbm:s17], $0x500  }
0x8b: {  	_ =	swait.ge [sflag:s30], $0x500  }
0x8c: {  	s28 =	rddreg [dreg:$0x15]  }
0x8d: {  	[sflag:s30] =	ssyncset.done $0x0;
	s28 =	sshrl.u32 s28, $0x3  }
0x8e: {  	[sflag:s30] =	ssyncadd.s32 $0xFFFFFB00;
	[smem:$0x7FC] =	sst s28  }
0x8f: {  	[spmem:s28], [sflag:s29] =	dma.local [hbm:s17], $0x500  }
0x90: {  	_ =	swait.ge [sflag:s30], $0x500  }
0x91: {  	s28 =	rddreg [dreg:$0x16]  }
0x92: {  	[sflag:s30] =	ssyncset.done $0x0;
	s28 =	sshrl.u32 @!p0 s28, $0x3  }
0x93: {  	[sflag:s30] =	ssyncadd.s32 $0xFFFFFB00;
	[smem:$0x7FD] =	sst s28  }
0x94: {  	[spmem:s28], [sflag:s29] =	dma.local @!p0 [hbm:s17], $0x500  }
0x95: {  	s17 =	simm.s32 @!p0 $0xB  }
0x96: {  	_ =	swait.ge @!p0 [sflag:s17], $0x500  }
0x97: {  	[sflag:s17] =	ssyncset.done @!p0 $0x0  }
0x98: {  	[sflag:s17] =	ssyncadd.s32 @!p0 $0xFFFFFB00  }
0x99: {  	_ =	swait.ge [sflag:s7], $0x100  }
0x9a: {  	[sflag:s7] =	ssyncset.done $0x0  }
0x9b: {  	[sflag:s7] =	ssyncadd.s32 $0xFFFFFF00  }
0x9c: {  	[tilespmem:s9], [sflag:$0x5] =	stream.indirect.gather [hbm4b:s4+s8], $0x80, s2, s8, $0xb8;
	[tilespmem:$0x1FC80] =	vst v63  }
0x9d: {  	s28 =	simm.s32 $0x0;
	s17 =	simm.s32 $0xFFFFFFFC;
	[bflag:$0x0] =	sbarrier.arrive $0xFFFF  }
.LBB2_2:
0x9e: {  	p1 =	sgt.u32 s17, $0x4F  }
0x9f: {  	s29 =	simm.s32 @!p1 $0x9  }
0xa0: {  	_ =	swait.ge @!p1 [sflag:s29], $0x3E80  }
0xa1: {  	[sflag:s29] =	ssyncset.done @!p1 $0x0  }
0xa2: {  	[sflag:s29] =	ssyncadd.s32 @!p1 $0xFFFFC180;
	s29 =	sadd.s32 s28, s3  }
0xa3: {  	[tilespmem:s10], [sflag:$0x3] =	stream.linear.gather [hbm4b:s29+s2], $0x100, $0x38;
	[tilespmem:$0x1FC80] =	vst v63  }
0xa4: {  	_ =	swait.ge [sflag:s11], $0x100  }
0xa5: {  	[sflag:s11] =	ssyncset.done $0x0  }
0xa6: {  	[sflag:s11] =	ssyncadd.s32 $0xFFFFFF00  }
0xa7: {  	[tilespmem:s12], [sflag:$0x6] =	stream.indirect.gather [hbm4b:s4+s8], $0x80, s5, s8, $0xb8;
	[tilespmem:$0x1FC80] =	vst v63  }
0xa8: {  	_ =	swait.ge [sflag:s15], $0x3E80  }
0xa9: {  	p1 =	seq.s32 s28, $0x0;
	[sflag:s15] =	ssyncset.done $0x0  }
0xaa: {  	s30 =	simm.s32 @!p1 $0xA;
	[sflag:s15] =	ssyncadd.s32 $0xFFFFC180  }
0xab: {  	[spmem:s1] =	stream.indirect.scatter.add.f32 [tilespmem:s9], [sflag:$0x8], $0x80, s16, s8, $0xb8;
	[tilespmem:$0x1FC80] =	vst v63  }
0xac: {  	_ =	swait.ge @!p1 [sflag:s30], $0x3E80  }
0xad: {  	s29 =	sadd.s32 s28, s0;
	[sflag:s30] =	ssyncset.done @!p1 $0x0  }
0xae: {  	s31 =	sadd.s32 $0x60, s29;
	[sflag:s30] =	ssyncadd.s32 @!p1 $0xFFFFC180  }
0xaf: {  	[tilespmem:s14], [sflag:$0x4] =	stream.linear.gather [hbm4b:s31+s2], $0x100, $0x38;
	[tilespmem:$0x1FC80] =	vst v63  }
0xb0: {  	_ =	swait.ge [sflag:s19], $0x100  }
0xb1: {  	[sflag:s19] =	ssyncset.done $0x0  }
0xb2: {  	[sflag:s19] =	ssyncadd.s32 $0xFFFFFF00  }
0xb3: {  	[tilespmem:s20], [sflag:$0x7] =	stream.indirect.gather [hbm4b:s4+s8], $0x80, s10, s8, $0xb8;
	[tilespmem:$0x1FC80] =	vst v63  }
0xb4: {  	_ =	swait.ge [sflag:s21], $0x3E80  }
0xb5: {  	[sflag:s21] =	ssyncset.done $0x0  }
0xb6: {  	[sflag:s21] =	ssyncadd.s32 $0xFFFFC180  }
0xb7: {  	[spmem:s1] =	stream.indirect.scatter.add.f32 [tilespmem:s12], [sflag:$0x9], $0x80, s22, s8, $0xb8;
	[tilespmem:$0x1FC80] =	vst v63  }
0xb8: {  	_ =	swait.ge [sflag:s23], $0x3E80  }
0xb9: {  	[sflag:s23] =	ssyncset.done $0x0;
	s31 =	rddreg [dreg:$0x1c]  }
0xba: {  	[sflag:s23] =	ssyncadd.s32 $0xFFFFC180;
	s30 =	sadd.s32 s28, s31  }
0xbb: {  	[tilespmem:s2], [sflag:$0x1] =	stream.linear.gather [hbm4b:s30+s2], $0x100, $0x38;
	[tilespmem:$0x1FC80] =	vst v63  }
0xbc: {  	_ =	swait.ge [sflag:s24], $0x100  }
0xbd: {  	[sflag:s24] =	ssyncset.done $0x0  }
0xbe: {  	[sflag:s24] =	ssyncadd.s32 $0xFFFFFF00  }
0xbf: {  	[tilespmem:s9], [sflag:$0x5] =	stream.indirect.gather [hbm4b:s4+s8], $0x80, s14, s8, $0xb8;
	[tilespmem:$0x1FC80] =	vst v63  }
0xc0: {  	_ =	swait.ge [sflag:s25], $0x3E80  }
0xc1: {  	[sflag:s25] =	ssyncset.done $0x0  }
0xc2: {  	[sflag:s25] =	ssyncadd.s32 $0xFFFFC180  }
0xc3: {  	[spmem:s1] =	stream.indirect.scatter.add.f32 [tilespmem:s20], [sflag:$0xA], $0x80, s26, s8, $0xb8;
	[tilespmem:$0x1FC80] =	vst v63  }
0xc4: {  	_ =	swait.ge [sflag:s13], $0x3E80  }
0xc5: {  	[sflag:s13] =	ssyncset.done $0x0  }
0xc6: {  	s31 =	sadd.s32 $0xA0, s29;
	[sflag:s13] =	ssyncadd.s32 $0xFFFFC180  }
0xc7: {  	[tilespmem:s5], [sflag:$0x2] =	stream.linear.gather [hbm4b:s31+s2], $0x100, $0x38;
	[tilespmem:$0x1FC80] =	vst v63  }
0xc8: {  	_ =	swait.ge [sflag:s7], $0x100  }
0xc9: {  	[sflag:s7] =	ssyncset.done $0x0  }
0xca: {  	[sflag:s7] =	ssyncadd.s32 $0xFFFFFF00  }
0xcb: {  	[tilespmem:s12], [sflag:$0x6] =	stream.indirect.gather [hbm4b:s4+s8], $0x80, s2, s8, $0xb8;
	[tilespmem:$0x1FC80] =	vst v63  }
0xcc: {  	_ =	swait.ge [sflag:s15], $0x3E80  }
0xcd: {  	[sflag:s15] =	ssyncset.done $0x0  }
0xce: {  	[sflag:s15] =	ssyncadd.s32 $0xFFFFC180  }
0xcf: {  	[spmem:s1] =	stream.indirect.scatter.add.f32 [tilespmem:s9], [sflag:$0x8], $0x80, s18, s8, $0xb8;
	[tilespmem:$0x1FC80] =	vst v63  }
0xd0: {  	_ =	swait.ge [sflag:s6], $0x3E80  }
0xd1: {  	[sflag:s6] =	ssyncset.done $0x0;
	s31 =	rddreg [dreg:$0x1b]  }
0xd2: {  	[sflag:s6] =	ssyncadd.s32 $0xFFFFC180;
	s30 =	sadd.s32 s28, s31  }
0xd3: {  	[tilespmem:s10], [sflag:$0x3] =	stream.linear.gather [hbm4b:s30+s2], $0x100, $0x38;
	[tilespmem:$0x1FC80] =	vst v63  }
0xd4: {  	_ =	swait.ge [sflag:s11], $0x100  }
0xd5: {  	[sflag:s11] =	ssyncset.done $0x0  }
0xd6: {  	[sflag:s11] =	ssyncadd.s32 $0xFFFFFF00  }
0xd7: {  	[tilespmem:s20], [sflag:$0x7] =	stream.indirect.gather [hbm4b:s4+s8], $0x80, s5, s8, $0xb8;
	[tilespmem:$0x1FC80] =	vst v63  }
0xd8: {  	_ =	swait.ge [sflag:s21], $0x3E80  }
0xd9: {  	[sflag:s21] =	ssyncset.done $0x0  }
0xda: {  	[sflag:s21] =	ssyncadd.s32 $0xFFFFC180  }
0xdb: {  	[spmem:s1] =	stream.indirect.scatter.add.f32 [tilespmem:s12], [sflag:$0x9], $0x80, s16, s8, $0xb8;
	[tilespmem:$0x1FC80] =	vst v63  }
0xdc: {  	_ =	swait.ge [sflag:s23], $0x3E80  }
0xdd: {  	[sflag:s23] =	ssyncset.done $0x0  }
0xde: {  	s31 =	sadd.s32 $0xE0, s29;
	[sflag:s23] =	ssyncadd.s32 $0xFFFFC180  }
0xdf: {  	[tilespmem:s14], [sflag:$0x4] =	stream.linear.gather [hbm4b:s31+s2], $0x100, $0x38;
	[tilespmem:$0x1FC80] =	vst v63  }
0xe0: {  	_ =	swait.ge [sflag:s19], $0x100  }
0xe1: {  	[sflag:s19] =	ssyncset.done $0x0  }
0xe2: {  	[sflag:s19] =	ssyncadd.s32 $0xFFFFFF00  }
0xe3: {  	[tilespmem:s9], [sflag:$0x5] =	stream.indirect.gather [hbm4b:s4+s8], $0x80, s10, s8, $0xb8;
	[tilespmem:$0x1FC80] =	vst v63  }
0xe4: {  	_ =	swait.ge [sflag:s25], $0x3E80  }
0xe5: {  	[sflag:s25] =	ssyncset.done $0x0  }
0xe6: {  	[sflag:s25] =	ssyncadd.s32 $0xFFFFC180  }
0xe7: {  	[spmem:s1] =	stream.indirect.scatter.add.f32 [tilespmem:s20], [sflag:$0xA], $0x80, s22, s8, $0xb8;
	[tilespmem:$0x1FC80] =	vst v63  }
0xe8: {  	_ =	swait.ge [sflag:s13], $0x3E80  }
0xe9: {  	p1 =	seq.s32 s28, $0x900;
	[sflag:s13] =	ssyncset.done $0x0;
	s30 =	rddreg [dreg:$0x1a]  }
0xea: {  	s31 =	simm.s32 @!p1 $0x0;
	[sflag:s13] =	ssyncadd.s32 $0xFFFFC180;
	s30 =	sadd.s32 @!p1 s28, s30  }
0xeb: {  	[tilespmem:s31], [sflag:$0x1] =	stream.linear.gather @!p1 [hbm4b:s30+s31], $0x100, $0x38;
	[tilespmem:$0x1FC80] =	vst v63  }
0xec: {  	_ =	swait.ge [sflag:s24], $0x100  }
0xed: {  	[sflag:s24] =	ssyncset.done $0x0  }
0xee: {  	[sflag:s24] =	ssyncadd.s32 $0xFFFFFF00  }
0xef: {  	[tilespmem:s12], [sflag:$0x6] =	stream.indirect.gather [hbm4b:s4+s8], $0x80, s14, s8, $0xb8;
	[tilespmem:$0x1FC80] =	vst v63  }
0xf0: {  	_ =	swait.ge [sflag:s15], $0x3E80  }
0xf1: {  	[sflag:s15] =	ssyncset.done $0x0  }
.Ltmp2:
0xf2: {  	[sflag:s15] =	ssyncadd.s32 $0xFFFFC180;
	(pc) =	sbr.rel @p1 .LBB2_4-.Ltmp2, $4  }
0xf3: {  	[spmem:s1] =	stream.indirect.scatter.add.f32 [tilespmem:s9], [sflag:$0x8], $0x80, s26, s8, $0xb8;
	[tilespmem:$0x1FC80] =	vst v63  }
0xf4: {  	_ =	swait.ge [sflag:s6], $0x3E80  }
0xf5: {  	[sflag:s6] =	ssyncset.done $0x0  }
0xf6: {  	[sflag:s6] =	ssyncadd.s32 $0xFFFFC180  }
0xf7: {  	s30 =	sadd.s32 $0x120, s29  }
0xf8: {  	[tilespmem:s5], [sflag:$0x2] =	stream.linear.gather [hbm4b:s30+s2], $0x100, $0x38;
	[tilespmem:$0x1FC80] =	vst v63  }
0xf9: {  	_ =	swait.ge [sflag:s7], $0x100  }
0xfa: {  	[sflag:s7] =	ssyncset.done $0x0  }
0xfb: {  	[sflag:s7] =	ssyncadd.s32 $0xFFFFFF00  }
0xfc: {  	[tilespmem:s20], [sflag:$0x7] =	stream.indirect.gather [hbm4b:s4+s8], $0x80, s2, s8, $0xb8;
	[tilespmem:$0x1FC80] =	vst v63  }
0xfd: {  	_ =	swait.ge [sflag:s21], $0x3E80  }
0xfe: {  	[sflag:s21] =	ssyncset.done $0x0  }
0xff: {  	[sflag:s21] =	ssyncadd.s32 $0xFFFFC180  }
0x100: {  	[spmem:s1] =	stream.indirect.scatter.add.f32 [tilespmem:s12], [sflag:$0x9], $0x80, s18, s8, $0xb8;
	[tilespmem:$0x1FC80] =	vst v63  }
0x101: {  	_ =	swait.ge [sflag:s23], $0x3E80  }
0x102: {  	[sflag:s23] =	ssyncset.done $0x0;
	s31 =	rddreg [dreg:$0x19]  }
0x103: {  	[sflag:s23] =	ssyncadd.s32 $0xFFFFC180;
	s30 =	sadd.s32 s28, s31  }
0x104: {  	[tilespmem:s10], [sflag:$0x3] =	stream.linear.gather [hbm4b:s30+s2], $0x100, $0x38;
	[tilespmem:$0x1FC80] =	vst v63  }
0x105: {  	_ =	swait.ge [sflag:s11], $0x100  }
0x106: {  	[sflag:s11] =	ssyncset.done $0x0  }
0x107: {  	[sflag:s11] =	ssyncadd.s32 $0xFFFFFF00  }
0x108: {  	[tilespmem:s9], [sflag:$0x5] =	stream.indirect.gather [hbm4b:s4+s8], $0x80, s5, s8, $0xb8;
	[tilespmem:$0x1FC80] =	vst v63  }
0x109: {  	_ =	swait.ge [sflag:s25], $0x3E80  }
0x10a: {  	[sflag:s25] =	ssyncset.done $0x0  }
0x10b: {  	[sflag:s25] =	ssyncadd.s32 $0xFFFFC180  }
0x10c: {  	[spmem:s1] =	stream.indirect.scatter.add.f32 [tilespmem:s20], [sflag:$0xA], $0x80, s16, s8, $0xb8;
	[tilespmem:$0x1FC80] =	vst v63  }
0x10d: {  	_ =	swait.ge [sflag:s13], $0x3E80  }
0x10e: {  	[sflag:s13] =	ssyncset.done $0x0  }
0x10f: {  	s31 =	sadd.s32 $0x160, s29;
	[sflag:s13] =	ssyncadd.s32 $0xFFFFC180  }
0x110: {  	[tilespmem:s14], [sflag:$0x4] =	stream.linear.gather [hbm4b:s31+s2], $0x100, $0x38;
	[tilespmem:$0x1FC80] =	vst v63  }
0x111: {  	_ =	swait.ge [sflag:s19], $0x100  }
0x112: {  	[sflag:s19] =	ssyncset.done $0x0  }
0x113: {  	[sflag:s19] =	ssyncadd.s32 $0xFFFFFF00  }
0x114: {  	[tilespmem:s12], [sflag:$0x6] =	stream.indirect.gather [hbm4b:s4+s8], $0x80, s10, s8, $0xb8;
	[tilespmem:$0x1FC80] =	vst v63  }
0x115: {  	_ =	swait.ge [sflag:s15], $0x3E80  }
0x116: {  	[sflag:s15] =	ssyncset.done $0x0  }
0x117: {  	[sflag:s15] =	ssyncadd.s32 $0xFFFFC180  }
0x118: {  	[spmem:s1] =	stream.indirect.scatter.add.f32 [tilespmem:s9], [sflag:$0x8], $0x80, s22, s8, $0xb8;
	[tilespmem:$0x1FC80] =	vst v63  }
0x119: {  	_ =	swait.ge [sflag:s6], $0x3E80  }
0x11a: {  	[sflag:s6] =	ssyncset.done $0x0;
	s31 =	rddreg [dreg:$0x18]  }
0x11b: {  	[sflag:s6] =	ssyncadd.s32 $0xFFFFC180;
	s30 =	sadd.s32 s28, s31  }
0x11c: {  	[tilespmem:s2], [sflag:$0x1] =	stream.linear.gather [hbm4b:s30+s2], $0x100, $0x38;
	[tilespmem:$0x1FC80] =	vst v63  }
0x11d: {  	_ =	swait.ge [sflag:s24], $0x100  }
0x11e: {  	[sflag:s24] =	ssyncset.done $0x0  }
0x11f: {  	[sflag:s24] =	ssyncadd.s32 $0xFFFFFF00  }
0x120: {  	[tilespmem:s20], [sflag:$0x7] =	stream.indirect.gather [hbm4b:s4+s8], $0x80, s14, s8, $0xb8;
	[tilespmem:$0x1FC80] =	vst v63  }
0x121: {  	_ =	swait.ge [sflag:s21], $0x3E80  }
0x122: {  	[sflag:s21] =	ssyncset.done $0x0  }
0x123: {  	[sflag:s21] =	ssyncadd.s32 $0xFFFFC180  }
0x124: {  	[spmem:s1] =	stream.indirect.scatter.add.f32 [tilespmem:s12], [sflag:$0x9], $0x80, s26, s8, $0xb8;
	[tilespmem:$0x1FC80] =	vst v63  }
0x125: {  	_ =	swait.ge [sflag:s23], $0x3E80  }
0x126: {  	[sflag:s23] =	ssyncset.done $0x0  }
0x127: {  	s31 =	sadd.s32 $0x1A0, s29;
	[sflag:s23] =	ssyncadd.s32 $0xFFFFC180  }
0x128: {  	[tilespmem:s5], [sflag:$0x2] =	stream.linear.gather [hbm4b:s31+s2], $0x100, $0x38;
	[tilespmem:$0x1FC80] =	vst v63  }
0x129: {  	_ =	swait.ge [sflag:s7], $0x100  }
0x12a: {  	[sflag:s7] =	ssyncset.done $0x0  }
0x12b: {  	[sflag:s7] =	ssyncadd.s32 $0xFFFFFF00  }
0x12c: {  	[tilespmem:s9], [sflag:$0x5] =	stream.indirect.gather [hbm4b:s4+s8], $0x80, s2, s8, $0xb8;
	[tilespmem:$0x1FC80] =	vst v63  }
.Ltmp3:
0x12d: {  	_ = 	snop;
	(pc) =	sbr.rel .LBB2_2-.Ltmp3, $4  }
0x12e: {  	_ =	swait.ge [sflag:s25], $0x3E80  }
0x12f: {  	[sflag:s25] =	ssyncset.done $0x0  }
0x130: {  	s17 =	sadd.s32 $0xC, s17;
	s28 =	sadd.s32 $0x180, s28;
	[sflag:s25] =	ssyncadd.s32 $0xFFFFC180  }
0x131: {  	[spmem:s1] =	stream.indirect.scatter.add.f32 [tilespmem:s20], [sflag:$0xA], $0x80, s18, s8, $0xb8;
	[tilespmem:$0x1FC80] =	vst v63  }
.LBB2_5:
0x132: {  	_ =	sfence.sel $0x180000  }
0x133: {  	[bflag:$0x0] =	sbarrier.arrive $0xFFFF  }
0x134: {  	_ =	strace $0x9000004A  }
0x135: {  	s0 =	stileid.u32;
	[bflag:$0x2] =	sbarrier.arrive $0xFFFF  }
0x136: {  	p0 =	sne.s32 s0, $0x0;
	s0 =	rddreg [dreg:$0x2]  }
0x137: {  	s0 =	sadd.s32 @!p0 $0x100000, s0  }
0x138: {  	[sflag:s0] =	ssyncadd.tile.s32 @!p0 $0x1;
	_ =	shalt  }
.Lfunc_end2:
_tile_overlayer_lowered:
.L_overlay_start_2:
0x139: {  	(tag) =	ssettag $0x2  }
0x13a: {  	s0 =	rddreg [dreg:$0x0];
	s2 =	stileid.u32  }
0x13b: {  	s1 =	rddreg [dreg:$0x1];
	p0 =	sne.s32 s2, $0x0  }
0x13c: {  	s3 =	rddreg [dreg:$0x2];
	[bflag:$0x3] =	sbarrier.arrive $0xFFFF;
	s2 =	simm.s32 @!p0 $0x1C0B  }
0x13d: {  	[timem:s3], [sflag:s2] =	dma.local @!p0 [hbm:s0], s1  }
0x13e: {  	s0 =	simm.s32 @!p0 $0xB  }
0x13f: {  	_ =	swait.ge @!p0 [sflag:s0], s1  }
0x140: {  	s1 =	ssub.s32 @!p0 $0x0, s1;
	[sflag:s0] =	ssyncset.done @!p0 $0x0  }
0x141: {  	[sflag:s0] =	ssyncadd.s32 @!p0 s1  }
0x142: {  	[bflag:$0x3] =	sbarrier.arrive $0xFFFF  }
0x143: {  	_ =	shalt  }

</sc_bundles>
